<compile_context>
chip_gen: v7x
topology: tpu7x:2x2x1
jax: 0.10.2.dev20260603
libtpu: 0.0.44.dev20260713+nightly
codegen_flags: <defaults>
</compile_context>

<pallas_src>
import functools

import jax
import jax.numpy as jnp
from jax import lax
from jax.experimental import pallas as pl
from jax.experimental.pallas import tpu as pltpu
from jax.experimental.pallas import tpu_sc as plsc

_HASH_PRIMES = [2654435761, 2246822519, 3266489917, 2028178513,
                1220703125, 1610612741, 805306457, 402653189]
_P16 = [p & 0xFFFF for p in _HASH_PRIMES]
_WINDOWS = (1, 2, 4, 8, 16, 32, 64, 128)

_DIM = 1024
_NUM_TABLES = 8
_BUCKETS = 65536
_EMBED_DIM = 128
_SUB_KEYS = 512
_TOP_K = 32
_KEY_DIM = 256
_VALUE_DIM = 256

_CNTS = [32 // (i + 1) for i in range(32)]
_NCAND = sum(_CNTS)
_CPAD = 128


def _hash_body(tok_ref, out_ref):
    t = tok_ref[...]

    def shift(a, k):
        z = jnp.zeros((a.shape[0], k), jnp.int32)
        return jnp.concatenate([z, a[:, :-k]], axis=1)

    cur = [shift(t, c + 1) * _P16[c] for c in range(8)]
    partial = [None] * 8
    done = [0] * 8
    for ti, w in enumerate(_WINDOWS):
        for c in range(8):
            while done[c] * 8 + c + 1 <= w:
                partial[c] = cur[c] if partial[c] is None else partial[c] ^ cur[c]
                done[c] += 1
                if done[c] * 8 + c + 1 <= _WINDOWS[-1]:
                    cur[c] = shift(cur[c], 8)
        h = partial[0]
        for p in partial[1:]:
            if p is not None:
                h = h ^ p
        out_ref[ti] = (h & 0xFFFF) + ti * _BUCKETS


def _hash_indices(tok32):
    return pl.pallas_call(
        _hash_body,
        out_shape=jax.ShapeDtypeStruct((_NUM_TABLES,) + tok32.shape, jnp.int32),
    )(tok32)


def _sc_gather(table, idx_flat):
    V, D = table.shape
    NI = idx_flat.shape[0]
    NC, NW, CH = 2, 32, 128
    b_per_w = NI // NW
    n_chunks = b_per_w // CH
    mesh = plsc.VectorSubcoreMesh(core_axis_name="c", subcore_axis_name="s")

    @functools.partial(
        pl.kernel, mesh=mesh,
        out_type=jax.ShapeDtypeStruct((NI, D), jnp.float32),
        scratch_types=[
            pltpu.VMEM((CH,), jnp.int32),
            pltpu.VMEM((CH, D), jnp.float32),
            pltpu.SemaphoreType.DMA,
        ],
    )
    def k(table_hbm, idx_hbm, out_hbm, idx_v, rows_v, sem):
        wid = lax.axis_index("s") * jnp.int32(NC) + lax.axis_index("c")
        base = wid * jnp.int32(b_per_w)

        @pl.loop(0, n_chunks)
        def _(ci):
            off = base + ci * jnp.int32(CH)
            pltpu.sync_copy(idx_hbm.at[pl.ds(off, CH)], idx_v)
            pltpu.async_copy(table_hbm.at[idx_v], rows_v, sem).wait()
            pltpu.sync_copy(rows_v, out_hbm.at[pl.ds(off, CH)])

    return k(table, idx_flat)


def _topk32_packed_multi(ss):
    pvs = []
    for s in ss:
        lane = lax.broadcasted_iota(jnp.int32, s.shape, 1)
        si = lax.bitcast_convert_type(s, jnp.int32)
        pvs.append(lax.bitcast_convert_type((si & (~511)) | lane, jnp.float32))
    outs = [[] for _ in ss]
    for _ in range(_TOP_K):
        for a, pv in enumerate(pvs):
            f = jnp.maximum(jnp.maximum(pv[:, 0:128], pv[:, 128:256]),
                            jnp.maximum(pv[:, 256:384], pv[:, 384:512]))
            m = jnp.max(f, axis=-1, keepdims=True)
            pvs[a] = jnp.where(pv == m, -jnp.inf, pv)
            outs[a].append(m)
    return [jnp.concatenate(o, axis=-1) for o in outs]


def _dense_topk_body(x_ref, wq_ref, bq_ref, caT_ref, cbT_ref, ij_ref,
                     fidx_ref, fw_ref):
    x = x_ref[...]
    q = jnp.dot(x, wq_ref[...], preferred_element_type=jnp.float32)
    q = q + bq_ref[...]
    qa = q[:, :_KEY_DIM]
    qb = q[:, _KEY_DIM:]
    sa = jnp.dot(qa, caT_ref[...], preferred_element_type=jnp.float32)
    sb = jnp.dot(qb, cbT_ref[...], preferred_element_type=jnp.float32)

    pa, pb = _topk32_packed_multi([sa, sb])
    pai = lax.bitcast_convert_type(pa, jnp.int32)
    pbi = lax.bitcast_convert_type(pb, jnp.int32)
    ia = pai & 511
    ib = pbi & 511
    va = lax.bitcast_convert_type(pai & (~511), jnp.float32)
    vb = lax.bitcast_convert_type(pbi & (~511), jnp.float32)

    T = x.shape[0]
    I = jnp.broadcast_to(ij_ref[0:1, :], (T, _CPAD))
    J = jnp.broadcast_to(ij_ref[1:2, :], (T, _CPAD))
    va_g = jnp.take_along_axis(va, I, axis=-1)
    vb_g = jnp.take_along_axis(vb, J, axis=-1)
    ia_g = jnp.take_along_axis(ia, I, axis=-1)
    ib_g = jnp.take_along_axis(ib, J, axis=-1)
    cv = va_g + vb_g
    ci = ia_g * _SUB_KEYS + ib_g

    col = lax.broadcasted_iota(jnp.int32, cv.shape, 1)
    valid = col < _NCAND
    cv = jnp.where(valid, cv, -3.0e38)
    cvi = lax.bitcast_convert_type(cv, jnp.int32)
    cp = lax.bitcast_convert_type((cvi & (~127)) | col, jnp.float32)

    fvs = []
    for _ in range(_TOP_K):
        m = jnp.max(cp, axis=-1, keepdims=True)
        cp = jnp.where(cp == m, -jnp.inf, cp)
        fvs.append(m)
    fv_p = lax.bitcast_convert_type(
        jnp.concatenate(fvs, axis=-1), jnp.int32)
    cols = fv_p & 127
    fidx = jnp.take_along_axis(ci, cols, axis=-1)
    fv = lax.bitcast_convert_type(fv_p & (~127), jnp.float32)

    w = jnp.exp(fv - fv[:, :1])
    w = w / jnp.sum(w, axis=-1, keepdims=True)
    fidx_ref[...] = fidx
    fw_ref[...] = w


def _staircase_ij():
    i_pat, j_pat = [], []
    for i, c in enumerate(_CNTS):
        i_pat.extend([i] * c)
        j_pat.extend(range(c))
    i_pat.extend([0] * (_CPAD - _NCAND))
    j_pat.extend([0] * (_CPAD - _NCAND))
    import numpy as _np
    return jnp.asarray(_np.array([i_pat, j_pat], _np.int32))


def _dense_topk(x, Wq, bq2, caT, cbT, ij, tile):
    n = x.shape[0]
    grid = (n // tile,)
    return pl.pallas_call(
        _dense_topk_body,
        grid=grid,
        in_specs=[
            pl.BlockSpec((tile, _DIM), lambda i: (i, 0)),
            pl.BlockSpec((_DIM, 2 * _KEY_DIM), lambda i: (0, 0)),
            pl.BlockSpec((1, 2 * _KEY_DIM), lambda i: (0, 0)),
            pl.BlockSpec((_KEY_DIM, _SUB_KEYS), lambda i: (0, 0)),
            pl.BlockSpec((_KEY_DIM, _SUB_KEYS), lambda i: (0, 0)),
            pl.BlockSpec((2, _CPAD), lambda i: (0, 0)),
        ],
        out_specs=[
            pl.BlockSpec((tile, _TOP_K), lambda i: (i, 0)),
            pl.BlockSpec((tile, _TOP_K), lambda i: (i, 0)),
        ],
        out_shape=[
            jax.ShapeDtypeStruct((n, _TOP_K), jnp.int32),
            jax.ShapeDtypeStruct((n, _TOP_K), jnp.float32),
        ],
    )(x, Wq, bq2, caT, cbT, ij)


def _finish_body(x_ref, g_ref, w_ref, wout_ref, bout_ref, lg_ref, lb_ref,
                 y_ref):
    w = w_ref[...]
    ws = w[:, 0:1] * g_ref[:, 0, :]
    for k in range(1, _TOP_K):
        ws = ws + w[:, k:k + 1] * g_ref[:, k, :]
    o = jnp.dot(ws, wout_ref[...], preferred_element_type=jnp.float32)
    h = x_ref[...] + o + bout_ref[...]
    mean = jnp.mean(h, axis=-1, keepdims=True)
    d = h - mean
    var = jnp.mean(d * d, axis=-1, keepdims=True)
    y_ref[...] = d * lax.rsqrt(var + 1e-5) * lg_ref[...] + lb_ref[...]


def _finish(x, gath, w, Wout, bout2, lg2, lb2, tile):
    n = x.shape[0]
    grid = (n // tile,)
    return pl.pallas_call(
        _finish_body,
        grid=grid,
        in_specs=[
            pl.BlockSpec((tile, _DIM), lambda i: (i, 0)),
            pl.BlockSpec((tile, _TOP_K, _VALUE_DIM), lambda i: (i, 0, 0)),
            pl.BlockSpec((tile, _TOP_K), lambda i: (i, 0)),
            pl.BlockSpec((_VALUE_DIM, _DIM), lambda i: (0, 0)),
            pl.BlockSpec((1, _DIM), lambda i: (0, 0)),
            pl.BlockSpec((1, _DIM), lambda i: (0, 0)),
            pl.BlockSpec((1, _DIM), lambda i: (0, 0)),
        ],
        out_specs=pl.BlockSpec((tile, _DIM), lambda i: (i, 0)),
        out_shape=jax.ShapeDtypeStruct((n, _DIM), jnp.float32),
    )(x, gath, w, Wout, bout2, lg2, lb2)


def kernel(tokens, tables, Wq, bq, codebook_a, codebook_b, values,
           Wout, bout, ln_g, ln_b):
    with jax.enable_x64(False):
        return _kernel_impl(tokens, tables, Wq, bq, codebook_a, codebook_b,
                            values, Wout, bout, ln_g, ln_b)


def _kernel_impl(tokens, tables, Wq, bq, codebook_a, codebook_b, values,
                 Wout, bout, ln_g, ln_b):
    Bs, Ts = tokens.shape
    n = Bs * Ts
    tok32 = tokens.astype(jnp.int32)
    tables_flat = tables.reshape(_NUM_TABLES * _BUCKETS, _EMBED_DIM)

    idx8 = _hash_indices(tok32)
    idx_embed = idx8.reshape(_NUM_TABLES, n).T.reshape(-1)

    emb = _sc_gather(tables_flat, idx_embed)
    x = emb.reshape(n, _NUM_TABLES * _EMBED_DIM)

    Wq32 = Wq.astype(jnp.float32)
    bq2 = bq.reshape(1, -1)
    caT = codebook_a.T
    cbT = codebook_b.T
    bout2 = bout.reshape(1, -1)
    lg2 = ln_g.reshape(1, -1)
    lb2 = ln_b.reshape(1, -1)
    ij = _staircase_ij()

    n_chunks = 4
    cs = n // n_chunks
    ys = []
    for c in range(n_chunks):
        xc = lax.slice_in_dim(x, c * cs, (c + 1) * cs, axis=0)
        fidx, fw = _dense_topk(xc, Wq32, bq2, caT, cbT, ij, tile=512)
        gath = _sc_gather(values, fidx.reshape(-1))
        gath = gath.reshape(cs, _TOP_K, _VALUE_DIM)
        ys.append(_finish(xc, gath, fw, Wout, bout2, lg2, lb2, tile=128))
    y = jnp.concatenate(ys, axis=0)
    return y.reshape(Bs, Ts, _DIM)

# --- scband reference (transcript-rebuilt; emitter-appended) ---
"""Pipeline reference for scband-poly-hash-v12-71184787964448 (READ-ONLY COPY).

The authoritative reference and input builder live on the scoring server;
editing this copy changes nothing except your own understanding.
"""

import jax, jax.numpy as jnp
import numpy as np
jax.config.update("jax_enable_x64", True)

HASH_PRIMES = [2654435761, 2246822519, 3266489917, 2028178513, 1220703125, 1610612741, 805306457, 402653189]
SCALE_WINDOWS = [1, 2, 4, 8, 16, 32, 64, 128]

DIM = 1024
NUM_TABLES = 8
BUCKETS = 65536
EMBED_DIM = 128
SUB_KEYS = 512
TOP_K = 32
KEY_DIM = 256
VALUE_DIM = 256
B, T = 2, 2048


def _layernorm(x, g, b, eps=1e-5):
    m = x.mean(axis=-1, keepdims=True)
    v = ((x - m) ** 2).mean(axis=-1, keepdims=True)
    return (x - m) / jnp.sqrt(v + eps) * g + b


def _hash_embed(tokens, tables, buckets):
    Bs, Ts = tokens.shape
    embs = []
    for i in range(tables.shape[0]):
        w = SCALE_WINDOWS[i] if i < len(SCALE_WINDOWS) else i + 1
        h = jnp.zeros((Bs, Ts), dtype=jnp.int64)
        for j in range(w):
            offset = j + 1
            if offset >= Ts:
                continue
            shifted = jnp.zeros_like(tokens).at[:, offset:].set(tokens[:, :-offset])
            h = h ^ (shifted * HASH_PRIMES[j % len(HASH_PRIMES)])
        embs.append(tables[i][h % buckets])
    return jnp.concatenate(embs, axis=-1)


def _pkm(x, Wq, bq, ca, cb, values, Wout, bout, g, b, sub_keys, top_k):
    Bs, Ts, _ = x.shape
    q = x @ Wq + bq
    qa, qb = jnp.split(q, 2, axis=-1)
    sa = qa @ ca.T
    sb = qb @ cb.T
    va, ia = jax.lax.top_k(sa, top_k)
    vb, ib = jax.lax.top_k(sb, top_k)
    combined_idx = (ia[..., :, None] * sub_keys + ib[..., None, :]).reshape(Bs, Ts, top_k * top_k)
    combined_scores = (va[..., :, None] + vb[..., None, :]).reshape(Bs, Ts, top_k * top_k)
    fv, fi = jax.lax.top_k(combined_scores, top_k)
    final_idx = jnp.take_along_axis(combined_idx, fi, axis=-1)
    vals = values[final_idx]
    weights = jax.nn.softmax(fv, axis=-1)[..., None]
    output = (vals * weights).sum(axis=-2)
    return _layernorm(x + output @ Wout + bout, g, b)


def setup_inputs(seed: int = 0) -> dict:
    key = jax.random.key(seed)
    ks = jax.random.split(key, 12)
    tokens = jax.random.randint(ks[0], (B, T), 0, 50257, dtype=jnp.int64)
    tables = jax.random.normal(ks[1], (NUM_TABLES, BUCKETS, EMBED_DIM), dtype=jnp.float32) * 0.02
    Wq = jax.random.normal(ks[2], (DIM, 2 * KEY_DIM), dtype=jnp.float32) * 0.02
    bq = jnp.zeros((2 * KEY_DIM,), dtype=jnp.float32)
    codebook_a = jax.random.normal(ks[3], (SUB_KEYS, KEY_DIM), dtype=jnp.float32) * 0.02
    codebook_b = jax.random.normal(ks[4], (SUB_KEYS, KEY_DIM), dtype=jnp.float32) * 0.02
    values = jax.random.normal(ks[5], (SUB_KEYS * SUB_KEYS, VALUE_DIM), dtype=jnp.float32) * 0.02
    Wout = jax.random.normal(ks[6], (VALUE_DIM, DIM), dtype=jnp.float32) * 0.02
    bout = jnp.zeros((DIM,), dtype=jnp.float32)
    ln_g = jnp.ones((DIM,), dtype=jnp.float32)
    ln_b = jnp.zeros((DIM,), dtype=jnp.float32)
    return {"tokens": tokens, "tables": tables, "Wq": Wq, "bq": bq,
            "codebook_a": codebook_a, "codebook_b": codebook_b, "values": values,
            "Wout": Wout, "bout": bout, "ln_g": ln_g, "ln_b": ln_b}


def reference(tokens, tables, Wq, bq, codebook_a, codebook_b, values, Wout, bout, ln_g, ln_b):
    x = _hash_embed(tokens, tables, BUCKETS)
    return _pkm(x, Wq, bq, codebook_a, codebook_b, values, Wout, bout, ln_g, ln_b, SUB_KEYS, TOP_K)

if __name__ == "__main__":
    import jax
    _d = setup_inputs()
    print(jax.jit(kernel)(*tuple(_d.values())))

</pallas_src>

<mosaic_0001>
#map = affine_map<(d0, d1) -> (0, 0)>
#map1 = affine_map<(d0, d1) -> (0)>
module attributes {stable_mosaic.version = 14 : i64} {
  func.func @k(%arg0: i32, %arg1: i32, %arg2: memref<262144x256xf32, #tpu.memory_space<hbm>>, %arg3: memref<32768xi32, #tpu.memory_space<hbm>>, %arg4: memref<32768x256xf32, #tpu.memory_space<hbm>>, %arg5: memref<128xi32, #tpu.memory_space<vmem>>, %arg6: memref<128x256xf32, #tpu.memory_space<vmem>>, %arg7: memref<!tpu.dma_semaphore, #tpu.memory_space<semaphore_mem>>) attributes {dimension_semantics = [#tpu.dimension_semantics<core_parallel>, #tpu.dimension_semantics<subcore_parallel>], iteration_bounds = array<i64: 2, 16>, scalar_prefetch = 0 : i64, scratch_operands = 3 : i64, tpu.core_type = #tpu.core_type<sc_vector_subcore>, window_params = [{transform_indices = #map}, {transform_indices = #map1}, {transform_indices = #map}]} {
    %mul3A = arith.constant 2 : i32
    %mul3A_0 = arith.muli %arg1, %mul3A : i32
    %add3A = arith.addi %mul3A_0, %arg0 : i32
    %mul3A_1 = arith.constant 1024 : i32
    %mul3A_2 = arith.muli %add3A, %mul3A_1 : i32
    %scan3A = arith.constant 0 : i32
    %scan3A_3 = arith.constant 8 : i32
    %scan3A_4 = arith.addi %scan3A, %scan3A_3 : i32
    %scan3A_5 = arith.constant 1 : i32
    scf.for %scan3A_7 = %scan3A to %scan3A_4 step %scan3A_5  : i32 {
      %mul3A_8 = arith.constant 1 : i32
      %mul3A_9 = arith.muli %scan3A_7, %mul3A_8 : i32
      %add3A_10 = arith.constant 0 : i32
      %add3A_11 = arith.addi %add3A_10, %mul3A_9 : i32
      %mul3A_12 = arith.constant 128 : i32
      %mul3A_13 = arith.muli %add3A_11, %mul3A_12 : i32
      %add3A_14 = arith.addi %mul3A_2, %mul3A_13 : i32
      "tpu.region"() ({
        %run_scoped3A = tpu.sem_alloc : memref<!tpu.dma_semaphore, #tpu.memory_space<semaphore_mem>>
        %dma_start3A_19 = tpu.memref_slice %arg3[%add3A_14] : memref<32768xi32, #tpu.memory_space<hbm>> -> memref<128xi32, #tpu.memory_space<hbm>>
        %dma_start3A_20 = tpu.memref_slice %arg3[%add3A_14] : memref<32768xi32, #tpu.memory_space<hbm>> -> memref<128xi32, #tpu.memory_space<hbm>>
        tpu.enqueue_dma source(%dma_start3A_20 : memref<128xi32, #tpu.memory_space<hbm>>) target(%arg5 : memref<128xi32, #tpu.memory_space<vmem>>) target_semaphore(%run_scoped3A : memref<!tpu.dma_semaphore, #tpu.memory_space<semaphore_mem>>)
        %dma_wait3A_21 = tpu.memref_slice %arg3[%add3A_14] : memref<32768xi32, #tpu.memory_space<hbm>> -> memref<128xi32, #tpu.memory_space<hbm>>
        %dma_wait3A_22 = tpu.memref_slice %arg3[%add3A_14] : memref<32768xi32, #tpu.memory_space<hbm>> -> memref<128xi32, #tpu.memory_space<hbm>>
        tpu.wait_dma2 semaphore(%run_scoped3A : memref<!tpu.dma_semaphore, #tpu.memory_space<semaphore_mem>>) src(%dma_wait3A_22 : memref<128xi32, #tpu.memory_space<hbm>>) dst(%arg5 : memref<128xi32, #tpu.memory_space<vmem>>)
        tpu.yield
      }) : () -> ()
      %dma_start3A = arith.constant 0 : i32
      %dma_start3A_15 = arith.constant 0 : i32
      %dma_start3A_16 = tpu.memref_slice %arg2[%dma_start3A, %dma_start3A_15] : memref<262144x256xf32, #tpu.memory_space<hbm>> -> memref<262144x256xf32, #tpu.memory_space<hbm>>
      tpu.enqueue_indirect_dma source(%dma_start3A_16 : memref<262144x256xf32, #tpu.memory_space<hbm>>) target(%arg6 : memref<128x256xf32, #tpu.memory_space<vmem>>) offsets(%arg5 : memref<128xi32, #tpu.memory_space<vmem>>) semaphore(%arg7 : memref<!tpu.dma_semaphore, #tpu.memory_space<semaphore_mem>>)
      %dma_wait3A = arith.constant 0 : i32
      %dma_wait3A_17 = arith.constant 0 : i32
      %dma_wait3A_18 = tpu.memref_slice %arg2[%dma_wait3A, %dma_wait3A_17] : memref<262144x256xf32, #tpu.memory_space<hbm>> -> memref<262144x256xf32, #tpu.memory_space<hbm>>
      tpu.wait_indirect_dma semaphore(%arg7 : memref<!tpu.dma_semaphore, #tpu.memory_space<semaphore_mem>>) src(%dma_wait3A_18 : memref<262144x256xf32, #tpu.memory_space<hbm>>) dst(%arg6 : memref<128x256xf32, #tpu.memory_space<vmem>>)
      "tpu.region"() ({
        %run_scoped3A = tpu.sem_alloc : memref<!tpu.dma_semaphore, #tpu.memory_space<semaphore_mem>>
        %dma_start3A_19 = arith.constant 0 : i32
        %dma_start3A_20 = tpu.memref_slice %arg4[%add3A_14, %dma_start3A_19] : memref<32768x256xf32, #tpu.memory_space<hbm>> -> memref<128x256xf32, #tpu.memory_space<hbm>>
        %dma_start3A_21 = arith.constant 0 : i32
        %dma_start3A_22 = tpu.memref_slice %arg4[%add3A_14, %dma_start3A_21] : memref<32768x256xf32, #tpu.memory_space<hbm>> -> memref<128x256xf32, #tpu.memory_space<hbm>>
        tpu.enqueue_dma source(%arg6 : memref<128x256xf32, #tpu.memory_space<vmem>>) target(%dma_start3A_22 : memref<128x256xf32, #tpu.memory_space<hbm>>) target_semaphore(%run_scoped3A : memref<!tpu.dma_semaphore, #tpu.memory_space<semaphore_mem>>)
        %dma_wait3A_23 = arith.constant 0 : i32
        %dma_wait3A_24 = tpu.memref_slice %arg4[%add3A_14, %dma_wait3A_23] : memref<32768x256xf32, #tpu.memory_space<hbm>> -> memref<128x256xf32, #tpu.memory_space<hbm>>
        %dma_wait3A_25 = arith.constant 0 : i32
        %dma_wait3A_26 = tpu.memref_slice %arg4[%add3A_14, %dma_wait3A_25] : memref<32768x256xf32, #tpu.memory_space<hbm>> -> memref<128x256xf32, #tpu.memory_space<hbm>>
        tpu.wait_dma2 semaphore(%run_scoped3A : memref<!tpu.dma_semaphore, #tpu.memory_space<semaphore_mem>>) src(%arg6 : memref<128x256xf32, #tpu.memory_space<vmem>>) dst(%dma_wait3A_26 : memref<128x256xf32, #tpu.memory_space<hbm>>)
        tpu.yield
      }) : () -> ()
    }
    %scan3A_6 = arith.constant 8 : i32
    return
  }
}

#map = affine_map<(d0, d1) -> (0, 0)>
#map1 = affine_map<(d0, d1) -> (0)>
module attributes {stable_mosaic.version = 14 : i64} {
  func.func @k(%arg0: i32, %arg1: i32, %arg2: memref<524288x128xf32, #tpu.memory_space<hbm>>, %arg3: memref<32768xi32, #tpu.memory_space<hbm>>, %arg4: memref<32768x128xf32, #tpu.memory_space<hbm>>, %arg5: memref<128xi32, #tpu.memory_space<vmem>>, %arg6: memref<128x128xf32, #tpu.memory_space<vmem>>, %arg7: memref<!tpu.dma_semaphore, #tpu.memory_space<semaphore_mem>>) attributes {dimension_semantics = [#tpu.dimension_semantics<core_parallel>, #tpu.dimension_semantics<subcore_parallel>], iteration_bounds = array<i64: 2, 16>, scalar_prefetch = 0 : i64, scratch_operands = 3 : i64, tpu.core_type = #tpu.core_type<sc_vector_subcore>, window_params = [{transform_indices = #map}, {transform_indices = #map1}, {transform_indices = #map}]} {
    %mul3A = arith.constant 2 : i32
    %mul3A_0 = arith.muli %arg1, %mul3A : i32
    %add3A = arith.addi %mul3A_0, %arg0 : i32
    %mul3A_1 = arith.constant 1024 : i32
    %mul3A_2 = arith.muli %add3A, %mul3A_1 : i32
    %scan3A = arith.constant 0 : i32
    %scan3A_3 = arith.constant 8 : i32
    %scan3A_4 = arith.addi %scan3A, %scan3A_3 : i32
    %scan3A_5 = arith.constant 1 : i32
    scf.for %scan3A_7 = %scan3A to %scan3A_4 step %scan3A_5  : i32 {
      %mul3A_8 = arith.constant 1 : i32
      %mul3A_9 = arith.muli %scan3A_7, %mul3A_8 : i32
      %add3A_10 = arith.constant 0 : i32
      %add3A_11 = arith.addi %add3A_10, %mul3A_9 : i32
      %mul3A_12 = arith.constant 128 : i32
      %mul3A_13 = arith.muli %add3A_11, %mul3A_12 : i32
      %add3A_14 = arith.addi %mul3A_2, %mul3A_13 : i32
      "tpu.region"() ({
        %run_scoped3A = tpu.sem_alloc : memref<!tpu.dma_semaphore, #tpu.memory_space<semaphore_mem>>
        %dma_start3A_19 = tpu.memref_slice %arg3[%add3A_14] : memref<32768xi32, #tpu.memory_space<hbm>> -> memref<128xi32, #tpu.memory_space<hbm>>
        %dma_start3A_20 = tpu.memref_slice %arg3[%add3A_14] : memref<32768xi32, #tpu.memory_space<hbm>> -> memref<128xi32, #tpu.memory_space<hbm>>
        tpu.enqueue_dma source(%dma_start3A_20 : memref<128xi32, #tpu.memory_space<hbm>>) target(%arg5 : memref<128xi32, #tpu.memory_space<vmem>>) target_semaphore(%run_scoped3A : memref<!tpu.dma_semaphore, #tpu.memory_space<semaphore_mem>>)
        %dma_wait3A_21 = tpu.memref_slice %arg3[%add3A_14] : memref<32768xi32, #tpu.memory_space<hbm>> -> memref<128xi32, #tpu.memory_space<hbm>>
        %dma_wait3A_22 = tpu.memref_slice %arg3[%add3A_14] : memref<32768xi32, #tpu.memory_space<hbm>> -> memref<128xi32, #tpu.memory_space<hbm>>
        tpu.wait_dma2 semaphore(%run_scoped3A : memref<!tpu.dma_semaphore, #tpu.memory_space<semaphore_mem>>) src(%dma_wait3A_22 : memref<128xi32, #tpu.memory_space<hbm>>) dst(%arg5 : memref<128xi32, #tpu.memory_space<vmem>>)
        tpu.yield
      }) : () -> ()
      %dma_start3A = arith.constant 0 : i32
      %dma_start3A_15 = arith.constant 0 : i32
      %dma_start3A_16 = tpu.memref_slice %arg2[%dma_start3A, %dma_start3A_15] : memref<524288x128xf32, #tpu.memory_space<hbm>> -> memref<524288x128xf32, #tpu.memory_space<hbm>>
      tpu.enqueue_indirect_dma source(%dma_start3A_16 : memref<524288x128xf32, #tpu.memory_space<hbm>>) target(%arg6 : memref<128x128xf32, #tpu.memory_space<vmem>>) offsets(%arg5 : memref<128xi32, #tpu.memory_space<vmem>>) semaphore(%arg7 : memref<!tpu.dma_semaphore, #tpu.memory_space<semaphore_mem>>)
      %dma_wait3A = arith.constant 0 : i32
      %dma_wait3A_17 = arith.constant 0 : i32
      %dma_wait3A_18 = tpu.memref_slice %arg2[%dma_wait3A, %dma_wait3A_17] : memref<524288x128xf32, #tpu.memory_space<hbm>> -> memref<524288x128xf32, #tpu.memory_space<hbm>>
      tpu.wait_indirect_dma semaphore(%arg7 : memref<!tpu.dma_semaphore, #tpu.memory_space<semaphore_mem>>) src(%dma_wait3A_18 : memref<524288x128xf32, #tpu.memory_space<hbm>>) dst(%arg6 : memref<128x128xf32, #tpu.memory_space<vmem>>)
      "tpu.region"() ({
        %run_scoped3A = tpu.sem_alloc : memref<!tpu.dma_semaphore, #tpu.memory_space<semaphore_mem>>
        %dma_start3A_19 = arith.constant 0 : i32
        %dma_start3A_20 = tpu.memref_slice %arg4[%add3A_14, %dma_start3A_19] : memref<32768x128xf32, #tpu.memory_space<hbm>> -> memref<128x128xf32, #tpu.memory_space<hbm>>
        %dma_start3A_21 = arith.constant 0 : i32
        %dma_start3A_22 = tpu.memref_slice %arg4[%add3A_14, %dma_start3A_21] : memref<32768x128xf32, #tpu.memory_space<hbm>> -> memref<128x128xf32, #tpu.memory_space<hbm>>
        tpu.enqueue_dma source(%arg6 : memref<128x128xf32, #tpu.memory_space<vmem>>) target(%dma_start3A_22 : memref<128x128xf32, #tpu.memory_space<hbm>>) target_semaphore(%run_scoped3A : memref<!tpu.dma_semaphore, #tpu.memory_space<semaphore_mem>>)
        %dma_wait3A_23 = arith.constant 0 : i32
        %dma_wait3A_24 = tpu.memref_slice %arg4[%add3A_14, %dma_wait3A_23] : memref<32768x128xf32, #tpu.memory_space<hbm>> -> memref<128x128xf32, #tpu.memory_space<hbm>>
        %dma_wait3A_25 = arith.constant 0 : i32
        %dma_wait3A_26 = tpu.memref_slice %arg4[%add3A_14, %dma_wait3A_25] : memref<32768x128xf32, #tpu.memory_space<hbm>> -> memref<128x128xf32, #tpu.memory_space<hbm>>
        tpu.wait_dma2 semaphore(%run_scoped3A : memref<!tpu.dma_semaphore, #tpu.memory_space<semaphore_mem>>) src(%arg6 : memref<128x128xf32, #tpu.memory_space<vmem>>) dst(%dma_wait3A_26 : memref<128x128xf32, #tpu.memory_space<hbm>>)
        tpu.yield
      }) : () -> ()
    }
    %scan3A_6 = arith.constant 8 : i32
    return
  }
}

#map = affine_map<(d0, d1) -> (0, 0)>
#map1 = affine_map<(d0, d1) -> (0)>
module attributes {stable_mosaic.version = 14 : i64} {
  func.func @k(%arg0: i32, %arg1: i32, %arg2: memref<262144x256xf32, #tpu.memory_space<hbm>>, %arg3: memref<32768xi32, #tpu.memory_space<hbm>>, %arg4: memref<32768x256xf32, #tpu.memory_space<hbm>>, %arg5: memref<128xi32, #tpu.memory_space<vmem>>, %arg6: memref<128x256xf32, #tpu.memory_space<vmem>>, %arg7: memref<!tpu.dma_semaphore, #tpu.memory_space<semaphore_mem>>) attributes {dimension_semantics = [#tpu.dimension_semantics<core_parallel>, #tpu.dimension_semantics<subcore_parallel>], iteration_bounds = array<i64: 2, 16>, scalar_prefetch = 0 : i64, scratch_operands = 3 : i64, tpu.core_type = #tpu.core_type<sc_vector_subcore>, window_params = [{transform_indices = #map}, {transform_indices = #map1}, {transform_indices = #map}]} {
    %mul3A = arith.constant 2 : i32
    %mul3A_0 = arith.muli %arg1, %mul3A : i32
    %add3A = arith.addi %mul3A_0, %arg0 : i32
    %mul3A_1 = arith.constant 1024 : i32
    %mul3A_2 = arith.muli %add3A, %mul3A_1 : i32
    %scan3A = arith.constant 0 : i32
    %scan3A_3 = arith.constant 8 : i32
    %scan3A_4 = arith.addi %scan3A, %scan3A_3 : i32
    %scan3A_5 = arith.constant 1 : i32
    scf.for %scan3A_7 = %scan3A to %scan3A_4 step %scan3A_5  : i32 {
      %mul3A_8 = arith.constant 1 : i32
      %mul3A_9 = arith.muli %scan3A_7, %mul3A_8 : i32
      %add3A_10 = arith.constant 0 : i32
      %add3A_11 = arith.addi %add3A_10, %mul3A_9 : i32
      %mul3A_12 = arith.constant 128 : i32
      %mul3A_13 = arith.muli %add3A_11, %mul3A_12 : i32
      %add3A_14 = arith.addi %mul3A_2, %mul3A_13 : i32
      "tpu.region"() ({
        %run_scoped3A = tpu.sem_alloc : memref<!tpu.dma_semaphore, #tpu.memory_space<semaphore_mem>>
        %dma_start3A_19 = tpu.memref_slice %arg3[%add3A_14] : memref<32768xi32, #tpu.memory_space<hbm>> -> memref<128xi32, #tpu.memory_space<hbm>>
        %dma_start3A_20 = tpu.memref_slice %arg3[%add3A_14] : memref<32768xi32, #tpu.memory_space<hbm>> -> memref<128xi32, #tpu.memory_space<hbm>>
        tpu.enqueue_dma source(%dma_start3A_20 : memref<128xi32, #tpu.memory_space<hbm>>) target(%arg5 : memref<128xi32, #tpu.memory_space<vmem>>) target_semaphore(%run_scoped3A : memref<!tpu.dma_semaphore, #tpu.memory_space<semaphore_mem>>)
        %dma_wait3A_21 = tpu.memref_slice %arg3[%add3A_14] : memref<32768xi32, #tpu.memory_space<hbm>> -> memref<128xi32, #tpu.memory_space<hbm>>
        %dma_wait3A_22 = tpu.memref_slice %arg3[%add3A_14] : memref<32768xi32, #tpu.memory_space<hbm>> -> memref<128xi32, #tpu.memory_space<hbm>>
        tpu.wait_dma2 semaphore(%run_scoped3A : memref<!tpu.dma_semaphore, #tpu.memory_space<semaphore_mem>>) src(%dma_wait3A_22 : memref<128xi32, #tpu.memory_space<hbm>>) dst(%arg5 : memref<128xi32, #tpu.memory_space<vmem>>)
        tpu.yield
      }) : () -> ()
      %dma_start3A = arith.constant 0 : i32
      %dma_start3A_15 = arith.constant 0 : i32
      %dma_start3A_16 = tpu.memref_slice %arg2[%dma_start3A, %dma_start3A_15] : memref<262144x256xf32, #tpu.memory_space<hbm>> -> memref<262144x256xf32, #tpu.memory_space<hbm>>
      tpu.enqueue_indirect_dma source(%dma_start3A_16 : memref<262144x256xf32, #tpu.memory_space<hbm>>) target(%arg6 : memref<128x256xf32, #tpu.memory_space<vmem>>) offsets(%arg5 : memref<128xi32, #tpu.memory_space<vmem>>) semaphore(%arg7 : memref<!tpu.dma_semaphore, #tpu.memory_space<semaphore_mem>>)
      %dma_wait3A = arith.constant 0 : i32
      %dma_wait3A_17 = arith.constant 0 : i32
      %dma_wait3A_18 = tpu.memref_slice %arg2[%dma_wait3A, %dma_wait3A_17] : memref<262144x256xf32, #tpu.memory_space<hbm>> -> memref<262144x256xf32, #tpu.memory_space<hbm>>
      tpu.wait_indirect_dma semaphore(%arg7 : memref<!tpu.dma_semaphore, #tpu.memory_space<semaphore_mem>>) src(%dma_wait3A_18 : memref<262144x256xf32, #tpu.memory_space<hbm>>) dst(%arg6 : memref<128x256xf32, #tpu.memory_space<vmem>>)
      "tpu.region"() ({
        %run_scoped3A = tpu.sem_alloc : memref<!tpu.dma_semaphore, #tpu.memory_space<semaphore_mem>>
        %dma_start3A_19 = arith.constant 0 : i32
        %dma_start3A_20 = tpu.memref_slice %arg4[%add3A_14, %dma_start3A_19] : memref<32768x256xf32, #tpu.memory_space<hbm>> -> memref<128x256xf32, #tpu.memory_space<hbm>>
        %dma_start3A_21 = arith.constant 0 : i32
        %dma_start3A_22 = tpu.memref_slice %arg4[%add3A_14, %dma_start3A_21] : memref<32768x256xf32, #tpu.memory_space<hbm>> -> memref<128x256xf32, #tpu.memory_space<hbm>>
        tpu.enqueue_dma source(%arg6 : memref<128x256xf32, #tpu.memory_space<vmem>>) target(%dma_start3A_22 : memref<128x256xf32, #tpu.memory_space<hbm>>) target_semaphore(%run_scoped3A : memref<!tpu.dma_semaphore, #tpu.memory_space<semaphore_mem>>)
        %dma_wait3A_23 = arith.constant 0 : i32
        %dma_wait3A_24 = tpu.memref_slice %arg4[%add3A_14, %dma_wait3A_23] : memref<32768x256xf32, #tpu.memory_space<hbm>> -> memref<128x256xf32, #tpu.memory_space<hbm>>
        %dma_wait3A_25 = arith.constant 0 : i32
        %dma_wait3A_26 = tpu.memref_slice %arg4[%add3A_14, %dma_wait3A_25] : memref<32768x256xf32, #tpu.memory_space<hbm>> -> memref<128x256xf32, #tpu.memory_space<hbm>>
        tpu.wait_dma2 semaphore(%run_scoped3A : memref<!tpu.dma_semaphore, #tpu.memory_space<semaphore_mem>>) src(%arg6 : memref<128x256xf32, #tpu.memory_space<vmem>>) dst(%dma_wait3A_26 : memref<128x256xf32, #tpu.memory_space<hbm>>)
        tpu.yield
      }) : () -> ()
    }
    %scan3A_6 = arith.constant 8 : i32
    return
  }
}

#map = affine_map<(d0, d1) -> (0, 0)>
#map1 = affine_map<(d0, d1) -> (0)>
module attributes {stable_mosaic.version = 14 : i64} {
  func.func @k(%arg0: i32, %arg1: i32, %arg2: memref<262144x256xf32, #tpu.memory_space<hbm>>, %arg3: memref<32768xi32, #tpu.memory_space<hbm>>, %arg4: memref<32768x256xf32, #tpu.memory_space<hbm>>, %arg5: memref<128xi32, #tpu.memory_space<vmem>>, %arg6: memref<128x256xf32, #tpu.memory_space<vmem>>, %arg7: memref<!tpu.dma_semaphore, #tpu.memory_space<semaphore_mem>>) attributes {dimension_semantics = [#tpu.dimension_semantics<core_parallel>, #tpu.dimension_semantics<subcore_parallel>], iteration_bounds = array<i64: 2, 16>, scalar_prefetch = 0 : i64, scratch_operands = 3 : i64, tpu.core_type = #tpu.core_type<sc_vector_subcore>, window_params = [{transform_indices = #map}, {transform_indices = #map1}, {transform_indices = #map}]} {
    %mul3A = arith.constant 2 : i32
    %mul3A_0 = arith.muli %arg1, %mul3A : i32
    %add3A = arith.addi %mul3A_0, %arg0 : i32
    %mul3A_1 = arith.constant 1024 : i32
    %mul3A_2 = arith.muli %add3A, %mul3A_1 : i32
    %scan3A = arith.constant 0 : i32
    %scan3A_3 = arith.constant 8 : i32
    %scan3A_4 = arith.addi %scan3A, %scan3A_3 : i32
    %scan3A_5 = arith.constant 1 : i32
    scf.for %scan3A_7 = %scan3A to %scan3A_4 step %scan3A_5  : i32 {
      %mul3A_8 = arith.constant 1 : i32
      %mul3A_9 = arith.muli %scan3A_7, %mul3A_8 : i32
      %add3A_10 = arith.constant 0 : i32
      %add3A_11 = arith.addi %add3A_10, %mul3A_9 : i32
      %mul3A_12 = arith.constant 128 : i32
      %mul3A_13 = arith.muli %add3A_11, %mul3A_12 : i32
      %add3A_14 = arith.addi %mul3A_2, %mul3A_13 : i32
      "tpu.region"() ({
        %run_scoped3A = tpu.sem_alloc : memref<!tpu.dma_semaphore, #tpu.memory_space<semaphore_mem>>
        %dma_start3A_19 = tpu.memref_slice %arg3[%add3A_14] : memref<32768xi32, #tpu.memory_space<hbm>> -> memref<128xi32, #tpu.memory_space<hbm>>
        %dma_start3A_20 = tpu.memref_slice %arg3[%add3A_14] : memref<32768xi32, #tpu.memory_space<hbm>> -> memref<128xi32, #tpu.memory_space<hbm>>
        tpu.enqueue_dma source(%dma_start3A_20 : memref<128xi32, #tpu.memory_space<hbm>>) target(%arg5 : memref<128xi32, #tpu.memory_space<vmem>>) target_semaphore(%run_scoped3A : memref<!tpu.dma_semaphore, #tpu.memory_space<semaphore_mem>>)
        %dma_wait3A_21 = tpu.memref_slice %arg3[%add3A_14] : memref<32768xi32, #tpu.memory_space<hbm>> -> memref<128xi32, #tpu.memory_space<hbm>>
        %dma_wait3A_22 = tpu.memref_slice %arg3[%add3A_14] : memref<32768xi32, #tpu.memory_space<hbm>> -> memref<128xi32, #tpu.memory_space<hbm>>
        tpu.wait_dma2 semaphore(%run_scoped3A : memref<!tpu.dma_semaphore, #tpu.memory_space<semaphore_mem>>) src(%dma_wait3A_22 : memref<128xi32, #tpu.memory_space<hbm>>) dst(%arg5 : memref<128xi32, #tpu.memory_space<vmem>>)
        tpu.yield
      }) : () -> ()
      %dma_start3A = arith.constant 0 : i32
      %dma_start3A_15 = arith.constant 0 : i32
      %dma_start3A_16 = tpu.memref_slice %arg2[%dma_start3A, %dma_start3A_15] : memref<262144x256xf32, #tpu.memory_space<hbm>> -> memref<262144x256xf32, #tpu.memory_space<hbm>>
      tpu.enqueue_indirect_dma source(%dma_start3A_16 : memref<262144x256xf32, #tpu.memory_space<hbm>>) target(%arg6 : memref<128x256xf32, #tpu.memory_space<vmem>>) offsets(%arg5 : memref<128xi32, #tpu.memory_space<vmem>>) semaphore(%arg7 : memref<!tpu.dma_semaphore, #tpu.memory_space<semaphore_mem>>)
      %dma_wait3A = arith.constant 0 : i32
      %dma_wait3A_17 = arith.constant 0 : i32
      %dma_wait3A_18 = tpu.memref_slice %arg2[%dma_wait3A, %dma_wait3A_17] : memref<262144x256xf32, #tpu.memory_space<hbm>> -> memref<262144x256xf32, #tpu.memory_space<hbm>>
      tpu.wait_indirect_dma semaphore(%arg7 : memref<!tpu.dma_semaphore, #tpu.memory_space<semaphore_mem>>) src(%dma_wait3A_18 : memref<262144x256xf32, #tpu.memory_space<hbm>>) dst(%arg6 : memref<128x256xf32, #tpu.memory_space<vmem>>)
      "tpu.region"() ({
        %run_scoped3A = tpu.sem_alloc : memref<!tpu.dma_semaphore, #tpu.memory_space<semaphore_mem>>
        %dma_start3A_19 = arith.constant 0 : i32
        %dma_start3A_20 = tpu.memref_slice %arg4[%add3A_14, %dma_start3A_19] : memref<32768x256xf32, #tpu.memory_space<hbm>> -> memref<128x256xf32, #tpu.memory_space<hbm>>
        %dma_start3A_21 = arith.constant 0 : i32
        %dma_start3A_22 = tpu.memref_slice %arg4[%add3A_14, %dma_start3A_21] : memref<32768x256xf32, #tpu.memory_space<hbm>> -> memref<128x256xf32, #tpu.memory_space<hbm>>
        tpu.enqueue_dma source(%arg6 : memref<128x256xf32, #tpu.memory_space<vmem>>) target(%dma_start3A_22 : memref<128x256xf32, #tpu.memory_space<hbm>>) target_semaphore(%run_scoped3A : memref<!tpu.dma_semaphore, #tpu.memory_space<semaphore_mem>>)
        %dma_wait3A_23 = arith.constant 0 : i32
        %dma_wait3A_24 = tpu.memref_slice %arg4[%add3A_14, %dma_wait3A_23] : memref<32768x256xf32, #tpu.memory_space<hbm>> -> memref<128x256xf32, #tpu.memory_space<hbm>>
        %dma_wait3A_25 = arith.constant 0 : i32
        %dma_wait3A_26 = tpu.memref_slice %arg4[%add3A_14, %dma_wait3A_25] : memref<32768x256xf32, #tpu.memory_space<hbm>> -> memref<128x256xf32, #tpu.memory_space<hbm>>
        tpu.wait_dma2 semaphore(%run_scoped3A : memref<!tpu.dma_semaphore, #tpu.memory_space<semaphore_mem>>) src(%arg6 : memref<128x256xf32, #tpu.memory_space<vmem>>) dst(%dma_wait3A_26 : memref<128x256xf32, #tpu.memory_space<hbm>>)
        tpu.yield
      }) : () -> ()
    }
    %scan3A_6 = arith.constant 8 : i32
    return
  }
}

#map = affine_map<(d0, d1) -> (0, 0)>
#map1 = affine_map<(d0, d1) -> (0)>
module attributes {stable_mosaic.version = 14 : i64} {
  func.func @k(%arg0: i32, %arg1: i32, %arg2: memref<262144x256xf32, #tpu.memory_space<hbm>>, %arg3: memref<32768xi32, #tpu.memory_space<hbm>>, %arg4: memref<32768x256xf32, #tpu.memory_space<hbm>>, %arg5: memref<128xi32, #tpu.memory_space<vmem>>, %arg6: memref<128x256xf32, #tpu.memory_space<vmem>>, %arg7: memref<!tpu.dma_semaphore, #tpu.memory_space<semaphore_mem>>) attributes {dimension_semantics = [#tpu.dimension_semantics<core_parallel>, #tpu.dimension_semantics<subcore_parallel>], iteration_bounds = array<i64: 2, 16>, scalar_prefetch = 0 : i64, scratch_operands = 3 : i64, tpu.core_type = #tpu.core_type<sc_vector_subcore>, window_params = [{transform_indices = #map}, {transform_indices = #map1}, {transform_indices = #map}]} {
    %mul3A = arith.constant 2 : i32
    %mul3A_0 = arith.muli %arg1, %mul3A : i32
    %add3A = arith.addi %mul3A_0, %arg0 : i32
    %mul3A_1 = arith.constant 1024 : i32
    %mul3A_2 = arith.muli %add3A, %mul3A_1 : i32
    %scan3A = arith.constant 0 : i32
    %scan3A_3 = arith.constant 8 : i32
    %scan3A_4 = arith.addi %scan3A, %scan3A_3 : i32
    %scan3A_5 = arith.constant 1 : i32
    scf.for %scan3A_7 = %scan3A to %scan3A_4 step %scan3A_5  : i32 {
      %mul3A_8 = arith.constant 1 : i32
      %mul3A_9 = arith.muli %scan3A_7, %mul3A_8 : i32
      %add3A_10 = arith.constant 0 : i32
      %add3A_11 = arith.addi %add3A_10, %mul3A_9 : i32
      %mul3A_12 = arith.constant 128 : i32
      %mul3A_13 = arith.muli %add3A_11, %mul3A_12 : i32
      %add3A_14 = arith.addi %mul3A_2, %mul3A_13 : i32
      "tpu.region"() ({
        %run_scoped3A = tpu.sem_alloc : memref<!tpu.dma_semaphore, #tpu.memory_space<semaphore_mem>>
        %dma_start3A_19 = tpu.memref_slice %arg3[%add3A_14] : memref<32768xi32, #tpu.memory_space<hbm>> -> memref<128xi32, #tpu.memory_space<hbm>>
        %dma_start3A_20 = tpu.memref_slice %arg3[%add3A_14] : memref<32768xi32, #tpu.memory_space<hbm>> -> memref<128xi32, #tpu.memory_space<hbm>>
        tpu.enqueue_dma source(%dma_start3A_20 : memref<128xi32, #tpu.memory_space<hbm>>) target(%arg5 : memref<128xi32, #tpu.memory_space<vmem>>) target_semaphore(%run_scoped3A : memref<!tpu.dma_semaphore, #tpu.memory_space<semaphore_mem>>)
        %dma_wait3A_21 = tpu.memref_slice %arg3[%add3A_14] : memref<32768xi32, #tpu.memory_space<hbm>> -> memref<128xi32, #tpu.memory_space<hbm>>
        %dma_wait3A_22 = tpu.memref_slice %arg3[%add3A_14] : memref<32768xi32, #tpu.memory_space<hbm>> -> memref<128xi32, #tpu.memory_space<hbm>>
        tpu.wait_dma2 semaphore(%run_scoped3A : memref<!tpu.dma_semaphore, #tpu.memory_space<semaphore_mem>>) src(%dma_wait3A_22 : memref<128xi32, #tpu.memory_space<hbm>>) dst(%arg5 : memref<128xi32, #tpu.memory_space<vmem>>)
        tpu.yield
      }) : () -> ()
      %dma_start3A = arith.constant 0 : i32
      %dma_start3A_15 = arith.constant 0 : i32
      %dma_start3A_16 = tpu.memref_slice %arg2[%dma_start3A, %dma_start3A_15] : memref<262144x256xf32, #tpu.memory_space<hbm>> -> memref<262144x256xf32, #tpu.memory_space<hbm>>
      tpu.enqueue_indirect_dma source(%dma_start3A_16 : memref<262144x256xf32, #tpu.memory_space<hbm>>) target(%arg6 : memref<128x256xf32, #tpu.memory_space<vmem>>) offsets(%arg5 : memref<128xi32, #tpu.memory_space<vmem>>) semaphore(%arg7 : memref<!tpu.dma_semaphore, #tpu.memory_space<semaphore_mem>>)
      %dma_wait3A = arith.constant 0 : i32
      %dma_wait3A_17 = arith.constant 0 : i32
      %dma_wait3A_18 = tpu.memref_slice %arg2[%dma_wait3A, %dma_wait3A_17] : memref<262144x256xf32, #tpu.memory_space<hbm>> -> memref<262144x256xf32, #tpu.memory_space<hbm>>
      tpu.wait_indirect_dma semaphore(%arg7 : memref<!tpu.dma_semaphore, #tpu.memory_space<semaphore_mem>>) src(%dma_wait3A_18 : memref<262144x256xf32, #tpu.memory_space<hbm>>) dst(%arg6 : memref<128x256xf32, #tpu.memory_space<vmem>>)
      "tpu.region"() ({
        %run_scoped3A = tpu.sem_alloc : memref<!tpu.dma_semaphore, #tpu.memory_space<semaphore_mem>>
        %dma_start3A_19 = arith.constant 0 : i32
        %dma_start3A_20 = tpu.memref_slice %arg4[%add3A_14, %dma_start3A_19] : memref<32768x256xf32, #tpu.memory_space<hbm>> -> memref<128x256xf32, #tpu.memory_space<hbm>>
        %dma_start3A_21 = arith.constant 0 : i32
        %dma_start3A_22 = tpu.memref_slice %arg4[%add3A_14, %dma_start3A_21] : memref<32768x256xf32, #tpu.memory_space<hbm>> -> memref<128x256xf32, #tpu.memory_space<hbm>>
        tpu.enqueue_dma source(%arg6 : memref<128x256xf32, #tpu.memory_space<vmem>>) target(%dma_start3A_22 : memref<128x256xf32, #tpu.memory_space<hbm>>) target_semaphore(%run_scoped3A : memref<!tpu.dma_semaphore, #tpu.memory_space<semaphore_mem>>)
        %dma_wait3A_23 = arith.constant 0 : i32
        %dma_wait3A_24 = tpu.memref_slice %arg4[%add3A_14, %dma_wait3A_23] : memref<32768x256xf32, #tpu.memory_space<hbm>> -> memref<128x256xf32, #tpu.memory_space<hbm>>
        %dma_wait3A_25 = arith.constant 0 : i32
        %dma_wait3A_26 = tpu.memref_slice %arg4[%add3A_14, %dma_wait3A_25] : memref<32768x256xf32, #tpu.memory_space<hbm>> -> memref<128x256xf32, #tpu.memory_space<hbm>>
        tpu.wait_dma2 semaphore(%run_scoped3A : memref<!tpu.dma_semaphore, #tpu.memory_space<semaphore_mem>>) src(%arg6 : memref<128x256xf32, #tpu.memory_space<vmem>>) dst(%dma_wait3A_26 : memref<128x256xf32, #tpu.memory_space<hbm>>)
        tpu.yield
      }) : () -> ()
    }
    %scan3A_6 = arith.constant 8 : i32
    return
  }
}

module attributes {stable_mosaic.version = 14 : i64} {
  func.func @_hash_body(%arg0: memref<2x2048xi32, #tpu.memory_space<vmem>>, %arg1: memref<8x2x2048xi32, #tpu.memory_space<vmem>>) attributes {dimension_semantics = [], scalar_prefetch = 0 : i64, scratch_operands = 0 : i64, tpu.core_type = #tpu.core_type<tc>} {
    %get3A = arith.constant 0 : index
    %get3A_0 = arith.constant 0 : index
    %get3A_1 = vector.load %arg0[%get3A, %get3A_0] : memref<2x2048xi32, #tpu.memory_space<vmem>>, vector<2x2048xi32>
    %broadcast_in_dim3A = arith.constant 0 : i32
    %broadcast_in_dim3A_2 = vector.broadcast %broadcast_in_dim3A : i32 to vector<2x1xi32>
    %slice3A = vector.extract_strided_slice %get3A_1 {offsets = [0, 0], sizes = [2, 2047], strides = [1, 1]} : vector<2x2048xi32> to vector<2x2047xi32>
    %concatenate3A = tpu.concatenate %broadcast_in_dim3A_2, %slice3A in 1 : vector<2x1xi32>, vector<2x2047xi32> -> vector<2x2048xi32>
    %mul3A = arith.constant 31153 : i32
    %mul3A_3 = vector.broadcast %mul3A : i32 to vector<2x2048xi32>
    %mul3A_4 = arith.muli %concatenate3A, %mul3A_3 : vector<2x2048xi32>
    %broadcast_in_dim3A_5 = arith.constant 0 : i32
    %broadcast_in_dim3A_6 = vector.broadcast %broadcast_in_dim3A_5 : i32 to vector<2x2xi32>
    %slice3A_7 = vector.extract_strided_slice %get3A_1 {offsets = [0, 0], sizes = [2, 2046], strides = [1, 1]} : vector<2x2048xi32> to vector<2x2046xi32>
    %concatenate3A_8 = tpu.concatenate %broadcast_in_dim3A_6, %slice3A_7 in 1 : vector<2x2xi32>, vector<2x2046xi32> -> vector<2x2048xi32>
    %mul3A_9 = arith.constant 51831 : i32
    %mul3A_10 = vector.broadcast %mul3A_9 : i32 to vector<2x2048xi32>
    %mul3A_11 = arith.muli %concatenate3A_8, %mul3A_10 : vector<2x2048xi32>
    %broadcast_in_dim3A_12 = arith.constant 0 : i32
    %broadcast_in_dim3A_13 = vector.broadcast %broadcast_in_dim3A_12 : i32 to vector<2x3xi32>
    %slice3A_14 = vector.extract_strided_slice %get3A_1 {offsets = [0, 0], sizes = [2, 2045], strides = [1, 1]} : vector<2x2048xi32> to vector<2x2045xi32>
    %concatenate3A_15 = tpu.concatenate %broadcast_in_dim3A_13, %slice3A_14 in 1 : vector<2x3xi32>, vector<2x2045xi32> -> vector<2x2048xi32>
    %mul3A_16 = arith.constant 44605 : i32
    %mul3A_17 = vector.broadcast %mul3A_16 : i32 to vector<2x2048xi32>
    %mul3A_18 = arith.muli %concatenate3A_15, %mul3A_17 : vector<2x2048xi32>
    %broadcast_in_dim3A_19 = arith.constant 0 : i32
    %broadcast_in_dim3A_20 = vector.broadcast %broadcast_in_dim3A_19 : i32 to vector<2x4xi32>
    %slice3A_21 = vector.extract_strided_slice %get3A_1 {offsets = [0, 0], sizes = [2, 2044], strides = [1, 1]} : vector<2x2048xi32> to vector<2x2044xi32>
    %concatenate3A_22 = tpu.concatenate %broadcast_in_dim3A_20, %slice3A_21 in 1 : vector<2x4xi32>, vector<2x2044xi32> -> vector<2x2048xi32>
    %mul3A_23 = arith.constant 35921 : i32
    %mul3A_24 = vector.broadcast %mul3A_23 : i32 to vector<2x2048xi32>
    %mul3A_25 = arith.muli %concatenate3A_22, %mul3A_24 : vector<2x2048xi32>
    %broadcast_in_dim3A_26 = arith.constant 0 : i32
    %broadcast_in_dim3A_27 = vector.broadcast %broadcast_in_dim3A_26 : i32 to vector<2x5xi32>
    %slice3A_28 = vector.extract_strided_slice %get3A_1 {offsets = [0, 0], sizes = [2, 2043], strides = [1, 1]} : vector<2x2048xi32> to vector<2x2043xi32>
    %concatenate3A_29 = tpu.concatenate %broadcast_in_dim3A_27, %slice3A_28 in 1 : vector<2x5xi32>, vector<2x2043xi32> -> vector<2x2048xi32>
    %mul3A_30 = arith.constant 29589 : i32
    %mul3A_31 = vector.broadcast %mul3A_30 : i32 to vector<2x2048xi32>
    %mul3A_32 = arith.muli %concatenate3A_29, %mul3A_31 : vector<2x2048xi32>
    %broadcast_in_dim3A_33 = arith.constant 0 : i32
    %broadcast_in_dim3A_34 = vector.broadcast %broadcast_in_dim3A_33 : i32 to vector<2x6xi32>
    %slice3A_35 = vector.extract_strided_slice %get3A_1 {offsets = [0, 0], sizes = [2, 2042], strides = [1, 1]} : vector<2x2048xi32> to vector<2x2042xi32>
    %concatenate3A_36 = tpu.concatenate %broadcast_in_dim3A_34, %slice3A_35 in 1 : vector<2x6xi32>, vector<2x2042xi32> -> vector<2x2048xi32>
    %mul3A_37 = arith.constant 5 : i32
    %mul3A_38 = vector.broadcast %mul3A_37 : i32 to vector<2x2048xi32>
    %mul3A_39 = arith.muli %concatenate3A_36, %mul3A_38 : vector<2x2048xi32>
    %broadcast_in_dim3A_40 = arith.constant 0 : i32
    %broadcast_in_dim3A_41 = vector.broadcast %broadcast_in_dim3A_40 : i32 to vector<2x7xi32>
    %slice3A_42 = vector.extract_strided_slice %get3A_1 {offsets = [0, 0], sizes = [2, 2041], strides = [1, 1]} : vector<2x2048xi32> to vector<2x2041xi32>
    %concatenate3A_43 = tpu.concatenate %broadcast_in_dim3A_41, %slice3A_42 in 1 : vector<2x7xi32>, vector<2x2041xi32> -> vector<2x2048xi32>
    %mul3A_44 = arith.constant 89 : i32
    %mul3A_45 = vector.broadcast %mul3A_44 : i32 to vector<2x2048xi32>
    %mul3A_46 = arith.muli %concatenate3A_43, %mul3A_45 : vector<2x2048xi32>
    %broadcast_in_dim3A_47 = arith.constant 0 : i32
    %broadcast_in_dim3A_48 = vector.broadcast %broadcast_in_dim3A_47 : i32 to vector<2x8xi32>
    %slice3A_49 = vector.extract_strided_slice %get3A_1 {offsets = [0, 0], sizes = [2, 2040], strides = [1, 1]} : vector<2x2048xi32> to vector<2x2040xi32>
    %concatenate3A_50 = tpu.concatenate %broadcast_in_dim3A_48, %slice3A_49 in 1 : vector<2x8xi32>, vector<2x2040xi32> -> vector<2x2048xi32>
    %mul3A_51 = arith.constant 5 : i32
    %mul3A_52 = vector.broadcast %mul3A_51 : i32 to vector<2x2048xi32>
    %mul3A_53 = arith.muli %concatenate3A_50, %mul3A_52 : vector<2x2048xi32>
    %broadcast_in_dim3A_54 = arith.constant 0 : i32
    %broadcast_in_dim3A_55 = vector.broadcast %broadcast_in_dim3A_54 : i32 to vector<2x8xi32>
    %slice3A_56 = vector.extract_strided_slice %mul3A_4 {offsets = [0, 0], sizes = [2, 2040], strides = [1, 1]} : vector<2x2048xi32> to vector<2x2040xi32>
    %concatenate3A_57 = tpu.concatenate %broadcast_in_dim3A_55, %slice3A_56 in 1 : vector<2x8xi32>, vector<2x2040xi32> -> vector<2x2048xi32>
    %and3A = arith.constant 65535 : i32
    %and3A_58 = vector.broadcast %and3A : i32 to vector<2x2048xi32>
    %and3A_59 = arith.andi %mul3A_4, %and3A_58 : vector<2x2048xi32>
    %add3A = arith.constant 0 : i32
    %add3A_60 = vector.broadcast %add3A : i32 to vector<2x2048xi32>
    %add3A_61 = arith.addi %and3A_59, %add3A_60 : vector<2x2048xi32>
    %swap3A = arith.constant 0 : index
    %swap3A_62 = arith.constant 0 : index
    %swap3A_63 = arith.constant 0 : index
    %swap3A_64 = vector.load %arg1[%swap3A, %swap3A_62, %swap3A_63] : memref<8x2x2048xi32, #tpu.memory_space<vmem>>, vector<1x2x2048xi32>
    %swap3A_65 = vector.shape_cast %swap3A_64 : vector<1x2x2048xi32> to vector<2x2048xi32>
    %swap3A_66 = vector.shape_cast %add3A_61 : vector<2x2048xi32> to vector<1x2x2048xi32>
    tpu.vector_store %arg1[%swap3A, %swap3A_62, %swap3A_63], %swap3A_66 {strides = array<i32>} : memref<8x2x2048xi32, #tpu.memory_space<vmem>>, vector<1x2x2048xi32>,
    %broadcast_in_dim3A_67 = arith.constant 0 : i32
    %broadcast_in_dim3A_68 = vector.broadcast %broadcast_in_dim3A_67 : i32 to vector<2x8xi32>
    %slice3A_69 = vector.extract_strided_slice %mul3A_11 {offsets = [0, 0], sizes = [2, 2040], strides = [1, 1]} : vector<2x2048xi32> to vector<2x2040xi32>
    %concatenate3A_70 = tpu.concatenate %broadcast_in_dim3A_68, %slice3A_69 in 1 : vector<2x8xi32>, vector<2x2040xi32> -> vector<2x2048xi32>
    %xor3A = arith.xori %mul3A_4, %mul3A_11 : vector<2x2048xi32>
    %and3A_71 = arith.constant 65535 : i32
    %and3A_72 = vector.broadcast %and3A_71 : i32 to vector<2x2048xi32>
    %and3A_73 = arith.andi %xor3A, %and3A_72 : vector<2x2048xi32>
    %add3A_74 = arith.constant 65536 : i32
    %add3A_75 = vector.broadcast %add3A_74 : i32 to vector<2x2048xi32>
    %add3A_76 = arith.addi %and3A_73, %add3A_75 : vector<2x2048xi32>
    %swap3A_77 = arith.constant 1 : index
    %swap3A_78 = arith.constant 0 : index
    %swap3A_79 = arith.constant 0 : index
    %swap3A_80 = vector.load %arg1[%swap3A_77, %swap3A_78, %swap3A_79] : memref<8x2x2048xi32, #tpu.memory_space<vmem>>, vector<1x2x2048xi32>
    %swap3A_81 = vector.shape_cast %swap3A_80 : vector<1x2x2048xi32> to vector<2x2048xi32>
    %swap3A_82 = vector.shape_cast %add3A_76 : vector<2x2048xi32> to vector<1x2x2048xi32>
    tpu.vector_store %arg1[%swap3A_77, %swap3A_78, %swap3A_79], %swap3A_82 {strides = array<i32>} : memref<8x2x2048xi32, #tpu.memory_space<vmem>>, vector<1x2x2048xi32>,
    %broadcast_in_dim3A_83 = arith.constant 0 : i32
    %broadcast_in_dim3A_84 = vector.broadcast %broadcast_in_dim3A_83 : i32 to vector<2x8xi32>
    %slice3A_85 = vector.extract_strided_slice %mul3A_18 {offsets = [0, 0], sizes = [2, 2040], strides = [1, 1]} : vector<2x2048xi32> to vector<2x2040xi32>
    %concatenate3A_86 = tpu.concatenate %broadcast_in_dim3A_84, %slice3A_85 in 1 : vector<2x8xi32>, vector<2x2040xi32> -> vector<2x2048xi32>
    %broadcast_in_dim3A_87 = arith.constant 0 : i32
    %broadcast_in_dim3A_88 = vector.broadcast %broadcast_in_dim3A_87 : i32 to vector<2x8xi32>
    %slice3A_89 = vector.extract_strided_slice %mul3A_25 {offsets = [0, 0], sizes = [2, 2040], strides = [1, 1]} : vector<2x2048xi32> to vector<2x2040xi32>
    %concatenate3A_90 = tpu.concatenate %broadcast_in_dim3A_88, %slice3A_89 in 1 : vector<2x8xi32>, vector<2x2040xi32> -> vector<2x2048xi32>
    %xor3A_91 = arith.xori %mul3A_4, %mul3A_11 : vector<2x2048xi32>
    %xor3A_92 = arith.xori %xor3A_91, %mul3A_18 : vector<2x2048xi32>
    %xor3A_93 = arith.xori %xor3A_92, %mul3A_25 : vector<2x2048xi32>
    %and3A_94 = arith.constant 65535 : i32
    %and3A_95 = vector.broadcast %and3A_94 : i32 to vector<2x2048xi32>
    %and3A_96 = arith.andi %xor3A_93, %and3A_95 : vector<2x2048xi32>
    %add3A_97 = arith.constant 131072 : i32
    %add3A_98 = vector.broadcast %add3A_97 : i32 to vector<2x2048xi32>
    %add3A_99 = arith.addi %and3A_96, %add3A_98 : vector<2x2048xi32>
    %swap3A_100 = arith.constant 2 : index
    %swap3A_101 = arith.constant 0 : index
    %swap3A_102 = arith.constant 0 : index
    %swap3A_103 = vector.load %arg1[%swap3A_100, %swap3A_101, %swap3A_102] : memref<8x2x2048xi32, #tpu.memory_space<vmem>>, vector<1x2x2048xi32>
    %swap3A_104 = vector.shape_cast %swap3A_103 : vector<1x2x2048xi32> to vector<2x2048xi32>
    %swap3A_105 = vector.shape_cast %add3A_99 : vector<2x2048xi32> to vector<1x2x2048xi32>
    tpu.vector_store %arg1[%swap3A_100, %swap3A_101, %swap3A_102], %swap3A_105 {strides = array<i32>} : memref<8x2x2048xi32, #tpu.memory_space<vmem>>, vector<1x2x2048xi32>,
    %broadcast_in_dim3A_106 = arith.constant 0 : i32
    %broadcast_in_dim3A_107 = vector.broadcast %broadcast_in_dim3A_106 : i32 to vector<2x8xi32>
    %slice3A_108 = vector.extract_strided_slice %mul3A_32 {offsets = [0, 0], sizes = [2, 2040], strides = [1, 1]} : vector<2x2048xi32> to vector<2x2040xi32>
    %concatenate3A_109 = tpu.concatenate %broadcast_in_dim3A_107, %slice3A_108 in 1 : vector<2x8xi32>, vector<2x2040xi32> -> vector<2x2048xi32>
    %broadcast_in_dim3A_110 = arith.constant 0 : i32
    %broadcast_in_dim3A_111 = vector.broadcast %broadcast_in_dim3A_110 : i32 to vector<2x8xi32>
    %slice3A_112 = vector.extract_strided_slice %mul3A_39 {offsets = [0, 0], sizes = [2, 2040], strides = [1, 1]} : vector<2x2048xi32> to vector<2x2040xi32>
    %concatenate3A_113 = tpu.concatenate %broadcast_in_dim3A_111, %slice3A_112 in 1 : vector<2x8xi32>, vector<2x2040xi32> -> vector<2x2048xi32>
    %broadcast_in_dim3A_114 = arith.constant 0 : i32
    %broadcast_in_dim3A_115 = vector.broadcast %broadcast_in_dim3A_114 : i32 to vector<2x8xi32>
    %slice3A_116 = vector.extract_strided_slice %mul3A_46 {offsets = [0, 0], sizes = [2, 2040], strides = [1, 1]} : vector<2x2048xi32> to vector<2x2040xi32>
    %concatenate3A_117 = tpu.concatenate %broadcast_in_dim3A_115, %slice3A_116 in 1 : vector<2x8xi32>, vector<2x2040xi32> -> vector<2x2048xi32>
    %broadcast_in_dim3A_118 = arith.constant 0 : i32
    %broadcast_in_dim3A_119 = vector.broadcast %broadcast_in_dim3A_118 : i32 to vector<2x8xi32>
    %slice3A_120 = vector.extract_strided_slice %mul3A_53 {offsets = [0, 0], sizes = [2, 2040], strides = [1, 1]} : vector<2x2048xi32> to vector<2x2040xi32>
    %concatenate3A_121 = tpu.concatenate %broadcast_in_dim3A_119, %slice3A_120 in 1 : vector<2x8xi32>, vector<2x2040xi32> -> vector<2x2048xi32>
    %xor3A_122 = arith.xori %mul3A_4, %mul3A_11 : vector<2x2048xi32>
    %xor3A_123 = arith.xori %xor3A_122, %mul3A_18 : vector<2x2048xi32>
    %xor3A_124 = arith.xori %xor3A_123, %mul3A_25 : vector<2x2048xi32>
    %xor3A_125 = arith.xori %xor3A_124, %mul3A_32 : vector<2x2048xi32>
    %xor3A_126 = arith.xori %xor3A_125, %mul3A_39 : vector<2x2048xi32>
    %xor3A_127 = arith.xori %xor3A_126, %mul3A_46 : vector<2x2048xi32>
    %xor3A_128 = arith.xori %xor3A_127, %mul3A_53 : vector<2x2048xi32>
    %and3A_129 = arith.constant 65535 : i32
    %and3A_130 = vector.broadcast %and3A_129 : i32 to vector<2x2048xi32>
    %and3A_131 = arith.andi %xor3A_128, %and3A_130 : vector<2x2048xi32>
    %add3A_132 = arith.constant 196608 : i32
    %add3A_133 = vector.broadcast %add3A_132 : i32 to vector<2x2048xi32>
    %add3A_134 = arith.addi %and3A_131, %add3A_133 : vector<2x2048xi32>
    %swap3A_135 = arith.constant 3 : index
    %swap3A_136 = arith.constant 0 : index
    %swap3A_137 = arith.constant 0 : index
    %swap3A_138 = vector.load %arg1[%swap3A_135, %swap3A_136, %swap3A_137] : memref<8x2x2048xi32, #tpu.memory_space<vmem>>, vector<1x2x2048xi32>
    %swap3A_139 = vector.shape_cast %swap3A_138 : vector<1x2x2048xi32> to vector<2x2048xi32>
    %swap3A_140 = vector.shape_cast %add3A_134 : vector<2x2048xi32> to vector<1x2x2048xi32>
    tpu.vector_store %arg1[%swap3A_135, %swap3A_136, %swap3A_137], %swap3A_140 {strides = array<i32>} : memref<8x2x2048xi32, #tpu.memory_space<vmem>>, vector<1x2x2048xi32>,
    %xor3A_141 = arith.xori %mul3A_4, %concatenate3A_57 : vector<2x2048xi32>
    %broadcast_in_dim3A_142 = arith.constant 0 : i32
    %broadcast_in_dim3A_143 = vector.broadcast %broadcast_in_dim3A_142 : i32 to vector<2x8xi32>
    %slice3A_144 = vector.extract_strided_slice %concatenate3A_57 {offsets = [0, 0], sizes = [2, 2040], strides = [1, 1]} : vector<2x2048xi32> to vector<2x2040xi32>
    %concatenate3A_145 = tpu.concatenate %broadcast_in_dim3A_143, %slice3A_144 in 1 : vector<2x8xi32>, vector<2x2040xi32> -> vector<2x2048xi32>
    %xor3A_146 = arith.xori %mul3A_11, %concatenate3A_70 : vector<2x2048xi32>
    %broadcast_in_dim3A_147 = arith.constant 0 : i32
    %broadcast_in_dim3A_148 = vector.broadcast %broadcast_in_dim3A_147 : i32 to vector<2x8xi32>
    %slice3A_149 = vector.extract_strided_slice %concatenate3A_70 {offsets = [0, 0], sizes = [2, 2040], strides = [1, 1]} : vector<2x2048xi32> to vector<2x2040xi32>
    %concatenate3A_150 = tpu.concatenate %broadcast_in_dim3A_148, %slice3A_149 in 1 : vector<2x8xi32>, vector<2x2040xi32> -> vector<2x2048xi32>
    %xor3A_151 = arith.xori %mul3A_18, %concatenate3A_86 : vector<2x2048xi32>
    %broadcast_in_dim3A_152 = arith.constant 0 : i32
    %broadcast_in_dim3A_153 = vector.broadcast %broadcast_in_dim3A_152 : i32 to vector<2x8xi32>
    %slice3A_154 = vector.extract_strided_slice %concatenate3A_86 {offsets = [0, 0], sizes = [2, 2040], strides = [1, 1]} : vector<2x2048xi32> to vector<2x2040xi32>
    %concatenate3A_155 = tpu.concatenate %broadcast_in_dim3A_153, %slice3A_154 in 1 : vector<2x8xi32>, vector<2x2040xi32> -> vector<2x2048xi32>
    %xor3A_156 = arith.xori %mul3A_25, %concatenate3A_90 : vector<2x2048xi32>
    %broadcast_in_dim3A_157 = arith.constant 0 : i32
    %broadcast_in_dim3A_158 = vector.broadcast %broadcast_in_dim3A_157 : i32 to vector<2x8xi32>
    %slice3A_159 = vector.extract_strided_slice %concatenate3A_90 {offsets = [0, 0], sizes = [2, 2040], strides = [1, 1]} : vector<2x2048xi32> to vector<2x2040xi32>
    %concatenate3A_160 = tpu.concatenate %broadcast_in_dim3A_158, %slice3A_159 in 1 : vector<2x8xi32>, vector<2x2040xi32> -> vector<2x2048xi32>
    %xor3A_161 = arith.xori %mul3A_32, %concatenate3A_109 : vector<2x2048xi32>
    %broadcast_in_dim3A_162 = arith.constant 0 : i32
    %broadcast_in_dim3A_163 = vector.broadcast %broadcast_in_dim3A_162 : i32 to vector<2x8xi32>
    %slice3A_164 = vector.extract_strided_slice %concatenate3A_109 {offsets = [0, 0], sizes = [2, 2040], strides = [1, 1]} : vector<2x2048xi32> to vector<2x2040xi32>
    %concatenate3A_165 = tpu.concatenate %broadcast_in_dim3A_163, %slice3A_164 in 1 : vector<2x8xi32>, vector<2x2040xi32> -> vector<2x2048xi32>
    %xor3A_166 = arith.xori %mul3A_39, %concatenate3A_113 : vector<2x2048xi32>
    %broadcast_in_dim3A_167 = arith.constant 0 : i32
    %broadcast_in_dim3A_168 = vector.broadcast %broadcast_in_dim3A_167 : i32 to vector<2x8xi32>
    %slice3A_169 = vector.extract_strided_slice %concatenate3A_113 {offsets = [0, 0], sizes = [2, 2040], strides = [1, 1]} : vector<2x2048xi32> to vector<2x2040xi32>
    %concatenate3A_170 = tpu.concatenate %broadcast_in_dim3A_168, %slice3A_169 in 1 : vector<2x8xi32>, vector<2x2040xi32> -> vector<2x2048xi32>
    %xor3A_171 = arith.xori %mul3A_46, %concatenate3A_117 : vector<2x2048xi32>
    %broadcast_in_dim3A_172 = arith.constant 0 : i32
    %broadcast_in_dim3A_173 = vector.broadcast %broadcast_in_dim3A_172 : i32 to vector<2x8xi32>
    %slice3A_174 = vector.extract_strided_slice %concatenate3A_117 {offsets = [0, 0], sizes = [2, 2040], strides = [1, 1]} : vector<2x2048xi32> to vector<2x2040xi32>
    %concatenate3A_175 = tpu.concatenate %broadcast_in_dim3A_173, %slice3A_174 in 1 : vector<2x8xi32>, vector<2x2040xi32> -> vector<2x2048xi32>
    %xor3A_176 = arith.xori %mul3A_53, %concatenate3A_121 : vector<2x2048xi32>
    %broadcast_in_dim3A_177 = arith.constant 0 : i32
    %broadcast_in_dim3A_178 = vector.broadcast %broadcast_in_dim3A_177 : i32 to vector<2x8xi32>
    %slice3A_179 = vector.extract_strided_slice %concatenate3A_121 {offsets = [0, 0], sizes = [2, 2040], strides = [1, 1]} : vector<2x2048xi32> to vector<2x2040xi32>
    %concatenate3A_180 = tpu.concatenate %broadcast_in_dim3A_178, %slice3A_179 in 1 : vector<2x8xi32>, vector<2x2040xi32> -> vector<2x2048xi32>
    %xor3A_181 = arith.xori %xor3A_141, %xor3A_146 : vector<2x2048xi32>
    %xor3A_182 = arith.xori %xor3A_181, %xor3A_151 : vector<2x2048xi32>
    %xor3A_183 = arith.xori %xor3A_182, %xor3A_156 : vector<2x2048xi32>
    %xor3A_184 = arith.xori %xor3A_183, %xor3A_161 : vector<2x2048xi32>
    %xor3A_185 = arith.xori %xor3A_184, %xor3A_166 : vector<2x2048xi32>
    %xor3A_186 = arith.xori %xor3A_185, %xor3A_171 : vector<2x2048xi32>
    %xor3A_187 = arith.xori %xor3A_186, %xor3A_176 : vector<2x2048xi32>
    %and3A_188 = arith.constant 65535 : i32
    %and3A_189 = vector.broadcast %and3A_188 : i32 to vector<2x2048xi32>
    %and3A_190 = arith.andi %xor3A_187, %and3A_189 : vector<2x2048xi32>
    %add3A_191 = arith.constant 262144 : i32
    %add3A_192 = vector.broadcast %add3A_191 : i32 to vector<2x2048xi32>
    %add3A_193 = arith.addi %and3A_190, %add3A_192 : vector<2x2048xi32>
    %swap3A_194 = arith.constant 4 : index
    %swap3A_195 = arith.constant 0 : index
    %swap3A_196 = arith.constant 0 : index
    %swap3A_197 = vector.load %arg1[%swap3A_194, %swap3A_195, %swap3A_196] : memref<8x2x2048xi32, #tpu.memory_space<vmem>>, vector<1x2x2048xi32>
    %swap3A_198 = vector.shape_cast %swap3A_197 : vector<1x2x2048xi32> to vector<2x2048xi32>
    %swap3A_199 = vector.shape_cast %add3A_193 : vector<2x2048xi32> to vector<1x2x2048xi32>
    tpu.vector_store %arg1[%swap3A_194, %swap3A_195, %swap3A_196], %swap3A_199 {strides = array<i32>} : memref<8x2x2048xi32, #tpu.memory_space<vmem>>, vector<1x2x2048xi32>,
    %xor3A_200 = arith.xori %xor3A_141, %concatenate3A_145 : vector<2x2048xi32>
    %broadcast_in_dim3A_201 = arith.constant 0 : i32
    %broadcast_in_dim3A_202 = vector.broadcast %broadcast_in_dim3A_201 : i32 to vector<2x8xi32>
    %slice3A_203 = vector.extract_strided_slice %concatenate3A_145 {offsets = [0, 0], sizes = [2, 2040], strides = [1, 1]} : vector<2x2048xi32> to vector<2x2040xi32>
    %concatenate3A_204 = tpu.concatenate %broadcast_in_dim3A_202, %slice3A_203 in 1 : vector<2x8xi32>, vector<2x2040xi32> -> vector<2x2048xi32>
    %xor3A_205 = arith.xori %xor3A_200, %concatenate3A_204 : vector<2x2048xi32>
    %broadcast_in_dim3A_206 = arith.constant 0 : i32
    %broadcast_in_dim3A_207 = vector.broadcast %broadcast_in_dim3A_206 : i32 to vector<2x8xi32>
    %slice3A_208 = vector.extract_strided_slice %concatenate3A_204 {offsets = [0, 0], sizes = [2, 2040], strides = [1, 1]} : vector<2x2048xi32> to vector<2x2040xi32>
    %concatenate3A_209 = tpu.concatenate %broadcast_in_dim3A_207, %slice3A_208 in 1 : vector<2x8xi32>, vector<2x2040xi32> -> vector<2x2048xi32>
    %xor3A_210 = arith.xori %xor3A_146, %concatenate3A_150 : vector<2x2048xi32>
    %broadcast_in_dim3A_211 = arith.constant 0 : i32
    %broadcast_in_dim3A_212 = vector.broadcast %broadcast_in_dim3A_211 : i32 to vector<2x8xi32>
    %slice3A_213 = vector.extract_strided_slice %concatenate3A_150 {offsets = [0, 0], sizes = [2, 2040], strides = [1, 1]} : vector<2x2048xi32> to vector<2x2040xi32>
    %concatenate3A_214 = tpu.concatenate %broadcast_in_dim3A_212, %slice3A_213 in 1 : vector<2x8xi32>, vector<2x2040xi32> -> vector<2x2048xi32>
    %xor3A_215 = arith.xori %xor3A_210, %concatenate3A_214 : vector<2x2048xi32>
    %broadcast_in_dim3A_216 = arith.constant 0 : i32
    %broadcast_in_dim3A_217 = vector.broadcast %broadcast_in_dim3A_216 : i32 to vector<2x8xi32>
    %slice3A_218 = vector.extract_strided_slice %concatenate3A_214 {offsets = [0, 0], sizes = [2, 2040], strides = [1, 1]} : vector<2x2048xi32> to vector<2x2040xi32>
    %concatenate3A_219 = tpu.concatenate %broadcast_in_dim3A_217, %slice3A_218 in 1 : vector<2x8xi32>, vector<2x2040xi32> -> vector<2x2048xi32>
    %xor3A_220 = arith.xori %xor3A_151, %concatenate3A_155 : vector<2x2048xi32>
    %broadcast_in_dim3A_221 = arith.constant 0 : i32
    %broadcast_in_dim3A_222 = vector.broadcast %broadcast_in_dim3A_221 : i32 to vector<2x8xi32>
    %slice3A_223 = vector.extract_strided_slice %concatenate3A_155 {offsets = [0, 0], sizes = [2, 2040], strides = [1, 1]} : vector<2x2048xi32> to vector<2x2040xi32>
    %concatenate3A_224 = tpu.concatenate %broadcast_in_dim3A_222, %slice3A_223 in 1 : vector<2x8xi32>, vector<2x2040xi32> -> vector<2x2048xi32>
    %xor3A_225 = arith.xori %xor3A_220, %concatenate3A_224 : vector<2x2048xi32>
    %broadcast_in_dim3A_226 = arith.constant 0 : i32
    %broadcast_in_dim3A_227 = vector.broadcast %broadcast_in_dim3A_226 : i32 to vector<2x8xi32>
    %slice3A_228 = vector.extract_strided_slice %concatenate3A_224 {offsets = [0, 0], sizes = [2, 2040], strides = [1, 1]} : vector<2x2048xi32> to vector<2x2040xi32>
    %concatenate3A_229 = tpu.concatenate %broadcast_in_dim3A_227, %slice3A_228 in 1 : vector<2x8xi32>, vector<2x2040xi32> -> vector<2x2048xi32>
    %xor3A_230 = arith.xori %xor3A_156, %concatenate3A_160 : vector<2x2048xi32>
    %broadcast_in_dim3A_231 = arith.constant 0 : i32
    %broadcast_in_dim3A_232 = vector.broadcast %broadcast_in_dim3A_231 : i32 to vector<2x8xi32>
    %slice3A_233 = vector.extract_strided_slice %concatenate3A_160 {offsets = [0, 0], sizes = [2, 2040], strides = [1, 1]} : vector<2x2048xi32> to vector<2x2040xi32>
    %concatenate3A_234 = tpu.concatenate %broadcast_in_dim3A_232, %slice3A_233 in 1 : vector<2x8xi32>, vector<2x2040xi32> -> vector<2x2048xi32>
    %xor3A_235 = arith.xori %xor3A_230, %concatenate3A_234 : vector<2x2048xi32>
    %broadcast_in_dim3A_236 = arith.constant 0 : i32
    %broadcast_in_dim3A_237 = vector.broadcast %broadcast_in_dim3A_236 : i32 to vector<2x8xi32>
    %slice3A_238 = vector.extract_strided_slice %concatenate3A_234 {offsets = [0, 0], sizes = [2, 2040], strides = [1, 1]} : vector<2x2048xi32> to vector<2x2040xi32>
    %concatenate3A_239 = tpu.concatenate %broadcast_in_dim3A_237, %slice3A_238 in 1 : vector<2x8xi32>, vector<2x2040xi32> -> vector<2x2048xi32>
    %xor3A_240 = arith.xori %xor3A_161, %concatenate3A_165 : vector<2x2048xi32>
    %broadcast_in_dim3A_241 = arith.constant 0 : i32
    %broadcast_in_dim3A_242 = vector.broadcast %broadcast_in_dim3A_241 : i32 to vector<2x8xi32>
    %slice3A_243 = vector.extract_strided_slice %concatenate3A_165 {offsets = [0, 0], sizes = [2, 2040], strides = [1, 1]} : vector<2x2048xi32> to vector<2x2040xi32>
    %concatenate3A_244 = tpu.concatenate %broadcast_in_dim3A_242, %slice3A_243 in 1 : vector<2x8xi32>, vector<2x2040xi32> -> vector<2x2048xi32>
    %xor3A_245 = arith.xori %xor3A_240, %concatenate3A_244 : vector<2x2048xi32>
    %broadcast_in_dim3A_246 = arith.constant 0 : i32
    %broadcast_in_dim3A_247 = vector.broadcast %broadcast_in_dim3A_246 : i32 to vector<2x8xi32>
    %slice3A_248 = vector.extract_strided_slice %concatenate3A_244 {offsets = [0, 0], sizes = [2, 2040], strides = [1, 1]} : vector<2x2048xi32> to vector<2x2040xi32>
    %concatenate3A_249 = tpu.concatenate %broadcast_in_dim3A_247, %slice3A_248 in 1 : vector<2x8xi32>, vector<2x2040xi32> -> vector<2x2048xi32>
    %xor3A_250 = arith.xori %xor3A_166, %concatenate3A_170 : vector<2x2048xi32>
    %broadcast_in_dim3A_251 = arith.constant 0 : i32
    %broadcast_in_dim3A_252 = vector.broadcast %broadcast_in_dim3A_251 : i32 to vector<2x8xi32>
    %slice3A_253 = vector.extract_strided_slice %concatenate3A_170 {offsets = [0, 0], sizes = [2, 2040], strides = [1, 1]} : vector<2x2048xi32> to vector<2x2040xi32>
    %concatenate3A_254 = tpu.concatenate %broadcast_in_dim3A_252, %slice3A_253 in 1 : vector<2x8xi32>, vector<2x2040xi32> -> vector<2x2048xi32>
    %xor3A_255 = arith.xori %xor3A_250, %concatenate3A_254 : vector<2x2048xi32>
    %broadcast_in_dim3A_256 = arith.constant 0 : i32
    %broadcast_in_dim3A_257 = vector.broadcast %broadcast_in_dim3A_256 : i32 to vector<2x8xi32>
    %slice3A_258 = vector.extract_strided_slice %concatenate3A_254 {offsets = [0, 0], sizes = [2, 2040], strides = [1, 1]} : vector<2x2048xi32> to vector<2x2040xi32>
    %concatenate3A_259 = tpu.concatenate %broadcast_in_dim3A_257, %slice3A_258 in 1 : vector<2x8xi32>, vector<2x2040xi32> -> vector<2x2048xi32>
    %xor3A_260 = arith.xori %xor3A_171, %concatenate3A_175 : vector<2x2048xi32>
    %broadcast_in_dim3A_261 = arith.constant 0 : i32
    %broadcast_in_dim3A_262 = vector.broadcast %broadcast_in_dim3A_261 : i32 to vector<2x8xi32>
    %slice3A_263 = vector.extract_strided_slice %concatenate3A_175 {offsets = [0, 0], sizes = [2, 2040], strides = [1, 1]} : vector<2x2048xi32> to vector<2x2040xi32>
    %concatenate3A_264 = tpu.concatenate %broadcast_in_dim3A_262, %slice3A_263 in 1 : vector<2x8xi32>, vector<2x2040xi32> -> vector<2x2048xi32>
    %xor3A_265 = arith.xori %xor3A_260, %concatenate3A_264 : vector<2x2048xi32>
    %broadcast_in_dim3A_266 = arith.constant 0 : i32
    %broadcast_in_dim3A_267 = vector.broadcast %broadcast_in_dim3A_266 : i32 to vector<2x8xi32>
    %slice3A_268 = vector.extract_strided_slice %concatenate3A_264 {offsets = [0, 0], sizes = [2, 2040], strides = [1, 1]} : vector<2x2048xi32> to vector<2x2040xi32>
    %concatenate3A_269 = tpu.concatenate %broadcast_in_dim3A_267, %slice3A_268 in 1 : vector<2x8xi32>, vector<2x2040xi32> -> vector<2x2048xi32>
    %xor3A_270 = arith.xori %xor3A_176, %concatenate3A_180 : vector<2x2048xi32>
    %broadcast_in_dim3A_271 = arith.constant 0 : i32
    %broadcast_in_dim3A_272 = vector.broadcast %broadcast_in_dim3A_271 : i32 to vector<2x8xi32>
    %slice3A_273 = vector.extract_strided_slice %concatenate3A_180 {offsets = [0, 0], sizes = [2, 2040], strides = [1, 1]} : vector<2x2048xi32> to vector<2x2040xi32>
    %concatenate3A_274 = tpu.concatenate %broadcast_in_dim3A_272, %slice3A_273 in 1 : vector<2x8xi32>, vector<2x2040xi32> -> vector<2x2048xi32>
    %xor3A_275 = arith.xori %xor3A_270, %concatenate3A_274 : vector<2x2048xi32>
    %broadcast_in_dim3A_276 = arith.constant 0 : i32
    %broadcast_in_dim3A_277 = vector.broadcast %broadcast_in_dim3A_276 : i32 to vector<2x8xi32>
    %slice3A_278 = vector.extract_strided_slice %concatenate3A_274 {offsets = [0, 0], sizes = [2, 2040], strides = [1, 1]} : vector<2x2048xi32> to vector<2x2040xi32>
    %concatenate3A_279 = tpu.concatenate %broadcast_in_dim3A_277, %slice3A_278 in 1 : vector<2x8xi32>, vector<2x2040xi32> -> vector<2x2048xi32>
    %xor3A_280 = arith.xori %xor3A_205, %xor3A_215 : vector<2x2048xi32>
    %xor3A_281 = arith.xori %xor3A_280, %xor3A_225 : vector<2x2048xi32>
    %xor3A_282 = arith.xori %xor3A_281, %xor3A_235 : vector<2x2048xi32>
    %xor3A_283 = arith.xori %xor3A_282, %xor3A_245 : vector<2x2048xi32>
    %xor3A_284 = arith.xori %xor3A_283, %xor3A_255 : vector<2x2048xi32>
    %xor3A_285 = arith.xori %xor3A_284, %xor3A_265 : vector<2x2048xi32>
    %xor3A_286 = arith.xori %xor3A_285, %xor3A_275 : vector<2x2048xi32>
    %and3A_287 = arith.constant 65535 : i32
    %and3A_288 = vector.broadcast %and3A_287 : i32 to vector<2x2048xi32>
    %and3A_289 = arith.andi %xor3A_286, %and3A_288 : vector<2x2048xi32>
    %add3A_290 = arith.constant 327680 : i32
    %add3A_291 = vector.broadcast %add3A_290 : i32 to vector<2x2048xi32>
    %add3A_292 = arith.addi %and3A_289, %add3A_291 : vector<2x2048xi32>
    %swap3A_293 = arith.constant 5 : index
    %swap3A_294 = arith.constant 0 : index
    %swap3A_295 = arith.constant 0 : index
    %swap3A_296 = vector.load %arg1[%swap3A_293, %swap3A_294, %swap3A_295] : memref<8x2x2048xi32, #tpu.memory_space<vmem>>, vector<1x2x2048xi32>
    %swap3A_297 = vector.shape_cast %swap3A_296 : vector<1x2x2048xi32> to vector<2x2048xi32>
    %swap3A_298 = vector.shape_cast %add3A_292 : vector<2x2048xi32> to vector<1x2x2048xi32>
    tpu.vector_store %arg1[%swap3A_293, %swap3A_294, %swap3A_295], %swap3A_298 {strides = array<i32>} : memref<8x2x2048xi32, #tpu.memory_space<vmem>>, vector<1x2x2048xi32>,
    %xor3A_299 = arith.xori %xor3A_205, %concatenate3A_209 : vector<2x2048xi32>
    %broadcast_in_dim3A_300 = arith.constant 0 : i32
    %broadcast_in_dim3A_301 = vector.broadcast %broadcast_in_dim3A_300 : i32 to vector<2x8xi32>
    %slice3A_302 = vector.extract_strided_slice %concatenate3A_209 {offsets = [0, 0], sizes = [2, 2040], strides = [1, 1]} : vector<2x2048xi32> to vector<2x2040xi32>
    %concatenate3A_303 = tpu.concatenate %broadcast_in_dim3A_301, %slice3A_302 in 1 : vector<2x8xi32>, vector<2x2040xi32> -> vector<2x2048xi32>
    %xor3A_304 = arith.xori %xor3A_299, %concatenate3A_303 : vector<2x2048xi32>
    %broadcast_in_dim3A_305 = arith.constant 0 : i32
    %broadcast_in_dim3A_306 = vector.broadcast %broadcast_in_dim3A_305 : i32 to vector<2x8xi32>
    %slice3A_307 = vector.extract_strided_slice %concatenate3A_303 {offsets = [0, 0], sizes = [2, 2040], strides = [1, 1]} : vector<2x2048xi32> to vector<2x2040xi32>
    %concatenate3A_308 = tpu.concatenate %broadcast_in_dim3A_306, %slice3A_307 in 1 : vector<2x8xi32>, vector<2x2040xi32> -> vector<2x2048xi32>
    %xor3A_309 = arith.xori %xor3A_304, %concatenate3A_308 : vector<2x2048xi32>
    %broadcast_in_dim3A_310 = arith.constant 0 : i32
    %broadcast_in_dim3A_311 = vector.broadcast %broadcast_in_dim3A_310 : i32 to vector<2x8xi32>
    %slice3A_312 = vector.extract_strided_slice %concatenate3A_308 {offsets = [0, 0], sizes = [2, 2040], strides = [1, 1]} : vector<2x2048xi32> to vector<2x2040xi32>
    %concatenate3A_313 = tpu.concatenate %broadcast_in_dim3A_311, %slice3A_312 in 1 : vector<2x8xi32>, vector<2x2040xi32> -> vector<2x2048xi32>
    %xor3A_314 = arith.xori %xor3A_309, %concatenate3A_313 : vector<2x2048xi32>
    %broadcast_in_dim3A_315 = arith.constant 0 : i32
    %broadcast_in_dim3A_316 = vector.broadcast %broadcast_in_dim3A_315 : i32 to vector<2x8xi32>
    %slice3A_317 = vector.extract_strided_slice %concatenate3A_313 {offsets = [0, 0], sizes = [2, 2040], strides = [1, 1]} : vector<2x2048xi32> to vector<2x2040xi32>
    %concatenate3A_318 = tpu.concatenate %broadcast_in_dim3A_316, %slice3A_317 in 1 : vector<2x8xi32>, vector<2x2040xi32> -> vector<2x2048xi32>
    %xor3A_319 = arith.xori %xor3A_215, %concatenate3A_219 : vector<2x2048xi32>
    %broadcast_in_dim3A_320 = arith.constant 0 : i32
    %broadcast_in_dim3A_321 = vector.broadcast %broadcast_in_dim3A_320 : i32 to vector<2x8xi32>
    %slice3A_322 = vector.extract_strided_slice %concatenate3A_219 {offsets = [0, 0], sizes = [2, 2040], strides = [1, 1]} : vector<2x2048xi32> to vector<2x2040xi32>
    %concatenate3A_323 = tpu.concatenate %broadcast_in_dim3A_321, %slice3A_322 in 1 : vector<2x8xi32>, vector<2x2040xi32> -> vector<2x2048xi32>
    %xor3A_324 = arith.xori %xor3A_319, %concatenate3A_323 : vector<2x2048xi32>
    %broadcast_in_dim3A_325 = arith.constant 0 : i32
    %broadcast_in_dim3A_326 = vector.broadcast %broadcast_in_dim3A_325 : i32 to vector<2x8xi32>
    %slice3A_327 = vector.extract_strided_slice %concatenate3A_323 {offsets = [0, 0], sizes = [2, 2040], strides = [1, 1]} : vector<2x2048xi32> to vector<2x2040xi32>
    %concatenate3A_328 = tpu.concatenate %broadcast_in_dim3A_326, %slice3A_327 in 1 : vector<2x8xi32>, vector<2x2040xi32> -> vector<2x2048xi32>
    %xor3A_329 = arith.xori %xor3A_324, %concatenate3A_328 : vector<2x2048xi32>
    %broadcast_in_dim3A_330 = arith.constant 0 : i32
    %broadcast_in_dim3A_331 = vector.broadcast %broadcast_in_dim3A_330 : i32 to vector<2x8xi32>
    %slice3A_332 = vector.extract_strided_slice %concatenate3A_328 {offsets = [0, 0], sizes = [2, 2040], strides = [1, 1]} : vector<2x2048xi32> to vector<2x2040xi32>
    %concatenate3A_333 = tpu.concatenate %broadcast_in_dim3A_331, %slice3A_332 in 1 : vector<2x8xi32>, vector<2x2040xi32> -> vector<2x2048xi32>
    %xor3A_334 = arith.xori %xor3A_329, %concatenate3A_333 : vector<2x2048xi32>
    %broadcast_in_dim3A_335 = arith.constant 0 : i32
    %broadcast_in_dim3A_336 = vector.broadcast %broadcast_in_dim3A_335 : i32 to vector<2x8xi32>
    %slice3A_337 = vector.extract_strided_slice %concatenate3A_333 {offsets = [0, 0], sizes = [2, 2040], strides = [1, 1]} : vector<2x2048xi32> to vector<2x2040xi32>
    %concatenate3A_338 = tpu.concatenate %broadcast_in_dim3A_336, %slice3A_337 in 1 : vector<2x8xi32>, vector<2x2040xi32> -> vector<2x2048xi32>
    %xor3A_339 = arith.xori %xor3A_225, %concatenate3A_229 : vector<2x2048xi32>
    %broadcast_in_dim3A_340 = arith.constant 0 : i32
    %broadcast_in_dim3A_341 = vector.broadcast %broadcast_in_dim3A_340 : i32 to vector<2x8xi32>
    %slice3A_342 = vector.extract_strided_slice %concatenate3A_229 {offsets = [0, 0], sizes = [2, 2040], strides = [1, 1]} : vector<2x2048xi32> to vector<2x2040xi32>
    %concatenate3A_343 = tpu.concatenate %broadcast_in_dim3A_341, %slice3A_342 in 1 : vector<2x8xi32>, vector<2x2040xi32> -> vector<2x2048xi32>
    %xor3A_344 = arith.xori %xor3A_339, %concatenate3A_343 : vector<2x2048xi32>
    %broadcast_in_dim3A_345 = arith.constant 0 : i32
    %broadcast_in_dim3A_346 = vector.broadcast %broadcast_in_dim3A_345 : i32 to vector<2x8xi32>
    %slice3A_347 = vector.extract_strided_slice %concatenate3A_343 {offsets = [0, 0], sizes = [2, 2040], strides = [1, 1]} : vector<2x2048xi32> to vector<2x2040xi32>
    %concatenate3A_348 = tpu.concatenate %broadcast_in_dim3A_346, %slice3A_347 in 1 : vector<2x8xi32>, vector<2x2040xi32> -> vector<2x2048xi32>
    %xor3A_349 = arith.xori %xor3A_344, %concatenate3A_348 : vector<2x2048xi32>
    %broadcast_in_dim3A_350 = arith.constant 0 : i32
    %broadcast_in_dim3A_351 = vector.broadcast %broadcast_in_dim3A_350 : i32 to vector<2x8xi32>
    %slice3A_352 = vector.extract_strided_slice %concatenate3A_348 {offsets = [0, 0], sizes = [2, 2040], strides = [1, 1]} : vector<2x2048xi32> to vector<2x2040xi32>
    %concatenate3A_353 = tpu.concatenate %broadcast_in_dim3A_351, %slice3A_352 in 1 : vector<2x8xi32>, vector<2x2040xi32> -> vector<2x2048xi32>
    %xor3A_354 = arith.xori %xor3A_349, %concatenate3A_353 : vector<2x2048xi32>
    %broadcast_in_dim3A_355 = arith.constant 0 : i32
    %broadcast_in_dim3A_356 = vector.broadcast %broadcast_in_dim3A_355 : i32 to vector<2x8xi32>
    %slice3A_357 = vector.extract_strided_slice %concatenate3A_353 {offsets = [0, 0], sizes = [2, 2040], strides = [1, 1]} : vector<2x2048xi32> to vector<2x2040xi32>
    %concatenate3A_358 = tpu.concatenate %broadcast_in_dim3A_356, %slice3A_357 in 1 : vector<2x8xi32>, vector<2x2040xi32> -> vector<2x2048xi32>
    %xor3A_359 = arith.xori %xor3A_235, %concatenate3A_239 : vector<2x2048xi32>
    %broadcast_in_dim3A_360 = arith.constant 0 : i32
    %broadcast_in_dim3A_361 = vector.broadcast %broadcast_in_dim3A_360 : i32 to vector<2x8xi32>
    %slice3A_362 = vector.extract_strided_slice %concatenate3A_239 {offsets = [0, 0], sizes = [2, 2040], strides = [1, 1]} : vector<2x2048xi32> to vector<2x2040xi32>
    %concatenate3A_363 = tpu.concatenate %broadcast_in_dim3A_361, %slice3A_362 in 1 : vector<2x8xi32>, vector<2x2040xi32> -> vector<2x2048xi32>
    %xor3A_364 = arith.xori %xor3A_359, %concatenate3A_363 : vector<2x2048xi32>
    %broadcast_in_dim3A_365 = arith.constant 0 : i32
    %broadcast_in_dim3A_366 = vector.broadcast %broadcast_in_dim3A_365 : i32 to vector<2x8xi32>
    %slice3A_367 = vector.extract_strided_slice %concatenate3A_363 {offsets = [0, 0], sizes = [2, 2040], strides = [1, 1]} : vector<2x2048xi32> to vector<2x2040xi32>
    %concatenate3A_368 = tpu.concatenate %broadcast_in_dim3A_366, %slice3A_367 in 1 : vector<2x8xi32>, vector<2x2040xi32> -> vector<2x2048xi32>
    %xor3A_369 = arith.xori %xor3A_364, %concatenate3A_368 : vector<2x2048xi32>
    %broadcast_in_dim3A_370 = arith.constant 0 : i32
    %broadcast_in_dim3A_371 = vector.broadcast %broadcast_in_dim3A_370 : i32 to vector<2x8xi32>
    %slice3A_372 = vector.extract_strided_slice %concatenate3A_368 {offsets = [0, 0], sizes = [2, 2040], strides = [1, 1]} : vector<2x2048xi32> to vector<2x2040xi32>
    %concatenate3A_373 = tpu.concatenate %broadcast_in_dim3A_371, %slice3A_372 in 1 : vector<2x8xi32>, vector<2x2040xi32> -> vector<2x2048xi32>
    %xor3A_374 = arith.xori %xor3A_369, %concatenate3A_373 : vector<2x2048xi32>
    %broadcast_in_dim3A_375 = arith.constant 0 : i32
    %broadcast_in_dim3A_376 = vector.broadcast %broadcast_in_dim3A_375 : i32 to vector<2x8xi32>
    %slice3A_377 = vector.extract_strided_slice %concatenate3A_373 {offsets = [0, 0], sizes = [2, 2040], strides = [1, 1]} : vector<2x2048xi32> to vector<2x2040xi32>
    %concatenate3A_378 = tpu.concatenate %broadcast_in_dim3A_376, %slice3A_377 in 1 : vector<2x8xi32>, vector<2x2040xi32> -> vector<2x2048xi32>
    %xor3A_379 = arith.xori %xor3A_245, %concatenate3A_249 : vector<2x2048xi32>
    %broadcast_in_dim3A_380 = arith.constant 0 : i32
    %broadcast_in_dim3A_381 = vector.broadcast %broadcast_in_dim3A_380 : i32 to vector<2x8xi32>
    %slice3A_382 = vector.extract_strided_slice %concatenate3A_249 {offsets = [0, 0], sizes = [2, 2040], strides = [1, 1]} : vector<2x2048xi32> to vector<2x2040xi32>
    %concatenate3A_383 = tpu.concatenate %broadcast_in_dim3A_381, %slice3A_382 in 1 : vector<2x8xi32>, vector<2x2040xi32> -> vector<2x2048xi32>
    %xor3A_384 = arith.xori %xor3A_379, %concatenate3A_383 : vector<2x2048xi32>
    %broadcast_in_dim3A_385 = arith.constant 0 : i32
    %broadcast_in_dim3A_386 = vector.broadcast %broadcast_in_dim3A_385 : i32 to vector<2x8xi32>
    %slice3A_387 = vector.extract_strided_slice %concatenate3A_383 {offsets = [0, 0], sizes = [2, 2040], strides = [1, 1]} : vector<2x2048xi32> to vector<2x2040xi32>
    %concatenate3A_388 = tpu.concatenate %broadcast_in_dim3A_386, %slice3A_387 in 1 : vector<2x8xi32>, vector<2x2040xi32> -> vector<2x2048xi32>
    %xor3A_389 = arith.xori %xor3A_384, %concatenate3A_388 : vector<2x2048xi32>
    %broadcast_in_dim3A_390 = arith.constant 0 : i32
    %broadcast_in_dim3A_391 = vector.broadcast %broadcast_in_dim3A_390 : i32 to vector<2x8xi32>
    %slice3A_392 = vector.extract_strided_slice %concatenate3A_388 {offsets = [0, 0], sizes = [2, 2040], strides = [1, 1]} : vector<2x2048xi32> to vector<2x2040xi32>
    %concatenate3A_393 = tpu.concatenate %broadcast_in_dim3A_391, %slice3A_392 in 1 : vector<2x8xi32>, vector<2x2040xi32> -> vector<2x2048xi32>
    %xor3A_394 = arith.xori %xor3A_389, %concatenate3A_393 : vector<2x2048xi32>
    %broadcast_in_dim3A_395 = arith.constant 0 : i32
    %broadcast_in_dim3A_396 = vector.broadcast %broadcast_in_dim3A_395 : i32 to vector<2x8xi32>
    %slice3A_397 = vector.extract_strided_slice %concatenate3A_393 {offsets = [0, 0], sizes = [2, 2040], strides = [1, 1]} : vector<2x2048xi32> to vector<2x2040xi32>
    %concatenate3A_398 = tpu.concatenate %broadcast_in_dim3A_396, %slice3A_397 in 1 : vector<2x8xi32>, vector<2x2040xi32> -> vector<2x2048xi32>
    %xor3A_399 = arith.xori %xor3A_255, %concatenate3A_259 : vector<2x2048xi32>
    %broadcast_in_dim3A_400 = arith.constant 0 : i32
    %broadcast_in_dim3A_401 = vector.broadcast %broadcast_in_dim3A_400 : i32 to vector<2x8xi32>
    %slice3A_402 = vector.extract_strided_slice %concatenate3A_259 {offsets = [0, 0], sizes = [2, 2040], strides = [1, 1]} : vector<2x2048xi32> to vector<2x2040xi32>
    %concatenate3A_403 = tpu.concatenate %broadcast_in_dim3A_401, %slice3A_402 in 1 : vector<2x8xi32>, vector<2x2040xi32> -> vector<2x2048xi32>
    %xor3A_404 = arith.xori %xor3A_399, %concatenate3A_403 : vector<2x2048xi32>
    %broadcast_in_dim3A_405 = arith.constant 0 : i32
    %broadcast_in_dim3A_406 = vector.broadcast %broadcast_in_dim3A_405 : i32 to vector<2x8xi32>
    %slice3A_407 = vector.extract_strided_slice %concatenate3A_403 {offsets = [0, 0], sizes = [2, 2040], strides = [1, 1]} : vector<2x2048xi32> to vector<2x2040xi32>
    %concatenate3A_408 = tpu.concatenate %broadcast_in_dim3A_406, %slice3A_407 in 1 : vector<2x8xi32>, vector<2x2040xi32> -> vector<2x2048xi32>
    %xor3A_409 = arith.xori %xor3A_404, %concatenate3A_408 : vector<2x2048xi32>
    %broadcast_in_dim3A_410 = arith.constant 0 : i32
    %broadcast_in_dim3A_411 = vector.broadcast %broadcast_in_dim3A_410 : i32 to vector<2x8xi32>
    %slice3A_412 = vector.extract_strided_slice %concatenate3A_408 {offsets = [0, 0], sizes = [2, 2040], strides = [1, 1]} : vector<2x2048xi32> to vector<2x2040xi32>
    %concatenate3A_413 = tpu.concatenate %broadcast_in_dim3A_411, %slice3A_412 in 1 : vector<2x8xi32>, vector<2x2040xi32> -> vector<2x2048xi32>
    %xor3A_414 = arith.xori %xor3A_409, %concatenate3A_413 : vector<2x2048xi32>
    %broadcast_in_dim3A_415 = arith.constant 0 : i32
    %broadcast_in_dim3A_416 = vector.broadcast %broadcast_in_dim3A_415 : i32 to vector<2x8xi32>
    %slice3A_417 = vector.extract_strided_slice %concatenate3A_413 {offsets = [0, 0], sizes = [2, 2040], strides = [1, 1]} : vector<2x2048xi32> to vector<2x2040xi32>
    %concatenate3A_418 = tpu.concatenate %broadcast_in_dim3A_416, %slice3A_417 in 1 : vector<2x8xi32>, vector<2x2040xi32> -> vector<2x2048xi32>
    %xor3A_419 = arith.xori %xor3A_265, %concatenate3A_269 : vector<2x2048xi32>
    %broadcast_in_dim3A_420 = arith.constant 0 : i32
    %broadcast_in_dim3A_421 = vector.broadcast %broadcast_in_dim3A_420 : i32 to vector<2x8xi32>
    %slice3A_422 = vector.extract_strided_slice %concatenate3A_269 {offsets = [0, 0], sizes = [2, 2040], strides = [1, 1]} : vector<2x2048xi32> to vector<2x2040xi32>
    %concatenate3A_423 = tpu.concatenate %broadcast_in_dim3A_421, %slice3A_422 in 1 : vector<2x8xi32>, vector<2x2040xi32> -> vector<2x2048xi32>
    %xor3A_424 = arith.xori %xor3A_419, %concatenate3A_423 : vector<2x2048xi32>
    %broadcast_in_dim3A_425 = arith.constant 0 : i32
    %broadcast_in_dim3A_426 = vector.broadcast %broadcast_in_dim3A_425 : i32 to vector<2x8xi32>
    %slice3A_427 = vector.extract_strided_slice %concatenate3A_423 {offsets = [0, 0], sizes = [2, 2040], strides = [1, 1]} : vector<2x2048xi32> to vector<2x2040xi32>
    %concatenate3A_428 = tpu.concatenate %broadcast_in_dim3A_426, %slice3A_427 in 1 : vector<2x8xi32>, vector<2x2040xi32> -> vector<2x2048xi32>
    %xor3A_429 = arith.xori %xor3A_424, %concatenate3A_428 : vector<2x2048xi32>
    %broadcast_in_dim3A_430 = arith.constant 0 : i32
    %broadcast_in_dim3A_431 = vector.broadcast %broadcast_in_dim3A_430 : i32 to vector<2x8xi32>
    %slice3A_432 = vector.extract_strided_slice %concatenate3A_428 {offsets = [0, 0], sizes = [2, 2040], strides = [1, 1]} : vector<2x2048xi32> to vector<2x2040xi32>
    %concatenate3A_433 = tpu.concatenate %broadcast_in_dim3A_431, %slice3A_432 in 1 : vector<2x8xi32>, vector<2x2040xi32> -> vector<2x2048xi32>
    %xor3A_434 = arith.xori %xor3A_429, %concatenate3A_433 : vector<2x2048xi32>
    %broadcast_in_dim3A_435 = arith.constant 0 : i32
    %broadcast_in_dim3A_436 = vector.broadcast %broadcast_in_dim3A_435 : i32 to vector<2x8xi32>
    %slice3A_437 = vector.extract_strided_slice %concatenate3A_433 {offsets = [0, 0], sizes = [2, 2040], strides = [1, 1]} : vector<2x2048xi32> to vector<2x2040xi32>
    %concatenate3A_438 = tpu.concatenate %broadcast_in_dim3A_436, %slice3A_437 in 1 : vector<2x8xi32>, vector<2x2040xi32> -> vector<2x2048xi32>
    %xor3A_439 = arith.xori %xor3A_275, %concatenate3A_279 : vector<2x2048xi32>
    %broadcast_in_dim3A_440 = arith.constant 0 : i32
    %broadcast_in_dim3A_441 = vector.broadcast %broadcast_in_dim3A_440 : i32 to vector<2x8xi32>
    %slice3A_442 = vector.extract_strided_slice %concatenate3A_279 {offsets = [0, 0], sizes = [2, 2040], strides = [1, 1]} : vector<2x2048xi32> to vector<2x2040xi32>
    %concatenate3A_443 = tpu.concatenate %broadcast_in_dim3A_441, %slice3A_442 in 1 : vector<2x8xi32>, vector<2x2040xi32> -> vector<2x2048xi32>
    %xor3A_444 = arith.xori %xor3A_439, %concatenate3A_443 : vector<2x2048xi32>
    %broadcast_in_dim3A_445 = arith.constant 0 : i32
    %broadcast_in_dim3A_446 = vector.broadcast %broadcast_in_dim3A_445 : i32 to vector<2x8xi32>
    %slice3A_447 = vector.extract_strided_slice %concatenate3A_443 {offsets = [0, 0], sizes = [2, 2040], strides = [1, 1]} : vector<2x2048xi32> to vector<2x2040xi32>
    %concatenate3A_448 = tpu.concatenate %broadcast_in_dim3A_446, %slice3A_447 in 1 : vector<2x8xi32>, vector<2x2040xi32> -> vector<2x2048xi32>
    %xor3A_449 = arith.xori %xor3A_444, %concatenate3A_448 : vector<2x2048xi32>
    %broadcast_in_dim3A_450 = arith.constant 0 : i32
    %broadcast_in_dim3A_451 = vector.broadcast %broadcast_in_dim3A_450 : i32 to vector<2x8xi32>
    %slice3A_452 = vector.extract_strided_slice %concatenate3A_448 {offsets = [0, 0], sizes = [2, 2040], strides = [1, 1]} : vector<2x2048xi32> to vector<2x2040xi32>
    %concatenate3A_453 = tpu.concatenate %broadcast_in_dim3A_451, %slice3A_452 in 1 : vector<2x8xi32>, vector<2x2040xi32> -> vector<2x2048xi32>
    %xor3A_454 = arith.xori %xor3A_449, %concatenate3A_453 : vector<2x2048xi32>
    %broadcast_in_dim3A_455 = arith.constant 0 : i32
    %broadcast_in_dim3A_456 = vector.broadcast %broadcast_in_dim3A_455 : i32 to vector<2x8xi32>
    %slice3A_457 = vector.extract_strided_slice %concatenate3A_453 {offsets = [0, 0], sizes = [2, 2040], strides = [1, 1]} : vector<2x2048xi32> to vector<2x2040xi32>
    %concatenate3A_458 = tpu.concatenate %broadcast_in_dim3A_456, %slice3A_457 in 1 : vector<2x8xi32>, vector<2x2040xi32> -> vector<2x2048xi32>
    %xor3A_459 = arith.xori %xor3A_314, %xor3A_334 : vector<2x2048xi32>
    %xor3A_460 = arith.xori %xor3A_459, %xor3A_354 : vector<2x2048xi32>
    %xor3A_461 = arith.xori %xor3A_460, %xor3A_374 : vector<2x2048xi32>
    %xor3A_462 = arith.xori %xor3A_461, %xor3A_394 : vector<2x2048xi32>
    %xor3A_463 = arith.xori %xor3A_462, %xor3A_414 : vector<2x2048xi32>
    %xor3A_464 = arith.xori %xor3A_463, %xor3A_434 : vector<2x2048xi32>
    %xor3A_465 = arith.xori %xor3A_464, %xor3A_454 : vector<2x2048xi32>
    %and3A_466 = arith.constant 65535 : i32
    %and3A_467 = vector.broadcast %and3A_466 : i32 to vector<2x2048xi32>
    %and3A_468 = arith.andi %xor3A_465, %and3A_467 : vector<2x2048xi32>
    %add3A_469 = arith.constant 393216 : i32
    %add3A_470 = vector.broadcast %add3A_469 : i32 to vector<2x2048xi32>
    %add3A_471 = arith.addi %and3A_468, %add3A_470 : vector<2x2048xi32>
    %swap3A_472 = arith.constant 6 : index
    %swap3A_473 = arith.constant 0 : index
    %swap3A_474 = arith.constant 0 : index
    %swap3A_475 = vector.load %arg1[%swap3A_472, %swap3A_473, %swap3A_474] : memref<8x2x2048xi32, #tpu.memory_space<vmem>>, vector<1x2x2048xi32>
    %swap3A_476 = vector.shape_cast %swap3A_475 : vector<1x2x2048xi32> to vector<2x2048xi32>
    %swap3A_477 = vector.shape_cast %add3A_471 : vector<2x2048xi32> to vector<1x2x2048xi32>
    tpu.vector_store %arg1[%swap3A_472, %swap3A_473, %swap3A_474], %swap3A_477 {strides = array<i32>} : memref<8x2x2048xi32, #tpu.memory_space<vmem>>, vector<1x2x2048xi32>,
    %xor3A_478 = arith.xori %xor3A_314, %concatenate3A_318 : vector<2x2048xi32>
    %broadcast_in_dim3A_479 = arith.constant 0 : i32
    %broadcast_in_dim3A_480 = vector.broadcast %broadcast_in_dim3A_479 : i32 to vector<2x8xi32>
    %slice3A_481 = vector.extract_strided_slice %concatenate3A_318 {offsets = [0, 0], sizes = [2, 2040], strides = [1, 1]} : vector<2x2048xi32> to vector<2x2040xi32>
    %concatenate3A_482 = tpu.concatenate %broadcast_in_dim3A_480, %slice3A_481 in 1 : vector<2x8xi32>, vector<2x2040xi32> -> vector<2x2048xi32>
    %xor3A_483 = arith.xori %xor3A_478, %concatenate3A_482 : vector<2x2048xi32>
    %broadcast_in_dim3A_484 = arith.constant 0 : i32
    %broadcast_in_dim3A_485 = vector.broadcast %broadcast_in_dim3A_484 : i32 to vector<2x8xi32>
    %slice3A_486 = vector.extract_strided_slice %concatenate3A_482 {offsets = [0, 0], sizes = [2, 2040], strides = [1, 1]} : vector<2x2048xi32> to vector<2x2040xi32>
    %concatenate3A_487 = tpu.concatenate %broadcast_in_dim3A_485, %slice3A_486 in 1 : vector<2x8xi32>, vector<2x2040xi32> -> vector<2x2048xi32>
    %xor3A_488 = arith.xori %xor3A_483, %concatenate3A_487 : vector<2x2048xi32>
    %broadcast_in_dim3A_489 = arith.constant 0 : i32
    %broadcast_in_dim3A_490 = vector.broadcast %broadcast_in_dim3A_489 : i32 to vector<2x8xi32>
    %slice3A_491 = vector.extract_strided_slice %concatenate3A_487 {offsets = [0, 0], sizes = [2, 2040], strides = [1, 1]} : vector<2x2048xi32> to vector<2x2040xi32>
    %concatenate3A_492 = tpu.concatenate %broadcast_in_dim3A_490, %slice3A_491 in 1 : vector<2x8xi32>, vector<2x2040xi32> -> vector<2x2048xi32>
    %xor3A_493 = arith.xori %xor3A_488, %concatenate3A_492 : vector<2x2048xi32>
    %broadcast_in_dim3A_494 = arith.constant 0 : i32
    %broadcast_in_dim3A_495 = vector.broadcast %broadcast_in_dim3A_494 : i32 to vector<2x8xi32>
    %slice3A_496 = vector.extract_strided_slice %concatenate3A_492 {offsets = [0, 0], sizes = [2, 2040], strides = [1, 1]} : vector<2x2048xi32> to vector<2x2040xi32>
    %concatenate3A_497 = tpu.concatenate %broadcast_in_dim3A_495, %slice3A_496 in 1 : vector<2x8xi32>, vector<2x2040xi32> -> vector<2x2048xi32>
    %xor3A_498 = arith.xori %xor3A_493, %concatenate3A_497 : vector<2x2048xi32>
    %broadcast_in_dim3A_499 = arith.constant 0 : i32
    %broadcast_in_dim3A_500 = vector.broadcast %broadcast_in_dim3A_499 : i32 to vector<2x8xi32>
    %slice3A_501 = vector.extract_strided_slice %concatenate3A_497 {offsets = [0, 0], sizes = [2, 2040], strides = [1, 1]} : vector<2x2048xi32> to vector<2x2040xi32>
    %concatenate3A_502 = tpu.concatenate %broadcast_in_dim3A_500, %slice3A_501 in 1 : vector<2x8xi32>, vector<2x2040xi32> -> vector<2x2048xi32>
    %xor3A_503 = arith.xori %xor3A_498, %concatenate3A_502 : vector<2x2048xi32>
    %broadcast_in_dim3A_504 = arith.constant 0 : i32
    %broadcast_in_dim3A_505 = vector.broadcast %broadcast_in_dim3A_504 : i32 to vector<2x8xi32>
    %slice3A_506 = vector.extract_strided_slice %concatenate3A_502 {offsets = [0, 0], sizes = [2, 2040], strides = [1, 1]} : vector<2x2048xi32> to vector<2x2040xi32>
    %concatenate3A_507 = tpu.concatenate %broadcast_in_dim3A_505, %slice3A_506 in 1 : vector<2x8xi32>, vector<2x2040xi32> -> vector<2x2048xi32>
    %xor3A_508 = arith.xori %xor3A_503, %concatenate3A_507 : vector<2x2048xi32>
    %broadcast_in_dim3A_509 = arith.constant 0 : i32
    %broadcast_in_dim3A_510 = vector.broadcast %broadcast_in_dim3A_509 : i32 to vector<2x8xi32>
    %slice3A_511 = vector.extract_strided_slice %concatenate3A_507 {offsets = [0, 0], sizes = [2, 2040], strides = [1, 1]} : vector<2x2048xi32> to vector<2x2040xi32>
    %concatenate3A_512 = tpu.concatenate %broadcast_in_dim3A_510, %slice3A_511 in 1 : vector<2x8xi32>, vector<2x2040xi32> -> vector<2x2048xi32>
    %xor3A_513 = arith.xori %xor3A_508, %concatenate3A_512 : vector<2x2048xi32>
    %xor3A_514 = arith.xori %xor3A_334, %concatenate3A_338 : vector<2x2048xi32>
    %broadcast_in_dim3A_515 = arith.constant 0 : i32
    %broadcast_in_dim3A_516 = vector.broadcast %broadcast_in_dim3A_515 : i32 to vector<2x8xi32>
    %slice3A_517 = vector.extract_strided_slice %concatenate3A_338 {offsets = [0, 0], sizes = [2, 2040], strides = [1, 1]} : vector<2x2048xi32> to vector<2x2040xi32>
    %concatenate3A_518 = tpu.concatenate %broadcast_in_dim3A_516, %slice3A_517 in 1 : vector<2x8xi32>, vector<2x2040xi32> -> vector<2x2048xi32>
    %xor3A_519 = arith.xori %xor3A_514, %concatenate3A_518 : vector<2x2048xi32>
    %broadcast_in_dim3A_520 = arith.constant 0 : i32
    %broadcast_in_dim3A_521 = vector.broadcast %broadcast_in_dim3A_520 : i32 to vector<2x8xi32>
    %slice3A_522 = vector.extract_strided_slice %concatenate3A_518 {offsets = [0, 0], sizes = [2, 2040], strides = [1, 1]} : vector<2x2048xi32> to vector<2x2040xi32>
    %concatenate3A_523 = tpu.concatenate %broadcast_in_dim3A_521, %slice3A_522 in 1 : vector<2x8xi32>, vector<2x2040xi32> -> vector<2x2048xi32>
    %xor3A_524 = arith.xori %xor3A_519, %concatenate3A_523 : vector<2x2048xi32>
    %broadcast_in_dim3A_525 = arith.constant 0 : i32
    %broadcast_in_dim3A_526 = vector.broadcast %broadcast_in_dim3A_525 : i32 to vector<2x8xi32>
    %slice3A_527 = vector.extract_strided_slice %concatenate3A_523 {offsets = [0, 0], sizes = [2, 2040], strides = [1, 1]} : vector<2x2048xi32> to vector<2x2040xi32>
    %concatenate3A_528 = tpu.concatenate %broadcast_in_dim3A_526, %slice3A_527 in 1 : vector<2x8xi32>, vector<2x2040xi32> -> vector<2x2048xi32>
    %xor3A_529 = arith.xori %xor3A_524, %concatenate3A_528 : vector<2x2048xi32>
    %broadcast_in_dim3A_530 = arith.constant 0 : i32
    %broadcast_in_dim3A_531 = vector.broadcast %broadcast_in_dim3A_530 : i32 to vector<2x8xi32>
    %slice3A_532 = vector.extract_strided_slice %concatenate3A_528 {offsets = [0, 0], sizes = [2, 2040], strides = [1, 1]} : vector<2x2048xi32> to vector<2x2040xi32>
    %concatenate3A_533 = tpu.concatenate %broadcast_in_dim3A_531, %slice3A_532 in 1 : vector<2x8xi32>, vector<2x2040xi32> -> vector<2x2048xi32>
    %xor3A_534 = arith.xori %xor3A_529, %concatenate3A_533 : vector<2x2048xi32>
    %broadcast_in_dim3A_535 = arith.constant 0 : i32
    %broadcast_in_dim3A_536 = vector.broadcast %broadcast_in_dim3A_535 : i32 to vector<2x8xi32>
    %slice3A_537 = vector.extract_strided_slice %concatenate3A_533 {offsets = [0, 0], sizes = [2, 2040], strides = [1, 1]} : vector<2x2048xi32> to vector<2x2040xi32>
    %concatenate3A_538 = tpu.concatenate %broadcast_in_dim3A_536, %slice3A_537 in 1 : vector<2x8xi32>, vector<2x2040xi32> -> vector<2x2048xi32>
    %xor3A_539 = arith.xori %xor3A_534, %concatenate3A_538 : vector<2x2048xi32>
    %broadcast_in_dim3A_540 = arith.constant 0 : i32
    %broadcast_in_dim3A_541 = vector.broadcast %broadcast_in_dim3A_540 : i32 to vector<2x8xi32>
    %slice3A_542 = vector.extract_strided_slice %concatenate3A_538 {offsets = [0, 0], sizes = [2, 2040], strides = [1, 1]} : vector<2x2048xi32> to vector<2x2040xi32>
    %concatenate3A_543 = tpu.concatenate %broadcast_in_dim3A_541, %slice3A_542 in 1 : vector<2x8xi32>, vector<2x2040xi32> -> vector<2x2048xi32>
    %xor3A_544 = arith.xori %xor3A_539, %concatenate3A_543 : vector<2x2048xi32>
    %broadcast_in_dim3A_545 = arith.constant 0 : i32
    %broadcast_in_dim3A_546 = vector.broadcast %broadcast_in_dim3A_545 : i32 to vector<2x8xi32>
    %slice3A_547 = vector.extract_strided_slice %concatenate3A_543 {offsets = [0, 0], sizes = [2, 2040], strides = [1, 1]} : vector<2x2048xi32> to vector<2x2040xi32>
    %concatenate3A_548 = tpu.concatenate %broadcast_in_dim3A_546, %slice3A_547 in 1 : vector<2x8xi32>, vector<2x2040xi32> -> vector<2x2048xi32>
    %xor3A_549 = arith.xori %xor3A_544, %concatenate3A_548 : vector<2x2048xi32>
    %xor3A_550 = arith.xori %xor3A_354, %concatenate3A_358 : vector<2x2048xi32>
    %broadcast_in_dim3A_551 = arith.constant 0 : i32
    %broadcast_in_dim3A_552 = vector.broadcast %broadcast_in_dim3A_551 : i32 to vector<2x8xi32>
    %slice3A_553 = vector.extract_strided_slice %concatenate3A_358 {offsets = [0, 0], sizes = [2, 2040], strides = [1, 1]} : vector<2x2048xi32> to vector<2x2040xi32>
    %concatenate3A_554 = tpu.concatenate %broadcast_in_dim3A_552, %slice3A_553 in 1 : vector<2x8xi32>, vector<2x2040xi32> -> vector<2x2048xi32>
    %xor3A_555 = arith.xori %xor3A_550, %concatenate3A_554 : vector<2x2048xi32>
    %broadcast_in_dim3A_556 = arith.constant 0 : i32
    %broadcast_in_dim3A_557 = vector.broadcast %broadcast_in_dim3A_556 : i32 to vector<2x8xi32>
    %slice3A_558 = vector.extract_strided_slice %concatenate3A_554 {offsets = [0, 0], sizes = [2, 2040], strides = [1, 1]} : vector<2x2048xi32> to vector<2x2040xi32>
    %concatenate3A_559 = tpu.concatenate %broadcast_in_dim3A_557, %slice3A_558 in 1 : vector<2x8xi32>, vector<2x2040xi32> -> vector<2x2048xi32>
    %xor3A_560 = arith.xori %xor3A_555, %concatenate3A_559 : vector<2x2048xi32>
    %broadcast_in_dim3A_561 = arith.constant 0 : i32
    %broadcast_in_dim3A_562 = vector.broadcast %broadcast_in_dim3A_561 : i32 to vector<2x8xi32>
    %slice3A_563 = vector.extract_strided_slice %concatenate3A_559 {offsets = [0, 0], sizes = [2, 2040], strides = [1, 1]} : vector<2x2048xi32> to vector<2x2040xi32>
    %concatenate3A_564 = tpu.concatenate %broadcast_in_dim3A_562, %slice3A_563 in 1 : vector<2x8xi32>, vector<2x2040xi32> -> vector<2x2048xi32>
    %xor3A_565 = arith.xori %xor3A_560, %concatenate3A_564 : vector<2x2048xi32>
    %broadcast_in_dim3A_566 = arith.constant 0 : i32
    %broadcast_in_dim3A_567 = vector.broadcast %broadcast_in_dim3A_566 : i32 to vector<2x8xi32>
    %slice3A_568 = vector.extract_strided_slice %concatenate3A_564 {offsets = [0, 0], sizes = [2, 2040], strides = [1, 1]} : vector<2x2048xi32> to vector<2x2040xi32>
    %concatenate3A_569 = tpu.concatenate %broadcast_in_dim3A_567, %slice3A_568 in 1 : vector<2x8xi32>, vector<2x2040xi32> -> vector<2x2048xi32>
    %xor3A_570 = arith.xori %xor3A_565, %concatenate3A_569 : vector<2x2048xi32>
    %broadcast_in_dim3A_571 = arith.constant 0 : i32
    %broadcast_in_dim3A_572 = vector.broadcast %broadcast_in_dim3A_571 : i32 to vector<2x8xi32>
    %slice3A_573 = vector.extract_strided_slice %concatenate3A_569 {offsets = [0, 0], sizes = [2, 2040], strides = [1, 1]} : vector<2x2048xi32> to vector<2x2040xi32>
    %concatenate3A_574 = tpu.concatenate %broadcast_in_dim3A_572, %slice3A_573 in 1 : vector<2x8xi32>, vector<2x2040xi32> -> vector<2x2048xi32>
    %xor3A_575 = arith.xori %xor3A_570, %concatenate3A_574 : vector<2x2048xi32>
    %broadcast_in_dim3A_576 = arith.constant 0 : i32
    %broadcast_in_dim3A_577 = vector.broadcast %broadcast_in_dim3A_576 : i32 to vector<2x8xi32>
    %slice3A_578 = vector.extract_strided_slice %concatenate3A_574 {offsets = [0, 0], sizes = [2, 2040], strides = [1, 1]} : vector<2x2048xi32> to vector<2x2040xi32>
    %concatenate3A_579 = tpu.concatenate %broadcast_in_dim3A_577, %slice3A_578 in 1 : vector<2x8xi32>, vector<2x2040xi32> -> vector<2x2048xi32>
    %xor3A_580 = arith.xori %xor3A_575, %concatenate3A_579 : vector<2x2048xi32>
    %broadcast_in_dim3A_581 = arith.constant 0 : i32
    %broadcast_in_dim3A_582 = vector.broadcast %broadcast_in_dim3A_581 : i32 to vector<2x8xi32>
    %slice3A_583 = vector.extract_strided_slice %concatenate3A_579 {offsets = [0, 0], sizes = [2, 2040], strides = [1, 1]} : vector<2x2048xi32> to vector<2x2040xi32>
    %concatenate3A_584 = tpu.concatenate %broadcast_in_dim3A_582, %slice3A_583 in 1 : vector<2x8xi32>, vector<2x2040xi32> -> vector<2x2048xi32>
    %xor3A_585 = arith.xori %xor3A_580, %concatenate3A_584 : vector<2x2048xi32>
    %xor3A_586 = arith.xori %xor3A_374, %concatenate3A_378 : vector<2x2048xi32>
    %broadcast_in_dim3A_587 = arith.constant 0 : i32
    %broadcast_in_dim3A_588 = vector.broadcast %broadcast_in_dim3A_587 : i32 to vector<2x8xi32>
    %slice3A_589 = vector.extract_strided_slice %concatenate3A_378 {offsets = [0, 0], sizes = [2, 2040], strides = [1, 1]} : vector<2x2048xi32> to vector<2x2040xi32>
    %concatenate3A_590 = tpu.concatenate %broadcast_in_dim3A_588, %slice3A_589 in 1 : vector<2x8xi32>, vector<2x2040xi32> -> vector<2x2048xi32>
    %xor3A_591 = arith.xori %xor3A_586, %concatenate3A_590 : vector<2x2048xi32>
    %broadcast_in_dim3A_592 = arith.constant 0 : i32
    %broadcast_in_dim3A_593 = vector.broadcast %broadcast_in_dim3A_592 : i32 to vector<2x8xi32>
    %slice3A_594 = vector.extract_strided_slice %concatenate3A_590 {offsets = [0, 0], sizes = [2, 2040], strides = [1, 1]} : vector<2x2048xi32> to vector<2x2040xi32>
    %concatenate3A_595 = tpu.concatenate %broadcast_in_dim3A_593, %slice3A_594 in 1 : vector<2x8xi32>, vector<2x2040xi32> -> vector<2x2048xi32>
    %xor3A_596 = arith.xori %xor3A_591, %concatenate3A_595 : vector<2x2048xi32>
    %broadcast_in_dim3A_597 = arith.constant 0 : i32
    %broadcast_in_dim3A_598 = vector.broadcast %broadcast_in_dim3A_597 : i32 to vector<2x8xi32>
    %slice3A_599 = vector.extract_strided_slice %concatenate3A_595 {offsets = [0, 0], sizes = [2, 2040], strides = [1, 1]} : vector<2x2048xi32> to vector<2x2040xi32>
    %concatenate3A_600 = tpu.concatenate %broadcast_in_dim3A_598, %slice3A_599 in 1 : vector<2x8xi32>, vector<2x2040xi32> -> vector<2x2048xi32>
    %xor3A_601 = arith.xori %xor3A_596, %concatenate3A_600 : vector<2x2048xi32>
    %broadcast_in_dim3A_602 = arith.constant 0 : i32
    %broadcast_in_dim3A_603 = vector.broadcast %broadcast_in_dim3A_602 : i32 to vector<2x8xi32>
    %slice3A_604 = vector.extract_strided_slice %concatenate3A_600 {offsets = [0, 0], sizes = [2, 2040], strides = [1, 1]} : vector<2x2048xi32> to vector<2x2040xi32>
    %concatenate3A_605 = tpu.concatenate %broadcast_in_dim3A_603, %slice3A_604 in 1 : vector<2x8xi32>, vector<2x2040xi32> -> vector<2x2048xi32>
    %xor3A_606 = arith.xori %xor3A_601, %concatenate3A_605 : vector<2x2048xi32>
    %broadcast_in_dim3A_607 = arith.constant 0 : i32
    %broadcast_in_dim3A_608 = vector.broadcast %broadcast_in_dim3A_607 : i32 to vector<2x8xi32>
    %slice3A_609 = vector.extract_strided_slice %concatenate3A_605 {offsets = [0, 0], sizes = [2, 2040], strides = [1, 1]} : vector<2x2048xi32> to vector<2x2040xi32>
    %concatenate3A_610 = tpu.concatenate %broadcast_in_dim3A_608, %slice3A_609 in 1 : vector<2x8xi32>, vector<2x2040xi32> -> vector<2x2048xi32>
    %xor3A_611 = arith.xori %xor3A_606, %concatenate3A_610 : vector<2x2048xi32>
    %broadcast_in_dim3A_612 = arith.constant 0 : i32
    %broadcast_in_dim3A_613 = vector.broadcast %broadcast_in_dim3A_612 : i32 to vector<2x8xi32>
    %slice3A_614 = vector.extract_strided_slice %concatenate3A_610 {offsets = [0, 0], sizes = [2, 2040], strides = [1, 1]} : vector<2x2048xi32> to vector<2x2040xi32>
    %concatenate3A_615 = tpu.concatenate %broadcast_in_dim3A_613, %slice3A_614 in 1 : vector<2x8xi32>, vector<2x2040xi32> -> vector<2x2048xi32>
    %xor3A_616 = arith.xori %xor3A_611, %concatenate3A_615 : vector<2x2048xi32>
    %broadcast_in_dim3A_617 = arith.constant 0 : i32
    %broadcast_in_dim3A_618 = vector.broadcast %broadcast_in_dim3A_617 : i32 to vector<2x8xi32>
    %slice3A_619 = vector.extract_strided_slice %concatenate3A_615 {offsets = [0, 0], sizes = [2, 2040], strides = [1, 1]} : vector<2x2048xi32> to vector<2x2040xi32>
    %concatenate3A_620 = tpu.concatenate %broadcast_in_dim3A_618, %slice3A_619 in 1 : vector<2x8xi32>, vector<2x2040xi32> -> vector<2x2048xi32>
    %xor3A_621 = arith.xori %xor3A_616, %concatenate3A_620 : vector<2x2048xi32>
    %xor3A_622 = arith.xori %xor3A_394, %concatenate3A_398 : vector<2x2048xi32>
    %broadcast_in_dim3A_623 = arith.constant 0 : i32
    %broadcast_in_dim3A_624 = vector.broadcast %broadcast_in_dim3A_623 : i32 to vector<2x8xi32>
    %slice3A_625 = vector.extract_strided_slice %concatenate3A_398 {offsets = [0, 0], sizes = [2, 2040], strides = [1, 1]} : vector<2x2048xi32> to vector<2x2040xi32>
    %concatenate3A_626 = tpu.concatenate %broadcast_in_dim3A_624, %slice3A_625 in 1 : vector<2x8xi32>, vector<2x2040xi32> -> vector<2x2048xi32>
    %xor3A_627 = arith.xori %xor3A_622, %concatenate3A_626 : vector<2x2048xi32>
    %broadcast_in_dim3A_628 = arith.constant 0 : i32
    %broadcast_in_dim3A_629 = vector.broadcast %broadcast_in_dim3A_628 : i32 to vector<2x8xi32>
    %slice3A_630 = vector.extract_strided_slice %concatenate3A_626 {offsets = [0, 0], sizes = [2, 2040], strides = [1, 1]} : vector<2x2048xi32> to vector<2x2040xi32>
    %concatenate3A_631 = tpu.concatenate %broadcast_in_dim3A_629, %slice3A_630 in 1 : vector<2x8xi32>, vector<2x2040xi32> -> vector<2x2048xi32>
    %xor3A_632 = arith.xori %xor3A_627, %concatenate3A_631 : vector<2x2048xi32>
    %broadcast_in_dim3A_633 = arith.constant 0 : i32
    %broadcast_in_dim3A_634 = vector.broadcast %broadcast_in_dim3A_633 : i32 to vector<2x8xi32>
    %slice3A_635 = vector.extract_strided_slice %concatenate3A_631 {offsets = [0, 0], sizes = [2, 2040], strides = [1, 1]} : vector<2x2048xi32> to vector<2x2040xi32>
    %concatenate3A_636 = tpu.concatenate %broadcast_in_dim3A_634, %slice3A_635 in 1 : vector<2x8xi32>, vector<2x2040xi32> -> vector<2x2048xi32>
    %xor3A_637 = arith.xori %xor3A_632, %concatenate3A_636 : vector<2x2048xi32>
    %broadcast_in_dim3A_638 = arith.constant 0 : i32
    %broadcast_in_dim3A_639 = vector.broadcast %broadcast_in_dim3A_638 : i32 to vector<2x8xi32>
    %slice3A_640 = vector.extract_strided_slice %concatenate3A_636 {offsets = [0, 0], sizes = [2, 2040], strides = [1, 1]} : vector<2x2048xi32> to vector<2x2040xi32>
    %concatenate3A_641 = tpu.concatenate %broadcast_in_dim3A_639, %slice3A_640 in 1 : vector<2x8xi32>, vector<2x2040xi32> -> vector<2x2048xi32>
    %xor3A_642 = arith.xori %xor3A_637, %concatenate3A_641 : vector<2x2048xi32>
    %broadcast_in_dim3A_643 = arith.constant 0 : i32
    %broadcast_in_dim3A_644 = vector.broadcast %broadcast_in_dim3A_643 : i32 to vector<2x8xi32>
    %slice3A_645 = vector.extract_strided_slice %concatenate3A_641 {offsets = [0, 0], sizes = [2, 2040], strides = [1, 1]} : vector<2x2048xi32> to vector<2x2040xi32>
    %concatenate3A_646 = tpu.concatenate %broadcast_in_dim3A_644, %slice3A_645 in 1 : vector<2x8xi32>, vector<2x2040xi32> -> vector<2x2048xi32>
    %xor3A_647 = arith.xori %xor3A_642, %concatenate3A_646 : vector<2x2048xi32>
    %broadcast_in_dim3A_648 = arith.constant 0 : i32
    %broadcast_in_dim3A_649 = vector.broadcast %broadcast_in_dim3A_648 : i32 to vector<2x8xi32>
    %slice3A_650 = vector.extract_strided_slice %concatenate3A_646 {offsets = [0, 0], sizes = [2, 2040], strides = [1, 1]} : vector<2x2048xi32> to vector<2x2040xi32>
    %concatenate3A_651 = tpu.concatenate %broadcast_in_dim3A_649, %slice3A_650 in 1 : vector<2x8xi32>, vector<2x2040xi32> -> vector<2x2048xi32>
    %xor3A_652 = arith.xori %xor3A_647, %concatenate3A_651 : vector<2x2048xi32>
    %broadcast_in_dim3A_653 = arith.constant 0 : i32
    %broadcast_in_dim3A_654 = vector.broadcast %broadcast_in_dim3A_653 : i32 to vector<2x8xi32>
    %slice3A_655 = vector.extract_strided_slice %concatenate3A_651 {offsets = [0, 0], sizes = [2, 2040], strides = [1, 1]} : vector<2x2048xi32> to vector<2x2040xi32>
    %concatenate3A_656 = tpu.concatenate %broadcast_in_dim3A_654, %slice3A_655 in 1 : vector<2x8xi32>, vector<2x2040xi32> -> vector<2x2048xi32>
    %xor3A_657 = arith.xori %xor3A_652, %concatenate3A_656 : vector<2x2048xi32>
    %xor3A_658 = arith.xori %xor3A_414, %concatenate3A_418 : vector<2x2048xi32>
    %broadcast_in_dim3A_659 = arith.constant 0 : i32
    %broadcast_in_dim3A_660 = vector.broadcast %broadcast_in_dim3A_659 : i32 to vector<2x8xi32>
    %slice3A_661 = vector.extract_strided_slice %concatenate3A_418 {offsets = [0, 0], sizes = [2, 2040], strides = [1, 1]} : vector<2x2048xi32> to vector<2x2040xi32>
    %concatenate3A_662 = tpu.concatenate %broadcast_in_dim3A_660, %slice3A_661 in 1 : vector<2x8xi32>, vector<2x2040xi32> -> vector<2x2048xi32>
    %xor3A_663 = arith.xori %xor3A_658, %concatenate3A_662 : vector<2x2048xi32>
    %broadcast_in_dim3A_664 = arith.constant 0 : i32
    %broadcast_in_dim3A_665 = vector.broadcast %broadcast_in_dim3A_664 : i32 to vector<2x8xi32>
    %slice3A_666 = vector.extract_strided_slice %concatenate3A_662 {offsets = [0, 0], sizes = [2, 2040], strides = [1, 1]} : vector<2x2048xi32> to vector<2x2040xi32>
    %concatenate3A_667 = tpu.concatenate %broadcast_in_dim3A_665, %slice3A_666 in 1 : vector<2x8xi32>, vector<2x2040xi32> -> vector<2x2048xi32>
    %xor3A_668 = arith.xori %xor3A_663, %concatenate3A_667 : vector<2x2048xi32>
    %broadcast_in_dim3A_669 = arith.constant 0 : i32
    %broadcast_in_dim3A_670 = vector.broadcast %broadcast_in_dim3A_669 : i32 to vector<2x8xi32>
    %slice3A_671 = vector.extract_strided_slice %concatenate3A_667 {offsets = [0, 0], sizes = [2, 2040], strides = [1, 1]} : vector<2x2048xi32> to vector<2x2040xi32>
    %concatenate3A_672 = tpu.concatenate %broadcast_in_dim3A_670, %slice3A_671 in 1 : vector<2x8xi32>, vector<2x2040xi32> -> vector<2x2048xi32>
    %xor3A_673 = arith.xori %xor3A_668, %concatenate3A_672 : vector<2x2048xi32>
    %broadcast_in_dim3A_674 = arith.constant 0 : i32
    %broadcast_in_dim3A_675 = vector.broadcast %broadcast_in_dim3A_674 : i32 to vector<2x8xi32>
    %slice3A_676 = vector.extract_strided_slice %concatenate3A_672 {offsets = [0, 0], sizes = [2, 2040], strides = [1, 1]} : vector<2x2048xi32> to vector<2x2040xi32>
    %concatenate3A_677 = tpu.concatenate %broadcast_in_dim3A_675, %slice3A_676 in 1 : vector<2x8xi32>, vector<2x2040xi32> -> vector<2x2048xi32>
    %xor3A_678 = arith.xori %xor3A_673, %concatenate3A_677 : vector<2x2048xi32>
    %broadcast_in_dim3A_679 = arith.constant 0 : i32
    %broadcast_in_dim3A_680 = vector.broadcast %broadcast_in_dim3A_679 : i32 to vector<2x8xi32>
    %slice3A_681 = vector.extract_strided_slice %concatenate3A_677 {offsets = [0, 0], sizes = [2, 2040], strides = [1, 1]} : vector<2x2048xi32> to vector<2x2040xi32>
    %concatenate3A_682 = tpu.concatenate %broadcast_in_dim3A_680, %slice3A_681 in 1 : vector<2x8xi32>, vector<2x2040xi32> -> vector<2x2048xi32>
    %xor3A_683 = arith.xori %xor3A_678, %concatenate3A_682 : vector<2x2048xi32>
    %broadcast_in_dim3A_684 = arith.constant 0 : i32
    %broadcast_in_dim3A_685 = vector.broadcast %broadcast_in_dim3A_684 : i32 to vector<2x8xi32>
    %slice3A_686 = vector.extract_strided_slice %concatenate3A_682 {offsets = [0, 0], sizes = [2, 2040], strides = [1, 1]} : vector<2x2048xi32> to vector<2x2040xi32>
    %concatenate3A_687 = tpu.concatenate %broadcast_in_dim3A_685, %slice3A_686 in 1 : vector<2x8xi32>, vector<2x2040xi32> -> vector<2x2048xi32>
    %xor3A_688 = arith.xori %xor3A_683, %concatenate3A_687 : vector<2x2048xi32>
    %broadcast_in_dim3A_689 = arith.constant 0 : i32
    %broadcast_in_dim3A_690 = vector.broadcast %broadcast_in_dim3A_689 : i32 to vector<2x8xi32>
    %slice3A_691 = vector.extract_strided_slice %concatenate3A_687 {offsets = [0, 0], sizes = [2, 2040], strides = [1, 1]} : vector<2x2048xi32> to vector<2x2040xi32>
    %concatenate3A_692 = tpu.concatenate %broadcast_in_dim3A_690, %slice3A_691 in 1 : vector<2x8xi32>, vector<2x2040xi32> -> vector<2x2048xi32>
    %xor3A_693 = arith.xori %xor3A_688, %concatenate3A_692 : vector<2x2048xi32>
    %xor3A_694 = arith.xori %xor3A_434, %concatenate3A_438 : vector<2x2048xi32>
    %broadcast_in_dim3A_695 = arith.constant 0 : i32
    %broadcast_in_dim3A_696 = vector.broadcast %broadcast_in_dim3A_695 : i32 to vector<2x8xi32>
    %slice3A_697 = vector.extract_strided_slice %concatenate3A_438 {offsets = [0, 0], sizes = [2, 2040], strides = [1, 1]} : vector<2x2048xi32> to vector<2x2040xi32>
    %concatenate3A_698 = tpu.concatenate %broadcast_in_dim3A_696, %slice3A_697 in 1 : vector<2x8xi32>, vector<2x2040xi32> -> vector<2x2048xi32>
    %xor3A_699 = arith.xori %xor3A_694, %concatenate3A_698 : vector<2x2048xi32>
    %broadcast_in_dim3A_700 = arith.constant 0 : i32
    %broadcast_in_dim3A_701 = vector.broadcast %broadcast_in_dim3A_700 : i32 to vector<2x8xi32>
    %slice3A_702 = vector.extract_strided_slice %concatenate3A_698 {offsets = [0, 0], sizes = [2, 2040], strides = [1, 1]} : vector<2x2048xi32> to vector<2x2040xi32>
    %concatenate3A_703 = tpu.concatenate %broadcast_in_dim3A_701, %slice3A_702 in 1 : vector<2x8xi32>, vector<2x2040xi32> -> vector<2x2048xi32>
    %xor3A_704 = arith.xori %xor3A_699, %concatenate3A_703 : vector<2x2048xi32>
    %broadcast_in_dim3A_705 = arith.constant 0 : i32
    %broadcast_in_dim3A_706 = vector.broadcast %broadcast_in_dim3A_705 : i32 to vector<2x8xi32>
    %slice3A_707 = vector.extract_strided_slice %concatenate3A_703 {offsets = [0, 0], sizes = [2, 2040], strides = [1, 1]} : vector<2x2048xi32> to vector<2x2040xi32>
    %concatenate3A_708 = tpu.concatenate %broadcast_in_dim3A_706, %slice3A_707 in 1 : vector<2x8xi32>, vector<2x2040xi32> -> vector<2x2048xi32>
    %xor3A_709 = arith.xori %xor3A_704, %concatenate3A_708 : vector<2x2048xi32>
    %broadcast_in_dim3A_710 = arith.constant 0 : i32
    %broadcast_in_dim3A_711 = vector.broadcast %broadcast_in_dim3A_710 : i32 to vector<2x8xi32>
    %slice3A_712 = vector.extract_strided_slice %concatenate3A_708 {offsets = [0, 0], sizes = [2, 2040], strides = [1, 1]} : vector<2x2048xi32> to vector<2x2040xi32>
    %concatenate3A_713 = tpu.concatenate %broadcast_in_dim3A_711, %slice3A_712 in 1 : vector<2x8xi32>, vector<2x2040xi32> -> vector<2x2048xi32>
    %xor3A_714 = arith.xori %xor3A_709, %concatenate3A_713 : vector<2x2048xi32>
    %broadcast_in_dim3A_715 = arith.constant 0 : i32
    %broadcast_in_dim3A_716 = vector.broadcast %broadcast_in_dim3A_715 : i32 to vector<2x8xi32>
    %slice3A_717 = vector.extract_strided_slice %concatenate3A_713 {offsets = [0, 0], sizes = [2, 2040], strides = [1, 1]} : vector<2x2048xi32> to vector<2x2040xi32>
    %concatenate3A_718 = tpu.concatenate %broadcast_in_dim3A_716, %slice3A_717 in 1 : vector<2x8xi32>, vector<2x2040xi32> -> vector<2x2048xi32>
    %xor3A_719 = arith.xori %xor3A_714, %concatenate3A_718 : vector<2x2048xi32>
    %broadcast_in_dim3A_720 = arith.constant 0 : i32
    %broadcast_in_dim3A_721 = vector.broadcast %broadcast_in_dim3A_720 : i32 to vector<2x8xi32>
    %slice3A_722 = vector.extract_strided_slice %concatenate3A_718 {offsets = [0, 0], sizes = [2, 2040], strides = [1, 1]} : vector<2x2048xi32> to vector<2x2040xi32>
    %concatenate3A_723 = tpu.concatenate %broadcast_in_dim3A_721, %slice3A_722 in 1 : vector<2x8xi32>, vector<2x2040xi32> -> vector<2x2048xi32>
    %xor3A_724 = arith.xori %xor3A_719, %concatenate3A_723 : vector<2x2048xi32>
    %broadcast_in_dim3A_725 = arith.constant 0 : i32
    %broadcast_in_dim3A_726 = vector.broadcast %broadcast_in_dim3A_725 : i32 to vector<2x8xi32>
    %slice3A_727 = vector.extract_strided_slice %concatenate3A_723 {offsets = [0, 0], sizes = [2, 2040], strides = [1, 1]} : vector<2x2048xi32> to vector<2x2040xi32>
    %concatenate3A_728 = tpu.concatenate %broadcast_in_dim3A_726, %slice3A_727 in 1 : vector<2x8xi32>, vector<2x2040xi32> -> vector<2x2048xi32>
    %xor3A_729 = arith.xori %xor3A_724, %concatenate3A_728 : vector<2x2048xi32>
    %xor3A_730 = arith.xori %xor3A_454, %concatenate3A_458 : vector<2x2048xi32>
    %broadcast_in_dim3A_731 = arith.constant 0 : i32
    %broadcast_in_dim3A_732 = vector.broadcast %broadcast_in_dim3A_731 : i32 to vector<2x8xi32>
    %slice3A_733 = vector.extract_strided_slice %concatenate3A_458 {offsets = [0, 0], sizes = [2, 2040], strides = [1, 1]} : vector<2x2048xi32> to vector<2x2040xi32>
    %concatenate3A_734 = tpu.concatenate %broadcast_in_dim3A_732, %slice3A_733 in 1 : vector<2x8xi32>, vector<2x2040xi32> -> vector<2x2048xi32>
    %xor3A_735 = arith.xori %xor3A_730, %concatenate3A_734 : vector<2x2048xi32>
    %broadcast_in_dim3A_736 = arith.constant 0 : i32
    %broadcast_in_dim3A_737 = vector.broadcast %broadcast_in_dim3A_736 : i32 to vector<2x8xi32>
    %slice3A_738 = vector.extract_strided_slice %concatenate3A_734 {offsets = [0, 0], sizes = [2, 2040], strides = [1, 1]} : vector<2x2048xi32> to vector<2x2040xi32>
    %concatenate3A_739 = tpu.concatenate %broadcast_in_dim3A_737, %slice3A_738 in 1 : vector<2x8xi32>, vector<2x2040xi32> -> vector<2x2048xi32>
    %xor3A_740 = arith.xori %xor3A_735, %concatenate3A_739 : vector<2x2048xi32>
    %broadcast_in_dim3A_741 = arith.constant 0 : i32
    %broadcast_in_dim3A_742 = vector.broadcast %broadcast_in_dim3A_741 : i32 to vector<2x8xi32>
    %slice3A_743 = vector.extract_strided_slice %concatenate3A_739 {offsets = [0, 0], sizes = [2, 2040], strides = [1, 1]} : vector<2x2048xi32> to vector<2x2040xi32>
    %concatenate3A_744 = tpu.concatenate %broadcast_in_dim3A_742, %slice3A_743 in 1 : vector<2x8xi32>, vector<2x2040xi32> -> vector<2x2048xi32>
    %xor3A_745 = arith.xori %xor3A_740, %concatenate3A_744 : vector<2x2048xi32>
    %broadcast_in_dim3A_746 = arith.constant 0 : i32
    %broadcast_in_dim3A_747 = vector.broadcast %broadcast_in_dim3A_746 : i32 to vector<2x8xi32>
    %slice3A_748 = vector.extract_strided_slice %concatenate3A_744 {offsets = [0, 0], sizes = [2, 2040], strides = [1, 1]} : vector<2x2048xi32> to vector<2x2040xi32>
    %concatenate3A_749 = tpu.concatenate %broadcast_in_dim3A_747, %slice3A_748 in 1 : vector<2x8xi32>, vector<2x2040xi32> -> vector<2x2048xi32>
    %xor3A_750 = arith.xori %xor3A_745, %concatenate3A_749 : vector<2x2048xi32>
    %broadcast_in_dim3A_751 = arith.constant 0 : i32
    %broadcast_in_dim3A_752 = vector.broadcast %broadcast_in_dim3A_751 : i32 to vector<2x8xi32>
    %slice3A_753 = vector.extract_strided_slice %concatenate3A_749 {offsets = [0, 0], sizes = [2, 2040], strides = [1, 1]} : vector<2x2048xi32> to vector<2x2040xi32>
    %concatenate3A_754 = tpu.concatenate %broadcast_in_dim3A_752, %slice3A_753 in 1 : vector<2x8xi32>, vector<2x2040xi32> -> vector<2x2048xi32>
    %xor3A_755 = arith.xori %xor3A_750, %concatenate3A_754 : vector<2x2048xi32>
    %broadcast_in_dim3A_756 = arith.constant 0 : i32
    %broadcast_in_dim3A_757 = vector.broadcast %broadcast_in_dim3A_756 : i32 to vector<2x8xi32>
    %slice3A_758 = vector.extract_strided_slice %concatenate3A_754 {offsets = [0, 0], sizes = [2, 2040], strides = [1, 1]} : vector<2x2048xi32> to vector<2x2040xi32>
    %concatenate3A_759 = tpu.concatenate %broadcast_in_dim3A_757, %slice3A_758 in 1 : vector<2x8xi32>, vector<2x2040xi32> -> vector<2x2048xi32>
    %xor3A_760 = arith.xori %xor3A_755, %concatenate3A_759 : vector<2x2048xi32>
    %broadcast_in_dim3A_761 = arith.constant 0 : i32
    %broadcast_in_dim3A_762 = vector.broadcast %broadcast_in_dim3A_761 : i32 to vector<2x8xi32>
    %slice3A_763 = vector.extract_strided_slice %concatenate3A_759 {offsets = [0, 0], sizes = [2, 2040], strides = [1, 1]} : vector<2x2048xi32> to vector<2x2040xi32>
    %concatenate3A_764 = tpu.concatenate %broadcast_in_dim3A_762, %slice3A_763 in 1 : vector<2x8xi32>, vector<2x2040xi32> -> vector<2x2048xi32>
    %xor3A_765 = arith.xori %xor3A_760, %concatenate3A_764 : vector<2x2048xi32>
    %xor3A_766 = arith.xori %xor3A_513, %xor3A_549 : vector<2x2048xi32>
    %xor3A_767 = arith.xori %xor3A_766, %xor3A_585 : vector<2x2048xi32>
    %xor3A_768 = arith.xori %xor3A_767, %xor3A_621 : vector<2x2048xi32>
    %xor3A_769 = arith.xori %xor3A_768, %xor3A_657 : vector<2x2048xi32>
    %xor3A_770 = arith.xori %xor3A_769, %xor3A_693 : vector<2x2048xi32>
    %xor3A_771 = arith.xori %xor3A_770, %xor3A_729 : vector<2x2048xi32>
    %xor3A_772 = arith.xori %xor3A_771, %xor3A_765 : vector<2x2048xi32>
    %and3A_773 = arith.constant 65535 : i32
    %and3A_774 = vector.broadcast %and3A_773 : i32 to vector<2x2048xi32>
    %and3A_775 = arith.andi %xor3A_772, %and3A_774 : vector<2x2048xi32>
    %add3A_776 = arith.constant 458752 : i32
    %add3A_777 = vector.broadcast %add3A_776 : i32 to vector<2x2048xi32>
    %add3A_778 = arith.addi %and3A_775, %add3A_777 : vector<2x2048xi32>
    %swap3A_779 = arith.constant 7 : index
    %swap3A_780 = arith.constant 0 : index
    %swap3A_781 = arith.constant 0 : index
    %swap3A_782 = vector.load %arg1[%swap3A_779, %swap3A_780, %swap3A_781] : memref<8x2x2048xi32, #tpu.memory_space<vmem>>, vector<1x2x2048xi32>
    %swap3A_783 = vector.shape_cast %swap3A_782 : vector<1x2x2048xi32> to vector<2x2048xi32>
    %swap3A_784 = vector.shape_cast %add3A_778 : vector<2x2048xi32> to vector<1x2x2048xi32>
    tpu.vector_store %arg1[%swap3A_779, %swap3A_780, %swap3A_781], %swap3A_784 {strides = array<i32>} : memref<8x2x2048xi32, #tpu.memory_space<vmem>>, vector<1x2x2048xi32>,
    return
  }
}

module attributes {stable_mosaic.version = 14 : i64} {
  func.func @_dense_topk_body(%arg0: i32, %arg1: memref<512x1024xf32, #tpu.memory_space<vmem>>, %arg2: memref<1024x512xf32, #tpu.memory_space<vmem>>, %arg3: memref<1x512xf32, #tpu.memory_space<vmem>>, %arg4: memref<256x512xf32, #tpu.memory_space<vmem>>, %arg5: memref<256x512xf32, #tpu.memory_space<vmem>>, %arg6: memref<2x128xi32, #tpu.memory_space<vmem>>, %arg7: memref<512x32xi32, #tpu.memory_space<vmem>>, %arg8: memref<512x32xf32, #tpu.memory_space<vmem>>) attributes {dimension_semantics = [#tpu.dimension_semantics<arbitrary>], iteration_bounds = array<i64: 2>, scalar_prefetch = 0 : i64, scratch_operands = 0 : i64, tpu.core_type = #tpu.core_type<tc>, window_params = [{transform_indices = @transform_0, window_bounds = array<i64: 512, 1024>}, {pipeline_mode = #tpu.pipeline_mode<synchronous>, transform_indices = @transform_1, window_bounds = array<i64: 1024, 512>}, {pipeline_mode = #tpu.pipeline_mode<synchronous>, transform_indices = @transform_2, window_bounds = array<i64: 1, 512>}, {pipeline_mode = #tpu.pipeline_mode<synchronous>, transform_indices = @transform_3, window_bounds = array<i64: 256, 512>}, {pipeline_mode = #tpu.pipeline_mode<synchronous>, transform_indices = @transform_4, window_bounds = array<i64: 256, 512>}, {pipeline_mode = #tpu.pipeline_mode<synchronous>, transform_indices = @transform_5, window_bounds = array<i64: 2, 128>}, {transform_indices = @transform_6, window_bounds = array<i64: 512, 32>}, {transform_indices = @transform_7, window_bounds = array<i64: 512, 32>}]} {
    %get3A = arith.constant 0 : index
    %get3A_0 = arith.constant 0 : index
    %get3A_1 = vector.load %arg1[%get3A, %get3A_0] : memref<512x1024xf32, #tpu.memory_space<vmem>>, vector<512x1024xf32>
    %get3A_2 = arith.constant 0 : index
    %get3A_3 = arith.constant 0 : index
    %get3A_4 = vector.load %arg2[%get3A_2, %get3A_3] : memref<1024x512xf32, #tpu.memory_space<vmem>>, vector<1024x512xf32>
    %dot_general3A = arith.constant dense<0.000000e+00> : vector<512x512xf32>
    %dot_general3A_5 = tpu.matmul %get3A_1, %get3A_4, %dot_general3A {dimension_numbers = #tpu.dot_dimension_numbers<[1], [0], [0], [1], [0, 0, 1, 1], [], []>, transpose_lhs_hint = false} : vector<512x1024xf32>, vector<1024x512xf32>, vector<512x512xf32> -> vector<512x512xf32>
    %get3A_6 = arith.constant 0 : index
    %get3A_7 = arith.constant 0 : index
    %get3A_8 = vector.load %arg3[%get3A_6, %get3A_7] : memref<1x512xf32, #tpu.memory_space<vmem>>, vector<1x512xf32>
    %add3A = vector.broadcast %get3A_8 : vector<1x512xf32> to vector<512x512xf32>
    %add3A_9 = arith.addf %dot_general3A_5, %add3A : vector<512x512xf32>
    %slice3A = vector.extract_strided_slice %add3A_9 {offsets = [0, 0], sizes = [512, 256], strides = [1, 1]} : vector<512x512xf32> to vector<512x256xf32>
    %slice3A_10 = vector.extract_strided_slice %add3A_9 {offsets = [0, 256], sizes = [512, 256], strides = [1, 1]} : vector<512x512xf32> to vector<512x256xf32>
    %get3A_11 = arith.constant 0 : index
    %get3A_12 = arith.constant 0 : index
    %get3A_13 = vector.load %arg4[%get3A_11, %get3A_12] : memref<256x512xf32, #tpu.memory_space<vmem>>, vector<256x512xf32>
    %dot_general3A_14 = arith.constant dense<0.000000e+00> : vector<512x512xf32>
    %dot_general3A_15 = tpu.matmul %slice3A, %get3A_13, %dot_general3A_14 {dimension_numbers = #tpu.dot_dimension_numbers<[1], [0], [0], [1], [0, 0, 1, 1], [], []>, transpose_lhs_hint = false} : vector<512x256xf32>, vector<256x512xf32>, vector<512x512xf32> -> vector<512x512xf32>
    %get3A_16 = arith.constant 0 : index
    %get3A_17 = arith.constant 0 : index
    %get3A_18 = vector.load %arg5[%get3A_16, %get3A_17] : memref<256x512xf32, #tpu.memory_space<vmem>>, vector<256x512xf32>
    %dot_general3A_19 = arith.constant dense<0.000000e+00> : vector<512x512xf32>
    %dot_general3A_20 = tpu.matmul %slice3A_10, %get3A_18, %dot_general3A_19 {dimension_numbers = #tpu.dot_dimension_numbers<[1], [0], [0], [1], [0, 0, 1, 1], [], []>, transpose_lhs_hint = false} : vector<512x256xf32>, vector<256x512xf32>, vector<512x512xf32> -> vector<512x512xf32>
    %iota3A = tpu.iota {dimensions = array<i32: 1>} : vector<512x512xi32>
    %bitcast_convert_type3A = tpu.bitcast %dot_general3A_15 : vector<512x512xf32> -> vector<512x512xi32>
    %and3A = arith.constant -512 : i32
    %and3A_21 = vector.broadcast %and3A : i32 to vector<512x512xi32>
    %and3A_22 = arith.andi %bitcast_convert_type3A, %and3A_21 : vector<512x512xi32>
    %or3A = arith.ori %and3A_22, %iota3A : vector<512x512xi32>
    %bitcast_convert_type3A_23 = tpu.bitcast %or3A : vector<512x512xi32> -> vector<512x512xf32>
    %iota3A_24 = tpu.iota {dimensions = array<i32: 1>} : vector<512x512xi32>
    %bitcast_convert_type3A_25 = tpu.bitcast %dot_general3A_20 : vector<512x512xf32> -> vector<512x512xi32>
    %and3A_26 = arith.constant -512 : i32
    %and3A_27 = vector.broadcast %and3A_26 : i32 to vector<512x512xi32>
    %and3A_28 = arith.andi %bitcast_convert_type3A_25, %and3A_27 : vector<512x512xi32>
    %or3A_29 = arith.ori %and3A_28, %iota3A_24 : vector<512x512xi32>
    %bitcast_convert_type3A_30 = tpu.bitcast %or3A_29 : vector<512x512xi32> -> vector<512x512xf32>
    %slice3A_31 = vector.extract_strided_slice %bitcast_convert_type3A_23 {offsets = [0, 0], sizes = [512, 128], strides = [1, 1]} : vector<512x512xf32> to vector<512x128xf32>
    %slice3A_32 = vector.extract_strided_slice %bitcast_convert_type3A_23 {offsets = [0, 128], sizes = [512, 128], strides = [1, 1]} : vector<512x512xf32> to vector<512x128xf32>
    %max3A = arith.maximumf %slice3A_31, %slice3A_32 : vector<512x128xf32>
    %slice3A_33 = vector.extract_strided_slice %bitcast_convert_type3A_23 {offsets = [0, 256], sizes = [512, 128], strides = [1, 1]} : vector<512x512xf32> to vector<512x128xf32>
    %slice3A_34 = vector.extract_strided_slice %bitcast_convert_type3A_23 {offsets = [0, 384], sizes = [512, 128], strides = [1, 1]} : vector<512x512xf32> to vector<512x128xf32>
    %max3A_35 = arith.maximumf %slice3A_33, %slice3A_34 : vector<512x128xf32>
    %max3A_36 = arith.maximumf %max3A, %max3A_35 : vector<512x128xf32>
    %reduce_max3A = arith.constant dense<0xFF800000> : vector<512xf32>
    %reduce_max3A_37 = vector.multi_reduction <maximumf>, %max3A_36, %reduce_max3A [1] : vector<512x128xf32> to vector<512xf32>
    %broadcast_in_dim3A = vector.shape_cast %reduce_max3A_37 : vector<512xf32> to vector<512x1xf32>
    %eq3A = vector.broadcast %broadcast_in_dim3A : vector<512x1xf32> to vector<512x512xf32>
    %eq3A_38 = arith.cmpf oeq, %bitcast_convert_type3A_23, %eq3A : vector<512x512xf32>
    %jit3A = arith.constant 0xFF800000 : f32
    %broadcast_in_dim3A_39 = vector.broadcast %jit3A : f32 to vector<512x512xf32>
    %select_n3A = arith.select %eq3A_38, %broadcast_in_dim3A_39, %bitcast_convert_type3A_23 : vector<512x512xi1>, vector<512x512xf32>
    %slice3A_40 = vector.extract_strided_slice %bitcast_convert_type3A_30 {offsets = [0, 0], sizes = [512, 128], strides = [1, 1]} : vector<512x512xf32> to vector<512x128xf32>
    %slice3A_41 = vector.extract_strided_slice %bitcast_convert_type3A_30 {offsets = [0, 128], sizes = [512, 128], strides = [1, 1]} : vector<512x512xf32> to vector<512x128xf32>
    %max3A_42 = arith.maximumf %slice3A_40, %slice3A_41 : vector<512x128xf32>
    %slice3A_43 = vector.extract_strided_slice %bitcast_convert_type3A_30 {offsets = [0, 256], sizes = [512, 128], strides = [1, 1]} : vector<512x512xf32> to vector<512x128xf32>
    %slice3A_44 = vector.extract_strided_slice %bitcast_convert_type3A_30 {offsets = [0, 384], sizes = [512, 128], strides = [1, 1]} : vector<512x512xf32> to vector<512x128xf32>
    %max3A_45 = arith.maximumf %slice3A_43, %slice3A_44 : vector<512x128xf32>
    %max3A_46 = arith.maximumf %max3A_42, %max3A_45 : vector<512x128xf32>
    %reduce_max3A_47 = arith.constant dense<0xFF800000> : vector<512xf32>
    %reduce_max3A_48 = vector.multi_reduction <maximumf>, %max3A_46, %reduce_max3A_47 [1] : vector<512x128xf32> to vector<512xf32>
    %broadcast_in_dim3A_49 = vector.shape_cast %reduce_max3A_48 : vector<512xf32> to vector<512x1xf32>
    %eq3A_50 = vector.broadcast %broadcast_in_dim3A_49 : vector<512x1xf32> to vector<512x512xf32>
    %eq3A_51 = arith.cmpf oeq, %bitcast_convert_type3A_30, %eq3A_50 : vector<512x512xf32>
    %jit3A_52 = arith.constant 0xFF800000 : f32
    %broadcast_in_dim3A_53 = vector.broadcast %jit3A_52 : f32 to vector<512x512xf32>
    %select_n3A_54 = arith.select %eq3A_51, %broadcast_in_dim3A_53, %bitcast_convert_type3A_30 : vector<512x512xi1>, vector<512x512xf32>
    %slice3A_55 = vector.extract_strided_slice %select_n3A {offsets = [0, 0], sizes = [512, 128], strides = [1, 1]} : vector<512x512xf32> to vector<512x128xf32>
    %slice3A_56 = vector.extract_strided_slice %select_n3A {offsets = [0, 128], sizes = [512, 128], strides = [1, 1]} : vector<512x512xf32> to vector<512x128xf32>
    %max3A_57 = arith.maximumf %slice3A_55, %slice3A_56 : vector<512x128xf32>
    %slice3A_58 = vector.extract_strided_slice %select_n3A {offsets = [0, 256], sizes = [512, 128], strides = [1, 1]} : vector<512x512xf32> to vector<512x128xf32>
    %slice3A_59 = vector.extract_strided_slice %select_n3A {offsets = [0, 384], sizes = [512, 128], strides = [1, 1]} : vector<512x512xf32> to vector<512x128xf32>
    %max3A_60 = arith.maximumf %slice3A_58, %slice3A_59 : vector<512x128xf32>
    %max3A_61 = arith.maximumf %max3A_57, %max3A_60 : vector<512x128xf32>
    %reduce_max3A_62 = arith.constant dense<0xFF800000> : vector<512xf32>
    %reduce_max3A_63 = vector.multi_reduction <maximumf>, %max3A_61, %reduce_max3A_62 [1] : vector<512x128xf32> to vector<512xf32>
    %broadcast_in_dim3A_64 = vector.shape_cast %reduce_max3A_63 : vector<512xf32> to vector<512x1xf32>
    %eq3A_65 = vector.broadcast %broadcast_in_dim3A_64 : vector<512x1xf32> to vector<512x512xf32>
    %eq3A_66 = arith.cmpf oeq, %select_n3A, %eq3A_65 : vector<512x512xf32>
    %jit3A_67 = arith.constant 0xFF800000 : f32
    %broadcast_in_dim3A_68 = vector.broadcast %jit3A_67 : f32 to vector<512x512xf32>
    %select_n3A_69 = arith.select %eq3A_66, %broadcast_in_dim3A_68, %select_n3A : vector<512x512xi1>, vector<512x512xf32>
    %slice3A_70 = vector.extract_strided_slice %select_n3A_54 {offsets = [0, 0], sizes = [512, 128], strides = [1, 1]} : vector<512x512xf32> to vector<512x128xf32>
    %slice3A_71 = vector.extract_strided_slice %select_n3A_54 {offsets = [0, 128], sizes = [512, 128], strides = [1, 1]} : vector<512x512xf32> to vector<512x128xf32>
    %max3A_72 = arith.maximumf %slice3A_70, %slice3A_71 : vector<512x128xf32>
    %slice3A_73 = vector.extract_strided_slice %select_n3A_54 {offsets = [0, 256], sizes = [512, 128], strides = [1, 1]} : vector<512x512xf32> to vector<512x128xf32>
    %slice3A_74 = vector.extract_strided_slice %select_n3A_54 {offsets = [0, 384], sizes = [512, 128], strides = [1, 1]} : vector<512x512xf32> to vector<512x128xf32>
    %max3A_75 = arith.maximumf %slice3A_73, %slice3A_74 : vector<512x128xf32>
    %max3A_76 = arith.maximumf %max3A_72, %max3A_75 : vector<512x128xf32>
    %reduce_max3A_77 = arith.constant dense<0xFF800000> : vector<512xf32>
    %reduce_max3A_78 = vector.multi_reduction <maximumf>, %max3A_76, %reduce_max3A_77 [1] : vector<512x128xf32> to vector<512xf32>
    %broadcast_in_dim3A_79 = vector.shape_cast %reduce_max3A_78 : vector<512xf32> to vector<512x1xf32>
    %eq3A_80 = vector.broadcast %broadcast_in_dim3A_79 : vector<512x1xf32> to vector<512x512xf32>
    %eq3A_81 = arith.cmpf oeq, %select_n3A_54, %eq3A_80 : vector<512x512xf32>
    %jit3A_82 = arith.constant 0xFF800000 : f32
    %broadcast_in_dim3A_83 = vector.broadcast %jit3A_82 : f32 to vector<512x512xf32>
    %select_n3A_84 = arith.select %eq3A_81, %broadcast_in_dim3A_83, %select_n3A_54 : vector<512x512xi1>, vector<512x512xf32>
    %slice3A_85 = vector.extract_strided_slice %select_n3A_69 {offsets = [0, 0], sizes = [512, 128], strides = [1, 1]} : vector<512x512xf32> to vector<512x128xf32>
    %slice3A_86 = vector.extract_strided_slice %select_n3A_69 {offsets = [0, 128], sizes = [512, 128], strides = [1, 1]} : vector<512x512xf32> to vector<512x128xf32>
    %max3A_87 = arith.maximumf %slice3A_85, %slice3A_86 : vector<512x128xf32>
    %slice3A_88 = vector.extract_strided_slice %select_n3A_69 {offsets = [0, 256], sizes = [512, 128], strides = [1, 1]} : vector<512x512xf32> to vector<512x128xf32>
    %slice3A_89 = vector.extract_strided_slice %select_n3A_69 {offsets = [0, 384], sizes = [512, 128], strides = [1, 1]} : vector<512x512xf32> to vector<512x128xf32>
    %max3A_90 = arith.maximumf %slice3A_88, %slice3A_89 : vector<512x128xf32>
    %max3A_91 = arith.maximumf %max3A_87, %max3A_90 : vector<512x128xf32>
    %reduce_max3A_92 = arith.constant dense<0xFF800000> : vector<512xf32>
    %reduce_max3A_93 = vector.multi_reduction <maximumf>, %max3A_91, %reduce_max3A_92 [1] : vector<512x128xf32> to vector<512xf32>
    %broadcast_in_dim3A_94 = vector.shape_cast %reduce_max3A_93 : vector<512xf32> to vector<512x1xf32>
    %eq3A_95 = vector.broadcast %broadcast_in_dim3A_94 : vector<512x1xf32> to vector<512x512xf32>
    %eq3A_96 = arith.cmpf oeq, %select_n3A_69, %eq3A_95 : vector<512x512xf32>
    %jit3A_97 = arith.constant 0xFF800000 : f32
    %broadcast_in_dim3A_98 = vector.broadcast %jit3A_97 : f32 to vector<512x512xf32>
    %select_n3A_99 = arith.select %eq3A_96, %broadcast_in_dim3A_98, %select_n3A_69 : vector<512x512xi1>, vector<512x512xf32>
    %slice3A_100 = vector.extract_strided_slice %select_n3A_84 {offsets = [0, 0], sizes = [512, 128], strides = [1, 1]} : vector<512x512xf32> to vector<512x128xf32>
    %slice3A_101 = vector.extract_strided_slice %select_n3A_84 {offsets = [0, 128], sizes = [512, 128], strides = [1, 1]} : vector<512x512xf32> to vector<512x128xf32>
    %max3A_102 = arith.maximumf %slice3A_100, %slice3A_101 : vector<512x128xf32>
    %slice3A_103 = vector.extract_strided_slice %select_n3A_84 {offsets = [0, 256], sizes = [512, 128], strides = [1, 1]} : vector<512x512xf32> to vector<512x128xf32>
    %slice3A_104 = vector.extract_strided_slice %select_n3A_84 {offsets = [0, 384], sizes = [512, 128], strides = [1, 1]} : vector<512x512xf32> to vector<512x128xf32>
    %max3A_105 = arith.maximumf %slice3A_103, %slice3A_104 : vector<512x128xf32>
    %max3A_106 = arith.maximumf %max3A_102, %max3A_105 : vector<512x128xf32>
    %reduce_max3A_107 = arith.constant dense<0xFF800000> : vector<512xf32>
    %reduce_max3A_108 = vector.multi_reduction <maximumf>, %max3A_106, %reduce_max3A_107 [1] : vector<512x128xf32> to vector<512xf32>
    %broadcast_in_dim3A_109 = vector.shape_cast %reduce_max3A_108 : vector<512xf32> to vector<512x1xf32>
    %eq3A_110 = vector.broadcast %broadcast_in_dim3A_109 : vector<512x1xf32> to vector<512x512xf32>
    %eq3A_111 = arith.cmpf oeq, %select_n3A_84, %eq3A_110 : vector<512x512xf32>
    %jit3A_112 = arith.constant 0xFF800000 : f32
    %broadcast_in_dim3A_113 = vector.broadcast %jit3A_112 : f32 to vector<512x512xf32>
    %select_n3A_114 = arith.select %eq3A_111, %broadcast_in_dim3A_113, %select_n3A_84 : vector<512x512xi1>, vector<512x512xf32>
    %slice3A_115 = vector.extract_strided_slice %select_n3A_99 {offsets = [0, 0], sizes = [512, 128], strides = [1, 1]} : vector<512x512xf32> to vector<512x128xf32>
    %slice3A_116 = vector.extract_strided_slice %select_n3A_99 {offsets = [0, 128], sizes = [512, 128], strides = [1, 1]} : vector<512x512xf32> to vector<512x128xf32>
    %max3A_117 = arith.maximumf %slice3A_115, %slice3A_116 : vector<512x128xf32>
    %slice3A_118 = vector.extract_strided_slice %select_n3A_99 {offsets = [0, 256], sizes = [512, 128], strides = [1, 1]} : vector<512x512xf32> to vector<512x128xf32>
    %slice3A_119 = vector.extract_strided_slice %select_n3A_99 {offsets = [0, 384], sizes = [512, 128], strides = [1, 1]} : vector<512x512xf32> to vector<512x128xf32>
    %max3A_120 = arith.maximumf %slice3A_118, %slice3A_119 : vector<512x128xf32>
    %max3A_121 = arith.maximumf %max3A_117, %max3A_120 : vector<512x128xf32>
    %reduce_max3A_122 = arith.constant dense<0xFF800000> : vector<512xf32>
    %reduce_max3A_123 = vector.multi_reduction <maximumf>, %max3A_121, %reduce_max3A_122 [1] : vector<512x128xf32> to vector<512xf32>
    %broadcast_in_dim3A_124 = vector.shape_cast %reduce_max3A_123 : vector<512xf32> to vector<512x1xf32>
    %eq3A_125 = vector.broadcast %broadcast_in_dim3A_124 : vector<512x1xf32> to vector<512x512xf32>
    %eq3A_126 = arith.cmpf oeq, %select_n3A_99, %eq3A_125 : vector<512x512xf32>
    %jit3A_127 = arith.constant 0xFF800000 : f32
    %broadcast_in_dim3A_128 = vector.broadcast %jit3A_127 : f32 to vector<512x512xf32>
    %select_n3A_129 = arith.select %eq3A_126, %broadcast_in_dim3A_128, %select_n3A_99 : vector<512x512xi1>, vector<512x512xf32>
    %slice3A_130 = vector.extract_strided_slice %select_n3A_114 {offsets = [0, 0], sizes = [512, 128], strides = [1, 1]} : vector<512x512xf32> to vector<512x128xf32>
    %slice3A_131 = vector.extract_strided_slice %select_n3A_114 {offsets = [0, 128], sizes = [512, 128], strides = [1, 1]} : vector<512x512xf32> to vector<512x128xf32>
    %max3A_132 = arith.maximumf %slice3A_130, %slice3A_131 : vector<512x128xf32>
    %slice3A_133 = vector.extract_strided_slice %select_n3A_114 {offsets = [0, 256], sizes = [512, 128], strides = [1, 1]} : vector<512x512xf32> to vector<512x128xf32>
    %slice3A_134 = vector.extract_strided_slice %select_n3A_114 {offsets = [0, 384], sizes = [512, 128], strides = [1, 1]} : vector<512x512xf32> to vector<512x128xf32>
    %max3A_135 = arith.maximumf %slice3A_133, %slice3A_134 : vector<512x128xf32>
    %max3A_136 = arith.maximumf %max3A_132, %max3A_135 : vector<512x128xf32>
    %reduce_max3A_137 = arith.constant dense<0xFF800000> : vector<512xf32>
    %reduce_max3A_138 = vector.multi_reduction <maximumf>, %max3A_136, %reduce_max3A_137 [1] : vector<512x128xf32> to vector<512xf32>
    %broadcast_in_dim3A_139 = vector.shape_cast %reduce_max3A_138 : vector<512xf32> to vector<512x1xf32>
    %eq3A_140 = vector.broadcast %broadcast_in_dim3A_139 : vector<512x1xf32> to vector<512x512xf32>
    %eq3A_141 = arith.cmpf oeq, %select_n3A_114, %eq3A_140 : vector<512x512xf32>
    %jit3A_142 = arith.constant 0xFF800000 : f32
    %broadcast_in_dim3A_143 = vector.broadcast %jit3A_142 : f32 to vector<512x512xf32>
    %select_n3A_144 = arith.select %eq3A_141, %broadcast_in_dim3A_143, %select_n3A_114 : vector<512x512xi1>, vector<512x512xf32>
    %slice3A_145 = vector.extract_strided_slice %select_n3A_129 {offsets = [0, 0], sizes = [512, 128], strides = [1, 1]} : vector<512x512xf32> to vector<512x128xf32>
    %slice3A_146 = vector.extract_strided_slice %select_n3A_129 {offsets = [0, 128], sizes = [512, 128], strides = [1, 1]} : vector<512x512xf32> to vector<512x128xf32>
    %max3A_147 = arith.maximumf %slice3A_145, %slice3A_146 : vector<512x128xf32>
    %slice3A_148 = vector.extract_strided_slice %select_n3A_129 {offsets = [0, 256], sizes = [512, 128], strides = [1, 1]} : vector<512x512xf32> to vector<512x128xf32>
    %slice3A_149 = vector.extract_strided_slice %select_n3A_129 {offsets = [0, 384], sizes = [512, 128], strides = [1, 1]} : vector<512x512xf32> to vector<512x128xf32>
    %max3A_150 = arith.maximumf %slice3A_148, %slice3A_149 : vector<512x128xf32>
    %max3A_151 = arith.maximumf %max3A_147, %max3A_150 : vector<512x128xf32>
    %reduce_max3A_152 = arith.constant dense<0xFF800000> : vector<512xf32>
    %reduce_max3A_153 = vector.multi_reduction <maximumf>, %max3A_151, %reduce_max3A_152 [1] : vector<512x128xf32> to vector<512xf32>
    %broadcast_in_dim3A_154 = vector.shape_cast %reduce_max3A_153 : vector<512xf32> to vector<512x1xf32>
    %eq3A_155 = vector.broadcast %broadcast_in_dim3A_154 : vector<512x1xf32> to vector<512x512xf32>
    %eq3A_156 = arith.cmpf oeq, %select_n3A_129, %eq3A_155 : vector<512x512xf32>
    %jit3A_157 = arith.constant 0xFF800000 : f32
    %broadcast_in_dim3A_158 = vector.broadcast %jit3A_157 : f32 to vector<512x512xf32>
    %select_n3A_159 = arith.select %eq3A_156, %broadcast_in_dim3A_158, %select_n3A_129 : vector<512x512xi1>, vector<512x512xf32>
    %slice3A_160 = vector.extract_strided_slice %select_n3A_144 {offsets = [0, 0], sizes = [512, 128], strides = [1, 1]} : vector<512x512xf32> to vector<512x128xf32>
    %slice3A_161 = vector.extract_strided_slice %select_n3A_144 {offsets = [0, 128], sizes = [512, 128], strides = [1, 1]} : vector<512x512xf32> to vector<512x128xf32>
    %max3A_162 = arith.maximumf %slice3A_160, %slice3A_161 : vector<512x128xf32>
    %slice3A_163 = vector.extract_strided_slice %select_n3A_144 {offsets = [0, 256], sizes = [512, 128], strides = [1, 1]} : vector<512x512xf32> to vector<512x128xf32>
    %slice3A_164 = vector.extract_strided_slice %select_n3A_144 {offsets = [0, 384], sizes = [512, 128], strides = [1, 1]} : vector<512x512xf32> to vector<512x128xf32>
    %max3A_165 = arith.maximumf %slice3A_163, %slice3A_164 : vector<512x128xf32>
    %max3A_166 = arith.maximumf %max3A_162, %max3A_165 : vector<512x128xf32>
    %reduce_max3A_167 = arith.constant dense<0xFF800000> : vector<512xf32>
    %reduce_max3A_168 = vector.multi_reduction <maximumf>, %max3A_166, %reduce_max3A_167 [1] : vector<512x128xf32> to vector<512xf32>
    %broadcast_in_dim3A_169 = vector.shape_cast %reduce_max3A_168 : vector<512xf32> to vector<512x1xf32>
    %eq3A_170 = vector.broadcast %broadcast_in_dim3A_169 : vector<512x1xf32> to vector<512x512xf32>
    %eq3A_171 = arith.cmpf oeq, %select_n3A_144, %eq3A_170 : vector<512x512xf32>
    %jit3A_172 = arith.constant 0xFF800000 : f32
    %broadcast_in_dim3A_173 = vector.broadcast %jit3A_172 : f32 to vector<512x512xf32>
    %select_n3A_174 = arith.select %eq3A_171, %broadcast_in_dim3A_173, %select_n3A_144 : vector<512x512xi1>, vector<512x512xf32>
    %slice3A_175 = vector.extract_strided_slice %select_n3A_159 {offsets = [0, 0], sizes = [512, 128], strides = [1, 1]} : vector<512x512xf32> to vector<512x128xf32>
    %slice3A_176 = vector.extract_strided_slice %select_n3A_159 {offsets = [0, 128], sizes = [512, 128], strides = [1, 1]} : vector<512x512xf32> to vector<512x128xf32>
    %max3A_177 = arith.maximumf %slice3A_175, %slice3A_176 : vector<512x128xf32>
    %slice3A_178 = vector.extract_strided_slice %select_n3A_159 {offsets = [0, 256], sizes = [512, 128], strides = [1, 1]} : vector<512x512xf32> to vector<512x128xf32>
    %slice3A_179 = vector.extract_strided_slice %select_n3A_159 {offsets = [0, 384], sizes = [512, 128], strides = [1, 1]} : vector<512x512xf32> to vector<512x128xf32>
    %max3A_180 = arith.maximumf %slice3A_178, %slice3A_179 : vector<512x128xf32>
    %max3A_181 = arith.maximumf %max3A_177, %max3A_180 : vector<512x128xf32>
    %reduce_max3A_182 = arith.constant dense<0xFF800000> : vector<512xf32>
    %reduce_max3A_183 = vector.multi_reduction <maximumf>, %max3A_181, %reduce_max3A_182 [1] : vector<512x128xf32> to vector<512xf32>
    %broadcast_in_dim3A_184 = vector.shape_cast %reduce_max3A_183 : vector<512xf32> to vector<512x1xf32>
    %eq3A_185 = vector.broadcast %broadcast_in_dim3A_184 : vector<512x1xf32> to vector<512x512xf32>
    %eq3A_186 = arith.cmpf oeq, %select_n3A_159, %eq3A_185 : vector<512x512xf32>
    %jit3A_187 = arith.constant 0xFF800000 : f32
    %broadcast_in_dim3A_188 = vector.broadcast %jit3A_187 : f32 to vector<512x512xf32>
    %select_n3A_189 = arith.select %eq3A_186, %broadcast_in_dim3A_188, %select_n3A_159 : vector<512x512xi1>, vector<512x512xf32>
    %slice3A_190 = vector.extract_strided_slice %select_n3A_174 {offsets = [0, 0], sizes = [512, 128], strides = [1, 1]} : vector<512x512xf32> to vector<512x128xf32>
    %slice3A_191 = vector.extract_strided_slice %select_n3A_174 {offsets = [0, 128], sizes = [512, 128], strides = [1, 1]} : vector<512x512xf32> to vector<512x128xf32>
    %max3A_192 = arith.maximumf %slice3A_190, %slice3A_191 : vector<512x128xf32>
    %slice3A_193 = vector.extract_strided_slice %select_n3A_174 {offsets = [0, 256], sizes = [512, 128], strides = [1, 1]} : vector<512x512xf32> to vector<512x128xf32>
    %slice3A_194 = vector.extract_strided_slice %select_n3A_174 {offsets = [0, 384], sizes = [512, 128], strides = [1, 1]} : vector<512x512xf32> to vector<512x128xf32>
    %max3A_195 = arith.maximumf %slice3A_193, %slice3A_194 : vector<512x128xf32>
    %max3A_196 = arith.maximumf %max3A_192, %max3A_195 : vector<512x128xf32>
    %reduce_max3A_197 = arith.constant dense<0xFF800000> : vector<512xf32>
    %reduce_max3A_198 = vector.multi_reduction <maximumf>, %max3A_196, %reduce_max3A_197 [1] : vector<512x128xf32> to vector<512xf32>
    %broadcast_in_dim3A_199 = vector.shape_cast %reduce_max3A_198 : vector<512xf32> to vector<512x1xf32>
    %eq3A_200 = vector.broadcast %broadcast_in_dim3A_199 : vector<512x1xf32> to vector<512x512xf32>
    %eq3A_201 = arith.cmpf oeq, %select_n3A_174, %eq3A_200 : vector<512x512xf32>
    %jit3A_202 = arith.constant 0xFF800000 : f32
    %broadcast_in_dim3A_203 = vector.broadcast %jit3A_202 : f32 to vector<512x512xf32>
    %select_n3A_204 = arith.select %eq3A_201, %broadcast_in_dim3A_203, %select_n3A_174 : vector<512x512xi1>, vector<512x512xf32>
    %slice3A_205 = vector.extract_strided_slice %select_n3A_189 {offsets = [0, 0], sizes = [512, 128], strides = [1, 1]} : vector<512x512xf32> to vector<512x128xf32>
    %slice3A_206 = vector.extract_strided_slice %select_n3A_189 {offsets = [0, 128], sizes = [512, 128], strides = [1, 1]} : vector<512x512xf32> to vector<512x128xf32>
    %max3A_207 = arith.maximumf %slice3A_205, %slice3A_206 : vector<512x128xf32>
    %slice3A_208 = vector.extract_strided_slice %select_n3A_189 {offsets = [0, 256], sizes = [512, 128], strides = [1, 1]} : vector<512x512xf32> to vector<512x128xf32>
    %slice3A_209 = vector.extract_strided_slice %select_n3A_189 {offsets = [0, 384], sizes = [512, 128], strides = [1, 1]} : vector<512x512xf32> to vector<512x128xf32>
    %max3A_210 = arith.maximumf %slice3A_208, %slice3A_209 : vector<512x128xf32>
    %max3A_211 = arith.maximumf %max3A_207, %max3A_210 : vector<512x128xf32>
    %reduce_max3A_212 = arith.constant dense<0xFF800000> : vector<512xf32>
    %reduce_max3A_213 = vector.multi_reduction <maximumf>, %max3A_211, %reduce_max3A_212 [1] : vector<512x128xf32> to vector<512xf32>
    %broadcast_in_dim3A_214 = vector.shape_cast %reduce_max3A_213 : vector<512xf32> to vector<512x1xf32>
    %eq3A_215 = vector.broadcast %broadcast_in_dim3A_214 : vector<512x1xf32> to vector<512x512xf32>
    %eq3A_216 = arith.cmpf oeq, %select_n3A_189, %eq3A_215 : vector<512x512xf32>
    %jit3A_217 = arith.constant 0xFF800000 : f32
    %broadcast_in_dim3A_218 = vector.broadcast %jit3A_217 : f32 to vector<512x512xf32>
    %select_n3A_219 = arith.select %eq3A_216, %broadcast_in_dim3A_218, %select_n3A_189 : vector<512x512xi1>, vector<512x512xf32>
    %slice3A_220 = vector.extract_strided_slice %select_n3A_204 {offsets = [0, 0], sizes = [512, 128], strides = [1, 1]} : vector<512x512xf32> to vector<512x128xf32>
    %slice3A_221 = vector.extract_strided_slice %select_n3A_204 {offsets = [0, 128], sizes = [512, 128], strides = [1, 1]} : vector<512x512xf32> to vector<512x128xf32>
    %max3A_222 = arith.maximumf %slice3A_220, %slice3A_221 : vector<512x128xf32>
    %slice3A_223 = vector.extract_strided_slice %select_n3A_204 {offsets = [0, 256], sizes = [512, 128], strides = [1, 1]} : vector<512x512xf32> to vector<512x128xf32>
    %slice3A_224 = vector.extract_strided_slice %select_n3A_204 {offsets = [0, 384], sizes = [512, 128], strides = [1, 1]} : vector<512x512xf32> to vector<512x128xf32>
    %max3A_225 = arith.maximumf %slice3A_223, %slice3A_224 : vector<512x128xf32>
    %max3A_226 = arith.maximumf %max3A_222, %max3A_225 : vector<512x128xf32>
    %reduce_max3A_227 = arith.constant dense<0xFF800000> : vector<512xf32>
    %reduce_max3A_228 = vector.multi_reduction <maximumf>, %max3A_226, %reduce_max3A_227 [1] : vector<512x128xf32> to vector<512xf32>
    %broadcast_in_dim3A_229 = vector.shape_cast %reduce_max3A_228 : vector<512xf32> to vector<512x1xf32>
    %eq3A_230 = vector.broadcast %broadcast_in_dim3A_229 : vector<512x1xf32> to vector<512x512xf32>
    %eq3A_231 = arith.cmpf oeq, %select_n3A_204, %eq3A_230 : vector<512x512xf32>
    %jit3A_232 = arith.constant 0xFF800000 : f32
    %broadcast_in_dim3A_233 = vector.broadcast %jit3A_232 : f32 to vector<512x512xf32>
    %select_n3A_234 = arith.select %eq3A_231, %broadcast_in_dim3A_233, %select_n3A_204 : vector<512x512xi1>, vector<512x512xf32>
    %slice3A_235 = vector.extract_strided_slice %select_n3A_219 {offsets = [0, 0], sizes = [512, 128], strides = [1, 1]} : vector<512x512xf32> to vector<512x128xf32>
    %slice3A_236 = vector.extract_strided_slice %select_n3A_219 {offsets = [0, 128], sizes = [512, 128], strides = [1, 1]} : vector<512x512xf32> to vector<512x128xf32>
    %max3A_237 = arith.maximumf %slice3A_235, %slice3A_236 : vector<512x128xf32>
    %slice3A_238 = vector.extract_strided_slice %select_n3A_219 {offsets = [0, 256], sizes = [512, 128], strides = [1, 1]} : vector<512x512xf32> to vector<512x128xf32>
    %slice3A_239 = vector.extract_strided_slice %select_n3A_219 {offsets = [0, 384], sizes = [512, 128], strides = [1, 1]} : vector<512x512xf32> to vector<512x128xf32>
    %max3A_240 = arith.maximumf %slice3A_238, %slice3A_239 : vector<512x128xf32>
    %max3A_241 = arith.maximumf %max3A_237, %max3A_240 : vector<512x128xf32>
    %reduce_max3A_242 = arith.constant dense<0xFF800000> : vector<512xf32>
    %reduce_max3A_243 = vector.multi_reduction <maximumf>, %max3A_241, %reduce_max3A_242 [1] : vector<512x128xf32> to vector<512xf32>
    %broadcast_in_dim3A_244 = vector.shape_cast %reduce_max3A_243 : vector<512xf32> to vector<512x1xf32>
    %eq3A_245 = vector.broadcast %broadcast_in_dim3A_244 : vector<512x1xf32> to vector<512x512xf32>
    %eq3A_246 = arith.cmpf oeq, %select_n3A_219, %eq3A_245 : vector<512x512xf32>
    %jit3A_247 = arith.constant 0xFF800000 : f32
    %broadcast_in_dim3A_248 = vector.broadcast %jit3A_247 : f32 to vector<512x512xf32>
    %select_n3A_249 = arith.select %eq3A_246, %broadcast_in_dim3A_248, %select_n3A_219 : vector<512x512xi1>, vector<512x512xf32>
    %slice3A_250 = vector.extract_strided_slice %select_n3A_234 {offsets = [0, 0], sizes = [512, 128], strides = [1, 1]} : vector<512x512xf32> to vector<512x128xf32>
    %slice3A_251 = vector.extract_strided_slice %select_n3A_234 {offsets = [0, 128], sizes = [512, 128], strides = [1, 1]} : vector<512x512xf32> to vector<512x128xf32>
    %max3A_252 = arith.maximumf %slice3A_250, %slice3A_251 : vector<512x128xf32>
    %slice3A_253 = vector.extract_strided_slice %select_n3A_234 {offsets = [0, 256], sizes = [512, 128], strides = [1, 1]} : vector<512x512xf32> to vector<512x128xf32>
    %slice3A_254 = vector.extract_strided_slice %select_n3A_234 {offsets = [0, 384], sizes = [512, 128], strides = [1, 1]} : vector<512x512xf32> to vector<512x128xf32>
    %max3A_255 = arith.maximumf %slice3A_253, %slice3A_254 : vector<512x128xf32>
    %max3A_256 = arith.maximumf %max3A_252, %max3A_255 : vector<512x128xf32>
    %reduce_max3A_257 = arith.constant dense<0xFF800000> : vector<512xf32>
    %reduce_max3A_258 = vector.multi_reduction <maximumf>, %max3A_256, %reduce_max3A_257 [1] : vector<512x128xf32> to vector<512xf32>
    %broadcast_in_dim3A_259 = vector.shape_cast %reduce_max3A_258 : vector<512xf32> to vector<512x1xf32>
    %eq3A_260 = vector.broadcast %broadcast_in_dim3A_259 : vector<512x1xf32> to vector<512x512xf32>
    %eq3A_261 = arith.cmpf oeq, %select_n3A_234, %eq3A_260 : vector<512x512xf32>
    %jit3A_262 = arith.constant 0xFF800000 : f32
    %broadcast_in_dim3A_263 = vector.broadcast %jit3A_262 : f32 to vector<512x512xf32>
    %select_n3A_264 = arith.select %eq3A_261, %broadcast_in_dim3A_263, %select_n3A_234 : vector<512x512xi1>, vector<512x512xf32>
    %slice3A_265 = vector.extract_strided_slice %select_n3A_249 {offsets = [0, 0], sizes = [512, 128], strides = [1, 1]} : vector<512x512xf32> to vector<512x128xf32>
    %slice3A_266 = vector.extract_strided_slice %select_n3A_249 {offsets = [0, 128], sizes = [512, 128], strides = [1, 1]} : vector<512x512xf32> to vector<512x128xf32>
    %max3A_267 = arith.maximumf %slice3A_265, %slice3A_266 : vector<512x128xf32>
    %slice3A_268 = vector.extract_strided_slice %select_n3A_249 {offsets = [0, 256], sizes = [512, 128], strides = [1, 1]} : vector<512x512xf32> to vector<512x128xf32>
    %slice3A_269 = vector.extract_strided_slice %select_n3A_249 {offsets = [0, 384], sizes = [512, 128], strides = [1, 1]} : vector<512x512xf32> to vector<512x128xf32>
    %max3A_270 = arith.maximumf %slice3A_268, %slice3A_269 : vector<512x128xf32>
    %max3A_271 = arith.maximumf %max3A_267, %max3A_270 : vector<512x128xf32>
    %reduce_max3A_272 = arith.constant dense<0xFF800000> : vector<512xf32>
    %reduce_max3A_273 = vector.multi_reduction <maximumf>, %max3A_271, %reduce_max3A_272 [1] : vector<512x128xf32> to vector<512xf32>
    %broadcast_in_dim3A_274 = vector.shape_cast %reduce_max3A_273 : vector<512xf32> to vector<512x1xf32>
    %eq3A_275 = vector.broadcast %broadcast_in_dim3A_274 : vector<512x1xf32> to vector<512x512xf32>
    %eq3A_276 = arith.cmpf oeq, %select_n3A_249, %eq3A_275 : vector<512x512xf32>
    %jit3A_277 = arith.constant 0xFF800000 : f32
    %broadcast_in_dim3A_278 = vector.broadcast %jit3A_277 : f32 to vector<512x512xf32>
    %select_n3A_279 = arith.select %eq3A_276, %broadcast_in_dim3A_278, %select_n3A_249 : vector<512x512xi1>, vector<512x512xf32>
    %slice3A_280 = vector.extract_strided_slice %select_n3A_264 {offsets = [0, 0], sizes = [512, 128], strides = [1, 1]} : vector<512x512xf32> to vector<512x128xf32>
    %slice3A_281 = vector.extract_strided_slice %select_n3A_264 {offsets = [0, 128], sizes = [512, 128], strides = [1, 1]} : vector<512x512xf32> to vector<512x128xf32>
    %max3A_282 = arith.maximumf %slice3A_280, %slice3A_281 : vector<512x128xf32>
    %slice3A_283 = vector.extract_strided_slice %select_n3A_264 {offsets = [0, 256], sizes = [512, 128], strides = [1, 1]} : vector<512x512xf32> to vector<512x128xf32>
    %slice3A_284 = vector.extract_strided_slice %select_n3A_264 {offsets = [0, 384], sizes = [512, 128], strides = [1, 1]} : vector<512x512xf32> to vector<512x128xf32>
    %max3A_285 = arith.maximumf %slice3A_283, %slice3A_284 : vector<512x128xf32>
    %max3A_286 = arith.maximumf %max3A_282, %max3A_285 : vector<512x128xf32>
    %reduce_max3A_287 = arith.constant dense<0xFF800000> : vector<512xf32>
    %reduce_max3A_288 = vector.multi_reduction <maximumf>, %max3A_286, %reduce_max3A_287 [1] : vector<512x128xf32> to vector<512xf32>
    %broadcast_in_dim3A_289 = vector.shape_cast %reduce_max3A_288 : vector<512xf32> to vector<512x1xf32>
    %eq3A_290 = vector.broadcast %broadcast_in_dim3A_289 : vector<512x1xf32> to vector<512x512xf32>
    %eq3A_291 = arith.cmpf oeq, %select_n3A_264, %eq3A_290 : vector<512x512xf32>
    %jit3A_292 = arith.constant 0xFF800000 : f32
    %broadcast_in_dim3A_293 = vector.broadcast %jit3A_292 : f32 to vector<512x512xf32>
    %select_n3A_294 = arith.select %eq3A_291, %broadcast_in_dim3A_293, %select_n3A_264 : vector<512x512xi1>, vector<512x512xf32>
    %slice3A_295 = vector.extract_strided_slice %select_n3A_279 {offsets = [0, 0], sizes = [512, 128], strides = [1, 1]} : vector<512x512xf32> to vector<512x128xf32>
    %slice3A_296 = vector.extract_strided_slice %select_n3A_279 {offsets = [0, 128], sizes = [512, 128], strides = [1, 1]} : vector<512x512xf32> to vector<512x128xf32>
    %max3A_297 = arith.maximumf %slice3A_295, %slice3A_296 : vector<512x128xf32>
    %slice3A_298 = vector.extract_strided_slice %select_n3A_279 {offsets = [0, 256], sizes = [512, 128], strides = [1, 1]} : vector<512x512xf32> to vector<512x128xf32>
    %slice3A_299 = vector.extract_strided_slice %select_n3A_279 {offsets = [0, 384], sizes = [512, 128], strides = [1, 1]} : vector<512x512xf32> to vector<512x128xf32>
    %max3A_300 = arith.maximumf %slice3A_298, %slice3A_299 : vector<512x128xf32>
    %max3A_301 = arith.maximumf %max3A_297, %max3A_300 : vector<512x128xf32>
    %reduce_max3A_302 = arith.constant dense<0xFF800000> : vector<512xf32>
    %reduce_max3A_303 = vector.multi_reduction <maximumf>, %max3A_301, %reduce_max3A_302 [1] : vector<512x128xf32> to vector<512xf32>
    %broadcast_in_dim3A_304 = vector.shape_cast %reduce_max3A_303 : vector<512xf32> to vector<512x1xf32>
    %eq3A_305 = vector.broadcast %broadcast_in_dim3A_304 : vector<512x1xf32> to vector<512x512xf32>
    %eq3A_306 = arith.cmpf oeq, %select_n3A_279, %eq3A_305 : vector<512x512xf32>
    %jit3A_307 = arith.constant 0xFF800000 : f32
    %broadcast_in_dim3A_308 = vector.broadcast %jit3A_307 : f32 to vector<512x512xf32>
    %select_n3A_309 = arith.select %eq3A_306, %broadcast_in_dim3A_308, %select_n3A_279 : vector<512x512xi1>, vector<512x512xf32>
    %slice3A_310 = vector.extract_strided_slice %select_n3A_294 {offsets = [0, 0], sizes = [512, 128], strides = [1, 1]} : vector<512x512xf32> to vector<512x128xf32>
    %slice3A_311 = vector.extract_strided_slice %select_n3A_294 {offsets = [0, 128], sizes = [512, 128], strides = [1, 1]} : vector<512x512xf32> to vector<512x128xf32>
    %max3A_312 = arith.maximumf %slice3A_310, %slice3A_311 : vector<512x128xf32>
    %slice3A_313 = vector.extract_strided_slice %select_n3A_294 {offsets = [0, 256], sizes = [512, 128], strides = [1, 1]} : vector<512x512xf32> to vector<512x128xf32>
    %slice3A_314 = vector.extract_strided_slice %select_n3A_294 {offsets = [0, 384], sizes = [512, 128], strides = [1, 1]} : vector<512x512xf32> to vector<512x128xf32>
    %max3A_315 = arith.maximumf %slice3A_313, %slice3A_314 : vector<512x128xf32>
    %max3A_316 = arith.maximumf %max3A_312, %max3A_315 : vector<512x128xf32>
    %reduce_max3A_317 = arith.constant dense<0xFF800000> : vector<512xf32>
    %reduce_max3A_318 = vector.multi_reduction <maximumf>, %max3A_316, %reduce_max3A_317 [1] : vector<512x128xf32> to vector<512xf32>
    %broadcast_in_dim3A_319 = vector.shape_cast %reduce_max3A_318 : vector<512xf32> to vector<512x1xf32>
    %eq3A_320 = vector.broadcast %broadcast_in_dim3A_319 : vector<512x1xf32> to vector<512x512xf32>
    %eq3A_321 = arith.cmpf oeq, %select_n3A_294, %eq3A_320 : vector<512x512xf32>
    %jit3A_322 = arith.constant 0xFF800000 : f32
    %broadcast_in_dim3A_323 = vector.broadcast %jit3A_322 : f32 to vector<512x512xf32>
    %select_n3A_324 = arith.select %eq3A_321, %broadcast_in_dim3A_323, %select_n3A_294 : vector<512x512xi1>, vector<512x512xf32>
    %slice3A_325 = vector.extract_strided_slice %select_n3A_309 {offsets = [0, 0], sizes = [512, 128], strides = [1, 1]} : vector<512x512xf32> to vector<512x128xf32>
    %slice3A_326 = vector.extract_strided_slice %select_n3A_309 {offsets = [0, 128], sizes = [512, 128], strides = [1, 1]} : vector<512x512xf32> to vector<512x128xf32>
    %max3A_327 = arith.maximumf %slice3A_325, %slice3A_326 : vector<512x128xf32>
    %slice3A_328 = vector.extract_strided_slice %select_n3A_309 {offsets = [0, 256], sizes = [512, 128], strides = [1, 1]} : vector<512x512xf32> to vector<512x128xf32>
    %slice3A_329 = vector.extract_strided_slice %select_n3A_309 {offsets = [0, 384], sizes = [512, 128], strides = [1, 1]} : vector<512x512xf32> to vector<512x128xf32>
    %max3A_330 = arith.maximumf %slice3A_328, %slice3A_329 : vector<512x128xf32>
    %max3A_331 = arith.maximumf %max3A_327, %max3A_330 : vector<512x128xf32>
    %reduce_max3A_332 = arith.constant dense<0xFF800000> : vector<512xf32>
    %reduce_max3A_333 = vector.multi_reduction <maximumf>, %max3A_331, %reduce_max3A_332 [1] : vector<512x128xf32> to vector<512xf32>
    %broadcast_in_dim3A_334 = vector.shape_cast %reduce_max3A_333 : vector<512xf32> to vector<512x1xf32>
    %eq3A_335 = vector.broadcast %broadcast_in_dim3A_334 : vector<512x1xf32> to vector<512x512xf32>
    %eq3A_336 = arith.cmpf oeq, %select_n3A_309, %eq3A_335 : vector<512x512xf32>
    %jit3A_337 = arith.constant 0xFF800000 : f32
    %broadcast_in_dim3A_338 = vector.broadcast %jit3A_337 : f32 to vector<512x512xf32>
    %select_n3A_339 = arith.select %eq3A_336, %broadcast_in_dim3A_338, %select_n3A_309 : vector<512x512xi1>, vector<512x512xf32>
    %slice3A_340 = vector.extract_strided_slice %select_n3A_324 {offsets = [0, 0], sizes = [512, 128], strides = [1, 1]} : vector<512x512xf32> to vector<512x128xf32>
    %slice3A_341 = vector.extract_strided_slice %select_n3A_324 {offsets = [0, 128], sizes = [512, 128], strides = [1, 1]} : vector<512x512xf32> to vector<512x128xf32>
    %max3A_342 = arith.maximumf %slice3A_340, %slice3A_341 : vector<512x128xf32>
    %slice3A_343 = vector.extract_strided_slice %select_n3A_324 {offsets = [0, 256], sizes = [512, 128], strides = [1, 1]} : vector<512x512xf32> to vector<512x128xf32>
    %slice3A_344 = vector.extract_strided_slice %select_n3A_324 {offsets = [0, 384], sizes = [512, 128], strides = [1, 1]} : vector<512x512xf32> to vector<512x128xf32>
    %max3A_345 = arith.maximumf %slice3A_343, %slice3A_344 : vector<512x128xf32>
    %max3A_346 = arith.maximumf %max3A_342, %max3A_345 : vector<512x128xf32>
    %reduce_max3A_347 = arith.constant dense<0xFF800000> : vector<512xf32>
    %reduce_max3A_348 = vector.multi_reduction <maximumf>, %max3A_346, %reduce_max3A_347 [1] : vector<512x128xf32> to vector<512xf32>
    %broadcast_in_dim3A_349 = vector.shape_cast %reduce_max3A_348 : vector<512xf32> to vector<512x1xf32>
    %eq3A_350 = vector.broadcast %broadcast_in_dim3A_349 : vector<512x1xf32> to vector<512x512xf32>
    %eq3A_351 = arith.cmpf oeq, %select_n3A_324, %eq3A_350 : vector<512x512xf32>
    %jit3A_352 = arith.constant 0xFF800000 : f32
    %broadcast_in_dim3A_353 = vector.broadcast %jit3A_352 : f32 to vector<512x512xf32>
    %select_n3A_354 = arith.select %eq3A_351, %broadcast_in_dim3A_353, %select_n3A_324 : vector<512x512xi1>, vector<512x512xf32>
    %slice3A_355 = vector.extract_strided_slice %select_n3A_339 {offsets = [0, 0], sizes = [512, 128], strides = [1, 1]} : vector<512x512xf32> to vector<512x128xf32>
    %slice3A_356 = vector.extract_strided_slice %select_n3A_339 {offsets = [0, 128], sizes = [512, 128], strides = [1, 1]} : vector<512x512xf32> to vector<512x128xf32>
    %max3A_357 = arith.maximumf %slice3A_355, %slice3A_356 : vector<512x128xf32>
    %slice3A_358 = vector.extract_strided_slice %select_n3A_339 {offsets = [0, 256], sizes = [512, 128], strides = [1, 1]} : vector<512x512xf32> to vector<512x128xf32>
    %slice3A_359 = vector.extract_strided_slice %select_n3A_339 {offsets = [0, 384], sizes = [512, 128], strides = [1, 1]} : vector<512x512xf32> to vector<512x128xf32>
    %max3A_360 = arith.maximumf %slice3A_358, %slice3A_359 : vector<512x128xf32>
    %max3A_361 = arith.maximumf %max3A_357, %max3A_360 : vector<512x128xf32>
    %reduce_max3A_362 = arith.constant dense<0xFF800000> : vector<512xf32>
    %reduce_max3A_363 = vector.multi_reduction <maximumf>, %max3A_361, %reduce_max3A_362 [1] : vector<512x128xf32> to vector<512xf32>
    %broadcast_in_dim3A_364 = vector.shape_cast %reduce_max3A_363 : vector<512xf32> to vector<512x1xf32>
    %eq3A_365 = vector.broadcast %broadcast_in_dim3A_364 : vector<512x1xf32> to vector<512x512xf32>
    %eq3A_366 = arith.cmpf oeq, %select_n3A_339, %eq3A_365 : vector<512x512xf32>
    %jit3A_367 = arith.constant 0xFF800000 : f32
    %broadcast_in_dim3A_368 = vector.broadcast %jit3A_367 : f32 to vector<512x512xf32>
    %select_n3A_369 = arith.select %eq3A_366, %broadcast_in_dim3A_368, %select_n3A_339 : vector<512x512xi1>, vector<512x512xf32>
    %slice3A_370 = vector.extract_strided_slice %select_n3A_354 {offsets = [0, 0], sizes = [512, 128], strides = [1, 1]} : vector<512x512xf32> to vector<512x128xf32>
    %slice3A_371 = vector.extract_strided_slice %select_n3A_354 {offsets = [0, 128], sizes = [512, 128], strides = [1, 1]} : vector<512x512xf32> to vector<512x128xf32>
    %max3A_372 = arith.maximumf %slice3A_370, %slice3A_371 : vector<512x128xf32>
    %slice3A_373 = vector.extract_strided_slice %select_n3A_354 {offsets = [0, 256], sizes = [512, 128], strides = [1, 1]} : vector<512x512xf32> to vector<512x128xf32>
    %slice3A_374 = vector.extract_strided_slice %select_n3A_354 {offsets = [0, 384], sizes = [512, 128], strides = [1, 1]} : vector<512x512xf32> to vector<512x128xf32>
    %max3A_375 = arith.maximumf %slice3A_373, %slice3A_374 : vector<512x128xf32>
    %max3A_376 = arith.maximumf %max3A_372, %max3A_375 : vector<512x128xf32>
    %reduce_max3A_377 = arith.constant dense<0xFF800000> : vector<512xf32>
    %reduce_max3A_378 = vector.multi_reduction <maximumf>, %max3A_376, %reduce_max3A_377 [1] : vector<512x128xf32> to vector<512xf32>
    %broadcast_in_dim3A_379 = vector.shape_cast %reduce_max3A_378 : vector<512xf32> to vector<512x1xf32>
    %eq3A_380 = vector.broadcast %broadcast_in_dim3A_379 : vector<512x1xf32> to vector<512x512xf32>
    %eq3A_381 = arith.cmpf oeq, %select_n3A_354, %eq3A_380 : vector<512x512xf32>
    %jit3A_382 = arith.constant 0xFF800000 : f32
    %broadcast_in_dim3A_383 = vector.broadcast %jit3A_382 : f32 to vector<512x512xf32>
    %select_n3A_384 = arith.select %eq3A_381, %broadcast_in_dim3A_383, %select_n3A_354 : vector<512x512xi1>, vector<512x512xf32>
    %slice3A_385 = vector.extract_strided_slice %select_n3A_369 {offsets = [0, 0], sizes = [512, 128], strides = [1, 1]} : vector<512x512xf32> to vector<512x128xf32>
    %slice3A_386 = vector.extract_strided_slice %select_n3A_369 {offsets = [0, 128], sizes = [512, 128], strides = [1, 1]} : vector<512x512xf32> to vector<512x128xf32>
    %max3A_387 = arith.maximumf %slice3A_385, %slice3A_386 : vector<512x128xf32>
    %slice3A_388 = vector.extract_strided_slice %select_n3A_369 {offsets = [0, 256], sizes = [512, 128], strides = [1, 1]} : vector<512x512xf32> to vector<512x128xf32>
    %slice3A_389 = vector.extract_strided_slice %select_n3A_369 {offsets = [0, 384], sizes = [512, 128], strides = [1, 1]} : vector<512x512xf32> to vector<512x128xf32>
    %max3A_390 = arith.maximumf %slice3A_388, %slice3A_389 : vector<512x128xf32>
    %max3A_391 = arith.maximumf %max3A_387, %max3A_390 : vector<512x128xf32>
    %reduce_max3A_392 = arith.constant dense<0xFF800000> : vector<512xf32>
    %reduce_max3A_393 = vector.multi_reduction <maximumf>, %max3A_391, %reduce_max3A_392 [1] : vector<512x128xf32> to vector<512xf32>
    %broadcast_in_dim3A_394 = vector.shape_cast %reduce_max3A_393 : vector<512xf32> to vector<512x1xf32>
    %eq3A_395 = vector.broadcast %broadcast_in_dim3A_394 : vector<512x1xf32> to vector<512x512xf32>
    %eq3A_396 = arith.cmpf oeq, %select_n3A_369, %eq3A_395 : vector<512x512xf32>
    %jit3A_397 = arith.constant 0xFF800000 : f32
    %broadcast_in_dim3A_398 = vector.broadcast %jit3A_397 : f32 to vector<512x512xf32>
    %select_n3A_399 = arith.select %eq3A_396, %broadcast_in_dim3A_398, %select_n3A_369 : vector<512x512xi1>, vector<512x512xf32>
    %slice3A_400 = vector.extract_strided_slice %select_n3A_384 {offsets = [0, 0], sizes = [512, 128], strides = [1, 1]} : vector<512x512xf32> to vector<512x128xf32>
    %slice3A_401 = vector.extract_strided_slice %select_n3A_384 {offsets = [0, 128], sizes = [512, 128], strides = [1, 1]} : vector<512x512xf32> to vector<512x128xf32>
    %max3A_402 = arith.maximumf %slice3A_400, %slice3A_401 : vector<512x128xf32>
    %slice3A_403 = vector.extract_strided_slice %select_n3A_384 {offsets = [0, 256], sizes = [512, 128], strides = [1, 1]} : vector<512x512xf32> to vector<512x128xf32>
    %slice3A_404 = vector.extract_strided_slice %select_n3A_384 {offsets = [0, 384], sizes = [512, 128], strides = [1, 1]} : vector<512x512xf32> to vector<512x128xf32>
    %max3A_405 = arith.maximumf %slice3A_403, %slice3A_404 : vector<512x128xf32>
    %max3A_406 = arith.maximumf %max3A_402, %max3A_405 : vector<512x128xf32>
    %reduce_max3A_407 = arith.constant dense<0xFF800000> : vector<512xf32>
    %reduce_max3A_408 = vector.multi_reduction <maximumf>, %max3A_406, %reduce_max3A_407 [1] : vector<512x128xf32> to vector<512xf32>
    %broadcast_in_dim3A_409 = vector.shape_cast %reduce_max3A_408 : vector<512xf32> to vector<512x1xf32>
    %eq3A_410 = vector.broadcast %broadcast_in_dim3A_409 : vector<512x1xf32> to vector<512x512xf32>
    %eq3A_411 = arith.cmpf oeq, %select_n3A_384, %eq3A_410 : vector<512x512xf32>
    %jit3A_412 = arith.constant 0xFF800000 : f32
    %broadcast_in_dim3A_413 = vector.broadcast %jit3A_412 : f32 to vector<512x512xf32>
    %select_n3A_414 = arith.select %eq3A_411, %broadcast_in_dim3A_413, %select_n3A_384 : vector<512x512xi1>, vector<512x512xf32>
    %slice3A_415 = vector.extract_strided_slice %select_n3A_399 {offsets = [0, 0], sizes = [512, 128], strides = [1, 1]} : vector<512x512xf32> to vector<512x128xf32>
    %slice3A_416 = vector.extract_strided_slice %select_n3A_399 {offsets = [0, 128], sizes = [512, 128], strides = [1, 1]} : vector<512x512xf32> to vector<512x128xf32>
    %max3A_417 = arith.maximumf %slice3A_415, %slice3A_416 : vector<512x128xf32>
    %slice3A_418 = vector.extract_strided_slice %select_n3A_399 {offsets = [0, 256], sizes = [512, 128], strides = [1, 1]} : vector<512x512xf32> to vector<512x128xf32>
    %slice3A_419 = vector.extract_strided_slice %select_n3A_399 {offsets = [0, 384], sizes = [512, 128], strides = [1, 1]} : vector<512x512xf32> to vector<512x128xf32>
    %max3A_420 = arith.maximumf %slice3A_418, %slice3A_419 : vector<512x128xf32>
    %max3A_421 = arith.maximumf %max3A_417, %max3A_420 : vector<512x128xf32>
    %reduce_max3A_422 = arith.constant dense<0xFF800000> : vector<512xf32>
    %reduce_max3A_423 = vector.multi_reduction <maximumf>, %max3A_421, %reduce_max3A_422 [1] : vector<512x128xf32> to vector<512xf32>
    %broadcast_in_dim3A_424 = vector.shape_cast %reduce_max3A_423 : vector<512xf32> to vector<512x1xf32>
    %eq3A_425 = vector.broadcast %broadcast_in_dim3A_424 : vector<512x1xf32> to vector<512x512xf32>
    %eq3A_426 = arith.cmpf oeq, %select_n3A_399, %eq3A_425 : vector<512x512xf32>
    %jit3A_427 = arith.constant 0xFF800000 : f32
    %broadcast_in_dim3A_428 = vector.broadcast %jit3A_427 : f32 to vector<512x512xf32>
    %select_n3A_429 = arith.select %eq3A_426, %broadcast_in_dim3A_428, %select_n3A_399 : vector<512x512xi1>, vector<512x512xf32>
    %slice3A_430 = vector.extract_strided_slice %select_n3A_414 {offsets = [0, 0], sizes = [512, 128], strides = [1, 1]} : vector<512x512xf32> to vector<512x128xf32>
    %slice3A_431 = vector.extract_strided_slice %select_n3A_414 {offsets = [0, 128], sizes = [512, 128], strides = [1, 1]} : vector<512x512xf32> to vector<512x128xf32>
    %max3A_432 = arith.maximumf %slice3A_430, %slice3A_431 : vector<512x128xf32>
    %slice3A_433 = vector.extract_strided_slice %select_n3A_414 {offsets = [0, 256], sizes = [512, 128], strides = [1, 1]} : vector<512x512xf32> to vector<512x128xf32>
    %slice3A_434 = vector.extract_strided_slice %select_n3A_414 {offsets = [0, 384], sizes = [512, 128], strides = [1, 1]} : vector<512x512xf32> to vector<512x128xf32>
    %max3A_435 = arith.maximumf %slice3A_433, %slice3A_434 : vector<512x128xf32>
    %max3A_436 = arith.maximumf %max3A_432, %max3A_435 : vector<512x128xf32>
    %reduce_max3A_437 = arith.constant dense<0xFF800000> : vector<512xf32>
    %reduce_max3A_438 = vector.multi_reduction <maximumf>, %max3A_436, %reduce_max3A_437 [1] : vector<512x128xf32> to vector<512xf32>
    %broadcast_in_dim3A_439 = vector.shape_cast %reduce_max3A_438 : vector<512xf32> to vector<512x1xf32>
    %eq3A_440 = vector.broadcast %broadcast_in_dim3A_439 : vector<512x1xf32> to vector<512x512xf32>
    %eq3A_441 = arith.cmpf oeq, %select_n3A_414, %eq3A_440 : vector<512x512xf32>
    %jit3A_442 = arith.constant 0xFF800000 : f32
    %broadcast_in_dim3A_443 = vector.broadcast %jit3A_442 : f32 to vector<512x512xf32>
    %select_n3A_444 = arith.select %eq3A_441, %broadcast_in_dim3A_443, %select_n3A_414 : vector<512x512xi1>, vector<512x512xf32>
    %slice3A_445 = vector.extract_strided_slice %select_n3A_429 {offsets = [0, 0], sizes = [512, 128], strides = [1, 1]} : vector<512x512xf32> to vector<512x128xf32>
    %slice3A_446 = vector.extract_strided_slice %select_n3A_429 {offsets = [0, 128], sizes = [512, 128], strides = [1, 1]} : vector<512x512xf32> to vector<512x128xf32>
    %max3A_447 = arith.maximumf %slice3A_445, %slice3A_446 : vector<512x128xf32>
    %slice3A_448 = vector.extract_strided_slice %select_n3A_429 {offsets = [0, 256], sizes = [512, 128], strides = [1, 1]} : vector<512x512xf32> to vector<512x128xf32>
    %slice3A_449 = vector.extract_strided_slice %select_n3A_429 {offsets = [0, 384], sizes = [512, 128], strides = [1, 1]} : vector<512x512xf32> to vector<512x128xf32>
    %max3A_450 = arith.maximumf %slice3A_448, %slice3A_449 : vector<512x128xf32>
    %max3A_451 = arith.maximumf %max3A_447, %max3A_450 : vector<512x128xf32>
    %reduce_max3A_452 = arith.constant dense<0xFF800000> : vector<512xf32>
    %reduce_max3A_453 = vector.multi_reduction <maximumf>, %max3A_451, %reduce_max3A_452 [1] : vector<512x128xf32> to vector<512xf32>
    %broadcast_in_dim3A_454 = vector.shape_cast %reduce_max3A_453 : vector<512xf32> to vector<512x1xf32>
    %eq3A_455 = vector.broadcast %broadcast_in_dim3A_454 : vector<512x1xf32> to vector<512x512xf32>
    %eq3A_456 = arith.cmpf oeq, %select_n3A_429, %eq3A_455 : vector<512x512xf32>
    %jit3A_457 = arith.constant 0xFF800000 : f32
    %broadcast_in_dim3A_458 = vector.broadcast %jit3A_457 : f32 to vector<512x512xf32>
    %select_n3A_459 = arith.select %eq3A_456, %broadcast_in_dim3A_458, %select_n3A_429 : vector<512x512xi1>, vector<512x512xf32>
    %slice3A_460 = vector.extract_strided_slice %select_n3A_444 {offsets = [0, 0], sizes = [512, 128], strides = [1, 1]} : vector<512x512xf32> to vector<512x128xf32>
    %slice3A_461 = vector.extract_strided_slice %select_n3A_444 {offsets = [0, 128], sizes = [512, 128], strides = [1, 1]} : vector<512x512xf32> to vector<512x128xf32>
    %max3A_462 = arith.maximumf %slice3A_460, %slice3A_461 : vector<512x128xf32>
    %slice3A_463 = vector.extract_strided_slice %select_n3A_444 {offsets = [0, 256], sizes = [512, 128], strides = [1, 1]} : vector<512x512xf32> to vector<512x128xf32>
    %slice3A_464 = vector.extract_strided_slice %select_n3A_444 {offsets = [0, 384], sizes = [512, 128], strides = [1, 1]} : vector<512x512xf32> to vector<512x128xf32>
    %max3A_465 = arith.maximumf %slice3A_463, %slice3A_464 : vector<512x128xf32>
    %max3A_466 = arith.maximumf %max3A_462, %max3A_465 : vector<512x128xf32>
    %reduce_max3A_467 = arith.constant dense<0xFF800000> : vector<512xf32>
    %reduce_max3A_468 = vector.multi_reduction <maximumf>, %max3A_466, %reduce_max3A_467 [1] : vector<512x128xf32> to vector<512xf32>
    %broadcast_in_dim3A_469 = vector.shape_cast %reduce_max3A_468 : vector<512xf32> to vector<512x1xf32>
    %eq3A_470 = vector.broadcast %broadcast_in_dim3A_469 : vector<512x1xf32> to vector<512x512xf32>
    %eq3A_471 = arith.cmpf oeq, %select_n3A_444, %eq3A_470 : vector<512x512xf32>
    %jit3A_472 = arith.constant 0xFF800000 : f32
    %broadcast_in_dim3A_473 = vector.broadcast %jit3A_472 : f32 to vector<512x512xf32>
    %select_n3A_474 = arith.select %eq3A_471, %broadcast_in_dim3A_473, %select_n3A_444 : vector<512x512xi1>, vector<512x512xf32>
    %slice3A_475 = vector.extract_strided_slice %select_n3A_459 {offsets = [0, 0], sizes = [512, 128], strides = [1, 1]} : vector<512x512xf32> to vector<512x128xf32>
    %slice3A_476 = vector.extract_strided_slice %select_n3A_459 {offsets = [0, 128], sizes = [512, 128], strides = [1, 1]} : vector<512x512xf32> to vector<512x128xf32>
    %max3A_477 = arith.maximumf %slice3A_475, %slice3A_476 : vector<512x128xf32>
    %slice3A_478 = vector.extract_strided_slice %select_n3A_459 {offsets = [0, 256], sizes = [512, 128], strides = [1, 1]} : vector<512x512xf32> to vector<512x128xf32>
    %slice3A_479 = vector.extract_strided_slice %select_n3A_459 {offsets = [0, 384], sizes = [512, 128], strides = [1, 1]} : vector<512x512xf32> to vector<512x128xf32>
    %max3A_480 = arith.maximumf %slice3A_478, %slice3A_479 : vector<512x128xf32>
    %max3A_481 = arith.maximumf %max3A_477, %max3A_480 : vector<512x128xf32>
    %reduce_max3A_482 = arith.constant dense<0xFF800000> : vector<512xf32>
    %reduce_max3A_483 = vector.multi_reduction <maximumf>, %max3A_481, %reduce_max3A_482 [1] : vector<512x128xf32> to vector<512xf32>
    %broadcast_in_dim3A_484 = vector.shape_cast %reduce_max3A_483 : vector<512xf32> to vector<512x1xf32>
    %eq3A_485 = vector.broadcast %broadcast_in_dim3A_484 : vector<512x1xf32> to vector<512x512xf32>
    %eq3A_486 = arith.cmpf oeq, %select_n3A_459, %eq3A_485 : vector<512x512xf32>
    %jit3A_487 = arith.constant 0xFF800000 : f32
    %broadcast_in_dim3A_488 = vector.broadcast %jit3A_487 : f32 to vector<512x512xf32>
    %select_n3A_489 = arith.select %eq3A_486, %broadcast_in_dim3A_488, %select_n3A_459 : vector<512x512xi1>, vector<512x512xf32>
    %slice3A_490 = vector.extract_strided_slice %select_n3A_474 {offsets = [0, 0], sizes = [512, 128], strides = [1, 1]} : vector<512x512xf32> to vector<512x128xf32>
    %slice3A_491 = vector.extract_strided_slice %select_n3A_474 {offsets = [0, 128], sizes = [512, 128], strides = [1, 1]} : vector<512x512xf32> to vector<512x128xf32>
    %max3A_492 = arith.maximumf %slice3A_490, %slice3A_491 : vector<512x128xf32>
    %slice3A_493 = vector.extract_strided_slice %select_n3A_474 {offsets = [0, 256], sizes = [512, 128], strides = [1, 1]} : vector<512x512xf32> to vector<512x128xf32>
    %slice3A_494 = vector.extract_strided_slice %select_n3A_474 {offsets = [0, 384], sizes = [512, 128], strides = [1, 1]} : vector<512x512xf32> to vector<512x128xf32>
    %max3A_495 = arith.maximumf %slice3A_493, %slice3A_494 : vector<512x128xf32>
    %max3A_496 = arith.maximumf %max3A_492, %max3A_495 : vector<512x128xf32>
    %reduce_max3A_497 = arith.constant dense<0xFF800000> : vector<512xf32>
    %reduce_max3A_498 = vector.multi_reduction <maximumf>, %max3A_496, %reduce_max3A_497 [1] : vector<512x128xf32> to vector<512xf32>
    %broadcast_in_dim3A_499 = vector.shape_cast %reduce_max3A_498 : vector<512xf32> to vector<512x1xf32>
    %eq3A_500 = vector.broadcast %broadcast_in_dim3A_499 : vector<512x1xf32> to vector<512x512xf32>
    %eq3A_501 = arith.cmpf oeq, %select_n3A_474, %eq3A_500 : vector<512x512xf32>
    %jit3A_502 = arith.constant 0xFF800000 : f32
    %broadcast_in_dim3A_503 = vector.broadcast %jit3A_502 : f32 to vector<512x512xf32>
    %select_n3A_504 = arith.select %eq3A_501, %broadcast_in_dim3A_503, %select_n3A_474 : vector<512x512xi1>, vector<512x512xf32>
    %slice3A_505 = vector.extract_strided_slice %select_n3A_489 {offsets = [0, 0], sizes = [512, 128], strides = [1, 1]} : vector<512x512xf32> to vector<512x128xf32>
    %slice3A_506 = vector.extract_strided_slice %select_n3A_489 {offsets = [0, 128], sizes = [512, 128], strides = [1, 1]} : vector<512x512xf32> to vector<512x128xf32>
    %max3A_507 = arith.maximumf %slice3A_505, %slice3A_506 : vector<512x128xf32>
    %slice3A_508 = vector.extract_strided_slice %select_n3A_489 {offsets = [0, 256], sizes = [512, 128], strides = [1, 1]} : vector<512x512xf32> to vector<512x128xf32>
    %slice3A_509 = vector.extract_strided_slice %select_n3A_489 {offsets = [0, 384], sizes = [512, 128], strides = [1, 1]} : vector<512x512xf32> to vector<512x128xf32>
    %max3A_510 = arith.maximumf %slice3A_508, %slice3A_509 : vector<512x128xf32>
    %max3A_511 = arith.maximumf %max3A_507, %max3A_510 : vector<512x128xf32>
    %reduce_max3A_512 = arith.constant dense<0xFF800000> : vector<512xf32>
    %reduce_max3A_513 = vector.multi_reduction <maximumf>, %max3A_511, %reduce_max3A_512 [1] : vector<512x128xf32> to vector<512xf32>
    %broadcast_in_dim3A_514 = vector.shape_cast %reduce_max3A_513 : vector<512xf32> to vector<512x1xf32>
    %eq3A_515 = vector.broadcast %broadcast_in_dim3A_514 : vector<512x1xf32> to vector<512x512xf32>
    %eq3A_516 = arith.cmpf oeq, %select_n3A_489, %eq3A_515 : vector<512x512xf32>
    %jit3A_517 = arith.constant 0xFF800000 : f32
    %broadcast_in_dim3A_518 = vector.broadcast %jit3A_517 : f32 to vector<512x512xf32>
    %select_n3A_519 = arith.select %eq3A_516, %broadcast_in_dim3A_518, %select_n3A_489 : vector<512x512xi1>, vector<512x512xf32>
    %slice3A_520 = vector.extract_strided_slice %select_n3A_504 {offsets = [0, 0], sizes = [512, 128], strides = [1, 1]} : vector<512x512xf32> to vector<512x128xf32>
    %slice3A_521 = vector.extract_strided_slice %select_n3A_504 {offsets = [0, 128], sizes = [512, 128], strides = [1, 1]} : vector<512x512xf32> to vector<512x128xf32>
    %max3A_522 = arith.maximumf %slice3A_520, %slice3A_521 : vector<512x128xf32>
    %slice3A_523 = vector.extract_strided_slice %select_n3A_504 {offsets = [0, 256], sizes = [512, 128], strides = [1, 1]} : vector<512x512xf32> to vector<512x128xf32>
    %slice3A_524 = vector.extract_strided_slice %select_n3A_504 {offsets = [0, 384], sizes = [512, 128], strides = [1, 1]} : vector<512x512xf32> to vector<512x128xf32>
    %max3A_525 = arith.maximumf %slice3A_523, %slice3A_524 : vector<512x128xf32>
    %max3A_526 = arith.maximumf %max3A_522, %max3A_525 : vector<512x128xf32>
    %reduce_max3A_527 = arith.constant dense<0xFF800000> : vector<512xf32>
    %reduce_max3A_528 = vector.multi_reduction <maximumf>, %max3A_526, %reduce_max3A_527 [1] : vector<512x128xf32> to vector<512xf32>
    %broadcast_in_dim3A_529 = vector.shape_cast %reduce_max3A_528 : vector<512xf32> to vector<512x1xf32>
    %eq3A_530 = vector.broadcast %broadcast_in_dim3A_529 : vector<512x1xf32> to vector<512x512xf32>
    %eq3A_531 = arith.cmpf oeq, %select_n3A_504, %eq3A_530 : vector<512x512xf32>
    %jit3A_532 = arith.constant 0xFF800000 : f32
    %broadcast_in_dim3A_533 = vector.broadcast %jit3A_532 : f32 to vector<512x512xf32>
    %select_n3A_534 = arith.select %eq3A_531, %broadcast_in_dim3A_533, %select_n3A_504 : vector<512x512xi1>, vector<512x512xf32>
    %slice3A_535 = vector.extract_strided_slice %select_n3A_519 {offsets = [0, 0], sizes = [512, 128], strides = [1, 1]} : vector<512x512xf32> to vector<512x128xf32>
    %slice3A_536 = vector.extract_strided_slice %select_n3A_519 {offsets = [0, 128], sizes = [512, 128], strides = [1, 1]} : vector<512x512xf32> to vector<512x128xf32>
    %max3A_537 = arith.maximumf %slice3A_535, %slice3A_536 : vector<512x128xf32>
    %slice3A_538 = vector.extract_strided_slice %select_n3A_519 {offsets = [0, 256], sizes = [512, 128], strides = [1, 1]} : vector<512x512xf32> to vector<512x128xf32>
    %slice3A_539 = vector.extract_strided_slice %select_n3A_519 {offsets = [0, 384], sizes = [512, 128], strides = [1, 1]} : vector<512x512xf32> to vector<512x128xf32>
    %max3A_540 = arith.maximumf %slice3A_538, %slice3A_539 : vector<512x128xf32>
    %max3A_541 = arith.maximumf %max3A_537, %max3A_540 : vector<512x128xf32>
    %reduce_max3A_542 = arith.constant dense<0xFF800000> : vector<512xf32>
    %reduce_max3A_543 = vector.multi_reduction <maximumf>, %max3A_541, %reduce_max3A_542 [1] : vector<512x128xf32> to vector<512xf32>
    %broadcast_in_dim3A_544 = vector.shape_cast %reduce_max3A_543 : vector<512xf32> to vector<512x1xf32>
    %eq3A_545 = vector.broadcast %broadcast_in_dim3A_544 : vector<512x1xf32> to vector<512x512xf32>
    %eq3A_546 = arith.cmpf oeq, %select_n3A_519, %eq3A_545 : vector<512x512xf32>
    %jit3A_547 = arith.constant 0xFF800000 : f32
    %broadcast_in_dim3A_548 = vector.broadcast %jit3A_547 : f32 to vector<512x512xf32>
    %select_n3A_549 = arith.select %eq3A_546, %broadcast_in_dim3A_548, %select_n3A_519 : vector<512x512xi1>, vector<512x512xf32>
    %slice3A_550 = vector.extract_strided_slice %select_n3A_534 {offsets = [0, 0], sizes = [512, 128], strides = [1, 1]} : vector<512x512xf32> to vector<512x128xf32>
    %slice3A_551 = vector.extract_strided_slice %select_n3A_534 {offsets = [0, 128], sizes = [512, 128], strides = [1, 1]} : vector<512x512xf32> to vector<512x128xf32>
    %max3A_552 = arith.maximumf %slice3A_550, %slice3A_551 : vector<512x128xf32>
    %slice3A_553 = vector.extract_strided_slice %select_n3A_534 {offsets = [0, 256], sizes = [512, 128], strides = [1, 1]} : vector<512x512xf32> to vector<512x128xf32>
    %slice3A_554 = vector.extract_strided_slice %select_n3A_534 {offsets = [0, 384], sizes = [512, 128], strides = [1, 1]} : vector<512x512xf32> to vector<512x128xf32>
    %max3A_555 = arith.maximumf %slice3A_553, %slice3A_554 : vector<512x128xf32>
    %max3A_556 = arith.maximumf %max3A_552, %max3A_555 : vector<512x128xf32>
    %reduce_max3A_557 = arith.constant dense<0xFF800000> : vector<512xf32>
    %reduce_max3A_558 = vector.multi_reduction <maximumf>, %max3A_556, %reduce_max3A_557 [1] : vector<512x128xf32> to vector<512xf32>
    %broadcast_in_dim3A_559 = vector.shape_cast %reduce_max3A_558 : vector<512xf32> to vector<512x1xf32>
    %eq3A_560 = vector.broadcast %broadcast_in_dim3A_559 : vector<512x1xf32> to vector<512x512xf32>
    %eq3A_561 = arith.cmpf oeq, %select_n3A_534, %eq3A_560 : vector<512x512xf32>
    %jit3A_562 = arith.constant 0xFF800000 : f32
    %broadcast_in_dim3A_563 = vector.broadcast %jit3A_562 : f32 to vector<512x512xf32>
    %select_n3A_564 = arith.select %eq3A_561, %broadcast_in_dim3A_563, %select_n3A_534 : vector<512x512xi1>, vector<512x512xf32>
    %slice3A_565 = vector.extract_strided_slice %select_n3A_549 {offsets = [0, 0], sizes = [512, 128], strides = [1, 1]} : vector<512x512xf32> to vector<512x128xf32>
    %slice3A_566 = vector.extract_strided_slice %select_n3A_549 {offsets = [0, 128], sizes = [512, 128], strides = [1, 1]} : vector<512x512xf32> to vector<512x128xf32>
    %max3A_567 = arith.maximumf %slice3A_565, %slice3A_566 : vector<512x128xf32>
    %slice3A_568 = vector.extract_strided_slice %select_n3A_549 {offsets = [0, 256], sizes = [512, 128], strides = [1, 1]} : vector<512x512xf32> to vector<512x128xf32>
    %slice3A_569 = vector.extract_strided_slice %select_n3A_549 {offsets = [0, 384], sizes = [512, 128], strides = [1, 1]} : vector<512x512xf32> to vector<512x128xf32>
    %max3A_570 = arith.maximumf %slice3A_568, %slice3A_569 : vector<512x128xf32>
    %max3A_571 = arith.maximumf %max3A_567, %max3A_570 : vector<512x128xf32>
    %reduce_max3A_572 = arith.constant dense<0xFF800000> : vector<512xf32>
    %reduce_max3A_573 = vector.multi_reduction <maximumf>, %max3A_571, %reduce_max3A_572 [1] : vector<512x128xf32> to vector<512xf32>
    %broadcast_in_dim3A_574 = vector.shape_cast %reduce_max3A_573 : vector<512xf32> to vector<512x1xf32>
    %eq3A_575 = vector.broadcast %broadcast_in_dim3A_574 : vector<512x1xf32> to vector<512x512xf32>
    %eq3A_576 = arith.cmpf oeq, %select_n3A_549, %eq3A_575 : vector<512x512xf32>
    %jit3A_577 = arith.constant 0xFF800000 : f32
    %broadcast_in_dim3A_578 = vector.broadcast %jit3A_577 : f32 to vector<512x512xf32>
    %select_n3A_579 = arith.select %eq3A_576, %broadcast_in_dim3A_578, %select_n3A_549 : vector<512x512xi1>, vector<512x512xf32>
    %slice3A_580 = vector.extract_strided_slice %select_n3A_564 {offsets = [0, 0], sizes = [512, 128], strides = [1, 1]} : vector<512x512xf32> to vector<512x128xf32>
    %slice3A_581 = vector.extract_strided_slice %select_n3A_564 {offsets = [0, 128], sizes = [512, 128], strides = [1, 1]} : vector<512x512xf32> to vector<512x128xf32>
    %max3A_582 = arith.maximumf %slice3A_580, %slice3A_581 : vector<512x128xf32>
    %slice3A_583 = vector.extract_strided_slice %select_n3A_564 {offsets = [0, 256], sizes = [512, 128], strides = [1, 1]} : vector<512x512xf32> to vector<512x128xf32>
    %slice3A_584 = vector.extract_strided_slice %select_n3A_564 {offsets = [0, 384], sizes = [512, 128], strides = [1, 1]} : vector<512x512xf32> to vector<512x128xf32>
    %max3A_585 = arith.maximumf %slice3A_583, %slice3A_584 : vector<512x128xf32>
    %max3A_586 = arith.maximumf %max3A_582, %max3A_585 : vector<512x128xf32>
    %reduce_max3A_587 = arith.constant dense<0xFF800000> : vector<512xf32>
    %reduce_max3A_588 = vector.multi_reduction <maximumf>, %max3A_586, %reduce_max3A_587 [1] : vector<512x128xf32> to vector<512xf32>
    %broadcast_in_dim3A_589 = vector.shape_cast %reduce_max3A_588 : vector<512xf32> to vector<512x1xf32>
    %eq3A_590 = vector.broadcast %broadcast_in_dim3A_589 : vector<512x1xf32> to vector<512x512xf32>
    %eq3A_591 = arith.cmpf oeq, %select_n3A_564, %eq3A_590 : vector<512x512xf32>
    %jit3A_592 = arith.constant 0xFF800000 : f32
    %broadcast_in_dim3A_593 = vector.broadcast %jit3A_592 : f32 to vector<512x512xf32>
    %select_n3A_594 = arith.select %eq3A_591, %broadcast_in_dim3A_593, %select_n3A_564 : vector<512x512xi1>, vector<512x512xf32>
    %slice3A_595 = vector.extract_strided_slice %select_n3A_579 {offsets = [0, 0], sizes = [512, 128], strides = [1, 1]} : vector<512x512xf32> to vector<512x128xf32>
    %slice3A_596 = vector.extract_strided_slice %select_n3A_579 {offsets = [0, 128], sizes = [512, 128], strides = [1, 1]} : vector<512x512xf32> to vector<512x128xf32>
    %max3A_597 = arith.maximumf %slice3A_595, %slice3A_596 : vector<512x128xf32>
    %slice3A_598 = vector.extract_strided_slice %select_n3A_579 {offsets = [0, 256], sizes = [512, 128], strides = [1, 1]} : vector<512x512xf32> to vector<512x128xf32>
    %slice3A_599 = vector.extract_strided_slice %select_n3A_579 {offsets = [0, 384], sizes = [512, 128], strides = [1, 1]} : vector<512x512xf32> to vector<512x128xf32>
    %max3A_600 = arith.maximumf %slice3A_598, %slice3A_599 : vector<512x128xf32>
    %max3A_601 = arith.maximumf %max3A_597, %max3A_600 : vector<512x128xf32>
    %reduce_max3A_602 = arith.constant dense<0xFF800000> : vector<512xf32>
    %reduce_max3A_603 = vector.multi_reduction <maximumf>, %max3A_601, %reduce_max3A_602 [1] : vector<512x128xf32> to vector<512xf32>
    %broadcast_in_dim3A_604 = vector.shape_cast %reduce_max3A_603 : vector<512xf32> to vector<512x1xf32>
    %eq3A_605 = vector.broadcast %broadcast_in_dim3A_604 : vector<512x1xf32> to vector<512x512xf32>
    %eq3A_606 = arith.cmpf oeq, %select_n3A_579, %eq3A_605 : vector<512x512xf32>
    %jit3A_607 = arith.constant 0xFF800000 : f32
    %broadcast_in_dim3A_608 = vector.broadcast %jit3A_607 : f32 to vector<512x512xf32>
    %select_n3A_609 = arith.select %eq3A_606, %broadcast_in_dim3A_608, %select_n3A_579 : vector<512x512xi1>, vector<512x512xf32>
    %slice3A_610 = vector.extract_strided_slice %select_n3A_594 {offsets = [0, 0], sizes = [512, 128], strides = [1, 1]} : vector<512x512xf32> to vector<512x128xf32>
    %slice3A_611 = vector.extract_strided_slice %select_n3A_594 {offsets = [0, 128], sizes = [512, 128], strides = [1, 1]} : vector<512x512xf32> to vector<512x128xf32>
    %max3A_612 = arith.maximumf %slice3A_610, %slice3A_611 : vector<512x128xf32>
    %slice3A_613 = vector.extract_strided_slice %select_n3A_594 {offsets = [0, 256], sizes = [512, 128], strides = [1, 1]} : vector<512x512xf32> to vector<512x128xf32>
    %slice3A_614 = vector.extract_strided_slice %select_n3A_594 {offsets = [0, 384], sizes = [512, 128], strides = [1, 1]} : vector<512x512xf32> to vector<512x128xf32>
    %max3A_615 = arith.maximumf %slice3A_613, %slice3A_614 : vector<512x128xf32>
    %max3A_616 = arith.maximumf %max3A_612, %max3A_615 : vector<512x128xf32>
    %reduce_max3A_617 = arith.constant dense<0xFF800000> : vector<512xf32>
    %reduce_max3A_618 = vector.multi_reduction <maximumf>, %max3A_616, %reduce_max3A_617 [1] : vector<512x128xf32> to vector<512xf32>
    %broadcast_in_dim3A_619 = vector.shape_cast %reduce_max3A_618 : vector<512xf32> to vector<512x1xf32>
    %eq3A_620 = vector.broadcast %broadcast_in_dim3A_619 : vector<512x1xf32> to vector<512x512xf32>
    %eq3A_621 = arith.cmpf oeq, %select_n3A_594, %eq3A_620 : vector<512x512xf32>
    %jit3A_622 = arith.constant 0xFF800000 : f32
    %broadcast_in_dim3A_623 = vector.broadcast %jit3A_622 : f32 to vector<512x512xf32>
    %select_n3A_624 = arith.select %eq3A_621, %broadcast_in_dim3A_623, %select_n3A_594 : vector<512x512xi1>, vector<512x512xf32>
    %slice3A_625 = vector.extract_strided_slice %select_n3A_609 {offsets = [0, 0], sizes = [512, 128], strides = [1, 1]} : vector<512x512xf32> to vector<512x128xf32>
    %slice3A_626 = vector.extract_strided_slice %select_n3A_609 {offsets = [0, 128], sizes = [512, 128], strides = [1, 1]} : vector<512x512xf32> to vector<512x128xf32>
    %max3A_627 = arith.maximumf %slice3A_625, %slice3A_626 : vector<512x128xf32>
    %slice3A_628 = vector.extract_strided_slice %select_n3A_609 {offsets = [0, 256], sizes = [512, 128], strides = [1, 1]} : vector<512x512xf32> to vector<512x128xf32>
    %slice3A_629 = vector.extract_strided_slice %select_n3A_609 {offsets = [0, 384], sizes = [512, 128], strides = [1, 1]} : vector<512x512xf32> to vector<512x128xf32>
    %max3A_630 = arith.maximumf %slice3A_628, %slice3A_629 : vector<512x128xf32>
    %max3A_631 = arith.maximumf %max3A_627, %max3A_630 : vector<512x128xf32>
    %reduce_max3A_632 = arith.constant dense<0xFF800000> : vector<512xf32>
    %reduce_max3A_633 = vector.multi_reduction <maximumf>, %max3A_631, %reduce_max3A_632 [1] : vector<512x128xf32> to vector<512xf32>
    %broadcast_in_dim3A_634 = vector.shape_cast %reduce_max3A_633 : vector<512xf32> to vector<512x1xf32>
    %eq3A_635 = vector.broadcast %broadcast_in_dim3A_634 : vector<512x1xf32> to vector<512x512xf32>
    %eq3A_636 = arith.cmpf oeq, %select_n3A_609, %eq3A_635 : vector<512x512xf32>
    %jit3A_637 = arith.constant 0xFF800000 : f32
    %broadcast_in_dim3A_638 = vector.broadcast %jit3A_637 : f32 to vector<512x512xf32>
    %select_n3A_639 = arith.select %eq3A_636, %broadcast_in_dim3A_638, %select_n3A_609 : vector<512x512xi1>, vector<512x512xf32>
    %slice3A_640 = vector.extract_strided_slice %select_n3A_624 {offsets = [0, 0], sizes = [512, 128], strides = [1, 1]} : vector<512x512xf32> to vector<512x128xf32>
    %slice3A_641 = vector.extract_strided_slice %select_n3A_624 {offsets = [0, 128], sizes = [512, 128], strides = [1, 1]} : vector<512x512xf32> to vector<512x128xf32>
    %max3A_642 = arith.maximumf %slice3A_640, %slice3A_641 : vector<512x128xf32>
    %slice3A_643 = vector.extract_strided_slice %select_n3A_624 {offsets = [0, 256], sizes = [512, 128], strides = [1, 1]} : vector<512x512xf32> to vector<512x128xf32>
    %slice3A_644 = vector.extract_strided_slice %select_n3A_624 {offsets = [0, 384], sizes = [512, 128], strides = [1, 1]} : vector<512x512xf32> to vector<512x128xf32>
    %max3A_645 = arith.maximumf %slice3A_643, %slice3A_644 : vector<512x128xf32>
    %max3A_646 = arith.maximumf %max3A_642, %max3A_645 : vector<512x128xf32>
    %reduce_max3A_647 = arith.constant dense<0xFF800000> : vector<512xf32>
    %reduce_max3A_648 = vector.multi_reduction <maximumf>, %max3A_646, %reduce_max3A_647 [1] : vector<512x128xf32> to vector<512xf32>
    %broadcast_in_dim3A_649 = vector.shape_cast %reduce_max3A_648 : vector<512xf32> to vector<512x1xf32>
    %eq3A_650 = vector.broadcast %broadcast_in_dim3A_649 : vector<512x1xf32> to vector<512x512xf32>
    %eq3A_651 = arith.cmpf oeq, %select_n3A_624, %eq3A_650 : vector<512x512xf32>
    %jit3A_652 = arith.constant 0xFF800000 : f32
    %broadcast_in_dim3A_653 = vector.broadcast %jit3A_652 : f32 to vector<512x512xf32>
    %select_n3A_654 = arith.select %eq3A_651, %broadcast_in_dim3A_653, %select_n3A_624 : vector<512x512xi1>, vector<512x512xf32>
    %slice3A_655 = vector.extract_strided_slice %select_n3A_639 {offsets = [0, 0], sizes = [512, 128], strides = [1, 1]} : vector<512x512xf32> to vector<512x128xf32>
    %slice3A_656 = vector.extract_strided_slice %select_n3A_639 {offsets = [0, 128], sizes = [512, 128], strides = [1, 1]} : vector<512x512xf32> to vector<512x128xf32>
    %max3A_657 = arith.maximumf %slice3A_655, %slice3A_656 : vector<512x128xf32>
    %slice3A_658 = vector.extract_strided_slice %select_n3A_639 {offsets = [0, 256], sizes = [512, 128], strides = [1, 1]} : vector<512x512xf32> to vector<512x128xf32>
    %slice3A_659 = vector.extract_strided_slice %select_n3A_639 {offsets = [0, 384], sizes = [512, 128], strides = [1, 1]} : vector<512x512xf32> to vector<512x128xf32>
    %max3A_660 = arith.maximumf %slice3A_658, %slice3A_659 : vector<512x128xf32>
    %max3A_661 = arith.maximumf %max3A_657, %max3A_660 : vector<512x128xf32>
    %reduce_max3A_662 = arith.constant dense<0xFF800000> : vector<512xf32>
    %reduce_max3A_663 = vector.multi_reduction <maximumf>, %max3A_661, %reduce_max3A_662 [1] : vector<512x128xf32> to vector<512xf32>
    %broadcast_in_dim3A_664 = vector.shape_cast %reduce_max3A_663 : vector<512xf32> to vector<512x1xf32>
    %eq3A_665 = vector.broadcast %broadcast_in_dim3A_664 : vector<512x1xf32> to vector<512x512xf32>
    %eq3A_666 = arith.cmpf oeq, %select_n3A_639, %eq3A_665 : vector<512x512xf32>
    %jit3A_667 = arith.constant 0xFF800000 : f32
    %broadcast_in_dim3A_668 = vector.broadcast %jit3A_667 : f32 to vector<512x512xf32>
    %select_n3A_669 = arith.select %eq3A_666, %broadcast_in_dim3A_668, %select_n3A_639 : vector<512x512xi1>, vector<512x512xf32>
    %slice3A_670 = vector.extract_strided_slice %select_n3A_654 {offsets = [0, 0], sizes = [512, 128], strides = [1, 1]} : vector<512x512xf32> to vector<512x128xf32>
    %slice3A_671 = vector.extract_strided_slice %select_n3A_654 {offsets = [0, 128], sizes = [512, 128], strides = [1, 1]} : vector<512x512xf32> to vector<512x128xf32>
    %max3A_672 = arith.maximumf %slice3A_670, %slice3A_671 : vector<512x128xf32>
    %slice3A_673 = vector.extract_strided_slice %select_n3A_654 {offsets = [0, 256], sizes = [512, 128], strides = [1, 1]} : vector<512x512xf32> to vector<512x128xf32>
    %slice3A_674 = vector.extract_strided_slice %select_n3A_654 {offsets = [0, 384], sizes = [512, 128], strides = [1, 1]} : vector<512x512xf32> to vector<512x128xf32>
    %max3A_675 = arith.maximumf %slice3A_673, %slice3A_674 : vector<512x128xf32>
    %max3A_676 = arith.maximumf %max3A_672, %max3A_675 : vector<512x128xf32>
    %reduce_max3A_677 = arith.constant dense<0xFF800000> : vector<512xf32>
    %reduce_max3A_678 = vector.multi_reduction <maximumf>, %max3A_676, %reduce_max3A_677 [1] : vector<512x128xf32> to vector<512xf32>
    %broadcast_in_dim3A_679 = vector.shape_cast %reduce_max3A_678 : vector<512xf32> to vector<512x1xf32>
    %eq3A_680 = vector.broadcast %broadcast_in_dim3A_679 : vector<512x1xf32> to vector<512x512xf32>
    %eq3A_681 = arith.cmpf oeq, %select_n3A_654, %eq3A_680 : vector<512x512xf32>
    %jit3A_682 = arith.constant 0xFF800000 : f32
    %broadcast_in_dim3A_683 = vector.broadcast %jit3A_682 : f32 to vector<512x512xf32>
    %select_n3A_684 = arith.select %eq3A_681, %broadcast_in_dim3A_683, %select_n3A_654 : vector<512x512xi1>, vector<512x512xf32>
    %slice3A_685 = vector.extract_strided_slice %select_n3A_669 {offsets = [0, 0], sizes = [512, 128], strides = [1, 1]} : vector<512x512xf32> to vector<512x128xf32>
    %slice3A_686 = vector.extract_strided_slice %select_n3A_669 {offsets = [0, 128], sizes = [512, 128], strides = [1, 1]} : vector<512x512xf32> to vector<512x128xf32>
    %max3A_687 = arith.maximumf %slice3A_685, %slice3A_686 : vector<512x128xf32>
    %slice3A_688 = vector.extract_strided_slice %select_n3A_669 {offsets = [0, 256], sizes = [512, 128], strides = [1, 1]} : vector<512x512xf32> to vector<512x128xf32>
    %slice3A_689 = vector.extract_strided_slice %select_n3A_669 {offsets = [0, 384], sizes = [512, 128], strides = [1, 1]} : vector<512x512xf32> to vector<512x128xf32>
    %max3A_690 = arith.maximumf %slice3A_688, %slice3A_689 : vector<512x128xf32>
    %max3A_691 = arith.maximumf %max3A_687, %max3A_690 : vector<512x128xf32>
    %reduce_max3A_692 = arith.constant dense<0xFF800000> : vector<512xf32>
    %reduce_max3A_693 = vector.multi_reduction <maximumf>, %max3A_691, %reduce_max3A_692 [1] : vector<512x128xf32> to vector<512xf32>
    %broadcast_in_dim3A_694 = vector.shape_cast %reduce_max3A_693 : vector<512xf32> to vector<512x1xf32>
    %eq3A_695 = vector.broadcast %broadcast_in_dim3A_694 : vector<512x1xf32> to vector<512x512xf32>
    %eq3A_696 = arith.cmpf oeq, %select_n3A_669, %eq3A_695 : vector<512x512xf32>
    %jit3A_697 = arith.constant 0xFF800000 : f32
    %broadcast_in_dim3A_698 = vector.broadcast %jit3A_697 : f32 to vector<512x512xf32>
    %select_n3A_699 = arith.select %eq3A_696, %broadcast_in_dim3A_698, %select_n3A_669 : vector<512x512xi1>, vector<512x512xf32>
    %slice3A_700 = vector.extract_strided_slice %select_n3A_684 {offsets = [0, 0], sizes = [512, 128], strides = [1, 1]} : vector<512x512xf32> to vector<512x128xf32>
    %slice3A_701 = vector.extract_strided_slice %select_n3A_684 {offsets = [0, 128], sizes = [512, 128], strides = [1, 1]} : vector<512x512xf32> to vector<512x128xf32>
    %max3A_702 = arith.maximumf %slice3A_700, %slice3A_701 : vector<512x128xf32>
    %slice3A_703 = vector.extract_strided_slice %select_n3A_684 {offsets = [0, 256], sizes = [512, 128], strides = [1, 1]} : vector<512x512xf32> to vector<512x128xf32>
    %slice3A_704 = vector.extract_strided_slice %select_n3A_684 {offsets = [0, 384], sizes = [512, 128], strides = [1, 1]} : vector<512x512xf32> to vector<512x128xf32>
    %max3A_705 = arith.maximumf %slice3A_703, %slice3A_704 : vector<512x128xf32>
    %max3A_706 = arith.maximumf %max3A_702, %max3A_705 : vector<512x128xf32>
    %reduce_max3A_707 = arith.constant dense<0xFF800000> : vector<512xf32>
    %reduce_max3A_708 = vector.multi_reduction <maximumf>, %max3A_706, %reduce_max3A_707 [1] : vector<512x128xf32> to vector<512xf32>
    %broadcast_in_dim3A_709 = vector.shape_cast %reduce_max3A_708 : vector<512xf32> to vector<512x1xf32>
    %eq3A_710 = vector.broadcast %broadcast_in_dim3A_709 : vector<512x1xf32> to vector<512x512xf32>
    %eq3A_711 = arith.cmpf oeq, %select_n3A_684, %eq3A_710 : vector<512x512xf32>
    %jit3A_712 = arith.constant 0xFF800000 : f32
    %broadcast_in_dim3A_713 = vector.broadcast %jit3A_712 : f32 to vector<512x512xf32>
    %select_n3A_714 = arith.select %eq3A_711, %broadcast_in_dim3A_713, %select_n3A_684 : vector<512x512xi1>, vector<512x512xf32>
    %slice3A_715 = vector.extract_strided_slice %select_n3A_699 {offsets = [0, 0], sizes = [512, 128], strides = [1, 1]} : vector<512x512xf32> to vector<512x128xf32>
    %slice3A_716 = vector.extract_strided_slice %select_n3A_699 {offsets = [0, 128], sizes = [512, 128], strides = [1, 1]} : vector<512x512xf32> to vector<512x128xf32>
    %max3A_717 = arith.maximumf %slice3A_715, %slice3A_716 : vector<512x128xf32>
    %slice3A_718 = vector.extract_strided_slice %select_n3A_699 {offsets = [0, 256], sizes = [512, 128], strides = [1, 1]} : vector<512x512xf32> to vector<512x128xf32>
    %slice3A_719 = vector.extract_strided_slice %select_n3A_699 {offsets = [0, 384], sizes = [512, 128], strides = [1, 1]} : vector<512x512xf32> to vector<512x128xf32>
    %max3A_720 = arith.maximumf %slice3A_718, %slice3A_719 : vector<512x128xf32>
    %max3A_721 = arith.maximumf %max3A_717, %max3A_720 : vector<512x128xf32>
    %reduce_max3A_722 = arith.constant dense<0xFF800000> : vector<512xf32>
    %reduce_max3A_723 = vector.multi_reduction <maximumf>, %max3A_721, %reduce_max3A_722 [1] : vector<512x128xf32> to vector<512xf32>
    %broadcast_in_dim3A_724 = vector.shape_cast %reduce_max3A_723 : vector<512xf32> to vector<512x1xf32>
    %eq3A_725 = vector.broadcast %broadcast_in_dim3A_724 : vector<512x1xf32> to vector<512x512xf32>
    %eq3A_726 = arith.cmpf oeq, %select_n3A_699, %eq3A_725 : vector<512x512xf32>
    %jit3A_727 = arith.constant 0xFF800000 : f32
    %broadcast_in_dim3A_728 = vector.broadcast %jit3A_727 : f32 to vector<512x512xf32>
    %select_n3A_729 = arith.select %eq3A_726, %broadcast_in_dim3A_728, %select_n3A_699 : vector<512x512xi1>, vector<512x512xf32>
    %slice3A_730 = vector.extract_strided_slice %select_n3A_714 {offsets = [0, 0], sizes = [512, 128], strides = [1, 1]} : vector<512x512xf32> to vector<512x128xf32>
    %slice3A_731 = vector.extract_strided_slice %select_n3A_714 {offsets = [0, 128], sizes = [512, 128], strides = [1, 1]} : vector<512x512xf32> to vector<512x128xf32>
    %max3A_732 = arith.maximumf %slice3A_730, %slice3A_731 : vector<512x128xf32>
    %slice3A_733 = vector.extract_strided_slice %select_n3A_714 {offsets = [0, 256], sizes = [512, 128], strides = [1, 1]} : vector<512x512xf32> to vector<512x128xf32>
    %slice3A_734 = vector.extract_strided_slice %select_n3A_714 {offsets = [0, 384], sizes = [512, 128], strides = [1, 1]} : vector<512x512xf32> to vector<512x128xf32>
    %max3A_735 = arith.maximumf %slice3A_733, %slice3A_734 : vector<512x128xf32>
    %max3A_736 = arith.maximumf %max3A_732, %max3A_735 : vector<512x128xf32>
    %reduce_max3A_737 = arith.constant dense<0xFF800000> : vector<512xf32>
    %reduce_max3A_738 = vector.multi_reduction <maximumf>, %max3A_736, %reduce_max3A_737 [1] : vector<512x128xf32> to vector<512xf32>
    %broadcast_in_dim3A_739 = vector.shape_cast %reduce_max3A_738 : vector<512xf32> to vector<512x1xf32>
    %eq3A_740 = vector.broadcast %broadcast_in_dim3A_739 : vector<512x1xf32> to vector<512x512xf32>
    %eq3A_741 = arith.cmpf oeq, %select_n3A_714, %eq3A_740 : vector<512x512xf32>
    %jit3A_742 = arith.constant 0xFF800000 : f32
    %broadcast_in_dim3A_743 = vector.broadcast %jit3A_742 : f32 to vector<512x512xf32>
    %select_n3A_744 = arith.select %eq3A_741, %broadcast_in_dim3A_743, %select_n3A_714 : vector<512x512xi1>, vector<512x512xf32>
    %slice3A_745 = vector.extract_strided_slice %select_n3A_729 {offsets = [0, 0], sizes = [512, 128], strides = [1, 1]} : vector<512x512xf32> to vector<512x128xf32>
    %slice3A_746 = vector.extract_strided_slice %select_n3A_729 {offsets = [0, 128], sizes = [512, 128], strides = [1, 1]} : vector<512x512xf32> to vector<512x128xf32>
    %max3A_747 = arith.maximumf %slice3A_745, %slice3A_746 : vector<512x128xf32>
    %slice3A_748 = vector.extract_strided_slice %select_n3A_729 {offsets = [0, 256], sizes = [512, 128], strides = [1, 1]} : vector<512x512xf32> to vector<512x128xf32>
    %slice3A_749 = vector.extract_strided_slice %select_n3A_729 {offsets = [0, 384], sizes = [512, 128], strides = [1, 1]} : vector<512x512xf32> to vector<512x128xf32>
    %max3A_750 = arith.maximumf %slice3A_748, %slice3A_749 : vector<512x128xf32>
    %max3A_751 = arith.maximumf %max3A_747, %max3A_750 : vector<512x128xf32>
    %reduce_max3A_752 = arith.constant dense<0xFF800000> : vector<512xf32>
    %reduce_max3A_753 = vector.multi_reduction <maximumf>, %max3A_751, %reduce_max3A_752 [1] : vector<512x128xf32> to vector<512xf32>
    %broadcast_in_dim3A_754 = vector.shape_cast %reduce_max3A_753 : vector<512xf32> to vector<512x1xf32>
    %eq3A_755 = vector.broadcast %broadcast_in_dim3A_754 : vector<512x1xf32> to vector<512x512xf32>
    %eq3A_756 = arith.cmpf oeq, %select_n3A_729, %eq3A_755 : vector<512x512xf32>
    %jit3A_757 = arith.constant 0xFF800000 : f32
    %broadcast_in_dim3A_758 = vector.broadcast %jit3A_757 : f32 to vector<512x512xf32>
    %select_n3A_759 = arith.select %eq3A_756, %broadcast_in_dim3A_758, %select_n3A_729 : vector<512x512xi1>, vector<512x512xf32>
    %slice3A_760 = vector.extract_strided_slice %select_n3A_744 {offsets = [0, 0], sizes = [512, 128], strides = [1, 1]} : vector<512x512xf32> to vector<512x128xf32>
    %slice3A_761 = vector.extract_strided_slice %select_n3A_744 {offsets = [0, 128], sizes = [512, 128], strides = [1, 1]} : vector<512x512xf32> to vector<512x128xf32>
    %max3A_762 = arith.maximumf %slice3A_760, %slice3A_761 : vector<512x128xf32>
    %slice3A_763 = vector.extract_strided_slice %select_n3A_744 {offsets = [0, 256], sizes = [512, 128], strides = [1, 1]} : vector<512x512xf32> to vector<512x128xf32>
    %slice3A_764 = vector.extract_strided_slice %select_n3A_744 {offsets = [0, 384], sizes = [512, 128], strides = [1, 1]} : vector<512x512xf32> to vector<512x128xf32>
    %max3A_765 = arith.maximumf %slice3A_763, %slice3A_764 : vector<512x128xf32>
    %max3A_766 = arith.maximumf %max3A_762, %max3A_765 : vector<512x128xf32>
    %reduce_max3A_767 = arith.constant dense<0xFF800000> : vector<512xf32>
    %reduce_max3A_768 = vector.multi_reduction <maximumf>, %max3A_766, %reduce_max3A_767 [1] : vector<512x128xf32> to vector<512xf32>
    %broadcast_in_dim3A_769 = vector.shape_cast %reduce_max3A_768 : vector<512xf32> to vector<512x1xf32>
    %eq3A_770 = vector.broadcast %broadcast_in_dim3A_769 : vector<512x1xf32> to vector<512x512xf32>
    %eq3A_771 = arith.cmpf oeq, %select_n3A_744, %eq3A_770 : vector<512x512xf32>
    %jit3A_772 = arith.constant 0xFF800000 : f32
    %broadcast_in_dim3A_773 = vector.broadcast %jit3A_772 : f32 to vector<512x512xf32>
    %select_n3A_774 = arith.select %eq3A_771, %broadcast_in_dim3A_773, %select_n3A_744 : vector<512x512xi1>, vector<512x512xf32>
    %slice3A_775 = vector.extract_strided_slice %select_n3A_759 {offsets = [0, 0], sizes = [512, 128], strides = [1, 1]} : vector<512x512xf32> to vector<512x128xf32>
    %slice3A_776 = vector.extract_strided_slice %select_n3A_759 {offsets = [0, 128], sizes = [512, 128], strides = [1, 1]} : vector<512x512xf32> to vector<512x128xf32>
    %max3A_777 = arith.maximumf %slice3A_775, %slice3A_776 : vector<512x128xf32>
    %slice3A_778 = vector.extract_strided_slice %select_n3A_759 {offsets = [0, 256], sizes = [512, 128], strides = [1, 1]} : vector<512x512xf32> to vector<512x128xf32>
    %slice3A_779 = vector.extract_strided_slice %select_n3A_759 {offsets = [0, 384], sizes = [512, 128], strides = [1, 1]} : vector<512x512xf32> to vector<512x128xf32>
    %max3A_780 = arith.maximumf %slice3A_778, %slice3A_779 : vector<512x128xf32>
    %max3A_781 = arith.maximumf %max3A_777, %max3A_780 : vector<512x128xf32>
    %reduce_max3A_782 = arith.constant dense<0xFF800000> : vector<512xf32>
    %reduce_max3A_783 = vector.multi_reduction <maximumf>, %max3A_781, %reduce_max3A_782 [1] : vector<512x128xf32> to vector<512xf32>
    %broadcast_in_dim3A_784 = vector.shape_cast %reduce_max3A_783 : vector<512xf32> to vector<512x1xf32>
    %eq3A_785 = vector.broadcast %broadcast_in_dim3A_784 : vector<512x1xf32> to vector<512x512xf32>
    %eq3A_786 = arith.cmpf oeq, %select_n3A_759, %eq3A_785 : vector<512x512xf32>
    %jit3A_787 = arith.constant 0xFF800000 : f32
    %broadcast_in_dim3A_788 = vector.broadcast %jit3A_787 : f32 to vector<512x512xf32>
    %select_n3A_789 = arith.select %eq3A_786, %broadcast_in_dim3A_788, %select_n3A_759 : vector<512x512xi1>, vector<512x512xf32>
    %slice3A_790 = vector.extract_strided_slice %select_n3A_774 {offsets = [0, 0], sizes = [512, 128], strides = [1, 1]} : vector<512x512xf32> to vector<512x128xf32>
    %slice3A_791 = vector.extract_strided_slice %select_n3A_774 {offsets = [0, 128], sizes = [512, 128], strides = [1, 1]} : vector<512x512xf32> to vector<512x128xf32>
    %max3A_792 = arith.maximumf %slice3A_790, %slice3A_791 : vector<512x128xf32>
    %slice3A_793 = vector.extract_strided_slice %select_n3A_774 {offsets = [0, 256], sizes = [512, 128], strides = [1, 1]} : vector<512x512xf32> to vector<512x128xf32>
    %slice3A_794 = vector.extract_strided_slice %select_n3A_774 {offsets = [0, 384], sizes = [512, 128], strides = [1, 1]} : vector<512x512xf32> to vector<512x128xf32>
    %max3A_795 = arith.maximumf %slice3A_793, %slice3A_794 : vector<512x128xf32>
    %max3A_796 = arith.maximumf %max3A_792, %max3A_795 : vector<512x128xf32>
    %reduce_max3A_797 = arith.constant dense<0xFF800000> : vector<512xf32>
    %reduce_max3A_798 = vector.multi_reduction <maximumf>, %max3A_796, %reduce_max3A_797 [1] : vector<512x128xf32> to vector<512xf32>
    %broadcast_in_dim3A_799 = vector.shape_cast %reduce_max3A_798 : vector<512xf32> to vector<512x1xf32>
    %eq3A_800 = vector.broadcast %broadcast_in_dim3A_799 : vector<512x1xf32> to vector<512x512xf32>
    %eq3A_801 = arith.cmpf oeq, %select_n3A_774, %eq3A_800 : vector<512x512xf32>
    %jit3A_802 = arith.constant 0xFF800000 : f32
    %broadcast_in_dim3A_803 = vector.broadcast %jit3A_802 : f32 to vector<512x512xf32>
    %select_n3A_804 = arith.select %eq3A_801, %broadcast_in_dim3A_803, %select_n3A_774 : vector<512x512xi1>, vector<512x512xf32>
    %slice3A_805 = vector.extract_strided_slice %select_n3A_789 {offsets = [0, 0], sizes = [512, 128], strides = [1, 1]} : vector<512x512xf32> to vector<512x128xf32>
    %slice3A_806 = vector.extract_strided_slice %select_n3A_789 {offsets = [0, 128], sizes = [512, 128], strides = [1, 1]} : vector<512x512xf32> to vector<512x128xf32>
    %max3A_807 = arith.maximumf %slice3A_805, %slice3A_806 : vector<512x128xf32>
    %slice3A_808 = vector.extract_strided_slice %select_n3A_789 {offsets = [0, 256], sizes = [512, 128], strides = [1, 1]} : vector<512x512xf32> to vector<512x128xf32>
    %slice3A_809 = vector.extract_strided_slice %select_n3A_789 {offsets = [0, 384], sizes = [512, 128], strides = [1, 1]} : vector<512x512xf32> to vector<512x128xf32>
    %max3A_810 = arith.maximumf %slice3A_808, %slice3A_809 : vector<512x128xf32>
    %max3A_811 = arith.maximumf %max3A_807, %max3A_810 : vector<512x128xf32>
    %reduce_max3A_812 = arith.constant dense<0xFF800000> : vector<512xf32>
    %reduce_max3A_813 = vector.multi_reduction <maximumf>, %max3A_811, %reduce_max3A_812 [1] : vector<512x128xf32> to vector<512xf32>
    %broadcast_in_dim3A_814 = vector.shape_cast %reduce_max3A_813 : vector<512xf32> to vector<512x1xf32>
    %eq3A_815 = vector.broadcast %broadcast_in_dim3A_814 : vector<512x1xf32> to vector<512x512xf32>
    %eq3A_816 = arith.cmpf oeq, %select_n3A_789, %eq3A_815 : vector<512x512xf32>
    %jit3A_817 = arith.constant 0xFF800000 : f32
    %broadcast_in_dim3A_818 = vector.broadcast %jit3A_817 : f32 to vector<512x512xf32>
    %select_n3A_819 = arith.select %eq3A_816, %broadcast_in_dim3A_818, %select_n3A_789 : vector<512x512xi1>, vector<512x512xf32>
    %slice3A_820 = vector.extract_strided_slice %select_n3A_804 {offsets = [0, 0], sizes = [512, 128], strides = [1, 1]} : vector<512x512xf32> to vector<512x128xf32>
    %slice3A_821 = vector.extract_strided_slice %select_n3A_804 {offsets = [0, 128], sizes = [512, 128], strides = [1, 1]} : vector<512x512xf32> to vector<512x128xf32>
    %max3A_822 = arith.maximumf %slice3A_820, %slice3A_821 : vector<512x128xf32>
    %slice3A_823 = vector.extract_strided_slice %select_n3A_804 {offsets = [0, 256], sizes = [512, 128], strides = [1, 1]} : vector<512x512xf32> to vector<512x128xf32>
    %slice3A_824 = vector.extract_strided_slice %select_n3A_804 {offsets = [0, 384], sizes = [512, 128], strides = [1, 1]} : vector<512x512xf32> to vector<512x128xf32>
    %max3A_825 = arith.maximumf %slice3A_823, %slice3A_824 : vector<512x128xf32>
    %max3A_826 = arith.maximumf %max3A_822, %max3A_825 : vector<512x128xf32>
    %reduce_max3A_827 = arith.constant dense<0xFF800000> : vector<512xf32>
    %reduce_max3A_828 = vector.multi_reduction <maximumf>, %max3A_826, %reduce_max3A_827 [1] : vector<512x128xf32> to vector<512xf32>
    %broadcast_in_dim3A_829 = vector.shape_cast %reduce_max3A_828 : vector<512xf32> to vector<512x1xf32>
    %eq3A_830 = vector.broadcast %broadcast_in_dim3A_829 : vector<512x1xf32> to vector<512x512xf32>
    %eq3A_831 = arith.cmpf oeq, %select_n3A_804, %eq3A_830 : vector<512x512xf32>
    %jit3A_832 = arith.constant 0xFF800000 : f32
    %broadcast_in_dim3A_833 = vector.broadcast %jit3A_832 : f32 to vector<512x512xf32>
    %select_n3A_834 = arith.select %eq3A_831, %broadcast_in_dim3A_833, %select_n3A_804 : vector<512x512xi1>, vector<512x512xf32>
    %slice3A_835 = vector.extract_strided_slice %select_n3A_819 {offsets = [0, 0], sizes = [512, 128], strides = [1, 1]} : vector<512x512xf32> to vector<512x128xf32>
    %slice3A_836 = vector.extract_strided_slice %select_n3A_819 {offsets = [0, 128], sizes = [512, 128], strides = [1, 1]} : vector<512x512xf32> to vector<512x128xf32>
    %max3A_837 = arith.maximumf %slice3A_835, %slice3A_836 : vector<512x128xf32>
    %slice3A_838 = vector.extract_strided_slice %select_n3A_819 {offsets = [0, 256], sizes = [512, 128], strides = [1, 1]} : vector<512x512xf32> to vector<512x128xf32>
    %slice3A_839 = vector.extract_strided_slice %select_n3A_819 {offsets = [0, 384], sizes = [512, 128], strides = [1, 1]} : vector<512x512xf32> to vector<512x128xf32>
    %max3A_840 = arith.maximumf %slice3A_838, %slice3A_839 : vector<512x128xf32>
    %max3A_841 = arith.maximumf %max3A_837, %max3A_840 : vector<512x128xf32>
    %reduce_max3A_842 = arith.constant dense<0xFF800000> : vector<512xf32>
    %reduce_max3A_843 = vector.multi_reduction <maximumf>, %max3A_841, %reduce_max3A_842 [1] : vector<512x128xf32> to vector<512xf32>
    %broadcast_in_dim3A_844 = vector.shape_cast %reduce_max3A_843 : vector<512xf32> to vector<512x1xf32>
    %eq3A_845 = vector.broadcast %broadcast_in_dim3A_844 : vector<512x1xf32> to vector<512x512xf32>
    %eq3A_846 = arith.cmpf oeq, %select_n3A_819, %eq3A_845 : vector<512x512xf32>
    %jit3A_847 = arith.constant 0xFF800000 : f32
    %broadcast_in_dim3A_848 = vector.broadcast %jit3A_847 : f32 to vector<512x512xf32>
    %select_n3A_849 = arith.select %eq3A_846, %broadcast_in_dim3A_848, %select_n3A_819 : vector<512x512xi1>, vector<512x512xf32>
    %slice3A_850 = vector.extract_strided_slice %select_n3A_834 {offsets = [0, 0], sizes = [512, 128], strides = [1, 1]} : vector<512x512xf32> to vector<512x128xf32>
    %slice3A_851 = vector.extract_strided_slice %select_n3A_834 {offsets = [0, 128], sizes = [512, 128], strides = [1, 1]} : vector<512x512xf32> to vector<512x128xf32>
    %max3A_852 = arith.maximumf %slice3A_850, %slice3A_851 : vector<512x128xf32>
    %slice3A_853 = vector.extract_strided_slice %select_n3A_834 {offsets = [0, 256], sizes = [512, 128], strides = [1, 1]} : vector<512x512xf32> to vector<512x128xf32>
    %slice3A_854 = vector.extract_strided_slice %select_n3A_834 {offsets = [0, 384], sizes = [512, 128], strides = [1, 1]} : vector<512x512xf32> to vector<512x128xf32>
    %max3A_855 = arith.maximumf %slice3A_853, %slice3A_854 : vector<512x128xf32>
    %max3A_856 = arith.maximumf %max3A_852, %max3A_855 : vector<512x128xf32>
    %reduce_max3A_857 = arith.constant dense<0xFF800000> : vector<512xf32>
    %reduce_max3A_858 = vector.multi_reduction <maximumf>, %max3A_856, %reduce_max3A_857 [1] : vector<512x128xf32> to vector<512xf32>
    %broadcast_in_dim3A_859 = vector.shape_cast %reduce_max3A_858 : vector<512xf32> to vector<512x1xf32>
    %eq3A_860 = vector.broadcast %broadcast_in_dim3A_859 : vector<512x1xf32> to vector<512x512xf32>
    %eq3A_861 = arith.cmpf oeq, %select_n3A_834, %eq3A_860 : vector<512x512xf32>
    %jit3A_862 = arith.constant 0xFF800000 : f32
    %broadcast_in_dim3A_863 = vector.broadcast %jit3A_862 : f32 to vector<512x512xf32>
    %select_n3A_864 = arith.select %eq3A_861, %broadcast_in_dim3A_863, %select_n3A_834 : vector<512x512xi1>, vector<512x512xf32>
    %slice3A_865 = vector.extract_strided_slice %select_n3A_849 {offsets = [0, 0], sizes = [512, 128], strides = [1, 1]} : vector<512x512xf32> to vector<512x128xf32>
    %slice3A_866 = vector.extract_strided_slice %select_n3A_849 {offsets = [0, 128], sizes = [512, 128], strides = [1, 1]} : vector<512x512xf32> to vector<512x128xf32>
    %max3A_867 = arith.maximumf %slice3A_865, %slice3A_866 : vector<512x128xf32>
    %slice3A_868 = vector.extract_strided_slice %select_n3A_849 {offsets = [0, 256], sizes = [512, 128], strides = [1, 1]} : vector<512x512xf32> to vector<512x128xf32>
    %slice3A_869 = vector.extract_strided_slice %select_n3A_849 {offsets = [0, 384], sizes = [512, 128], strides = [1, 1]} : vector<512x512xf32> to vector<512x128xf32>
    %max3A_870 = arith.maximumf %slice3A_868, %slice3A_869 : vector<512x128xf32>
    %max3A_871 = arith.maximumf %max3A_867, %max3A_870 : vector<512x128xf32>
    %reduce_max3A_872 = arith.constant dense<0xFF800000> : vector<512xf32>
    %reduce_max3A_873 = vector.multi_reduction <maximumf>, %max3A_871, %reduce_max3A_872 [1] : vector<512x128xf32> to vector<512xf32>
    %broadcast_in_dim3A_874 = vector.shape_cast %reduce_max3A_873 : vector<512xf32> to vector<512x1xf32>
    %eq3A_875 = vector.broadcast %broadcast_in_dim3A_874 : vector<512x1xf32> to vector<512x512xf32>
    %eq3A_876 = arith.cmpf oeq, %select_n3A_849, %eq3A_875 : vector<512x512xf32>
    %jit3A_877 = arith.constant 0xFF800000 : f32
    %broadcast_in_dim3A_878 = vector.broadcast %jit3A_877 : f32 to vector<512x512xf32>
    %select_n3A_879 = arith.select %eq3A_876, %broadcast_in_dim3A_878, %select_n3A_849 : vector<512x512xi1>, vector<512x512xf32>
    %slice3A_880 = vector.extract_strided_slice %select_n3A_864 {offsets = [0, 0], sizes = [512, 128], strides = [1, 1]} : vector<512x512xf32> to vector<512x128xf32>
    %slice3A_881 = vector.extract_strided_slice %select_n3A_864 {offsets = [0, 128], sizes = [512, 128], strides = [1, 1]} : vector<512x512xf32> to vector<512x128xf32>
    %max3A_882 = arith.maximumf %slice3A_880, %slice3A_881 : vector<512x128xf32>
    %slice3A_883 = vector.extract_strided_slice %select_n3A_864 {offsets = [0, 256], sizes = [512, 128], strides = [1, 1]} : vector<512x512xf32> to vector<512x128xf32>
    %slice3A_884 = vector.extract_strided_slice %select_n3A_864 {offsets = [0, 384], sizes = [512, 128], strides = [1, 1]} : vector<512x512xf32> to vector<512x128xf32>
    %max3A_885 = arith.maximumf %slice3A_883, %slice3A_884 : vector<512x128xf32>
    %max3A_886 = arith.maximumf %max3A_882, %max3A_885 : vector<512x128xf32>
    %reduce_max3A_887 = arith.constant dense<0xFF800000> : vector<512xf32>
    %reduce_max3A_888 = vector.multi_reduction <maximumf>, %max3A_886, %reduce_max3A_887 [1] : vector<512x128xf32> to vector<512xf32>
    %broadcast_in_dim3A_889 = vector.shape_cast %reduce_max3A_888 : vector<512xf32> to vector<512x1xf32>
    %eq3A_890 = vector.broadcast %broadcast_in_dim3A_889 : vector<512x1xf32> to vector<512x512xf32>
    %eq3A_891 = arith.cmpf oeq, %select_n3A_864, %eq3A_890 : vector<512x512xf32>
    %jit3A_892 = arith.constant 0xFF800000 : f32
    %broadcast_in_dim3A_893 = vector.broadcast %jit3A_892 : f32 to vector<512x512xf32>
    %select_n3A_894 = arith.select %eq3A_891, %broadcast_in_dim3A_893, %select_n3A_864 : vector<512x512xi1>, vector<512x512xf32>
    %slice3A_895 = vector.extract_strided_slice %select_n3A_879 {offsets = [0, 0], sizes = [512, 128], strides = [1, 1]} : vector<512x512xf32> to vector<512x128xf32>
    %slice3A_896 = vector.extract_strided_slice %select_n3A_879 {offsets = [0, 128], sizes = [512, 128], strides = [1, 1]} : vector<512x512xf32> to vector<512x128xf32>
    %max3A_897 = arith.maximumf %slice3A_895, %slice3A_896 : vector<512x128xf32>
    %slice3A_898 = vector.extract_strided_slice %select_n3A_879 {offsets = [0, 256], sizes = [512, 128], strides = [1, 1]} : vector<512x512xf32> to vector<512x128xf32>
    %slice3A_899 = vector.extract_strided_slice %select_n3A_879 {offsets = [0, 384], sizes = [512, 128], strides = [1, 1]} : vector<512x512xf32> to vector<512x128xf32>
    %max3A_900 = arith.maximumf %slice3A_898, %slice3A_899 : vector<512x128xf32>
    %max3A_901 = arith.maximumf %max3A_897, %max3A_900 : vector<512x128xf32>
    %reduce_max3A_902 = arith.constant dense<0xFF800000> : vector<512xf32>
    %reduce_max3A_903 = vector.multi_reduction <maximumf>, %max3A_901, %reduce_max3A_902 [1] : vector<512x128xf32> to vector<512xf32>
    %broadcast_in_dim3A_904 = vector.shape_cast %reduce_max3A_903 : vector<512xf32> to vector<512x1xf32>
    %eq3A_905 = vector.broadcast %broadcast_in_dim3A_904 : vector<512x1xf32> to vector<512x512xf32>
    %eq3A_906 = arith.cmpf oeq, %select_n3A_879, %eq3A_905 : vector<512x512xf32>
    %jit3A_907 = arith.constant 0xFF800000 : f32
    %broadcast_in_dim3A_908 = vector.broadcast %jit3A_907 : f32 to vector<512x512xf32>
    %select_n3A_909 = arith.select %eq3A_906, %broadcast_in_dim3A_908, %select_n3A_879 : vector<512x512xi1>, vector<512x512xf32>
    %slice3A_910 = vector.extract_strided_slice %select_n3A_894 {offsets = [0, 0], sizes = [512, 128], strides = [1, 1]} : vector<512x512xf32> to vector<512x128xf32>
    %slice3A_911 = vector.extract_strided_slice %select_n3A_894 {offsets = [0, 128], sizes = [512, 128], strides = [1, 1]} : vector<512x512xf32> to vector<512x128xf32>
    %max3A_912 = arith.maximumf %slice3A_910, %slice3A_911 : vector<512x128xf32>
    %slice3A_913 = vector.extract_strided_slice %select_n3A_894 {offsets = [0, 256], sizes = [512, 128], strides = [1, 1]} : vector<512x512xf32> to vector<512x128xf32>
    %slice3A_914 = vector.extract_strided_slice %select_n3A_894 {offsets = [0, 384], sizes = [512, 128], strides = [1, 1]} : vector<512x512xf32> to vector<512x128xf32>
    %max3A_915 = arith.maximumf %slice3A_913, %slice3A_914 : vector<512x128xf32>
    %max3A_916 = arith.maximumf %max3A_912, %max3A_915 : vector<512x128xf32>
    %reduce_max3A_917 = arith.constant dense<0xFF800000> : vector<512xf32>
    %reduce_max3A_918 = vector.multi_reduction <maximumf>, %max3A_916, %reduce_max3A_917 [1] : vector<512x128xf32> to vector<512xf32>
    %broadcast_in_dim3A_919 = vector.shape_cast %reduce_max3A_918 : vector<512xf32> to vector<512x1xf32>
    %eq3A_920 = vector.broadcast %broadcast_in_dim3A_919 : vector<512x1xf32> to vector<512x512xf32>
    %eq3A_921 = arith.cmpf oeq, %select_n3A_894, %eq3A_920 : vector<512x512xf32>
    %jit3A_922 = arith.constant 0xFF800000 : f32
    %broadcast_in_dim3A_923 = vector.broadcast %jit3A_922 : f32 to vector<512x512xf32>
    %select_n3A_924 = arith.select %eq3A_921, %broadcast_in_dim3A_923, %select_n3A_894 : vector<512x512xi1>, vector<512x512xf32>
    %slice3A_925 = vector.extract_strided_slice %select_n3A_909 {offsets = [0, 0], sizes = [512, 128], strides = [1, 1]} : vector<512x512xf32> to vector<512x128xf32>
    %slice3A_926 = vector.extract_strided_slice %select_n3A_909 {offsets = [0, 128], sizes = [512, 128], strides = [1, 1]} : vector<512x512xf32> to vector<512x128xf32>
    %max3A_927 = arith.maximumf %slice3A_925, %slice3A_926 : vector<512x128xf32>
    %slice3A_928 = vector.extract_strided_slice %select_n3A_909 {offsets = [0, 256], sizes = [512, 128], strides = [1, 1]} : vector<512x512xf32> to vector<512x128xf32>
    %slice3A_929 = vector.extract_strided_slice %select_n3A_909 {offsets = [0, 384], sizes = [512, 128], strides = [1, 1]} : vector<512x512xf32> to vector<512x128xf32>
    %max3A_930 = arith.maximumf %slice3A_928, %slice3A_929 : vector<512x128xf32>
    %max3A_931 = arith.maximumf %max3A_927, %max3A_930 : vector<512x128xf32>
    %reduce_max3A_932 = arith.constant dense<0xFF800000> : vector<512xf32>
    %reduce_max3A_933 = vector.multi_reduction <maximumf>, %max3A_931, %reduce_max3A_932 [1] : vector<512x128xf32> to vector<512xf32>
    %broadcast_in_dim3A_934 = vector.shape_cast %reduce_max3A_933 : vector<512xf32> to vector<512x1xf32>
    %eq3A_935 = vector.broadcast %broadcast_in_dim3A_934 : vector<512x1xf32> to vector<512x512xf32>
    %eq3A_936 = arith.cmpf oeq, %select_n3A_909, %eq3A_935 : vector<512x512xf32>
    %jit3A_937 = arith.constant 0xFF800000 : f32
    %broadcast_in_dim3A_938 = vector.broadcast %jit3A_937 : f32 to vector<512x512xf32>
    %select_n3A_939 = arith.select %eq3A_936, %broadcast_in_dim3A_938, %select_n3A_909 : vector<512x512xi1>, vector<512x512xf32>
    %slice3A_940 = vector.extract_strided_slice %select_n3A_924 {offsets = [0, 0], sizes = [512, 128], strides = [1, 1]} : vector<512x512xf32> to vector<512x128xf32>
    %slice3A_941 = vector.extract_strided_slice %select_n3A_924 {offsets = [0, 128], sizes = [512, 128], strides = [1, 1]} : vector<512x512xf32> to vector<512x128xf32>
    %max3A_942 = arith.maximumf %slice3A_940, %slice3A_941 : vector<512x128xf32>
    %slice3A_943 = vector.extract_strided_slice %select_n3A_924 {offsets = [0, 256], sizes = [512, 128], strides = [1, 1]} : vector<512x512xf32> to vector<512x128xf32>
    %slice3A_944 = vector.extract_strided_slice %select_n3A_924 {offsets = [0, 384], sizes = [512, 128], strides = [1, 1]} : vector<512x512xf32> to vector<512x128xf32>
    %max3A_945 = arith.maximumf %slice3A_943, %slice3A_944 : vector<512x128xf32>
    %max3A_946 = arith.maximumf %max3A_942, %max3A_945 : vector<512x128xf32>
    %reduce_max3A_947 = arith.constant dense<0xFF800000> : vector<512xf32>
    %reduce_max3A_948 = vector.multi_reduction <maximumf>, %max3A_946, %reduce_max3A_947 [1] : vector<512x128xf32> to vector<512xf32>
    %broadcast_in_dim3A_949 = vector.shape_cast %reduce_max3A_948 : vector<512xf32> to vector<512x1xf32>
    %eq3A_950 = vector.broadcast %broadcast_in_dim3A_949 : vector<512x1xf32> to vector<512x512xf32>
    %eq3A_951 = arith.cmpf oeq, %select_n3A_924, %eq3A_950 : vector<512x512xf32>
    %jit3A_952 = arith.constant 0xFF800000 : f32
    %broadcast_in_dim3A_953 = vector.broadcast %jit3A_952 : f32 to vector<512x512xf32>
    %select_n3A_954 = arith.select %eq3A_951, %broadcast_in_dim3A_953, %select_n3A_924 : vector<512x512xi1>, vector<512x512xf32>
    %slice3A_955 = vector.extract_strided_slice %select_n3A_939 {offsets = [0, 0], sizes = [512, 128], strides = [1, 1]} : vector<512x512xf32> to vector<512x128xf32>
    %slice3A_956 = vector.extract_strided_slice %select_n3A_939 {offsets = [0, 128], sizes = [512, 128], strides = [1, 1]} : vector<512x512xf32> to vector<512x128xf32>
    %max3A_957 = arith.maximumf %slice3A_955, %slice3A_956 : vector<512x128xf32>
    %slice3A_958 = vector.extract_strided_slice %select_n3A_939 {offsets = [0, 256], sizes = [512, 128], strides = [1, 1]} : vector<512x512xf32> to vector<512x128xf32>
    %slice3A_959 = vector.extract_strided_slice %select_n3A_939 {offsets = [0, 384], sizes = [512, 128], strides = [1, 1]} : vector<512x512xf32> to vector<512x128xf32>
    %max3A_960 = arith.maximumf %slice3A_958, %slice3A_959 : vector<512x128xf32>
    %max3A_961 = arith.maximumf %max3A_957, %max3A_960 : vector<512x128xf32>
    %reduce_max3A_962 = arith.constant dense<0xFF800000> : vector<512xf32>
    %reduce_max3A_963 = vector.multi_reduction <maximumf>, %max3A_961, %reduce_max3A_962 [1] : vector<512x128xf32> to vector<512xf32>
    %broadcast_in_dim3A_964 = vector.shape_cast %reduce_max3A_963 : vector<512xf32> to vector<512x1xf32>
    %slice3A_965 = vector.extract_strided_slice %select_n3A_954 {offsets = [0, 0], sizes = [512, 128], strides = [1, 1]} : vector<512x512xf32> to vector<512x128xf32>
    %slice3A_966 = vector.extract_strided_slice %select_n3A_954 {offsets = [0, 128], sizes = [512, 128], strides = [1, 1]} : vector<512x512xf32> to vector<512x128xf32>
    %max3A_967 = arith.maximumf %slice3A_965, %slice3A_966 : vector<512x128xf32>
    %slice3A_968 = vector.extract_strided_slice %select_n3A_954 {offsets = [0, 256], sizes = [512, 128], strides = [1, 1]} : vector<512x512xf32> to vector<512x128xf32>
    %slice3A_969 = vector.extract_strided_slice %select_n3A_954 {offsets = [0, 384], sizes = [512, 128], strides = [1, 1]} : vector<512x512xf32> to vector<512x128xf32>
    %max3A_970 = arith.maximumf %slice3A_968, %slice3A_969 : vector<512x128xf32>
    %max3A_971 = arith.maximumf %max3A_967, %max3A_970 : vector<512x128xf32>
    %reduce_max3A_972 = arith.constant dense<0xFF800000> : vector<512xf32>
    %reduce_max3A_973 = vector.multi_reduction <maximumf>, %max3A_971, %reduce_max3A_972 [1] : vector<512x128xf32> to vector<512xf32>
    %broadcast_in_dim3A_974 = vector.shape_cast %reduce_max3A_973 : vector<512xf32> to vector<512x1xf32>
    %concatenate3A = tpu.concatenate %broadcast_in_dim3A, %broadcast_in_dim3A_64, %broadcast_in_dim3A_94, %broadcast_in_dim3A_124, %broadcast_in_dim3A_154, %broadcast_in_dim3A_184, %broadcast_in_dim3A_214, %broadcast_in_dim3A_244, %broadcast_in_dim3A_274, %broadcast_in_dim3A_304, %broadcast_in_dim3A_334, %broadcast_in_dim3A_364, %broadcast_in_dim3A_394, %broadcast_in_dim3A_424, %broadcast_in_dim3A_454, %broadcast_in_dim3A_484, %broadcast_in_dim3A_514, %broadcast_in_dim3A_544, %broadcast_in_dim3A_574, %broadcast_in_dim3A_604, %broadcast_in_dim3A_634, %broadcast_in_dim3A_664, %broadcast_in_dim3A_694, %broadcast_in_dim3A_724, %broadcast_in_dim3A_754, %broadcast_in_dim3A_784, %broadcast_in_dim3A_814, %broadcast_in_dim3A_844, %broadcast_in_dim3A_874, %broadcast_in_dim3A_904, %broadcast_in_dim3A_934, %broadcast_in_dim3A_964 in 1 : vector<512x1xf32>, vector<512x1xf32>, vector<512x1xf32>, vector<512x1xf32>, vector<512x1xf32>, vector<512x1xf32>, vector<512x1xf32>, vector<512x1xf32>, vector<512x1xf32>, vector<512x1xf32>, vector<512x1xf32>, vector<512x1xf32>, vector<512x1xf32>, vector<512x1xf32>, vector<512x1xf32>, vector<512x1xf32>, vector<512x1xf32>, vector<512x1xf32>, vector<512x1xf32>, vector<512x1xf32>, vector<512x1xf32>, vector<512x1xf32>, vector<512x1xf32>, vector<512x1xf32>, vector<512x1xf32>, vector<512x1xf32>, vector<512x1xf32>, vector<512x1xf32>, vector<512x1xf32>, vector<512x1xf32>, vector<512x1xf32>, vector<512x1xf32> -> vector<512x32xf32>
    %concatenate3A_975 = tpu.concatenate %broadcast_in_dim3A_49, %broadcast_in_dim3A_79, %broadcast_in_dim3A_109, %broadcast_in_dim3A_139, %broadcast_in_dim3A_169, %broadcast_in_dim3A_199, %broadcast_in_dim3A_229, %broadcast_in_dim3A_259, %broadcast_in_dim3A_289, %broadcast_in_dim3A_319, %broadcast_in_dim3A_349, %broadcast_in_dim3A_379, %broadcast_in_dim3A_409, %broadcast_in_dim3A_439, %broadcast_in_dim3A_469, %broadcast_in_dim3A_499, %broadcast_in_dim3A_529, %broadcast_in_dim3A_559, %broadcast_in_dim3A_589, %broadcast_in_dim3A_619, %broadcast_in_dim3A_649, %broadcast_in_dim3A_679, %broadcast_in_dim3A_709, %broadcast_in_dim3A_739, %broadcast_in_dim3A_769, %broadcast_in_dim3A_799, %broadcast_in_dim3A_829, %broadcast_in_dim3A_859, %broadcast_in_dim3A_889, %broadcast_in_dim3A_919, %broadcast_in_dim3A_949, %broadcast_in_dim3A_974 in 1 : vector<512x1xf32>, vector<512x1xf32>, vector<512x1xf32>, vector<512x1xf32>, vector<512x1xf32>, vector<512x1xf32>, vector<512x1xf32>, vector<512x1xf32>, vector<512x1xf32>, vector<512x1xf32>, vector<512x1xf32>, vector<512x1xf32>, vector<512x1xf32>, vector<512x1xf32>, vector<512x1xf32>, vector<512x1xf32>, vector<512x1xf32>, vector<512x1xf32>, vector<512x1xf32>, vector<512x1xf32>, vector<512x1xf32>, vector<512x1xf32>, vector<512x1xf32>, vector<512x1xf32>, vector<512x1xf32>, vector<512x1xf32>, vector<512x1xf32>, vector<512x1xf32>, vector<512x1xf32>, vector<512x1xf32>, vector<512x1xf32>, vector<512x1xf32> -> vector<512x32xf32>
    %bitcast_convert_type3A_976 = tpu.bitcast %concatenate3A : vector<512x32xf32> -> vector<512x32xi32>
    %bitcast_convert_type3A_977 = tpu.bitcast %concatenate3A_975 : vector<512x32xf32> -> vector<512x32xi32>
    %and3A_978 = arith.constant 511 : i32
    %and3A_979 = vector.broadcast %and3A_978 : i32 to vector<512x32xi32>
    %and3A_980 = arith.andi %bitcast_convert_type3A_976, %and3A_979 : vector<512x32xi32>
    %and3A_981 = arith.constant 511 : i32
    %and3A_982 = vector.broadcast %and3A_981 : i32 to vector<512x32xi32>
    %and3A_983 = arith.andi %bitcast_convert_type3A_977, %and3A_982 : vector<512x32xi32>
    %and3A_984 = arith.constant -512 : i32
    %and3A_985 = vector.broadcast %and3A_984 : i32 to vector<512x32xi32>
    %and3A_986 = arith.andi %bitcast_convert_type3A_976, %and3A_985 : vector<512x32xi32>
    %bitcast_convert_type3A_987 = tpu.bitcast %and3A_986 : vector<512x32xi32> -> vector<512x32xf32>
    %and3A_988 = arith.constant -512 : i32
    %and3A_989 = vector.broadcast %and3A_988 : i32 to vector<512x32xi32>
    %and3A_990 = arith.andi %bitcast_convert_type3A_977, %and3A_989 : vector<512x32xi32>
    %bitcast_convert_type3A_991 = tpu.bitcast %and3A_990 : vector<512x32xi32> -> vector<512x32xf32>
    %get3A_992 = arith.constant 0 : index
    %get3A_993 = arith.constant 0 : index
    %get3A_994 = vector.load %arg6[%get3A_992, %get3A_993] : memref<2x128xi32, #tpu.memory_space<vmem>>, vector<1x128xi32>
    %broadcast_in_dim3A_995 = vector.shape_cast %get3A_994 : vector<1x128xi32> to vector<1x128xi32>
    %broadcast_in_dim3A_996 = vector.broadcast %broadcast_in_dim3A_995 : vector<1x128xi32> to vector<512x128xi32>
    %get3A_997 = arith.constant 1 : index
    %get3A_998 = arith.constant 0 : index
    %get3A_999 = vector.load %arg6[%get3A_997, %get3A_998] : memref<2x128xi32, #tpu.memory_space<vmem>>, vector<1x128xi32>
    %broadcast_in_dim3A_1000 = vector.shape_cast %get3A_999 : vector<1x128xi32> to vector<1x128xi32>
    %broadcast_in_dim3A_1001 = vector.broadcast %broadcast_in_dim3A_1000 : vector<1x128xi32> to vector<512x128xi32>
    %lt3A = arith.constant 0 : i32
    %lt3A_1002 = vector.broadcast %lt3A : i32 to vector<512x128xi32>
    %lt3A_1003 = arith.cmpi slt, %broadcast_in_dim3A_996, %lt3A_1002 : vector<512x128xi32>
    %add3A_1004 = arith.constant 32 : i32
    %add3A_1005 = vector.broadcast %add3A_1004 : i32 to vector<512x128xi32>
    %add3A_1006 = arith.addi %broadcast_in_dim3A_996, %add3A_1005 : vector<512x128xi32>
    %select_n3A_1007 = arith.select %lt3A_1003, %add3A_1006, %broadcast_in_dim3A_996 : vector<512x128xi1>, vector<512x128xi32>
    %reshape3A = vector.shape_cast %select_n3A_1007 : vector<512x128xi32> to vector<512x128x1xi32>
    %gather3A = vector.shape_cast %reshape3A : vector<512x128x1xi32> to vector<512x128xi32>
    %gather3A_1008 = tpu.dynamic_gather %bitcast_convert_type3A_987[%gather3A] in [1] : vector<512x32xf32>, vector<512x128xi32> -> vector<512x128xf32>
    %lt3A_1009 = arith.constant 0 : i32
    %lt3A_1010 = vector.broadcast %lt3A_1009 : i32 to vector<512x128xi32>
    %lt3A_1011 = arith.cmpi slt, %broadcast_in_dim3A_1001, %lt3A_1010 : vector<512x128xi32>
    %add3A_1012 = arith.constant 32 : i32
    %add3A_1013 = vector.broadcast %add3A_1012 : i32 to vector<512x128xi32>
    %add3A_1014 = arith.addi %broadcast_in_dim3A_1001, %add3A_1013 : vector<512x128xi32>
    %select_n3A_1015 = arith.select %lt3A_1011, %add3A_1014, %broadcast_in_dim3A_1001 : vector<512x128xi1>, vector<512x128xi32>
    %reshape3A_1016 = vector.shape_cast %select_n3A_1015 : vector<512x128xi32> to vector<512x128x1xi32>
    %gather3A_1017 = vector.shape_cast %reshape3A_1016 : vector<512x128x1xi32> to vector<512x128xi32>
    %gather3A_1018 = tpu.dynamic_gather %bitcast_convert_type3A_991[%gather3A_1017] in [1] : vector<512x32xf32>, vector<512x128xi32> -> vector<512x128xf32>
    %lt3A_1019 = arith.constant 0 : i32
    %lt3A_1020 = vector.broadcast %lt3A_1019 : i32 to vector<512x128xi32>
    %lt3A_1021 = arith.cmpi slt, %broadcast_in_dim3A_996, %lt3A_1020 : vector<512x128xi32>
    %add3A_1022 = arith.constant 32 : i32
    %add3A_1023 = vector.broadcast %add3A_1022 : i32 to vector<512x128xi32>
    %add3A_1024 = arith.addi %broadcast_in_dim3A_996, %add3A_1023 : vector<512x128xi32>
    %select_n3A_1025 = arith.select %lt3A_1021, %add3A_1024, %broadcast_in_dim3A_996 : vector<512x128xi1>, vector<512x128xi32>
    %reshape3A_1026 = vector.shape_cast %select_n3A_1025 : vector<512x128xi32> to vector<512x128x1xi32>
    %gather3A_1027 = vector.shape_cast %reshape3A_1026 : vector<512x128x1xi32> to vector<512x128xi32>
    %gather3A_1028 = tpu.dynamic_gather %and3A_980[%gather3A_1027] in [1] : vector<512x32xi32>, vector<512x128xi32> -> vector<512x128xi32>
    %lt3A_1029 = arith.constant 0 : i32
    %lt3A_1030 = vector.broadcast %lt3A_1029 : i32 to vector<512x128xi32>
    %lt3A_1031 = arith.cmpi slt, %broadcast_in_dim3A_1001, %lt3A_1030 : vector<512x128xi32>
    %add3A_1032 = arith.constant 32 : i32
    %add3A_1033 = vector.broadcast %add3A_1032 : i32 to vector<512x128xi32>
    %add3A_1034 = arith.addi %broadcast_in_dim3A_1001, %add3A_1033 : vector<512x128xi32>
    %select_n3A_1035 = arith.select %lt3A_1031, %add3A_1034, %broadcast_in_dim3A_1001 : vector<512x128xi1>, vector<512x128xi32>
    %reshape3A_1036 = vector.shape_cast %select_n3A_1035 : vector<512x128xi32> to vector<512x128x1xi32>
    %gather3A_1037 = vector.shape_cast %reshape3A_1036 : vector<512x128x1xi32> to vector<512x128xi32>
    %gather3A_1038 = tpu.dynamic_gather %and3A_983[%gather3A_1037] in [1] : vector<512x32xi32>, vector<512x128xi32> -> vector<512x128xi32>
    %add3A_1039 = arith.addf %gather3A_1008, %gather3A_1018 : vector<512x128xf32>
    %mul3A = arith.constant 512 : i32
    %mul3A_1040 = vector.broadcast %mul3A : i32 to vector<512x128xi32>
    %mul3A_1041 = arith.muli %gather3A_1028, %mul3A_1040 : vector<512x128xi32>
    %add3A_1042 = arith.addi %mul3A_1041, %gather3A_1038 : vector<512x128xi32>
    %iota3A_1043 = tpu.iota {dimensions = array<i32: 1>} : vector<512x128xi32>
    %lt3A_1044 = arith.constant 119 : i32
    %lt3A_1045 = vector.broadcast %lt3A_1044 : i32 to vector<512x128xi32>
    %lt3A_1046 = arith.cmpi slt, %iota3A_1043, %lt3A_1045 : vector<512x128xi32>
    %jit3A_1047 = arith.constant -3.000000e+38 : f32
    %broadcast_in_dim3A_1048 = vector.broadcast %jit3A_1047 : f32 to vector<512x128xf32>
    %select_n3A_1049 = arith.select %lt3A_1046, %add3A_1039, %broadcast_in_dim3A_1048 : vector<512x128xi1>, vector<512x128xf32>
    %bitcast_convert_type3A_1050 = tpu.bitcast %select_n3A_1049 : vector<512x128xf32> -> vector<512x128xi32>
    %and3A_1051 = arith.constant -128 : i32
    %and3A_1052 = vector.broadcast %and3A_1051 : i32 to vector<512x128xi32>
    %and3A_1053 = arith.andi %bitcast_convert_type3A_1050, %and3A_1052 : vector<512x128xi32>
    %or3A_1054 = arith.ori %and3A_1053, %iota3A_1043 : vector<512x128xi32>
    %bitcast_convert_type3A_1055 = tpu.bitcast %or3A_1054 : vector<512x128xi32> -> vector<512x128xf32>
    %reduce_max3A_1056 = arith.constant dense<0xFF800000> : vector<512xf32>
    %reduce_max3A_1057 = vector.multi_reduction <maximumf>, %bitcast_convert_type3A_1055, %reduce_max3A_1056 [1] : vector<512x128xf32> to vector<512xf32>
    %broadcast_in_dim3A_1058 = vector.shape_cast %reduce_max3A_1057 : vector<512xf32> to vector<512x1xf32>
    %eq3A_1059 = vector.broadcast %broadcast_in_dim3A_1058 : vector<512x1xf32> to vector<512x128xf32>
    %eq3A_1060 = arith.cmpf oeq, %bitcast_convert_type3A_1055, %eq3A_1059 : vector<512x128xf32>
    %jit3A_1061 = arith.constant 0xFF800000 : f32
    %broadcast_in_dim3A_1062 = vector.broadcast %jit3A_1061 : f32 to vector<512x128xf32>
    %select_n3A_1063 = arith.select %eq3A_1060, %broadcast_in_dim3A_1062, %bitcast_convert_type3A_1055 : vector<512x128xi1>, vector<512x128xf32>
    %reduce_max3A_1064 = arith.constant dense<0xFF800000> : vector<512xf32>
    %reduce_max3A_1065 = vector.multi_reduction <maximumf>, %select_n3A_1063, %reduce_max3A_1064 [1] : vector<512x128xf32> to vector<512xf32>
    %broadcast_in_dim3A_1066 = vector.shape_cast %reduce_max3A_1065 : vector<512xf32> to vector<512x1xf32>
    %eq3A_1067 = vector.broadcast %broadcast_in_dim3A_1066 : vector<512x1xf32> to vector<512x128xf32>
    %eq3A_1068 = arith.cmpf oeq, %select_n3A_1063, %eq3A_1067 : vector<512x128xf32>
    %jit3A_1069 = arith.constant 0xFF800000 : f32
    %broadcast_in_dim3A_1070 = vector.broadcast %jit3A_1069 : f32 to vector<512x128xf32>
    %select_n3A_1071 = arith.select %eq3A_1068, %broadcast_in_dim3A_1070, %select_n3A_1063 : vector<512x128xi1>, vector<512x128xf32>
    %reduce_max3A_1072 = arith.constant dense<0xFF800000> : vector<512xf32>
    %reduce_max3A_1073 = vector.multi_reduction <maximumf>, %select_n3A_1071, %reduce_max3A_1072 [1] : vector<512x128xf32> to vector<512xf32>
    %broadcast_in_dim3A_1074 = vector.shape_cast %reduce_max3A_1073 : vector<512xf32> to vector<512x1xf32>
    %eq3A_1075 = vector.broadcast %broadcast_in_dim3A_1074 : vector<512x1xf32> to vector<512x128xf32>
    %eq3A_1076 = arith.cmpf oeq, %select_n3A_1071, %eq3A_1075 : vector<512x128xf32>
    %jit3A_1077 = arith.constant 0xFF800000 : f32
    %broadcast_in_dim3A_1078 = vector.broadcast %jit3A_1077 : f32 to vector<512x128xf32>
    %select_n3A_1079 = arith.select %eq3A_1076, %broadcast_in_dim3A_1078, %select_n3A_1071 : vector<512x128xi1>, vector<512x128xf32>
    %reduce_max3A_1080 = arith.constant dense<0xFF800000> : vector<512xf32>
    %reduce_max3A_1081 = vector.multi_reduction <maximumf>, %select_n3A_1079, %reduce_max3A_1080 [1] : vector<512x128xf32> to vector<512xf32>
    %broadcast_in_dim3A_1082 = vector.shape_cast %reduce_max3A_1081 : vector<512xf32> to vector<512x1xf32>
    %eq3A_1083 = vector.broadcast %broadcast_in_dim3A_1082 : vector<512x1xf32> to vector<512x128xf32>
    %eq3A_1084 = arith.cmpf oeq, %select_n3A_1079, %eq3A_1083 : vector<512x128xf32>
    %jit3A_1085 = arith.constant 0xFF800000 : f32
    %broadcast_in_dim3A_1086 = vector.broadcast %jit3A_1085 : f32 to vector<512x128xf32>
    %select_n3A_1087 = arith.select %eq3A_1084, %broadcast_in_dim3A_1086, %select_n3A_1079 : vector<512x128xi1>, vector<512x128xf32>
    %reduce_max3A_1088 = arith.constant dense<0xFF800000> : vector<512xf32>
    %reduce_max3A_1089 = vector.multi_reduction <maximumf>, %select_n3A_1087, %reduce_max3A_1088 [1] : vector<512x128xf32> to vector<512xf32>
    %broadcast_in_dim3A_1090 = vector.shape_cast %reduce_max3A_1089 : vector<512xf32> to vector<512x1xf32>
    %eq3A_1091 = vector.broadcast %broadcast_in_dim3A_1090 : vector<512x1xf32> to vector<512x128xf32>
    %eq3A_1092 = arith.cmpf oeq, %select_n3A_1087, %eq3A_1091 : vector<512x128xf32>
    %jit3A_1093 = arith.constant 0xFF800000 : f32
    %broadcast_in_dim3A_1094 = vector.broadcast %jit3A_1093 : f32 to vector<512x128xf32>
    %select_n3A_1095 = arith.select %eq3A_1092, %broadcast_in_dim3A_1094, %select_n3A_1087 : vector<512x128xi1>, vector<512x128xf32>
    %reduce_max3A_1096 = arith.constant dense<0xFF800000> : vector<512xf32>
    %reduce_max3A_1097 = vector.multi_reduction <maximumf>, %select_n3A_1095, %reduce_max3A_1096 [1] : vector<512x128xf32> to vector<512xf32>
    %broadcast_in_dim3A_1098 = vector.shape_cast %reduce_max3A_1097 : vector<512xf32> to vector<512x1xf32>
    %eq3A_1099 = vector.broadcast %broadcast_in_dim3A_1098 : vector<512x1xf32> to vector<512x128xf32>
    %eq3A_1100 = arith.cmpf oeq, %select_n3A_1095, %eq3A_1099 : vector<512x128xf32>
    %jit3A_1101 = arith.constant 0xFF800000 : f32
    %broadcast_in_dim3A_1102 = vector.broadcast %jit3A_1101 : f32 to vector<512x128xf32>
    %select_n3A_1103 = arith.select %eq3A_1100, %broadcast_in_dim3A_1102, %select_n3A_1095 : vector<512x128xi1>, vector<512x128xf32>
    %reduce_max3A_1104 = arith.constant dense<0xFF800000> : vector<512xf32>
    %reduce_max3A_1105 = vector.multi_reduction <maximumf>, %select_n3A_1103, %reduce_max3A_1104 [1] : vector<512x128xf32> to vector<512xf32>
    %broadcast_in_dim3A_1106 = vector.shape_cast %reduce_max3A_1105 : vector<512xf32> to vector<512x1xf32>
    %eq3A_1107 = vector.broadcast %broadcast_in_dim3A_1106 : vector<512x1xf32> to vector<512x128xf32>
    %eq3A_1108 = arith.cmpf oeq, %select_n3A_1103, %eq3A_1107 : vector<512x128xf32>
    %jit3A_1109 = arith.constant 0xFF800000 : f32
    %broadcast_in_dim3A_1110 = vector.broadcast %jit3A_1109 : f32 to vector<512x128xf32>
    %select_n3A_1111 = arith.select %eq3A_1108, %broadcast_in_dim3A_1110, %select_n3A_1103 : vector<512x128xi1>, vector<512x128xf32>
    %reduce_max3A_1112 = arith.constant dense<0xFF800000> : vector<512xf32>
    %reduce_max3A_1113 = vector.multi_reduction <maximumf>, %select_n3A_1111, %reduce_max3A_1112 [1] : vector<512x128xf32> to vector<512xf32>
    %broadcast_in_dim3A_1114 = vector.shape_cast %reduce_max3A_1113 : vector<512xf32> to vector<512x1xf32>
    %eq3A_1115 = vector.broadcast %broadcast_in_dim3A_1114 : vector<512x1xf32> to vector<512x128xf32>
    %eq3A_1116 = arith.cmpf oeq, %select_n3A_1111, %eq3A_1115 : vector<512x128xf32>
    %jit3A_1117 = arith.constant 0xFF800000 : f32
    %broadcast_in_dim3A_1118 = vector.broadcast %jit3A_1117 : f32 to vector<512x128xf32>
    %select_n3A_1119 = arith.select %eq3A_1116, %broadcast_in_dim3A_1118, %select_n3A_1111 : vector<512x128xi1>, vector<512x128xf32>
    %reduce_max3A_1120 = arith.constant dense<0xFF800000> : vector<512xf32>
    %reduce_max3A_1121 = vector.multi_reduction <maximumf>, %select_n3A_1119, %reduce_max3A_1120 [1] : vector<512x128xf32> to vector<512xf32>
    %broadcast_in_dim3A_1122 = vector.shape_cast %reduce_max3A_1121 : vector<512xf32> to vector<512x1xf32>
    %eq3A_1123 = vector.broadcast %broadcast_in_dim3A_1122 : vector<512x1xf32> to vector<512x128xf32>
    %eq3A_1124 = arith.cmpf oeq, %select_n3A_1119, %eq3A_1123 : vector<512x128xf32>
    %jit3A_1125 = arith.constant 0xFF800000 : f32
    %broadcast_in_dim3A_1126 = vector.broadcast %jit3A_1125 : f32 to vector<512x128xf32>
    %select_n3A_1127 = arith.select %eq3A_1124, %broadcast_in_dim3A_1126, %select_n3A_1119 : vector<512x128xi1>, vector<512x128xf32>
    %reduce_max3A_1128 = arith.constant dense<0xFF800000> : vector<512xf32>
    %reduce_max3A_1129 = vector.multi_reduction <maximumf>, %select_n3A_1127, %reduce_max3A_1128 [1] : vector<512x128xf32> to vector<512xf32>
    %broadcast_in_dim3A_1130 = vector.shape_cast %reduce_max3A_1129 : vector<512xf32> to vector<512x1xf32>
    %eq3A_1131 = vector.broadcast %broadcast_in_dim3A_1130 : vector<512x1xf32> to vector<512x128xf32>
    %eq3A_1132 = arith.cmpf oeq, %select_n3A_1127, %eq3A_1131 : vector<512x128xf32>
    %jit3A_1133 = arith.constant 0xFF800000 : f32
    %broadcast_in_dim3A_1134 = vector.broadcast %jit3A_1133 : f32 to vector<512x128xf32>
    %select_n3A_1135 = arith.select %eq3A_1132, %broadcast_in_dim3A_1134, %select_n3A_1127 : vector<512x128xi1>, vector<512x128xf32>
    %reduce_max3A_1136 = arith.constant dense<0xFF800000> : vector<512xf32>
    %reduce_max3A_1137 = vector.multi_reduction <maximumf>, %select_n3A_1135, %reduce_max3A_1136 [1] : vector<512x128xf32> to vector<512xf32>
    %broadcast_in_dim3A_1138 = vector.shape_cast %reduce_max3A_1137 : vector<512xf32> to vector<512x1xf32>
    %eq3A_1139 = vector.broadcast %broadcast_in_dim3A_1138 : vector<512x1xf32> to vector<512x128xf32>
    %eq3A_1140 = arith.cmpf oeq, %select_n3A_1135, %eq3A_1139 : vector<512x128xf32>
    %jit3A_1141 = arith.constant 0xFF800000 : f32
    %broadcast_in_dim3A_1142 = vector.broadcast %jit3A_1141 : f32 to vector<512x128xf32>
    %select_n3A_1143 = arith.select %eq3A_1140, %broadcast_in_dim3A_1142, %select_n3A_1135 : vector<512x128xi1>, vector<512x128xf32>
    %reduce_max3A_1144 = arith.constant dense<0xFF800000> : vector<512xf32>
    %reduce_max3A_1145 = vector.multi_reduction <maximumf>, %select_n3A_1143, %reduce_max3A_1144 [1] : vector<512x128xf32> to vector<512xf32>
    %broadcast_in_dim3A_1146 = vector.shape_cast %reduce_max3A_1145 : vector<512xf32> to vector<512x1xf32>
    %eq3A_1147 = vector.broadcast %broadcast_in_dim3A_1146 : vector<512x1xf32> to vector<512x128xf32>
    %eq3A_1148 = arith.cmpf oeq, %select_n3A_1143, %eq3A_1147 : vector<512x128xf32>
    %jit3A_1149 = arith.constant 0xFF800000 : f32
    %broadcast_in_dim3A_1150 = vector.broadcast %jit3A_1149 : f32 to vector<512x128xf32>
    %select_n3A_1151 = arith.select %eq3A_1148, %broadcast_in_dim3A_1150, %select_n3A_1143 : vector<512x128xi1>, vector<512x128xf32>
    %reduce_max3A_1152 = arith.constant dense<0xFF800000> : vector<512xf32>
    %reduce_max3A_1153 = vector.multi_reduction <maximumf>, %select_n3A_1151, %reduce_max3A_1152 [1] : vector<512x128xf32> to vector<512xf32>
    %broadcast_in_dim3A_1154 = vector.shape_cast %reduce_max3A_1153 : vector<512xf32> to vector<512x1xf32>
    %eq3A_1155 = vector.broadcast %broadcast_in_dim3A_1154 : vector<512x1xf32> to vector<512x128xf32>
    %eq3A_1156 = arith.cmpf oeq, %select_n3A_1151, %eq3A_1155 : vector<512x128xf32>
    %jit3A_1157 = arith.constant 0xFF800000 : f32
    %broadcast_in_dim3A_1158 = vector.broadcast %jit3A_1157 : f32 to vector<512x128xf32>
    %select_n3A_1159 = arith.select %eq3A_1156, %broadcast_in_dim3A_1158, %select_n3A_1151 : vector<512x128xi1>, vector<512x128xf32>
    %reduce_max3A_1160 = arith.constant dense<0xFF800000> : vector<512xf32>
    %reduce_max3A_1161 = vector.multi_reduction <maximumf>, %select_n3A_1159, %reduce_max3A_1160 [1] : vector<512x128xf32> to vector<512xf32>
    %broadcast_in_dim3A_1162 = vector.shape_cast %reduce_max3A_1161 : vector<512xf32> to vector<512x1xf32>
    %eq3A_1163 = vector.broadcast %broadcast_in_dim3A_1162 : vector<512x1xf32> to vector<512x128xf32>
    %eq3A_1164 = arith.cmpf oeq, %select_n3A_1159, %eq3A_1163 : vector<512x128xf32>
    %jit3A_1165 = arith.constant 0xFF800000 : f32
    %broadcast_in_dim3A_1166 = vector.broadcast %jit3A_1165 : f32 to vector<512x128xf32>
    %select_n3A_1167 = arith.select %eq3A_1164, %broadcast_in_dim3A_1166, %select_n3A_1159 : vector<512x128xi1>, vector<512x128xf32>
    %reduce_max3A_1168 = arith.constant dense<0xFF800000> : vector<512xf32>
    %reduce_max3A_1169 = vector.multi_reduction <maximumf>, %select_n3A_1167, %reduce_max3A_1168 [1] : vector<512x128xf32> to vector<512xf32>
    %broadcast_in_dim3A_1170 = vector.shape_cast %reduce_max3A_1169 : vector<512xf32> to vector<512x1xf32>
    %eq3A_1171 = vector.broadcast %broadcast_in_dim3A_1170 : vector<512x1xf32> to vector<512x128xf32>
    %eq3A_1172 = arith.cmpf oeq, %select_n3A_1167, %eq3A_1171 : vector<512x128xf32>
    %jit3A_1173 = arith.constant 0xFF800000 : f32
    %broadcast_in_dim3A_1174 = vector.broadcast %jit3A_1173 : f32 to vector<512x128xf32>
    %select_n3A_1175 = arith.select %eq3A_1172, %broadcast_in_dim3A_1174, %select_n3A_1167 : vector<512x128xi1>, vector<512x128xf32>
    %reduce_max3A_1176 = arith.constant dense<0xFF800000> : vector<512xf32>
    %reduce_max3A_1177 = vector.multi_reduction <maximumf>, %select_n3A_1175, %reduce_max3A_1176 [1] : vector<512x128xf32> to vector<512xf32>
    %broadcast_in_dim3A_1178 = vector.shape_cast %reduce_max3A_1177 : vector<512xf32> to vector<512x1xf32>
    %eq3A_1179 = vector.broadcast %broadcast_in_dim3A_1178 : vector<512x1xf32> to vector<512x128xf32>
    %eq3A_1180 = arith.cmpf oeq, %select_n3A_1175, %eq3A_1179 : vector<512x128xf32>
    %jit3A_1181 = arith.constant 0xFF800000 : f32
    %broadcast_in_dim3A_1182 = vector.broadcast %jit3A_1181 : f32 to vector<512x128xf32>
    %select_n3A_1183 = arith.select %eq3A_1180, %broadcast_in_dim3A_1182, %select_n3A_1175 : vector<512x128xi1>, vector<512x128xf32>
    %reduce_max3A_1184 = arith.constant dense<0xFF800000> : vector<512xf32>
    %reduce_max3A_1185 = vector.multi_reduction <maximumf>, %select_n3A_1183, %reduce_max3A_1184 [1] : vector<512x128xf32> to vector<512xf32>
    %broadcast_in_dim3A_1186 = vector.shape_cast %reduce_max3A_1185 : vector<512xf32> to vector<512x1xf32>
    %eq3A_1187 = vector.broadcast %broadcast_in_dim3A_1186 : vector<512x1xf32> to vector<512x128xf32>
    %eq3A_1188 = arith.cmpf oeq, %select_n3A_1183, %eq3A_1187 : vector<512x128xf32>
    %jit3A_1189 = arith.constant 0xFF800000 : f32
    %broadcast_in_dim3A_1190 = vector.broadcast %jit3A_1189 : f32 to vector<512x128xf32>
    %select_n3A_1191 = arith.select %eq3A_1188, %broadcast_in_dim3A_1190, %select_n3A_1183 : vector<512x128xi1>, vector<512x128xf32>
    %reduce_max3A_1192 = arith.constant dense<0xFF800000> : vector<512xf32>
    %reduce_max3A_1193 = vector.multi_reduction <maximumf>, %select_n3A_1191, %reduce_max3A_1192 [1] : vector<512x128xf32> to vector<512xf32>
    %broadcast_in_dim3A_1194 = vector.shape_cast %reduce_max3A_1193 : vector<512xf32> to vector<512x1xf32>
    %eq3A_1195 = vector.broadcast %broadcast_in_dim3A_1194 : vector<512x1xf32> to vector<512x128xf32>
    %eq3A_1196 = arith.cmpf oeq, %select_n3A_1191, %eq3A_1195 : vector<512x128xf32>
    %jit3A_1197 = arith.constant 0xFF800000 : f32
    %broadcast_in_dim3A_1198 = vector.broadcast %jit3A_1197 : f32 to vector<512x128xf32>
    %select_n3A_1199 = arith.select %eq3A_1196, %broadcast_in_dim3A_1198, %select_n3A_1191 : vector<512x128xi1>, vector<512x128xf32>
    %reduce_max3A_1200 = arith.constant dense<0xFF800000> : vector<512xf32>
    %reduce_max3A_1201 = vector.multi_reduction <maximumf>, %select_n3A_1199, %reduce_max3A_1200 [1] : vector<512x128xf32> to vector<512xf32>
    %broadcast_in_dim3A_1202 = vector.shape_cast %reduce_max3A_1201 : vector<512xf32> to vector<512x1xf32>
    %eq3A_1203 = vector.broadcast %broadcast_in_dim3A_1202 : vector<512x1xf32> to vector<512x128xf32>
    %eq3A_1204 = arith.cmpf oeq, %select_n3A_1199, %eq3A_1203 : vector<512x128xf32>
    %jit3A_1205 = arith.constant 0xFF800000 : f32
    %broadcast_in_dim3A_1206 = vector.broadcast %jit3A_1205 : f32 to vector<512x128xf32>
    %select_n3A_1207 = arith.select %eq3A_1204, %broadcast_in_dim3A_1206, %select_n3A_1199 : vector<512x128xi1>, vector<512x128xf32>
    %reduce_max3A_1208 = arith.constant dense<0xFF800000> : vector<512xf32>
    %reduce_max3A_1209 = vector.multi_reduction <maximumf>, %select_n3A_1207, %reduce_max3A_1208 [1] : vector<512x128xf32> to vector<512xf32>
    %broadcast_in_dim3A_1210 = vector.shape_cast %reduce_max3A_1209 : vector<512xf32> to vector<512x1xf32>
    %eq3A_1211 = vector.broadcast %broadcast_in_dim3A_1210 : vector<512x1xf32> to vector<512x128xf32>
    %eq3A_1212 = arith.cmpf oeq, %select_n3A_1207, %eq3A_1211 : vector<512x128xf32>
    %jit3A_1213 = arith.constant 0xFF800000 : f32
    %broadcast_in_dim3A_1214 = vector.broadcast %jit3A_1213 : f32 to vector<512x128xf32>
    %select_n3A_1215 = arith.select %eq3A_1212, %broadcast_in_dim3A_1214, %select_n3A_1207 : vector<512x128xi1>, vector<512x128xf32>
    %reduce_max3A_1216 = arith.constant dense<0xFF800000> : vector<512xf32>
    %reduce_max3A_1217 = vector.multi_reduction <maximumf>, %select_n3A_1215, %reduce_max3A_1216 [1] : vector<512x128xf32> to vector<512xf32>
    %broadcast_in_dim3A_1218 = vector.shape_cast %reduce_max3A_1217 : vector<512xf32> to vector<512x1xf32>
    %eq3A_1219 = vector.broadcast %broadcast_in_dim3A_1218 : vector<512x1xf32> to vector<512x128xf32>
    %eq3A_1220 = arith.cmpf oeq, %select_n3A_1215, %eq3A_1219 : vector<512x128xf32>
    %jit3A_1221 = arith.constant 0xFF800000 : f32
    %broadcast_in_dim3A_1222 = vector.broadcast %jit3A_1221 : f32 to vector<512x128xf32>
    %select_n3A_1223 = arith.select %eq3A_1220, %broadcast_in_dim3A_1222, %select_n3A_1215 : vector<512x128xi1>, vector<512x128xf32>
    %reduce_max3A_1224 = arith.constant dense<0xFF800000> : vector<512xf32>
    %reduce_max3A_1225 = vector.multi_reduction <maximumf>, %select_n3A_1223, %reduce_max3A_1224 [1] : vector<512x128xf32> to vector<512xf32>
    %broadcast_in_dim3A_1226 = vector.shape_cast %reduce_max3A_1225 : vector<512xf32> to vector<512x1xf32>
    %eq3A_1227 = vector.broadcast %broadcast_in_dim3A_1226 : vector<512x1xf32> to vector<512x128xf32>
    %eq3A_1228 = arith.cmpf oeq, %select_n3A_1223, %eq3A_1227 : vector<512x128xf32>
    %jit3A_1229 = arith.constant 0xFF800000 : f32
    %broadcast_in_dim3A_1230 = vector.broadcast %jit3A_1229 : f32 to vector<512x128xf32>
    %select_n3A_1231 = arith.select %eq3A_1228, %broadcast_in_dim3A_1230, %select_n3A_1223 : vector<512x128xi1>, vector<512x128xf32>
    %reduce_max3A_1232 = arith.constant dense<0xFF800000> : vector<512xf32>
    %reduce_max3A_1233 = vector.multi_reduction <maximumf>, %select_n3A_1231, %reduce_max3A_1232 [1] : vector<512x128xf32> to vector<512xf32>
    %broadcast_in_dim3A_1234 = vector.shape_cast %reduce_max3A_1233 : vector<512xf32> to vector<512x1xf32>
    %eq3A_1235 = vector.broadcast %broadcast_in_dim3A_1234 : vector<512x1xf32> to vector<512x128xf32>
    %eq3A_1236 = arith.cmpf oeq, %select_n3A_1231, %eq3A_1235 : vector<512x128xf32>
    %jit3A_1237 = arith.constant 0xFF800000 : f32
    %broadcast_in_dim3A_1238 = vector.broadcast %jit3A_1237 : f32 to vector<512x128xf32>
    %select_n3A_1239 = arith.select %eq3A_1236, %broadcast_in_dim3A_1238, %select_n3A_1231 : vector<512x128xi1>, vector<512x128xf32>
    %reduce_max3A_1240 = arith.constant dense<0xFF800000> : vector<512xf32>
    %reduce_max3A_1241 = vector.multi_reduction <maximumf>, %select_n3A_1239, %reduce_max3A_1240 [1] : vector<512x128xf32> to vector<512xf32>
    %broadcast_in_dim3A_1242 = vector.shape_cast %reduce_max3A_1241 : vector<512xf32> to vector<512x1xf32>
    %eq3A_1243 = vector.broadcast %broadcast_in_dim3A_1242 : vector<512x1xf32> to vector<512x128xf32>
    %eq3A_1244 = arith.cmpf oeq, %select_n3A_1239, %eq3A_1243 : vector<512x128xf32>
    %jit3A_1245 = arith.constant 0xFF800000 : f32
    %broadcast_in_dim3A_1246 = vector.broadcast %jit3A_1245 : f32 to vector<512x128xf32>
    %select_n3A_1247 = arith.select %eq3A_1244, %broadcast_in_dim3A_1246, %select_n3A_1239 : vector<512x128xi1>, vector<512x128xf32>
    %reduce_max3A_1248 = arith.constant dense<0xFF800000> : vector<512xf32>
    %reduce_max3A_1249 = vector.multi_reduction <maximumf>, %select_n3A_1247, %reduce_max3A_1248 [1] : vector<512x128xf32> to vector<512xf32>
    %broadcast_in_dim3A_1250 = vector.shape_cast %reduce_max3A_1249 : vector<512xf32> to vector<512x1xf32>
    %eq3A_1251 = vector.broadcast %broadcast_in_dim3A_1250 : vector<512x1xf32> to vector<512x128xf32>
    %eq3A_1252 = arith.cmpf oeq, %select_n3A_1247, %eq3A_1251 : vector<512x128xf32>
    %jit3A_1253 = arith.constant 0xFF800000 : f32
    %broadcast_in_dim3A_1254 = vector.broadcast %jit3A_1253 : f32 to vector<512x128xf32>
    %select_n3A_1255 = arith.select %eq3A_1252, %broadcast_in_dim3A_1254, %select_n3A_1247 : vector<512x128xi1>, vector<512x128xf32>
    %reduce_max3A_1256 = arith.constant dense<0xFF800000> : vector<512xf32>
    %reduce_max3A_1257 = vector.multi_reduction <maximumf>, %select_n3A_1255, %reduce_max3A_1256 [1] : vector<512x128xf32> to vector<512xf32>
    %broadcast_in_dim3A_1258 = vector.shape_cast %reduce_max3A_1257 : vector<512xf32> to vector<512x1xf32>
    %eq3A_1259 = vector.broadcast %broadcast_in_dim3A_1258 : vector<512x1xf32> to vector<512x128xf32>
    %eq3A_1260 = arith.cmpf oeq, %select_n3A_1255, %eq3A_1259 : vector<512x128xf32>
    %jit3A_1261 = arith.constant 0xFF800000 : f32
    %broadcast_in_dim3A_1262 = vector.broadcast %jit3A_1261 : f32 to vector<512x128xf32>
    %select_n3A_1263 = arith.select %eq3A_1260, %broadcast_in_dim3A_1262, %select_n3A_1255 : vector<512x128xi1>, vector<512x128xf32>
    %reduce_max3A_1264 = arith.constant dense<0xFF800000> : vector<512xf32>
    %reduce_max3A_1265 = vector.multi_reduction <maximumf>, %select_n3A_1263, %reduce_max3A_1264 [1] : vector<512x128xf32> to vector<512xf32>
    %broadcast_in_dim3A_1266 = vector.shape_cast %reduce_max3A_1265 : vector<512xf32> to vector<512x1xf32>
    %eq3A_1267 = vector.broadcast %broadcast_in_dim3A_1266 : vector<512x1xf32> to vector<512x128xf32>
    %eq3A_1268 = arith.cmpf oeq, %select_n3A_1263, %eq3A_1267 : vector<512x128xf32>
    %jit3A_1269 = arith.constant 0xFF800000 : f32
    %broadcast_in_dim3A_1270 = vector.broadcast %jit3A_1269 : f32 to vector<512x128xf32>
    %select_n3A_1271 = arith.select %eq3A_1268, %broadcast_in_dim3A_1270, %select_n3A_1263 : vector<512x128xi1>, vector<512x128xf32>
    %reduce_max3A_1272 = arith.constant dense<0xFF800000> : vector<512xf32>
    %reduce_max3A_1273 = vector.multi_reduction <maximumf>, %select_n3A_1271, %reduce_max3A_1272 [1] : vector<512x128xf32> to vector<512xf32>
    %broadcast_in_dim3A_1274 = vector.shape_cast %reduce_max3A_1273 : vector<512xf32> to vector<512x1xf32>
    %eq3A_1275 = vector.broadcast %broadcast_in_dim3A_1274 : vector<512x1xf32> to vector<512x128xf32>
    %eq3A_1276 = arith.cmpf oeq, %select_n3A_1271, %eq3A_1275 : vector<512x128xf32>
    %jit3A_1277 = arith.constant 0xFF800000 : f32
    %broadcast_in_dim3A_1278 = vector.broadcast %jit3A_1277 : f32 to vector<512x128xf32>
    %select_n3A_1279 = arith.select %eq3A_1276, %broadcast_in_dim3A_1278, %select_n3A_1271 : vector<512x128xi1>, vector<512x128xf32>
    %reduce_max3A_1280 = arith.constant dense<0xFF800000> : vector<512xf32>
    %reduce_max3A_1281 = vector.multi_reduction <maximumf>, %select_n3A_1279, %reduce_max3A_1280 [1] : vector<512x128xf32> to vector<512xf32>
    %broadcast_in_dim3A_1282 = vector.shape_cast %reduce_max3A_1281 : vector<512xf32> to vector<512x1xf32>
    %eq3A_1283 = vector.broadcast %broadcast_in_dim3A_1282 : vector<512x1xf32> to vector<512x128xf32>
    %eq3A_1284 = arith.cmpf oeq, %select_n3A_1279, %eq3A_1283 : vector<512x128xf32>
    %jit3A_1285 = arith.constant 0xFF800000 : f32
    %broadcast_in_dim3A_1286 = vector.broadcast %jit3A_1285 : f32 to vector<512x128xf32>
    %select_n3A_1287 = arith.select %eq3A_1284, %broadcast_in_dim3A_1286, %select_n3A_1279 : vector<512x128xi1>, vector<512x128xf32>
    %reduce_max3A_1288 = arith.constant dense<0xFF800000> : vector<512xf32>
    %reduce_max3A_1289 = vector.multi_reduction <maximumf>, %select_n3A_1287, %reduce_max3A_1288 [1] : vector<512x128xf32> to vector<512xf32>
    %broadcast_in_dim3A_1290 = vector.shape_cast %reduce_max3A_1289 : vector<512xf32> to vector<512x1xf32>
    %eq3A_1291 = vector.broadcast %broadcast_in_dim3A_1290 : vector<512x1xf32> to vector<512x128xf32>
    %eq3A_1292 = arith.cmpf oeq, %select_n3A_1287, %eq3A_1291 : vector<512x128xf32>
    %jit3A_1293 = arith.constant 0xFF800000 : f32
    %broadcast_in_dim3A_1294 = vector.broadcast %jit3A_1293 : f32 to vector<512x128xf32>
    %select_n3A_1295 = arith.select %eq3A_1292, %broadcast_in_dim3A_1294, %select_n3A_1287 : vector<512x128xi1>, vector<512x128xf32>
    %reduce_max3A_1296 = arith.constant dense<0xFF800000> : vector<512xf32>
    %reduce_max3A_1297 = vector.multi_reduction <maximumf>, %select_n3A_1295, %reduce_max3A_1296 [1] : vector<512x128xf32> to vector<512xf32>
    %broadcast_in_dim3A_1298 = vector.shape_cast %reduce_max3A_1297 : vector<512xf32> to vector<512x1xf32>
    %eq3A_1299 = vector.broadcast %broadcast_in_dim3A_1298 : vector<512x1xf32> to vector<512x128xf32>
    %eq3A_1300 = arith.cmpf oeq, %select_n3A_1295, %eq3A_1299 : vector<512x128xf32>
    %jit3A_1301 = arith.constant 0xFF800000 : f32
    %broadcast_in_dim3A_1302 = vector.broadcast %jit3A_1301 : f32 to vector<512x128xf32>
    %select_n3A_1303 = arith.select %eq3A_1300, %broadcast_in_dim3A_1302, %select_n3A_1295 : vector<512x128xi1>, vector<512x128xf32>
    %reduce_max3A_1304 = arith.constant dense<0xFF800000> : vector<512xf32>
    %reduce_max3A_1305 = vector.multi_reduction <maximumf>, %select_n3A_1303, %reduce_max3A_1304 [1] : vector<512x128xf32> to vector<512xf32>
    %broadcast_in_dim3A_1306 = vector.shape_cast %reduce_max3A_1305 : vector<512xf32> to vector<512x1xf32>
    %concatenate3A_1307 = tpu.concatenate %broadcast_in_dim3A_1058, %broadcast_in_dim3A_1066, %broadcast_in_dim3A_1074, %broadcast_in_dim3A_1082, %broadcast_in_dim3A_1090, %broadcast_in_dim3A_1098, %broadcast_in_dim3A_1106, %broadcast_in_dim3A_1114, %broadcast_in_dim3A_1122, %broadcast_in_dim3A_1130, %broadcast_in_dim3A_1138, %broadcast_in_dim3A_1146, %broadcast_in_dim3A_1154, %broadcast_in_dim3A_1162, %broadcast_in_dim3A_1170, %broadcast_in_dim3A_1178, %broadcast_in_dim3A_1186, %broadcast_in_dim3A_1194, %broadcast_in_dim3A_1202, %broadcast_in_dim3A_1210, %broadcast_in_dim3A_1218, %broadcast_in_dim3A_1226, %broadcast_in_dim3A_1234, %broadcast_in_dim3A_1242, %broadcast_in_dim3A_1250, %broadcast_in_dim3A_1258, %broadcast_in_dim3A_1266, %broadcast_in_dim3A_1274, %broadcast_in_dim3A_1282, %broadcast_in_dim3A_1290, %broadcast_in_dim3A_1298, %broadcast_in_dim3A_1306 in 1 : vector<512x1xf32>, vector<512x1xf32>, vector<512x1xf32>, vector<512x1xf32>, vector<512x1xf32>, vector<512x1xf32>, vector<512x1xf32>, vector<512x1xf32>, vector<512x1xf32>, vector<512x1xf32>, vector<512x1xf32>, vector<512x1xf32>, vector<512x1xf32>, vector<512x1xf32>, vector<512x1xf32>, vector<512x1xf32>, vector<512x1xf32>, vector<512x1xf32>, vector<512x1xf32>, vector<512x1xf32>, vector<512x1xf32>, vector<512x1xf32>, vector<512x1xf32>, vector<512x1xf32>, vector<512x1xf32>, vector<512x1xf32>, vector<512x1xf32>, vector<512x1xf32>, vector<512x1xf32>, vector<512x1xf32>, vector<512x1xf32>, vector<512x1xf32> -> vector<512x32xf32>
    %bitcast_convert_type3A_1308 = tpu.bitcast %concatenate3A_1307 : vector<512x32xf32> -> vector<512x32xi32>
    %and3A_1309 = arith.constant 127 : i32
    %and3A_1310 = vector.broadcast %and3A_1309 : i32 to vector<512x32xi32>
    %and3A_1311 = arith.andi %bitcast_convert_type3A_1308, %and3A_1310 : vector<512x32xi32>
    %lt3A_1312 = arith.constant 0 : i32
    %lt3A_1313 = vector.broadcast %lt3A_1312 : i32 to vector<512x32xi32>
    %lt3A_1314 = arith.cmpi slt, %and3A_1311, %lt3A_1313 : vector<512x32xi32>
    %add3A_1315 = arith.constant 128 : i32
    %add3A_1316 = vector.broadcast %add3A_1315 : i32 to vector<512x32xi32>
    %add3A_1317 = arith.addi %and3A_1311, %add3A_1316 : vector<512x32xi32>
    %select_n3A_1318 = arith.select %lt3A_1314, %add3A_1317, %and3A_1311 : vector<512x32xi1>, vector<512x32xi32>
    %reshape3A_1319 = vector.shape_cast %select_n3A_1318 : vector<512x32xi32> to vector<512x32x1xi32>
    %gather3A_1320 = vector.shape_cast %reshape3A_1319 : vector<512x32x1xi32> to vector<512x32xi32>
    %gather3A_1321 = tpu.dynamic_gather %add3A_1042[%gather3A_1320] in [1] : vector<512x128xi32>, vector<512x32xi32> -> vector<512x32xi32>
    %and3A_1322 = arith.constant -128 : i32
    %and3A_1323 = vector.broadcast %and3A_1322 : i32 to vector<512x32xi32>
    %and3A_1324 = arith.andi %bitcast_convert_type3A_1308, %and3A_1323 : vector<512x32xi32>
    %bitcast_convert_type3A_1325 = tpu.bitcast %and3A_1324 : vector<512x32xi32> -> vector<512x32xf32>
    %slice3A_1326 = vector.extract_strided_slice %bitcast_convert_type3A_1325 {offsets = [0, 0], sizes = [512, 1], strides = [1, 1]} : vector<512x32xf32> to vector<512x1xf32>
    %sub3A = vector.broadcast %slice3A_1326 : vector<512x1xf32> to vector<512x32xf32>
    %sub3A_1327 = arith.subf %bitcast_convert_type3A_1325, %sub3A : vector<512x32xf32>
    %exp3A = math.exp %sub3A_1327 : vector<512x32xf32>
    %reduce_sum3A = arith.constant dense<0.000000e+00> : vector<512xf32>
    %reduce_sum3A_1328 = vector.multi_reduction <add>, %exp3A, %reduce_sum3A [1] : vector<512x32xf32> to vector<512xf32>
    %broadcast_in_dim3A_1329 = vector.shape_cast %reduce_sum3A_1328 : vector<512xf32> to vector<512x1xf32>
    %div3A = vector.broadcast %broadcast_in_dim3A_1329 : vector<512x1xf32> to vector<512x32xf32>
    %div3A_1330 = arith.divf %exp3A, %div3A : vector<512x32xf32>
    %swap3A = arith.constant 0 : index
    %swap3A_1331 = arith.constant 0 : index
    %swap3A_1332 = vector.load %arg7[%swap3A, %swap3A_1331] : memref<512x32xi32, #tpu.memory_space<vmem>>, vector<512x32xi32>
    tpu.vector_store %arg7[%swap3A, %swap3A_1331], %gather3A_1321 {strides = array<i32>} : memref<512x32xi32, #tpu.memory_space<vmem>>, vector<512x32xi32>,
    %swap3A_1333 = arith.constant 0 : index
    %swap3A_1334 = arith.constant 0 : index
    %swap3A_1335 = vector.load %arg8[%swap3A_1333, %swap3A_1334] : memref<512x32xf32, #tpu.memory_space<vmem>>, vector<512x32xf32>
    tpu.vector_store %arg8[%swap3A_1333, %swap3A_1334], %div3A_1330 {strides = array<i32>} : memref<512x32xf32, #tpu.memory_space<vmem>>, vector<512x32xf32>,
    return
  }
  func.func @transform_0(%arg0: i32) -> (i32, i32) {
    %c0_i32 = arith.constant 0 : i32
    %c0_i32_0 = arith.constant 0 : i32
    return %arg0, %c0_i32 : i32, i32
  }
  func.func @transform_1(%arg0: i32) -> (i32, i32) {
    %c0_i32 = arith.constant 0 : i32
    %c0_i32_0 = arith.constant 0 : i32
    %c0_i32_1 = arith.constant 0 : i32
    return %c0_i32, %c0_i32_0 : i32, i32
  }
  func.func @transform_2(%arg0: i32) -> (i32, i32) {
    %c0_i32 = arith.constant 0 : i32
    %c0_i32_0 = arith.constant 0 : i32
    %c0_i32_1 = arith.constant 0 : i32
    return %c0_i32, %c0_i32_0 : i32, i32
  }
  func.func @transform_3(%arg0: i32) -> (i32, i32) {
    %c0_i32 = arith.constant 0 : i32
    %c0_i32_0 = arith.constant 0 : i32
    %c0_i32_1 = arith.constant 0 : i32
    return %c0_i32, %c0_i32_0 : i32, i32
  }
  func.func @transform_4(%arg0: i32) -> (i32, i32) {
    %c0_i32 = arith.constant 0 : i32
    %c0_i32_0 = arith.constant 0 : i32
    %c0_i32_1 = arith.constant 0 : i32
    return %c0_i32, %c0_i32_0 : i32, i32
  }
  func.func @transform_5(%arg0: i32) -> (i32, i32) {
    %c0_i32 = arith.constant 0 : i32
    %c0_i32_0 = arith.constant 0 : i32
    %c0_i32_1 = arith.constant 0 : i32
    return %c0_i32, %c0_i32_0 : i32, i32
  }
  func.func @transform_6(%arg0: i32) -> (i32, i32) {
    %c0_i32 = arith.constant 0 : i32
    %c0_i32_0 = arith.constant 0 : i32
    return %arg0, %c0_i32 : i32, i32
  }
  func.func @transform_7(%arg0: i32) -> (i32, i32) {
    %c0_i32 = arith.constant 0 : i32
    %c0_i32_0 = arith.constant 0 : i32
    return %arg0, %c0_i32 : i32, i32
  }
}

module attributes {stable_mosaic.version = 14 : i64} {
  func.func @_finish_body(%arg0: i32, %arg1: memref<128x1024xf32, #tpu.memory_space<vmem>>, %arg2: memref<128x32x256xf32, #tpu.memory_space<vmem>>, %arg3: memref<128x32xf32, #tpu.memory_space<vmem>>, %arg4: memref<256x1024xf32, #tpu.memory_space<vmem>>, %arg5: memref<1x1024xf32, #tpu.memory_space<vmem>>, %arg6: memref<1x1024xf32, #tpu.memory_space<vmem>>, %arg7: memref<1x1024xf32, #tpu.memory_space<vmem>>, %arg8: memref<128x1024xf32, #tpu.memory_space<vmem>>) attributes {dimension_semantics = [#tpu.dimension_semantics<arbitrary>], iteration_bounds = array<i64: 8>, scalar_prefetch = 0 : i64, scratch_operands = 0 : i64, tpu.core_type = #tpu.core_type<tc>, window_params = [{transform_indices = @transform_0, window_bounds = array<i64: 128, 1024>}, {transform_indices = @transform_1, window_bounds = array<i64: 128, 32, 256>}, {transform_indices = @transform_2, window_bounds = array<i64: 128, 32>}, {pipeline_mode = #tpu.pipeline_mode<synchronous>, transform_indices = @transform_3, window_bounds = array<i64: 256, 1024>}, {pipeline_mode = #tpu.pipeline_mode<synchronous>, transform_indices = @transform_4, window_bounds = array<i64: 1, 1024>}, {pipeline_mode = #tpu.pipeline_mode<synchronous>, transform_indices = @transform_5, window_bounds = array<i64: 1, 1024>}, {pipeline_mode = #tpu.pipeline_mode<synchronous>, transform_indices = @transform_6, window_bounds = array<i64: 1, 1024>}, {transform_indices = @transform_7, window_bounds = array<i64: 128, 1024>}]} {
    %get3A = arith.constant 0 : index
    %get3A_0 = arith.constant 0 : index
    %get3A_1 = vector.load %arg3[%get3A, %get3A_0] : memref<128x32xf32, #tpu.memory_space<vmem>>, vector<128x32xf32>
    %slice3A = vector.extract_strided_slice %get3A_1 {offsets = [0, 0], sizes = [128, 1], strides = [1, 1]} : vector<128x32xf32> to vector<128x1xf32>
    %get3A_2 = arith.constant 0 : index
    %get3A_3 = arith.constant 0 : index
    %get3A_4 = arith.constant 0 : index
    %get3A_5 = vector.load %arg2[%get3A_2, %get3A_3, %get3A_4] : memref<128x32x256xf32, #tpu.memory_space<vmem>>, vector<128x1x256xf32>
    %get3A_6 = vector.shape_cast %get3A_5 : vector<128x1x256xf32> to vector<128x256xf32>
    %mul3A = vector.broadcast %slice3A : vector<128x1xf32> to vector<128x256xf32>
    %mul3A_7 = arith.mulf %mul3A, %get3A_6 : vector<128x256xf32>
    %slice3A_8 = vector.extract_strided_slice %get3A_1 {offsets = [0, 1], sizes = [128, 1], strides = [1, 1]} : vector<128x32xf32> to vector<128x1xf32>
    %get3A_9 = arith.constant 0 : index
    %get3A_10 = arith.constant 1 : index
    %get3A_11 = arith.constant 0 : index
    %get3A_12 = vector.load %arg2[%get3A_9, %get3A_10, %get3A_11] : memref<128x32x256xf32, #tpu.memory_space<vmem>>, vector<128x1x256xf32>
    %get3A_13 = vector.shape_cast %get3A_12 : vector<128x1x256xf32> to vector<128x256xf32>
    %mul3A_14 = vector.broadcast %slice3A_8 : vector<128x1xf32> to vector<128x256xf32>
    %mul3A_15 = arith.mulf %mul3A_14, %get3A_13 : vector<128x256xf32>
    %add3A = arith.addf %mul3A_7, %mul3A_15 : vector<128x256xf32>
    %slice3A_16 = vector.extract_strided_slice %get3A_1 {offsets = [0, 2], sizes = [128, 1], strides = [1, 1]} : vector<128x32xf32> to vector<128x1xf32>
    %get3A_17 = arith.constant 0 : index
    %get3A_18 = arith.constant 2 : index
    %get3A_19 = arith.constant 0 : index
    %get3A_20 = vector.load %arg2[%get3A_17, %get3A_18, %get3A_19] : memref<128x32x256xf32, #tpu.memory_space<vmem>>, vector<128x1x256xf32>
    %get3A_21 = vector.shape_cast %get3A_20 : vector<128x1x256xf32> to vector<128x256xf32>
    %mul3A_22 = vector.broadcast %slice3A_16 : vector<128x1xf32> to vector<128x256xf32>
    %mul3A_23 = arith.mulf %mul3A_22, %get3A_21 : vector<128x256xf32>
    %add3A_24 = arith.addf %add3A, %mul3A_23 : vector<128x256xf32>
    %slice3A_25 = vector.extract_strided_slice %get3A_1 {offsets = [0, 3], sizes = [128, 1], strides = [1, 1]} : vector<128x32xf32> to vector<128x1xf32>
    %get3A_26 = arith.constant 0 : index
    %get3A_27 = arith.constant 3 : index
    %get3A_28 = arith.constant 0 : index
    %get3A_29 = vector.load %arg2[%get3A_26, %get3A_27, %get3A_28] : memref<128x32x256xf32, #tpu.memory_space<vmem>>, vector<128x1x256xf32>
    %get3A_30 = vector.shape_cast %get3A_29 : vector<128x1x256xf32> to vector<128x256xf32>
    %mul3A_31 = vector.broadcast %slice3A_25 : vector<128x1xf32> to vector<128x256xf32>
    %mul3A_32 = arith.mulf %mul3A_31, %get3A_30 : vector<128x256xf32>
    %add3A_33 = arith.addf %add3A_24, %mul3A_32 : vector<128x256xf32>
    %slice3A_34 = vector.extract_strided_slice %get3A_1 {offsets = [0, 4], sizes = [128, 1], strides = [1, 1]} : vector<128x32xf32> to vector<128x1xf32>
    %get3A_35 = arith.constant 0 : index
    %get3A_36 = arith.constant 4 : index
    %get3A_37 = arith.constant 0 : index
    %get3A_38 = vector.load %arg2[%get3A_35, %get3A_36, %get3A_37] : memref<128x32x256xf32, #tpu.memory_space<vmem>>, vector<128x1x256xf32>
    %get3A_39 = vector.shape_cast %get3A_38 : vector<128x1x256xf32> to vector<128x256xf32>
    %mul3A_40 = vector.broadcast %slice3A_34 : vector<128x1xf32> to vector<128x256xf32>
    %mul3A_41 = arith.mulf %mul3A_40, %get3A_39 : vector<128x256xf32>
    %add3A_42 = arith.addf %add3A_33, %mul3A_41 : vector<128x256xf32>
    %slice3A_43 = vector.extract_strided_slice %get3A_1 {offsets = [0, 5], sizes = [128, 1], strides = [1, 1]} : vector<128x32xf32> to vector<128x1xf32>
    %get3A_44 = arith.constant 0 : index
    %get3A_45 = arith.constant 5 : index
    %get3A_46 = arith.constant 0 : index
    %get3A_47 = vector.load %arg2[%get3A_44, %get3A_45, %get3A_46] : memref<128x32x256xf32, #tpu.memory_space<vmem>>, vector<128x1x256xf32>
    %get3A_48 = vector.shape_cast %get3A_47 : vector<128x1x256xf32> to vector<128x256xf32>
    %mul3A_49 = vector.broadcast %slice3A_43 : vector<128x1xf32> to vector<128x256xf32>
    %mul3A_50 = arith.mulf %mul3A_49, %get3A_48 : vector<128x256xf32>
    %add3A_51 = arith.addf %add3A_42, %mul3A_50 : vector<128x256xf32>
    %slice3A_52 = vector.extract_strided_slice %get3A_1 {offsets = [0, 6], sizes = [128, 1], strides = [1, 1]} : vector<128x32xf32> to vector<128x1xf32>
    %get3A_53 = arith.constant 0 : index
    %get3A_54 = arith.constant 6 : index
    %get3A_55 = arith.constant 0 : index
    %get3A_56 = vector.load %arg2[%get3A_53, %get3A_54, %get3A_55] : memref<128x32x256xf32, #tpu.memory_space<vmem>>, vector<128x1x256xf32>
    %get3A_57 = vector.shape_cast %get3A_56 : vector<128x1x256xf32> to vector<128x256xf32>
    %mul3A_58 = vector.broadcast %slice3A_52 : vector<128x1xf32> to vector<128x256xf32>
    %mul3A_59 = arith.mulf %mul3A_58, %get3A_57 : vector<128x256xf32>
    %add3A_60 = arith.addf %add3A_51, %mul3A_59 : vector<128x256xf32>
    %slice3A_61 = vector.extract_strided_slice %get3A_1 {offsets = [0, 7], sizes = [128, 1], strides = [1, 1]} : vector<128x32xf32> to vector<128x1xf32>
    %get3A_62 = arith.constant 0 : index
    %get3A_63 = arith.constant 7 : index
    %get3A_64 = arith.constant 0 : index
    %get3A_65 = vector.load %arg2[%get3A_62, %get3A_63, %get3A_64] : memref<128x32x256xf32, #tpu.memory_space<vmem>>, vector<128x1x256xf32>
    %get3A_66 = vector.shape_cast %get3A_65 : vector<128x1x256xf32> to vector<128x256xf32>
    %mul3A_67 = vector.broadcast %slice3A_61 : vector<128x1xf32> to vector<128x256xf32>
    %mul3A_68 = arith.mulf %mul3A_67, %get3A_66 : vector<128x256xf32>
    %add3A_69 = arith.addf %add3A_60, %mul3A_68 : vector<128x256xf32>
    %slice3A_70 = vector.extract_strided_slice %get3A_1 {offsets = [0, 8], sizes = [128, 1], strides = [1, 1]} : vector<128x32xf32> to vector<128x1xf32>
    %get3A_71 = arith.constant 0 : index
    %get3A_72 = arith.constant 8 : index
    %get3A_73 = arith.constant 0 : index
    %get3A_74 = vector.load %arg2[%get3A_71, %get3A_72, %get3A_73] : memref<128x32x256xf32, #tpu.memory_space<vmem>>, vector<128x1x256xf32>
    %get3A_75 = vector.shape_cast %get3A_74 : vector<128x1x256xf32> to vector<128x256xf32>
    %mul3A_76 = vector.broadcast %slice3A_70 : vector<128x1xf32> to vector<128x256xf32>
    %mul3A_77 = arith.mulf %mul3A_76, %get3A_75 : vector<128x256xf32>
    %add3A_78 = arith.addf %add3A_69, %mul3A_77 : vector<128x256xf32>
    %slice3A_79 = vector.extract_strided_slice %get3A_1 {offsets = [0, 9], sizes = [128, 1], strides = [1, 1]} : vector<128x32xf32> to vector<128x1xf32>
    %get3A_80 = arith.constant 0 : index
    %get3A_81 = arith.constant 9 : index
    %get3A_82 = arith.constant 0 : index
    %get3A_83 = vector.load %arg2[%get3A_80, %get3A_81, %get3A_82] : memref<128x32x256xf32, #tpu.memory_space<vmem>>, vector<128x1x256xf32>
    %get3A_84 = vector.shape_cast %get3A_83 : vector<128x1x256xf32> to vector<128x256xf32>
    %mul3A_85 = vector.broadcast %slice3A_79 : vector<128x1xf32> to vector<128x256xf32>
    %mul3A_86 = arith.mulf %mul3A_85, %get3A_84 : vector<128x256xf32>
    %add3A_87 = arith.addf %add3A_78, %mul3A_86 : vector<128x256xf32>
    %slice3A_88 = vector.extract_strided_slice %get3A_1 {offsets = [0, 10], sizes = [128, 1], strides = [1, 1]} : vector<128x32xf32> to vector<128x1xf32>
    %get3A_89 = arith.constant 0 : index
    %get3A_90 = arith.constant 10 : index
    %get3A_91 = arith.constant 0 : index
    %get3A_92 = vector.load %arg2[%get3A_89, %get3A_90, %get3A_91] : memref<128x32x256xf32, #tpu.memory_space<vmem>>, vector<128x1x256xf32>
    %get3A_93 = vector.shape_cast %get3A_92 : vector<128x1x256xf32> to vector<128x256xf32>
    %mul3A_94 = vector.broadcast %slice3A_88 : vector<128x1xf32> to vector<128x256xf32>
    %mul3A_95 = arith.mulf %mul3A_94, %get3A_93 : vector<128x256xf32>
    %add3A_96 = arith.addf %add3A_87, %mul3A_95 : vector<128x256xf32>
    %slice3A_97 = vector.extract_strided_slice %get3A_1 {offsets = [0, 11], sizes = [128, 1], strides = [1, 1]} : vector<128x32xf32> to vector<128x1xf32>
    %get3A_98 = arith.constant 0 : index
    %get3A_99 = arith.constant 11 : index
    %get3A_100 = arith.constant 0 : index
    %get3A_101 = vector.load %arg2[%get3A_98, %get3A_99, %get3A_100] : memref<128x32x256xf32, #tpu.memory_space<vmem>>, vector<128x1x256xf32>
    %get3A_102 = vector.shape_cast %get3A_101 : vector<128x1x256xf32> to vector<128x256xf32>
    %mul3A_103 = vector.broadcast %slice3A_97 : vector<128x1xf32> to vector<128x256xf32>
    %mul3A_104 = arith.mulf %mul3A_103, %get3A_102 : vector<128x256xf32>
    %add3A_105 = arith.addf %add3A_96, %mul3A_104 : vector<128x256xf32>
    %slice3A_106 = vector.extract_strided_slice %get3A_1 {offsets = [0, 12], sizes = [128, 1], strides = [1, 1]} : vector<128x32xf32> to vector<128x1xf32>
    %get3A_107 = arith.constant 0 : index
    %get3A_108 = arith.constant 12 : index
    %get3A_109 = arith.constant 0 : index
    %get3A_110 = vector.load %arg2[%get3A_107, %get3A_108, %get3A_109] : memref<128x32x256xf32, #tpu.memory_space<vmem>>, vector<128x1x256xf32>
    %get3A_111 = vector.shape_cast %get3A_110 : vector<128x1x256xf32> to vector<128x256xf32>
    %mul3A_112 = vector.broadcast %slice3A_106 : vector<128x1xf32> to vector<128x256xf32>
    %mul3A_113 = arith.mulf %mul3A_112, %get3A_111 : vector<128x256xf32>
    %add3A_114 = arith.addf %add3A_105, %mul3A_113 : vector<128x256xf32>
    %slice3A_115 = vector.extract_strided_slice %get3A_1 {offsets = [0, 13], sizes = [128, 1], strides = [1, 1]} : vector<128x32xf32> to vector<128x1xf32>
    %get3A_116 = arith.constant 0 : index
    %get3A_117 = arith.constant 13 : index
    %get3A_118 = arith.constant 0 : index
    %get3A_119 = vector.load %arg2[%get3A_116, %get3A_117, %get3A_118] : memref<128x32x256xf32, #tpu.memory_space<vmem>>, vector<128x1x256xf32>
    %get3A_120 = vector.shape_cast %get3A_119 : vector<128x1x256xf32> to vector<128x256xf32>
    %mul3A_121 = vector.broadcast %slice3A_115 : vector<128x1xf32> to vector<128x256xf32>
    %mul3A_122 = arith.mulf %mul3A_121, %get3A_120 : vector<128x256xf32>
    %add3A_123 = arith.addf %add3A_114, %mul3A_122 : vector<128x256xf32>
    %slice3A_124 = vector.extract_strided_slice %get3A_1 {offsets = [0, 14], sizes = [128, 1], strides = [1, 1]} : vector<128x32xf32> to vector<128x1xf32>
    %get3A_125 = arith.constant 0 : index
    %get3A_126 = arith.constant 14 : index
    %get3A_127 = arith.constant 0 : index
    %get3A_128 = vector.load %arg2[%get3A_125, %get3A_126, %get3A_127] : memref<128x32x256xf32, #tpu.memory_space<vmem>>, vector<128x1x256xf32>
    %get3A_129 = vector.shape_cast %get3A_128 : vector<128x1x256xf32> to vector<128x256xf32>
    %mul3A_130 = vector.broadcast %slice3A_124 : vector<128x1xf32> to vector<128x256xf32>
    %mul3A_131 = arith.mulf %mul3A_130, %get3A_129 : vector<128x256xf32>
    %add3A_132 = arith.addf %add3A_123, %mul3A_131 : vector<128x256xf32>
    %slice3A_133 = vector.extract_strided_slice %get3A_1 {offsets = [0, 15], sizes = [128, 1], strides = [1, 1]} : vector<128x32xf32> to vector<128x1xf32>
    %get3A_134 = arith.constant 0 : index
    %get3A_135 = arith.constant 15 : index
    %get3A_136 = arith.constant 0 : index
    %get3A_137 = vector.load %arg2[%get3A_134, %get3A_135, %get3A_136] : memref<128x32x256xf32, #tpu.memory_space<vmem>>, vector<128x1x256xf32>
    %get3A_138 = vector.shape_cast %get3A_137 : vector<128x1x256xf32> to vector<128x256xf32>
    %mul3A_139 = vector.broadcast %slice3A_133 : vector<128x1xf32> to vector<128x256xf32>
    %mul3A_140 = arith.mulf %mul3A_139, %get3A_138 : vector<128x256xf32>
    %add3A_141 = arith.addf %add3A_132, %mul3A_140 : vector<128x256xf32>
    %slice3A_142 = vector.extract_strided_slice %get3A_1 {offsets = [0, 16], sizes = [128, 1], strides = [1, 1]} : vector<128x32xf32> to vector<128x1xf32>
    %get3A_143 = arith.constant 0 : index
    %get3A_144 = arith.constant 16 : index
    %get3A_145 = arith.constant 0 : index
    %get3A_146 = vector.load %arg2[%get3A_143, %get3A_144, %get3A_145] : memref<128x32x256xf32, #tpu.memory_space<vmem>>, vector<128x1x256xf32>
    %get3A_147 = vector.shape_cast %get3A_146 : vector<128x1x256xf32> to vector<128x256xf32>
    %mul3A_148 = vector.broadcast %slice3A_142 : vector<128x1xf32> to vector<128x256xf32>
    %mul3A_149 = arith.mulf %mul3A_148, %get3A_147 : vector<128x256xf32>
    %add3A_150 = arith.addf %add3A_141, %mul3A_149 : vector<128x256xf32>
    %slice3A_151 = vector.extract_strided_slice %get3A_1 {offsets = [0, 17], sizes = [128, 1], strides = [1, 1]} : vector<128x32xf32> to vector<128x1xf32>
    %get3A_152 = arith.constant 0 : index
    %get3A_153 = arith.constant 17 : index
    %get3A_154 = arith.constant 0 : index
    %get3A_155 = vector.load %arg2[%get3A_152, %get3A_153, %get3A_154] : memref<128x32x256xf32, #tpu.memory_space<vmem>>, vector<128x1x256xf32>
    %get3A_156 = vector.shape_cast %get3A_155 : vector<128x1x256xf32> to vector<128x256xf32>
    %mul3A_157 = vector.broadcast %slice3A_151 : vector<128x1xf32> to vector<128x256xf32>
    %mul3A_158 = arith.mulf %mul3A_157, %get3A_156 : vector<128x256xf32>
    %add3A_159 = arith.addf %add3A_150, %mul3A_158 : vector<128x256xf32>
    %slice3A_160 = vector.extract_strided_slice %get3A_1 {offsets = [0, 18], sizes = [128, 1], strides = [1, 1]} : vector<128x32xf32> to vector<128x1xf32>
    %get3A_161 = arith.constant 0 : index
    %get3A_162 = arith.constant 18 : index
    %get3A_163 = arith.constant 0 : index
    %get3A_164 = vector.load %arg2[%get3A_161, %get3A_162, %get3A_163] : memref<128x32x256xf32, #tpu.memory_space<vmem>>, vector<128x1x256xf32>
    %get3A_165 = vector.shape_cast %get3A_164 : vector<128x1x256xf32> to vector<128x256xf32>
    %mul3A_166 = vector.broadcast %slice3A_160 : vector<128x1xf32> to vector<128x256xf32>
    %mul3A_167 = arith.mulf %mul3A_166, %get3A_165 : vector<128x256xf32>
    %add3A_168 = arith.addf %add3A_159, %mul3A_167 : vector<128x256xf32>
    %slice3A_169 = vector.extract_strided_slice %get3A_1 {offsets = [0, 19], sizes = [128, 1], strides = [1, 1]} : vector<128x32xf32> to vector<128x1xf32>
    %get3A_170 = arith.constant 0 : index
    %get3A_171 = arith.constant 19 : index
    %get3A_172 = arith.constant 0 : index
    %get3A_173 = vector.load %arg2[%get3A_170, %get3A_171, %get3A_172] : memref<128x32x256xf32, #tpu.memory_space<vmem>>, vector<128x1x256xf32>
    %get3A_174 = vector.shape_cast %get3A_173 : vector<128x1x256xf32> to vector<128x256xf32>
    %mul3A_175 = vector.broadcast %slice3A_169 : vector<128x1xf32> to vector<128x256xf32>
    %mul3A_176 = arith.mulf %mul3A_175, %get3A_174 : vector<128x256xf32>
    %add3A_177 = arith.addf %add3A_168, %mul3A_176 : vector<128x256xf32>
    %slice3A_178 = vector.extract_strided_slice %get3A_1 {offsets = [0, 20], sizes = [128, 1], strides = [1, 1]} : vector<128x32xf32> to vector<128x1xf32>
    %get3A_179 = arith.constant 0 : index
    %get3A_180 = arith.constant 20 : index
    %get3A_181 = arith.constant 0 : index
    %get3A_182 = vector.load %arg2[%get3A_179, %get3A_180, %get3A_181] : memref<128x32x256xf32, #tpu.memory_space<vmem>>, vector<128x1x256xf32>
    %get3A_183 = vector.shape_cast %get3A_182 : vector<128x1x256xf32> to vector<128x256xf32>
    %mul3A_184 = vector.broadcast %slice3A_178 : vector<128x1xf32> to vector<128x256xf32>
    %mul3A_185 = arith.mulf %mul3A_184, %get3A_183 : vector<128x256xf32>
    %add3A_186 = arith.addf %add3A_177, %mul3A_185 : vector<128x256xf32>
    %slice3A_187 = vector.extract_strided_slice %get3A_1 {offsets = [0, 21], sizes = [128, 1], strides = [1, 1]} : vector<128x32xf32> to vector<128x1xf32>
    %get3A_188 = arith.constant 0 : index
    %get3A_189 = arith.constant 21 : index
    %get3A_190 = arith.constant 0 : index
    %get3A_191 = vector.load %arg2[%get3A_188, %get3A_189, %get3A_190] : memref<128x32x256xf32, #tpu.memory_space<vmem>>, vector<128x1x256xf32>
    %get3A_192 = vector.shape_cast %get3A_191 : vector<128x1x256xf32> to vector<128x256xf32>
    %mul3A_193 = vector.broadcast %slice3A_187 : vector<128x1xf32> to vector<128x256xf32>
    %mul3A_194 = arith.mulf %mul3A_193, %get3A_192 : vector<128x256xf32>
    %add3A_195 = arith.addf %add3A_186, %mul3A_194 : vector<128x256xf32>
    %slice3A_196 = vector.extract_strided_slice %get3A_1 {offsets = [0, 22], sizes = [128, 1], strides = [1, 1]} : vector<128x32xf32> to vector<128x1xf32>
    %get3A_197 = arith.constant 0 : index
    %get3A_198 = arith.constant 22 : index
    %get3A_199 = arith.constant 0 : index
    %get3A_200 = vector.load %arg2[%get3A_197, %get3A_198, %get3A_199] : memref<128x32x256xf32, #tpu.memory_space<vmem>>, vector<128x1x256xf32>
    %get3A_201 = vector.shape_cast %get3A_200 : vector<128x1x256xf32> to vector<128x256xf32>
    %mul3A_202 = vector.broadcast %slice3A_196 : vector<128x1xf32> to vector<128x256xf32>
    %mul3A_203 = arith.mulf %mul3A_202, %get3A_201 : vector<128x256xf32>
    %add3A_204 = arith.addf %add3A_195, %mul3A_203 : vector<128x256xf32>
    %slice3A_205 = vector.extract_strided_slice %get3A_1 {offsets = [0, 23], sizes = [128, 1], strides = [1, 1]} : vector<128x32xf32> to vector<128x1xf32>
    %get3A_206 = arith.constant 0 : index
    %get3A_207 = arith.constant 23 : index
    %get3A_208 = arith.constant 0 : index
    %get3A_209 = vector.load %arg2[%get3A_206, %get3A_207, %get3A_208] : memref<128x32x256xf32, #tpu.memory_space<vmem>>, vector<128x1x256xf32>
    %get3A_210 = vector.shape_cast %get3A_209 : vector<128x1x256xf32> to vector<128x256xf32>
    %mul3A_211 = vector.broadcast %slice3A_205 : vector<128x1xf32> to vector<128x256xf32>
    %mul3A_212 = arith.mulf %mul3A_211, %get3A_210 : vector<128x256xf32>
    %add3A_213 = arith.addf %add3A_204, %mul3A_212 : vector<128x256xf32>
    %slice3A_214 = vector.extract_strided_slice %get3A_1 {offsets = [0, 24], sizes = [128, 1], strides = [1, 1]} : vector<128x32xf32> to vector<128x1xf32>
    %get3A_215 = arith.constant 0 : index
    %get3A_216 = arith.constant 24 : index
    %get3A_217 = arith.constant 0 : index
    %get3A_218 = vector.load %arg2[%get3A_215, %get3A_216, %get3A_217] : memref<128x32x256xf32, #tpu.memory_space<vmem>>, vector<128x1x256xf32>
    %get3A_219 = vector.shape_cast %get3A_218 : vector<128x1x256xf32> to vector<128x256xf32>
    %mul3A_220 = vector.broadcast %slice3A_214 : vector<128x1xf32> to vector<128x256xf32>
    %mul3A_221 = arith.mulf %mul3A_220, %get3A_219 : vector<128x256xf32>
    %add3A_222 = arith.addf %add3A_213, %mul3A_221 : vector<128x256xf32>
    %slice3A_223 = vector.extract_strided_slice %get3A_1 {offsets = [0, 25], sizes = [128, 1], strides = [1, 1]} : vector<128x32xf32> to vector<128x1xf32>
    %get3A_224 = arith.constant 0 : index
    %get3A_225 = arith.constant 25 : index
    %get3A_226 = arith.constant 0 : index
    %get3A_227 = vector.load %arg2[%get3A_224, %get3A_225, %get3A_226] : memref<128x32x256xf32, #tpu.memory_space<vmem>>, vector<128x1x256xf32>
    %get3A_228 = vector.shape_cast %get3A_227 : vector<128x1x256xf32> to vector<128x256xf32>
    %mul3A_229 = vector.broadcast %slice3A_223 : vector<128x1xf32> to vector<128x256xf32>
    %mul3A_230 = arith.mulf %mul3A_229, %get3A_228 : vector<128x256xf32>
    %add3A_231 = arith.addf %add3A_222, %mul3A_230 : vector<128x256xf32>
    %slice3A_232 = vector.extract_strided_slice %get3A_1 {offsets = [0, 26], sizes = [128, 1], strides = [1, 1]} : vector<128x32xf32> to vector<128x1xf32>
    %get3A_233 = arith.constant 0 : index
    %get3A_234 = arith.constant 26 : index
    %get3A_235 = arith.constant 0 : index
    %get3A_236 = vector.load %arg2[%get3A_233, %get3A_234, %get3A_235] : memref<128x32x256xf32, #tpu.memory_space<vmem>>, vector<128x1x256xf32>
    %get3A_237 = vector.shape_cast %get3A_236 : vector<128x1x256xf32> to vector<128x256xf32>
    %mul3A_238 = vector.broadcast %slice3A_232 : vector<128x1xf32> to vector<128x256xf32>
    %mul3A_239 = arith.mulf %mul3A_238, %get3A_237 : vector<128x256xf32>
    %add3A_240 = arith.addf %add3A_231, %mul3A_239 : vector<128x256xf32>
    %slice3A_241 = vector.extract_strided_slice %get3A_1 {offsets = [0, 27], sizes = [128, 1], strides = [1, 1]} : vector<128x32xf32> to vector<128x1xf32>
    %get3A_242 = arith.constant 0 : index
    %get3A_243 = arith.constant 27 : index
    %get3A_244 = arith.constant 0 : index
    %get3A_245 = vector.load %arg2[%get3A_242, %get3A_243, %get3A_244] : memref<128x32x256xf32, #tpu.memory_space<vmem>>, vector<128x1x256xf32>
    %get3A_246 = vector.shape_cast %get3A_245 : vector<128x1x256xf32> to vector<128x256xf32>
    %mul3A_247 = vector.broadcast %slice3A_241 : vector<128x1xf32> to vector<128x256xf32>
    %mul3A_248 = arith.mulf %mul3A_247, %get3A_246 : vector<128x256xf32>
    %add3A_249 = arith.addf %add3A_240, %mul3A_248 : vector<128x256xf32>
    %slice3A_250 = vector.extract_strided_slice %get3A_1 {offsets = [0, 28], sizes = [128, 1], strides = [1, 1]} : vector<128x32xf32> to vector<128x1xf32>
    %get3A_251 = arith.constant 0 : index
    %get3A_252 = arith.constant 28 : index
    %get3A_253 = arith.constant 0 : index
    %get3A_254 = vector.load %arg2[%get3A_251, %get3A_252, %get3A_253] : memref<128x32x256xf32, #tpu.memory_space<vmem>>, vector<128x1x256xf32>
    %get3A_255 = vector.shape_cast %get3A_254 : vector<128x1x256xf32> to vector<128x256xf32>
    %mul3A_256 = vector.broadcast %slice3A_250 : vector<128x1xf32> to vector<128x256xf32>
    %mul3A_257 = arith.mulf %mul3A_256, %get3A_255 : vector<128x256xf32>
    %add3A_258 = arith.addf %add3A_249, %mul3A_257 : vector<128x256xf32>
    %slice3A_259 = vector.extract_strided_slice %get3A_1 {offsets = [0, 29], sizes = [128, 1], strides = [1, 1]} : vector<128x32xf32> to vector<128x1xf32>
    %get3A_260 = arith.constant 0 : index
    %get3A_261 = arith.constant 29 : index
    %get3A_262 = arith.constant 0 : index
    %get3A_263 = vector.load %arg2[%get3A_260, %get3A_261, %get3A_262] : memref<128x32x256xf32, #tpu.memory_space<vmem>>, vector<128x1x256xf32>
    %get3A_264 = vector.shape_cast %get3A_263 : vector<128x1x256xf32> to vector<128x256xf32>
    %mul3A_265 = vector.broadcast %slice3A_259 : vector<128x1xf32> to vector<128x256xf32>
    %mul3A_266 = arith.mulf %mul3A_265, %get3A_264 : vector<128x256xf32>
    %add3A_267 = arith.addf %add3A_258, %mul3A_266 : vector<128x256xf32>
    %slice3A_268 = vector.extract_strided_slice %get3A_1 {offsets = [0, 30], sizes = [128, 1], strides = [1, 1]} : vector<128x32xf32> to vector<128x1xf32>
    %get3A_269 = arith.constant 0 : index
    %get3A_270 = arith.constant 30 : index
    %get3A_271 = arith.constant 0 : index
    %get3A_272 = vector.load %arg2[%get3A_269, %get3A_270, %get3A_271] : memref<128x32x256xf32, #tpu.memory_space<vmem>>, vector<128x1x256xf32>
    %get3A_273 = vector.shape_cast %get3A_272 : vector<128x1x256xf32> to vector<128x256xf32>
    %mul3A_274 = vector.broadcast %slice3A_268 : vector<128x1xf32> to vector<128x256xf32>
    %mul3A_275 = arith.mulf %mul3A_274, %get3A_273 : vector<128x256xf32>
    %add3A_276 = arith.addf %add3A_267, %mul3A_275 : vector<128x256xf32>
    %slice3A_277 = vector.extract_strided_slice %get3A_1 {offsets = [0, 31], sizes = [128, 1], strides = [1, 1]} : vector<128x32xf32> to vector<128x1xf32>
    %get3A_278 = arith.constant 0 : index
    %get3A_279 = arith.constant 31 : index
    %get3A_280 = arith.constant 0 : index
    %get3A_281 = vector.load %arg2[%get3A_278, %get3A_279, %get3A_280] : memref<128x32x256xf32, #tpu.memory_space<vmem>>, vector<128x1x256xf32>
    %get3A_282 = vector.shape_cast %get3A_281 : vector<128x1x256xf32> to vector<128x256xf32>
    %mul3A_283 = vector.broadcast %slice3A_277 : vector<128x1xf32> to vector<128x256xf32>
    %mul3A_284 = arith.mulf %mul3A_283, %get3A_282 : vector<128x256xf32>
    %add3A_285 = arith.addf %add3A_276, %mul3A_284 : vector<128x256xf32>
    %get3A_286 = arith.constant 0 : index
    %get3A_287 = arith.constant 0 : index
    %get3A_288 = vector.load %arg4[%get3A_286, %get3A_287] : memref<256x1024xf32, #tpu.memory_space<vmem>>, vector<256x1024xf32>
    %dot_general3A = arith.constant dense<0.000000e+00> : vector<128x1024xf32>
    %dot_general3A_289 = tpu.matmul %add3A_285, %get3A_288, %dot_general3A {dimension_numbers = #tpu.dot_dimension_numbers<[1], [0], [0], [1], [0, 0, 1, 1], [], []>, transpose_lhs_hint = false} : vector<128x256xf32>, vector<256x1024xf32>, vector<128x1024xf32> -> vector<128x1024xf32>
    %get3A_290 = arith.constant 0 : index
    %get3A_291 = arith.constant 0 : index
    %get3A_292 = vector.load %arg1[%get3A_290, %get3A_291] : memref<128x1024xf32, #tpu.memory_space<vmem>>, vector<128x1024xf32>
    %add3A_293 = arith.addf %get3A_292, %dot_general3A_289 : vector<128x1024xf32>
    %get3A_294 = arith.constant 0 : index
    %get3A_295 = arith.constant 0 : index
    %get3A_296 = vector.load %arg5[%get3A_294, %get3A_295] : memref<1x1024xf32, #tpu.memory_space<vmem>>, vector<1x1024xf32>
    %add3A_297 = vector.broadcast %get3A_296 : vector<1x1024xf32> to vector<128x1024xf32>
    %add3A_298 = arith.addf %add3A_293, %add3A_297 : vector<128x1024xf32>
    %reduce_sum3A = arith.constant dense<0.000000e+00> : vector<128xf32>
    %reduce_sum3A_299 = vector.multi_reduction <add>, %add3A_298, %reduce_sum3A [1] : vector<128x1024xf32> to vector<128xf32>
    %broadcast_in_dim3A = vector.shape_cast %reduce_sum3A_299 : vector<128xf32> to vector<128x1xf32>
    %div3A = arith.constant 1.024000e+03 : f32
    %div3A_300 = vector.broadcast %div3A : f32 to vector<128x1xf32>
    %div3A_301 = arith.divf %broadcast_in_dim3A, %div3A_300 : vector<128x1xf32>
    %sub3A = vector.broadcast %div3A_301 : vector<128x1xf32> to vector<128x1024xf32>
    %sub3A_302 = arith.subf %add3A_298, %sub3A : vector<128x1024xf32>
    %mul3A_303 = arith.mulf %sub3A_302, %sub3A_302 : vector<128x1024xf32>
    %reduce_sum3A_304 = arith.constant dense<0.000000e+00> : vector<128xf32>
    %reduce_sum3A_305 = vector.multi_reduction <add>, %mul3A_303, %reduce_sum3A_304 [1] : vector<128x1024xf32> to vector<128xf32>
    %broadcast_in_dim3A_306 = vector.shape_cast %reduce_sum3A_305 : vector<128xf32> to vector<128x1xf32>
    %div3A_307 = arith.constant 1.024000e+03 : f32
    %div3A_308 = vector.broadcast %div3A_307 : f32 to vector<128x1xf32>
    %div3A_309 = arith.divf %broadcast_in_dim3A_306, %div3A_308 : vector<128x1xf32>
    %add3A_310 = arith.constant 9.99999974E-6 : f32
    %add3A_311 = vector.broadcast %add3A_310 : f32 to vector<128x1xf32>
    %add3A_312 = arith.addf %div3A_309, %add3A_311 : vector<128x1xf32>
    %rsqrt3A = math.rsqrt %add3A_312 : vector<128x1xf32>
    %mul3A_313 = vector.broadcast %rsqrt3A : vector<128x1xf32> to vector<128x1024xf32>
    %mul3A_314 = arith.mulf %sub3A_302, %mul3A_313 : vector<128x1024xf32>
    %get3A_315 = arith.constant 0 : index
    %get3A_316 = arith.constant 0 : index
    %get3A_317 = vector.load %arg6[%get3A_315, %get3A_316] : memref<1x1024xf32, #tpu.memory_space<vmem>>, vector<1x1024xf32>
    %mul3A_318 = vector.broadcast %get3A_317 : vector<1x1024xf32> to vector<128x1024xf32>
    %mul3A_319 = arith.mulf %mul3A_314, %mul3A_318 : vector<128x1024xf32>
    %get3A_320 = arith.constant 0 : index
    %get3A_321 = arith.constant 0 : index
    %get3A_322 = vector.load %arg7[%get3A_320, %get3A_321] : memref<1x1024xf32, #tpu.memory_space<vmem>>, vector<1x1024xf32>
    %add3A_323 = vector.broadcast %get3A_322 : vector<1x1024xf32> to vector<128x1024xf32>
    %add3A_324 = arith.addf %mul3A_319, %add3A_323 : vector<128x1024xf32>
    %swap3A = arith.constant 0 : index
    %swap3A_325 = arith.constant 0 : index
    %swap3A_326 = vector.load %arg8[%swap3A, %swap3A_325] : memref<128x1024xf32, #tpu.memory_space<vmem>>, vector<128x1024xf32>
    tpu.vector_store %arg8[%swap3A, %swap3A_325], %add3A_324 {strides = array<i32>} : memref<128x1024xf32, #tpu.memory_space<vmem>>, vector<128x1024xf32>,
    return
  }
  func.func @transform_0(%arg0: i32) -> (i32, i32) {
    %c0_i32 = arith.constant 0 : i32
    %c0_i32_0 = arith.constant 0 : i32
    return %arg0, %c0_i32 : i32, i32
  }
  func.func @transform_1(%arg0: i32) -> (i32, i32, i32) {
    %c0_i32 = arith.constant 0 : i32
    %c0_i32_0 = arith.constant 0 : i32
    %c0_i32_1 = arith.constant 0 : i32
    return %arg0, %c0_i32, %c0_i32_0 : i32, i32, i32
  }
  func.func @transform_2(%arg0: i32) -> (i32, i32) {
    %c0_i32 = arith.constant 0 : i32
    %c0_i32_0 = arith.constant 0 : i32
    return %arg0, %c0_i32 : i32, i32
  }
  func.func @transform_3(%arg0: i32) -> (i32, i32) {
    %c0_i32 = arith.constant 0 : i32
    %c0_i32_0 = arith.constant 0 : i32
    %c0_i32_1 = arith.constant 0 : i32
    return %c0_i32, %c0_i32_0 : i32, i32
  }
  func.func @transform_4(%arg0: i32) -> (i32, i32) {
    %c0_i32 = arith.constant 0 : i32
    %c0_i32_0 = arith.constant 0 : i32
    %c0_i32_1 = arith.constant 0 : i32
    return %c0_i32, %c0_i32_0 : i32, i32
  }
  func.func @transform_5(%arg0: i32) -> (i32, i32) {
    %c0_i32 = arith.constant 0 : i32
    %c0_i32_0 = arith.constant 0 : i32
    %c0_i32_1 = arith.constant 0 : i32
    return %c0_i32, %c0_i32_0 : i32, i32
  }
  func.func @transform_6(%arg0: i32) -> (i32, i32) {
    %c0_i32 = arith.constant 0 : i32
    %c0_i32_0 = arith.constant 0 : i32
    %c0_i32_1 = arith.constant 0 : i32
    return %c0_i32, %c0_i32_0 : i32, i32
  }
  func.func @transform_7(%arg0: i32) -> (i32, i32) {
    %c0_i32 = arith.constant 0 : i32
    %c0_i32_0 = arith.constant 0 : i32
    return %arg0, %c0_i32 : i32, i32
  }
}

</mosaic_0001>

<sc_bundles>
// kernel: kernel.16.cloned.1.call-start
scs
__scs_entry_jumppad:
0x0: {  	(pc) =	sbr.rel $0x88, $3  }
0x1: {  	(tag) =	ssettag $0x0;
	lr =	simm.s32 $0x1  }
0x2: {  	[smem:$0x3F96] =	sst lr;
	_ =	strace $0xD0000000  }
0x3: {  	_ = 	snop  }
0x4: {  	_ = 	snop  }
0x5: {  	_ = 	snop  }
0x6: {  	_ = 	snop  }
0x7: {  	_ = 	snop  }
__scs_overlays_trampoline_lowered:
0x8: {  	[smem:$0x3FA5] =	sst s0  }
0x9: {  	[smem:$0x3FA6] =	sst s1  }
0xa: {  	[smem:$0x3FA7] =	sst s2  }
0xb: {  	[smem:$0x3FA8] =	sst s3  }
0xc: {  	[smem:$0x3FA9] =	sst s4  }
0xd: {  	[smem:$0x3FAA] =	sst s5  }
0xe: {  	[smem:$0x3FAB] =	sst s6  }
0xf: {  	[smem:$0x3FAC] =	sst s7  }
0x10: {  	[smem:$0x3FAD] =	sst s8  }
0x11: {  	[smem:$0x3FAE] =	sst s9;
	s0 =	simm.s32 @!p0 $0x0  }
0x12: {  	s1 =	sld [smem:$0x3F94];
	s0 =	simm.s32 @p0 $0x1  }
0x13: {  	[smem:$0x3FAF] =	sst s0;
	s0 =	simm.s32 @!p1 $0x0  }
0x14: {  	s2 =	sld [smem:$0x3F93];
	s0 =	simm.s32 @p1 $0x1  }
0x15: {  	[smem:$0x3FB0] =	sst s0;
	s0 =	simm.s32 @!p2 $0x0  }
0x16: {  	s3 =	sld [smem:$0x3FDB];
	s0 =	simm.s32 @p2 $0x1  }
0x17: {  	s4 =	simm.s32 $0x1BF5;
	[smem:$0x3FB2] =	sst s0  }
0x18: {  	s0 =	sld [smem:$0x3F95];
	_ =	swait.ge [sflag:s4], $0x0  }
0x19: {  	s7 =	sld [smem:$0x3F96]  }
0x1a: {  	s8 =	sadd.s32 $0xFFFFE003, lr  }
0x1b: {  	s9 =	sadd.s32 $0xFFFFFEF7, lr;
	s5 =	simm.s32 $0xFFFFFFFF;
	p2 =	slt.u32 s8, $0xFFFFF086  }
0x1c: {  	p1 =	slt.u32 s9, $0xF7A;
	s5 =	simm.s32 @!p2 $0x0  }
0x1d: {  	s5 =	simm.s32 @p1 $0x1;
	p0 =	seq.s32 s7, s2  }
0x1e: {  	s7 =	smul.u32 @!p0 $0xF7A, s2;
	p2 =	seq.s32 @!p0 s5, $0x0  }
0x1f: {  	s9 =	smul.u32 $0xF7A, s1;
	s8 =	simm.s32 @!p0 $0x1BF5;
	p2 =	por !p2, p0  }
0x20: {  	[sflag:s8] =	ssyncset.s32 @!p0 $0xFFFFF086;
	s6 =	sadd.s32 @!p0 s3, s7;
	s7 =	simm.s32 @!p0 $0x108  }
0x21: {  	s3 =	sadd.s32 s3, s9;
	s6 =	sadd.s32 @!p0 $0x88, s6;
	s7 =	simm.s32 @p2 $0x1082  }
0x22: {  	[simem:s7], [sflag:s8] =	dma.local @!p0 [hbm:s6], $0xF7A  }
0x23: {  	s9 =	sor.u32 $0xD0000000, s2;
	s6 =	simm.s32 $0x108;
	_ =	swait.ge @!p0 [sflag:s8], $0x0  }
0x24: {  	s3 =	sadd.s32 $0x88, s3;
	s6 =	simm.s32 @!p1 $0x1082;
	[sflag:s4] =	ssyncset.s32 $0xFFFFF086  }
0x25: {  	[simem:s6], [sflag:s4] =	dma.local [hbm:s3], $0xF7A  }
0x26: {  	[smem:$0x3F96] =	sst s1;
	(tag) =	ssettag s2;
	_ =	strace s9  }
0x27: {  	s1 =	sld [smem:$0x3FA6]  }
0x28: {  	s2 =	sld [smem:$0x3FA7]  }
0x29: {  	s4 =	sld [smem:$0x3FA9]  }
0x2a: {  	p0 =	seq.s32 s5, $0x0;
	s5 =	sld [smem:$0x3FAA]  }
0x2b: {  	s6 =	sld [smem:$0x3FAB]  }
0x2c: {  	s7 =	sld [smem:$0x3FAC]  }
0x2d: {  	s3 =	simm.s32 $0x108;
	s8 =	sld [smem:$0x3FAD]  }
0x2e: {  	s3 =	simm.s32 @!p0 $0x1082;
	s9 =	sld [smem:$0x3FAE]  }
0x2f: {  	lr =	sadd.s32 s0, s3;
	s0 =	sld [smem:$0x3FA5]  }
0x30: {  	s3 =	sld [smem:$0x3FA8]  }
0x31: {  	[smem:$0x3FB1] =	sst s10  }
0x32: {  	s10 =	sld [smem:$0x3FAF];
	_ =	sdelay $0x3  }
0x33: {  	p0 =	seq.s32 s10, $0x1;
	s10 =	sld [smem:$0x3FB1];
	_ =	sdelay $0x3  }
0x34: {  	[smem:$0x3FB1] =	sst s10  }
0x35: {  	s10 =	sld [smem:$0x3FB0];
	_ =	sdelay $0x3  }
0x36: {  	p1 =	seq.s32 s10, $0x1;
	s10 =	sld [smem:$0x3FB1];
	_ =	sdelay $0x3  }
0x37: {  	[smem:$0x3FB1] =	sst s10  }
0x38: {  	s10 =	sld [smem:$0x3FB2]  }
0x39: {  	_ = 	snop;
	(pc) =	sbr.ind lr, $3  }
0x3a: {  	_ = 	snop  }
0x3b: {  	_ = 	snop  }
0x3c: {  	p2 =	seq.s32 s10, $0x1;
	s10 =	sld [smem:$0x3FB1]  }
0x3d: {  	_ =	shalt  }
0x3e: {  	_ =	shalt  }
0x3f: {  	_ =	shalt  }
0x40: {  	_ =	shalt  }
0x41: {  	_ =	shalt  }
0x42: {  	_ =	shalt  }
0x43: {  	_ =	shalt  }
0x44: {  	_ =	shalt  }
0x45: {  	_ =	shalt  }
0x46: {  	_ =	shalt  }
0x47: {  	_ =	shalt  }
0x48: {  	_ =	shalt  }
0x49: {  	_ =	shalt  }
0x4a: {  	_ =	shalt  }
0x4b: {  	_ =	shalt  }
0x4c: {  	_ =	shalt  }
0x4d: {  	_ =	shalt  }
0x4e: {  	_ =	shalt  }
0x4f: {  	_ =	shalt  }
0x50: {  	_ =	shalt  }
0x51: {  	_ =	shalt  }
0x52: {  	_ =	shalt  }
0x53: {  	_ =	shalt  }
0x54: {  	_ =	shalt  }
0x55: {  	_ =	shalt  }
0x56: {  	_ =	shalt  }
0x57: {  	_ =	shalt  }
0x58: {  	_ =	shalt  }
0x59: {  	_ =	shalt  }
0x5a: {  	_ =	shalt  }
0x5b: {  	_ =	shalt  }
0x5c: {  	_ =	shalt  }
0x5d: {  	_ =	shalt  }
0x5e: {  	_ =	shalt  }
0x5f: {  	_ =	shalt  }
0x60: {  	_ =	shalt  }
0x61: {  	_ =	shalt  }
0x62: {  	_ =	shalt  }
0x63: {  	_ =	shalt  }
0x64: {  	_ =	shalt  }
0x65: {  	_ =	shalt  }
0x66: {  	_ =	shalt  }
0x67: {  	_ =	shalt  }
0x68: {  	_ =	shalt  }
0x69: {  	_ =	shalt  }
0x6a: {  	_ =	shalt  }
0x6b: {  	_ =	shalt  }
0x6c: {  	_ =	shalt  }
0x6d: {  	_ =	shalt  }
0x6e: {  	_ =	shalt  }
0x6f: {  	_ =	shalt  }
0x70: {  	_ =	shalt  }
0x71: {  	_ =	shalt  }
0x72: {  	_ =	shalt  }
0x73: {  	_ =	shalt  }
0x74: {  	_ =	shalt  }
0x75: {  	_ =	shalt  }
0x76: {  	_ =	shalt  }
0x77: {  	_ =	shalt  }
0x78: {  	_ =	shalt  }
0x79: {  	_ =	shalt  }
0x7a: {  	_ =	shalt  }
0x7b: {  	_ =	shalt  }
0x7c: {  	_ =	shalt  }
0x7d: {  	_ =	shalt  }
0x7e: {  	_ =	shalt  }
0x7f: {  	_ =	shalt  }
0x80: {  	_ =	shalt  }
0x81: {  	_ =	shalt  }
0x82: {  	_ =	shalt  }
0x83: {  	_ =	shalt  }
0x84: {  	_ =	shalt  }
0x85: {  	_ =	shalt  }
0x86: {  	_ =	shalt  }
0x87: {  	_ =	shalt  }
.Lfunc_end0:
.L_simem_size_0:
called_computation_lowered:
.L_overlay_start_0:
0x88: {  	s2 =	sld [smem:$0x3FD9]  }
0x89: {  	s3 =	sld [smem:$0x3FFE];
	_ =	sdelay $0x1  }
0x8a: {  	s1 =	srdreg.scid  }
0x8b: {  	s0 =	sand.u32 $0x1, s1  }
0x8c: {  	s17 =	sshll.u32 s0, $0xA;
	s2 =	sadd.s32 s3, s2  }
0x8d: {  	s2 =	sadd.s32 s2, s17  }
0x8e: {  	[smem:$0x3FBD] =	sst s2  }
0x8f: {  	_ = 	snop  }
0x90: {  	s2 =	sld [smem:$0x3FC8]  }
0x91: {  	s18 =	sld [smem:$0x3FD0];
	(tm) =	ssettm $0x1  }
0x92: {  	s4 =	sld [smem:$0x3FFB];
	_ =	sdelay $0x3  }
0x93: {  	_ =	strace s4  }
0x94: {  	s4 =	sld [smem:$0x3FFC];
	_ =	sdelay $0x3  }
0x95: {  	_ =	strace s4  }
0x96: {  	s4 =	sld [smem:$0x3FFD];
	_ =	sdelay $0x3  }
0x97: {  	_ =	strace s4  }
0x98: {  	_ =	strace $0x8FFFFFFF  }
0x99: {  	s19 =	sld [smem:$0x3FDB];
	_ =	sdelay $0x1  }
0x9a: {  	s5 =	simm.s32 $_scs_section_size  }
0x9b: {  	s6 =	simm.s32 $_size__tile_overlayer_lowered;
	s7 =	simm.s32 $_tile_overlayer_lowered  }
0x9c: {  	s22 =	simm.s32 $0x1BFF;
	s21 =	sshll.u32 s7, $0x1;
	s4 =	sadd.s32 s5, s19  }
0x9d: {  	s8 =	simm.s32 $0x0;
	s20 =	sshll.u32 s6, $0x1;
	s6 =	sadd.s32 s21, s4  }
0x9e: {  	[timem:s8], [sflag:s22] =	dma.local [hbm:s6], s20  }
0x9f: {  	_ =	swait.ge [sflag:s22], s20  }
0xa0: {  	s5 =	ssub.s32 $0x0, s20;
	[sflag:s22] =	ssyncset.done $0x0  }
0xa1: {  	[sflag:s22] =	ssyncadd.s32 s5;
	_ =	sdelay $0x1  }
0xa2: {  	s23 =	simm.s32 $0x1B8B  }
0xa3: {  	_ =	swait.ge [sflag:s23], $0x1  }
0xa4: {  	[sflag:s23] =	ssyncset.done $0x0  }
0xa5: {  	s25 =	simm.s32 $0x1B8E;
	s24 =	sld [smem:$0x3FFE];
	[sflag:s23] =	ssyncadd.s32 $0xFFFFFFFF  }
0xa6: {  	s26 =	simm.s32 $execute0_lowered;
	[smem:$0x3FD2] =	sst s25  }
0xa7: {  	s6 =	sshll.u32 s26, $0x1;
	_ =	strace $0x80000046;
	[dreg:$0x1] =	wrdreg $0xFFFFFFFF  }
0xa8: {  	s28 =	simm.s32 $_size_execute0_lowered;
	s4 =	sadd.s32 s4, s6;
	[dreg:$0x0] =	wrdreg $0x0  }
0xa9: {  	s6 =	sshll.u32 s28, $0x1;
	[dreg:$0x2] =	wrdreg s4  }
0xaa: {  	[dreg:$0x3] =	wrdreg s6  }
0xab: {  	[dreg:$0x4] =	wrdreg $0xC0  }
0xac: {  	_ =	task [dreg:s8], $0x5FFFF  }
0xad: {  	[dreg:$0x1] =	wrdreg $0xFFFFFFFF  }
0xae: {  	[dreg:$0x0] =	wrdreg $0x60  }
0xaf: {  	[dreg:$0x2] =	wrdreg s2  }
0xb0: {  	[dreg:$0x3] =	wrdreg s24  }
0xb1: {  	[dreg:$0x4] =	wrdreg s18  }
0xb2: {  	[dreg:$0x5] =	wrdreg $0x9  }
0xb3: {  	_ =	task.clear_ibuf [dreg:s8], $0x6FFFF;
	_ =	strace $0x90000046  }
0xb4: {  	s29 =	simm.s32 $0x9;
	_ =	strace $0x80000048  }
0xb5: {  	_ =	swait.ge [sflag:s29], $0x1  }
0xb6: {  	[sflag:s29] =	ssyncadd.s32 $0xFFFFFFFF  }
0xb7: {  	_ =	strace $0x90000048  }
0xb8: {  	_ =	sfence  }
0xb9: {  	s30 =	sld [smem:$0x0];
	_ =	sdelay $0x2  }
0xba: {  	s31 =	sshll.u32 s1, $0xD;
	s1 =	sshrl.u32 s1, $0x2  }
0xbb: {  	s3 =	sand.u32 $0x4000, s31;
	s1 =	sadd.s32 s1, s30  }
0xbc: {  	s0 =	sor.u32 s3, s0;
	s1 =	sshll.u32 s1, $0x11  }
0xbd: {  	s0 =	sor.u32 s1, s0  }
0xbe: {  	s0 =	sadd.s32 $0x8F2B, s0  }
0xbf: {  	[sflag:s0] =	ssyncadd.remote.s32 $0x1  }
0xc0: {  	_ =	sfence.sel $0xFFFF  }
0xc1: {  	[dreg:$0x0] =	wrdreg $0xFFFFFFFF;
	(pc) =	sbr.abs _section_cstart, $3  }
0xc2: {  	[dreg:$0x1] =	wrdreg $0xFFFFFFFF  }
0xc3: {  	_ =	task.clear_ibuf [dreg:s8], $0x2FFFF;
	_ =	strace $0x9FFFFFFF  }
0xc4: {  	(tm) =	ssettm $0x7FFFFFFF  }
0xc5: {  	_ =	shalt  }
tec
execute0_lowered:
.L_overlay_start_1:
0x0: {  	(tag) =	ssettag $0x1  }
0x1: {  	s1 =	rddreg [dreg:$0x0]  }
0x2: {  	s4 =	rddreg [dreg:$0x1]  }
0x3: {  	s5 =	rddreg [dreg:$0x2];
	s3 =	srdreg.scid  }
0x4: {  	s0 =	rddreg [dreg:$0x3];
	s2 =	stileid.u32;
	s10 =	simm.s32 $0x0  }
0x5: {  	s6 =	sand.u32 $0x1, s3;
	s3 =	simm.s32 $0x0;
	s7 =	sshll.u32 s2, $0xB  }
0x6: {  	s31 =	sshll.u32 s2, $0xF;
	s8 =	sshll.u32 s6, $0xA;
	[smem:$0x7FF] =	sst s3  }
0x7: {  	s29 =	ssub.s32 $0x2, s6;
	s5 =	sadd.s32 s31, s5;
	s6 =	sshll.u32 s6, $0xE  }
0x8: {  	s7 =	sor.u32 s8, s7;
	_ =	strace $0x80000047;
	s9 =	sshrl.u32 s29, $0x1  }
0x9: {  	s5 =	sadd.s32 s6, s5;
	s8 =	simm.s32 $0x80;
	s7 =	sshrl.u32 s7, $0x3  }
0xa: {  	s30 =	ssub.s32 s29, s9;
	s9 =	simm.s32 $0x1;
	s7 =	sadd.s32 s7, s4  }
0xb: {  	s4 =	smax.u32 s30, $0x1;
	s6 =	sadd.s32 $0x7600, s7;
	s7 =	simm.s32 $0x2  }
.LBB2_1:
0xc: {  	s11 =	sadd.s32 $0x0, s6  }
0xd: {  	[tilespmem:s3], [sflag:$0x2] =	stream.linear.gather [hbm4b:s11+s3], $0x80, $0x38;
	[tilespmem:$0x4080] =	vst v63  }
0xe: {  	_ =	swait.ge [sflag:s7], $0x80  }
0xf: {  	[sflag:s7] =	ssyncset.done $0x0  }
0x10: {  	[sflag:s7] =	ssyncadd.s32 $0xFFFFFF80  }
0x11: {  	[tilespmem:s8], [sflag:$0x1] =	stream.indirect.gather [hbm4b:s1+s8], $0x80, s3, s8, $0xb8;
	[tilespmem:$0x4080] =	vst v63  }
0x12: {  	_ =	swait.ge [sflag:s9], $0x4000  }
0x13: {  	[sflag:s9] =	ssyncset.done $0x0  }
0x14: {  	[sflag:s9] =	ssyncadd.s32 $0xFFFFC000  }
0x15: {  	[hbm4b:s5+s3] =	stream.linear.scatter [tilespmem:s8], [sflag:$0x2], $0x4000, $0x38;
	[tilespmem:$0x4080] =	vst v63  }
0x16: {  	s12 =	simm.s32 $0x10;
	_ =	swait.ge [sflag:s7], $0x4000  }
0x17: {  	s13 =	simm.s32 $0x20;
	s11 =	sadd.s32 $0x800, s5;
	[sflag:s7] =	ssyncset.done $0x0  }
.LBB2_2:
0x18: {  	s14 =	sadd.s32 s12, s6  }
0x19: {  	[sflag:s7] =	ssyncadd.s32 $0xFFFFC000;
	s12 =	smov.u32 s13;
	s15 =	sadd.s32 $0x10, s13  }
0x1a: {  	[tilespmem:s3], [sflag:$0x2] =	stream.linear.gather [hbm4b:s14+s3], $0x80, $0x38;
	[tilespmem:$0x4080] =	vst v63  }
0x1b: {  	p0 =	sne.s32 s13, $0x70;
	_ =	swait.ge [sflag:s7], $0x80  }
0x1c: {  	[sflag:s7] =	ssyncset.done $0x0  }
0x1d: {  	[sflag:s7] =	ssyncadd.s32 $0xFFFFFF80  }
0x1e: {  	[tilespmem:s8], [sflag:$0x1] =	stream.indirect.gather [hbm4b:s1+s8], $0x80, s3, s8, $0xb8;
	[tilespmem:$0x4080] =	vst v63  }
0x1f: {  	_ =	swait.ge [sflag:s9], $0x4000  }
.Ltmp0:
0x20: {  	[sflag:s9] =	ssyncset.done $0x0;
	(pc) =	sbr.rel @p0 .LBB2_2-.Ltmp0, $4  }
0x21: {  	[sflag:s9] =	ssyncadd.s32 $0xFFFFC000  }
0x22: {  	[hbm4b:s11+s3] =	stream.linear.scatter [tilespmem:s8], [sflag:$0x2], $0x4000, $0x38;
	[tilespmem:$0x4080] =	vst v63  }
0x23: {  	_ =	swait.ge [sflag:s7], $0x4000  }
0x24: {  	s13 =	smov.u32 s15;
	s11 =	sadd.s32 $0x800, s11;
	[sflag:s7] =	ssyncset.done $0x0  }
0x25: {  	s12 =	sadd.s32 s12, s6;
	[sflag:s7] =	ssyncadd.s32 $0xFFFFC000  }
0x26: {  	[tilespmem:s3], [sflag:$0x2] =	stream.linear.gather [hbm4b:s12+s3], $0x80, $0x38;
	[tilespmem:$0x4080] =	vst v63  }
0x27: {  	_ =	swait.ge [sflag:s7], $0x80  }
0x28: {  	[sflag:s7] =	ssyncset.done $0x0  }
0x29: {  	[sflag:s7] =	ssyncadd.s32 $0xFFFFFF80  }
0x2a: {  	[tilespmem:s8], [sflag:$0x1] =	stream.indirect.gather [hbm4b:s1+s8], $0x80, s3, s8, $0xb8;
	[tilespmem:$0x4080] =	vst v63  }
0x2b: {  	s10 =	sadd.s32 $0x1, s10;
	_ =	swait.ge [sflag:s9], $0x4000  }
0x2c: {  	p0 =	sne.s32 s10, s4;
	[sflag:s9] =	ssyncset.done $0x0  }
.Ltmp1:
0x2d: {  	[sflag:s9] =	ssyncadd.s32 $0xFFFFC000;
	(pc) =	sbr.rel @p0 .LBB2_1-.Ltmp1, $4  }
0x2e: {  	[hbm4b:s11+s3] =	stream.linear.scatter [tilespmem:s8], [sflag:$0x2], $0x4000, $0x38;
	[tilespmem:$0x4080] =	vst v63  }
0x2f: {  	_ =	swait.ge [sflag:s7], $0x4000  }
0x30: {  	[sflag:s7] =	ssyncset.done $0x0  }
0x31: {  	[sflag:s7] =	ssyncadd.s32 $0xFFFFC000  }
0x32: {  	_ =	sfence.sel $0x180000  }
0x33: {  	[bflag:$0x0] =	sbarrier.arrive $0xFFFF  }
0x34: {  	p0 =	sne.s32 s2, $0x0;
	_ =	strace $0x90000047  }
0x35: {  	s0 =	sadd.s32 @!p0 $0x100000, s0;
	[bflag:$0x2] =	sbarrier.arrive $0xFFFF  }
0x36: {  	[sflag:s0] =	ssyncadd.tile.s32 @!p0 $0x1;
	_ =	shalt  }
.Lfunc_end2:
_tile_overlayer_lowered:
.L_overlay_start_2:
0x37: {  	(tag) =	ssettag $0x2  }
0x38: {  	s0 =	rddreg [dreg:$0x0];
	s2 =	stileid.u32  }
0x39: {  	s1 =	rddreg [dreg:$0x1];
	p0 =	sne.s32 s2, $0x0  }
0x3a: {  	s3 =	rddreg [dreg:$0x2];
	[bflag:$0x3] =	sbarrier.arrive $0xFFFF;
	s2 =	simm.s32 @!p0 $0x1C02  }
0x3b: {  	[timem:s3], [sflag:s2] =	dma.local @!p0 [hbm:s0], s1  }
0x3c: {  	s0 =	simm.s32 @!p0 $0x2  }
0x3d: {  	_ =	swait.ge @!p0 [sflag:s0], s1  }
0x3e: {  	s1 =	ssub.s32 @!p0 $0x0, s1;
	[sflag:s0] =	ssyncset.done @!p0 $0x0  }
0x3f: {  	[sflag:s0] =	ssyncadd.s32 @!p0 s1  }
0x40: {  	[bflag:$0x3] =	sbarrier.arrive $0xFFFF  }
0x41: {  	_ =	shalt  }

// kernel: kernel.19.cloned.1.call-start
scs
__scs_entry_jumppad:
0x0: {  	(pc) =	sbr.rel $0x88, $3  }
0x1: {  	(tag) =	ssettag $0x0;
	lr =	simm.s32 $0x1  }
0x2: {  	[smem:$0x3F96] =	sst lr;
	_ =	strace $0xD0000000  }
0x3: {  	_ = 	snop  }
0x4: {  	_ = 	snop  }
0x5: {  	_ = 	snop  }
0x6: {  	_ = 	snop  }
0x7: {  	_ = 	snop  }
__scs_overlays_trampoline_lowered:
0x8: {  	[smem:$0x3FA5] =	sst s0  }
0x9: {  	[smem:$0x3FA6] =	sst s1  }
0xa: {  	[smem:$0x3FA7] =	sst s2  }
0xb: {  	[smem:$0x3FA8] =	sst s3  }
0xc: {  	[smem:$0x3FA9] =	sst s4  }
0xd: {  	[smem:$0x3FAA] =	sst s5  }
0xe: {  	[smem:$0x3FAB] =	sst s6  }
0xf: {  	[smem:$0x3FAC] =	sst s7  }
0x10: {  	[smem:$0x3FAD] =	sst s8  }
0x11: {  	[smem:$0x3FAE] =	sst s9;
	s0 =	simm.s32 @!p0 $0x0  }
0x12: {  	s1 =	sld [smem:$0x3F94];
	s0 =	simm.s32 @p0 $0x1  }
0x13: {  	[smem:$0x3FAF] =	sst s0;
	s0 =	simm.s32 @!p1 $0x0  }
0x14: {  	s2 =	sld [smem:$0x3F93];
	s0 =	simm.s32 @p1 $0x1  }
0x15: {  	[smem:$0x3FB0] =	sst s0;
	s0 =	simm.s32 @!p2 $0x0  }
0x16: {  	s3 =	sld [smem:$0x3FDB];
	s0 =	simm.s32 @p2 $0x1  }
0x17: {  	s4 =	simm.s32 $0x1BF5;
	[smem:$0x3FB2] =	sst s0  }
0x18: {  	s0 =	sld [smem:$0x3F95];
	_ =	swait.ge [sflag:s4], $0x0  }
0x19: {  	s7 =	sld [smem:$0x3F96]  }
0x1a: {  	s8 =	sadd.s32 $0xFFFFE003, lr  }
0x1b: {  	s9 =	sadd.s32 $0xFFFFFEF7, lr;
	s5 =	simm.s32 $0xFFFFFFFF;
	p2 =	slt.u32 s8, $0xFFFFF086  }
0x1c: {  	p1 =	slt.u32 s9, $0xF7A;
	s5 =	simm.s32 @!p2 $0x0  }
0x1d: {  	s5 =	simm.s32 @p1 $0x1;
	p0 =	seq.s32 s7, s2  }
0x1e: {  	s7 =	smul.u32 @!p0 $0xF7A, s2;
	p2 =	seq.s32 @!p0 s5, $0x0  }
0x1f: {  	s9 =	smul.u32 $0xF7A, s1;
	s8 =	simm.s32 @!p0 $0x1BF5;
	p2 =	por !p2, p0  }
0x20: {  	[sflag:s8] =	ssyncset.s32 @!p0 $0xFFFFF086;
	s6 =	sadd.s32 @!p0 s3, s7;
	s7 =	simm.s32 @!p0 $0x108  }
0x21: {  	s3 =	sadd.s32 s3, s9;
	s6 =	sadd.s32 @!p0 $0x88, s6;
	s7 =	simm.s32 @p2 $0x1082  }
0x22: {  	[simem:s7], [sflag:s8] =	dma.local @!p0 [hbm:s6], $0xF7A  }
0x23: {  	s9 =	sor.u32 $0xD0000000, s2;
	s6 =	simm.s32 $0x108;
	_ =	swait.ge @!p0 [sflag:s8], $0x0  }
0x24: {  	s3 =	sadd.s32 $0x88, s3;
	s6 =	simm.s32 @!p1 $0x1082;
	[sflag:s4] =	ssyncset.s32 $0xFFFFF086  }
0x25: {  	[simem:s6], [sflag:s4] =	dma.local [hbm:s3], $0xF7A  }
0x26: {  	[smem:$0x3F96] =	sst s1;
	(tag) =	ssettag s2;
	_ =	strace s9  }
0x27: {  	s1 =	sld [smem:$0x3FA6]  }
0x28: {  	s2 =	sld [smem:$0x3FA7]  }
0x29: {  	s4 =	sld [smem:$0x3FA9]  }
0x2a: {  	p0 =	seq.s32 s5, $0x0;
	s5 =	sld [smem:$0x3FAA]  }
0x2b: {  	s6 =	sld [smem:$0x3FAB]  }
0x2c: {  	s7 =	sld [smem:$0x3FAC]  }
0x2d: {  	s3 =	simm.s32 $0x108;
	s8 =	sld [smem:$0x3FAD]  }
0x2e: {  	s3 =	simm.s32 @!p0 $0x1082;
	s9 =	sld [smem:$0x3FAE]  }
0x2f: {  	lr =	sadd.s32 s0, s3;
	s0 =	sld [smem:$0x3FA5]  }
0x30: {  	s3 =	sld [smem:$0x3FA8]  }
0x31: {  	[smem:$0x3FB1] =	sst s10  }
0x32: {  	s10 =	sld [smem:$0x3FAF];
	_ =	sdelay $0x3  }
0x33: {  	p0 =	seq.s32 s10, $0x1;
	s10 =	sld [smem:$0x3FB1];
	_ =	sdelay $0x3  }
0x34: {  	[smem:$0x3FB1] =	sst s10  }
0x35: {  	s10 =	sld [smem:$0x3FB0];
	_ =	sdelay $0x3  }
0x36: {  	p1 =	seq.s32 s10, $0x1;
	s10 =	sld [smem:$0x3FB1];
	_ =	sdelay $0x3  }
0x37: {  	[smem:$0x3FB1] =	sst s10  }
0x38: {  	s10 =	sld [smem:$0x3FB2]  }
0x39: {  	_ = 	snop;
	(pc) =	sbr.ind lr, $3  }
0x3a: {  	_ = 	snop  }
0x3b: {  	_ = 	snop  }
0x3c: {  	p2 =	seq.s32 s10, $0x1;
	s10 =	sld [smem:$0x3FB1]  }
0x3d: {  	_ =	shalt  }
0x3e: {  	_ =	shalt  }
0x3f: {  	_ =	shalt  }
0x40: {  	_ =	shalt  }
0x41: {  	_ =	shalt  }
0x42: {  	_ =	shalt  }
0x43: {  	_ =	shalt  }
0x44: {  	_ =	shalt  }
0x45: {  	_ =	shalt  }
0x46: {  	_ =	shalt  }
0x47: {  	_ =	shalt  }
0x48: {  	_ =	shalt  }
0x49: {  	_ =	shalt  }
0x4a: {  	_ =	shalt  }
0x4b: {  	_ =	shalt  }
0x4c: {  	_ =	shalt  }
0x4d: {  	_ =	shalt  }
0x4e: {  	_ =	shalt  }
0x4f: {  	_ =	shalt  }
0x50: {  	_ =	shalt  }
0x51: {  	_ =	shalt  }
0x52: {  	_ =	shalt  }
0x53: {  	_ =	shalt  }
0x54: {  	_ =	shalt  }
0x55: {  	_ =	shalt  }
0x56: {  	_ =	shalt  }
0x57: {  	_ =	shalt  }
0x58: {  	_ =	shalt  }
0x59: {  	_ =	shalt  }
0x5a: {  	_ =	shalt  }
0x5b: {  	_ =	shalt  }
0x5c: {  	_ =	shalt  }
0x5d: {  	_ =	shalt  }
0x5e: {  	_ =	shalt  }
0x5f: {  	_ =	shalt  }
0x60: {  	_ =	shalt  }
0x61: {  	_ =	shalt  }
0x62: {  	_ =	shalt  }
0x63: {  	_ =	shalt  }
0x64: {  	_ =	shalt  }
0x65: {  	_ =	shalt  }
0x66: {  	_ =	shalt  }
0x67: {  	_ =	shalt  }
0x68: {  	_ =	shalt  }
0x69: {  	_ =	shalt  }
0x6a: {  	_ =	shalt  }
0x6b: {  	_ =	shalt  }
0x6c: {  	_ =	shalt  }
0x6d: {  	_ =	shalt  }
0x6e: {  	_ =	shalt  }
0x6f: {  	_ =	shalt  }
0x70: {  	_ =	shalt  }
0x71: {  	_ =	shalt  }
0x72: {  	_ =	shalt  }
0x73: {  	_ =	shalt  }
0x74: {  	_ =	shalt  }
0x75: {  	_ =	shalt  }
0x76: {  	_ =	shalt  }
0x77: {  	_ =	shalt  }
0x78: {  	_ =	shalt  }
0x79: {  	_ =	shalt  }
0x7a: {  	_ =	shalt  }
0x7b: {  	_ =	shalt  }
0x7c: {  	_ =	shalt  }
0x7d: {  	_ =	shalt  }
0x7e: {  	_ =	shalt  }
0x7f: {  	_ =	shalt  }
0x80: {  	_ =	shalt  }
0x81: {  	_ =	shalt  }
0x82: {  	_ =	shalt  }
0x83: {  	_ =	shalt  }
0x84: {  	_ =	shalt  }
0x85: {  	_ =	shalt  }
0x86: {  	_ =	shalt  }
0x87: {  	_ =	shalt  }
.Lfunc_end0:
.L_simem_size_0:
called_computation.1_lowered:
.L_overlay_start_0:
0x88: {  	s2 =	sld [smem:$0x3FD9]  }
0x89: {  	s3 =	sld [smem:$0x3FFE];
	_ =	sdelay $0x1  }
0x8a: {  	s1 =	srdreg.scid  }
0x8b: {  	s0 =	sand.u32 $0x1, s1  }
0x8c: {  	s17 =	sshll.u32 s0, $0xA;
	s2 =	sadd.s32 s3, s2  }
0x8d: {  	s2 =	sadd.s32 s2, s17  }
0x8e: {  	[smem:$0x3FBD] =	sst s2  }
0x8f: {  	_ = 	snop  }
0x90: {  	s2 =	sld [smem:$0x3FC3];
	(tm) =	ssettm $0x1  }
0x91: {  	s18 =	sld [smem:$0x3FFB];
	_ =	sdelay $0x3  }
0x92: {  	_ =	strace s18  }
0x93: {  	s3 =	sld [smem:$0x3FFC];
	_ =	sdelay $0x3  }
0x94: {  	_ =	strace s3  }
0x95: {  	s3 =	sld [smem:$0x3FFD];
	_ =	sdelay $0x3  }
0x96: {  	_ =	strace s3  }
0x97: {  	_ =	strace $0x8FFFFFFF  }
0x98: {  	s19 =	sld [smem:$0x3FDB];
	_ =	sdelay $0x1  }
0x99: {  	s4 =	simm.s32 $_scs_section_size  }
0x9a: {  	s5 =	simm.s32 $_size__tile_overlayer_lowered;
	s6 =	simm.s32 $_tile_overlayer_lowered  }
0x9b: {  	s22 =	simm.s32 $0x1BFF;
	s21 =	sshll.u32 s6, $0x1;
	s3 =	sadd.s32 s4, s19  }
0x9c: {  	s7 =	simm.s32 $0x0;
	s20 =	sshll.u32 s5, $0x1;
	s5 =	sadd.s32 s21, s3  }
0x9d: {  	[timem:s7], [sflag:s22] =	dma.local [hbm:s5], s20  }
0x9e: {  	_ =	swait.ge [sflag:s22], s20  }
0x9f: {  	s4 =	ssub.s32 $0x0, s20;
	[sflag:s22] =	ssyncset.done $0x0  }
0xa0: {  	[sflag:s22] =	ssyncadd.s32 s4;
	_ =	sdelay $0x1  }
0xa1: {  	s23 =	simm.s32 $0x1B8B  }
0xa2: {  	_ =	swait.ge [sflag:s23], $0x1  }
0xa3: {  	[sflag:s23] =	ssyncset.done $0x0  }
0xa4: {  	s25 =	simm.s32 $0x1B8E;
	s24 =	sld [smem:$0x3FFE];
	[sflag:s23] =	ssyncadd.s32 $0xFFFFFFFF  }
0xa5: {  	s26 =	simm.s32 $execute0_lowered;
	[smem:$0x3FD2] =	sst s25  }
0xa6: {  	s5 =	sshll.u32 s26, $0x1;
	_ =	strace $0x80000049;
	[dreg:$0x1] =	wrdreg $0xFFFFFFFF  }
0xa7: {  	s28 =	simm.s32 $_size_execute0_lowered;
	s3 =	sadd.s32 s3, s5;
	[dreg:$0x0] =	wrdreg $0x0  }
0xa8: {  	s5 =	sshll.u32 s28, $0x1;
	[dreg:$0x2] =	wrdreg s3  }
0xa9: {  	[dreg:$0x3] =	wrdreg s5  }
0xaa: {  	[dreg:$0x4] =	wrdreg $0xC0  }
0xab: {  	_ =	task [dreg:s7], $0x5FFFF  }
0xac: {  	[dreg:$0x1] =	wrdreg $0xFFFFFFFF  }
0xad: {  	[dreg:$0x0] =	wrdreg $0x60  }
0xae: {  	[dreg:$0x2] =	wrdreg s2  }
0xaf: {  	[dreg:$0x3] =	wrdreg s24  }
0xb0: {  	[dreg:$0x4] =	wrdreg $0x9  }
0xb1: {  	_ =	task.clear_ibuf [dreg:s7], $0x5FFFF;
	_ =	strace $0x90000049  }
0xb2: {  	s29 =	simm.s32 $0x9;
	_ =	strace $0x8000004B  }
0xb3: {  	_ =	swait.ge [sflag:s29], $0x1  }
0xb4: {  	[sflag:s29] =	ssyncadd.s32 $0xFFFFFFFF  }
0xb5: {  	_ =	strace $0x9000004B  }
0xb6: {  	_ =	sfence  }
0xb7: {  	s30 =	sld [smem:$0x0];
	_ =	sdelay $0x2  }
0xb8: {  	s31 =	sshll.u32 s1, $0xD;
	s1 =	sshrl.u32 s1, $0x2  }
0xb9: {  	s3 =	sand.u32 $0x4000, s31;
	s1 =	sadd.s32 s1, s30  }
0xba: {  	s0 =	sor.u32 s3, s0;
	s1 =	sshll.u32 s1, $0x11  }
0xbb: {  	s0 =	sor.u32 s1, s0  }
0xbc: {  	s0 =	sadd.s32 $0x8F2B, s0  }
0xbd: {  	[sflag:s0] =	ssyncadd.remote.s32 $0x1  }
0xbe: {  	_ =	sfence.sel $0xFFFF  }
0xbf: {  	[dreg:$0x0] =	wrdreg $0xFFFFFFFF;
	(pc) =	sbr.abs _section_cstart, $3  }
0xc0: {  	[dreg:$0x1] =	wrdreg $0xFFFFFFFF  }
0xc1: {  	_ =	task.clear_ibuf [dreg:s7], $0x2FFFF;
	_ =	strace $0x9FFFFFFF  }
0xc2: {  	(tm) =	ssettm $0x7FFFFFFF  }
0xc3: {  	_ =	shalt  }
tec
execute0_lowered:
.L_overlay_start_1:
0x0: {  	(tag) =	ssettag $0x1  }
0x1: {  	s1 =	rddreg [dreg:$0x0]  }
0x2: {  	s4 =	rddreg [dreg:$0x1]  }
0x3: {  	s0 =	rddreg [dreg:$0x2];
	s5 =	srdreg.scid  }
0x4: {  	s3 =	simm.s32 $0x0;
	s2 =	stileid.u32;
	s10 =	simm.s32 $0x1080  }
0x5: {  	s11 =	simm.s32 $0x1880;
	s12 =	simm.s32 $0x2080;
	s13 =	simm.s32 $0x2880  }
0x6: {  	s14 =	simm.s32 $0x3080;
	s15 =	simm.s32 $0x3880;
	s16 =	simm.s32 $0x4080  }
0x7: {  	s17 =	simm.s32 $0x4880;
	s18 =	simm.s32 $0x5080;
	s19 =	simm.s32 $0x5880  }
0x8: {  	s20 =	simm.s32 $0x6080;
	s21 =	simm.s32 $0x6880;
	s22 =	simm.s32 $0x7080  }
0x9: {  	s23 =	simm.s32 $0x7880;
	s24 =	simm.s32 $0x1;
	s25 =	simm.s32 $0x0  }
0xa: {  	s5 =	sand.u32 $0x1, s5;
	[smem:$0x7FF] =	sst s3;
	s6 =	sshll.u32 s2, $0xB  }
0xb: {  	s8 =	sshll.u32 s2, $0x10;
	s7 =	sshll.u32 s5, $0xA;
	_ =	strace $0x8000004A  }
0xc: {  	s31 =	ssub.s32 $0x2, s5;
	s8 =	sadd.s32 s8, s4;
	s5 =	sshll.u32 s5, $0xF  }
0xd: {  	s6 =	sor.u32 s7, s6;
	s9 =	sshrl.u32 s31, $0x1;
	s5 =	sadd.s32 s5, s8  }
0xe: {  	v2 =	vlaneseq.u32;
	s8 =	simm.s32 $0x80;
	s6 =	sshrl.u32 s6, $0x3;
	s7 =	ssub.s32 s31, s9  }
0xf: {  	vm0 =	vmmov $0xffff;
	v1 =	vshrl.u32 v2, $0x3;
	s5 =	sadd.s32 $0x34600, s5;
	s9 =	simm.s32 $0x880;
	s6 =	sadd.s32 s6, s4  }
0x10: {  	v0 =	vand.u32 $0x7, v2;
	v2 =	vor.u32 $0x8, v2;
	v1 =	vmul.u32 $0x8, v1;
	s4 =	smax.u32 s7, $0x1;
	s7 =	simm.s32 $0x2;
	s6 =	sadd.s32 $0x7600, s6  }
.LBB2_1:
0x11: {  	s26 =	smov.u32 s5;
	s28 =	simm.s32 $0x0  }
.LBB2_2:
0x12: {  	s29 =	sadd.s32 s28, s6  }
0x13: {  	[tilespmem:s3], [sflag:$0x2] =	stream.linear.gather [hbm4b:s29+s3], $0x80, $0x38;
	[tilespmem:$0x8080] =	vst v63  }
0x14: {  	_ =	swait.ge [sflag:s7], $0x80  }
0x15: {  	[sflag:s7] =	ssyncset.done $0x0  }
0x16: {  	[sflag:s7] =	ssyncadd.s32 $0xFFFFFF80  }
0x17: {  	v3 =	vld [tilespmem:$0x0];
	_ =	sdelay $0x4  }
0x18: {  	v4 =	vshll.u32 v3, $0x1  }
0x19: {  	v3 =	vand.u32 $0x7, v3;
	v4 =	vand.u32 $0xFFFFFFF0, v4  }
0x1a: {  	v3 =	vor.u32 v3, v4  }
0x1b: {  	v4 =	vperm.xlane v3, v0;
	_ =	sdelay $0x1  }
0x1c: {  	v3 =	vperm.xlane v3, v2;
	v4 =	vadd.s32 v1, v4;
	_ =	sdelay $0x1  }
0x1d: {  	v3 =	vadd.s32 v1, v3;
	_ =	sdelay $0x2  }
0x1e: {  	[tilespmem:s8], [sflag:$0x1] =	stream.indirect_vreg.gather [hbm4b:s1+s3], $0x80, v4, vm0, $0xb8;
	[tilespmem:$0x8080] =	vst v63  }
0x1f: {  	_ = 	snop  }
0x20: {  	[tilespmem:s9], [sflag:$0x1] =	stream.indirect_vreg.gather [hbm4b:s1+s3], $0x80, v3, vm0, $0xb8;
	[tilespmem:$0x8080] =	vst v63  }
0x21: {  	v3 =	vld [tilespmem:$0x10];
	_ =	sdelay $0x4  }
0x22: {  	v57 =	vshll.u32 v3, $0x1  }
0x23: {  	v3 =	vand.u32 $0x7, v3;
	v4 =	vand.u32 $0xFFFFFFF0, v57  }
0x24: {  	v3 =	vor.u32 v3, v4  }
0x25: {  	v4 =	vperm.xlane v3, v0;
	_ =	sdelay $0x1  }
0x26: {  	v3 =	vperm.xlane v3, v2;
	v4 =	vadd.s32 v1, v4;
	_ =	sdelay $0x1  }
0x27: {  	v3 =	vadd.s32 v1, v3;
	_ =	sdelay $0x2  }
0x28: {  	[tilespmem:s10], [sflag:$0x1] =	stream.indirect_vreg.gather [hbm4b:s1+s3], $0x80, v4, vm0, $0xb8;
	[tilespmem:$0x8080] =	vst v63  }
0x29: {  	_ = 	snop  }
0x2a: {  	[tilespmem:s11], [sflag:$0x1] =	stream.indirect_vreg.gather [hbm4b:s1+s3], $0x80, v3, vm0, $0xb8;
	[tilespmem:$0x8080] =	vst v63  }
0x2b: {  	v3 =	vld [tilespmem:$0x20];
	_ =	sdelay $0x4  }
0x2c: {  	v58 =	vshll.u32 v3, $0x1  }
0x2d: {  	v3 =	vand.u32 $0x7, v3;
	v4 =	vand.u32 $0xFFFFFFF0, v58  }
0x2e: {  	v3 =	vor.u32 v3, v4  }
0x2f: {  	v4 =	vperm.xlane v3, v0;
	_ =	sdelay $0x1  }
0x30: {  	v3 =	vperm.xlane v3, v2;
	v4 =	vadd.s32 v1, v4;
	_ =	sdelay $0x1  }
0x31: {  	v3 =	vadd.s32 v1, v3;
	_ =	sdelay $0x2  }
0x32: {  	[tilespmem:s12], [sflag:$0x1] =	stream.indirect_vreg.gather [hbm4b:s1+s3], $0x80, v4, vm0, $0xb8;
	[tilespmem:$0x8080] =	vst v63  }
0x33: {  	_ = 	snop  }
0x34: {  	[tilespmem:s13], [sflag:$0x1] =	stream.indirect_vreg.gather [hbm4b:s1+s3], $0x80, v3, vm0, $0xb8;
	[tilespmem:$0x8080] =	vst v63  }
0x35: {  	v3 =	vld [tilespmem:$0x30];
	_ =	sdelay $0x4  }
0x36: {  	v59 =	vshll.u32 v3, $0x1  }
0x37: {  	v3 =	vand.u32 $0x7, v3;
	v4 =	vand.u32 $0xFFFFFFF0, v59  }
0x38: {  	v3 =	vor.u32 v3, v4  }
0x39: {  	v4 =	vperm.xlane v3, v0;
	_ =	sdelay $0x1  }
0x3a: {  	v3 =	vperm.xlane v3, v2;
	v4 =	vadd.s32 v1, v4;
	_ =	sdelay $0x1  }
0x3b: {  	v3 =	vadd.s32 v1, v3;
	_ =	sdelay $0x2  }
0x3c: {  	[tilespmem:s14], [sflag:$0x1] =	stream.indirect_vreg.gather [hbm4b:s1+s3], $0x80, v4, vm0, $0xb8;
	[tilespmem:$0x8080] =	vst v63  }
0x3d: {  	_ = 	snop  }
0x3e: {  	[tilespmem:s15], [sflag:$0x1] =	stream.indirect_vreg.gather [hbm4b:s1+s3], $0x80, v3, vm0, $0xb8;
	[tilespmem:$0x8080] =	vst v63  }
0x3f: {  	v3 =	vld [tilespmem:$0x40];
	_ =	sdelay $0x4  }
0x40: {  	v60 =	vshll.u32 v3, $0x1  }
0x41: {  	v3 =	vand.u32 $0x7, v3;
	v4 =	vand.u32 $0xFFFFFFF0, v60  }
0x42: {  	v3 =	vor.u32 v3, v4  }
0x43: {  	v4 =	vperm.xlane v3, v0;
	_ =	sdelay $0x1  }
0x44: {  	v3 =	vperm.xlane v3, v2;
	v4 =	vadd.s32 v1, v4;
	_ =	sdelay $0x1  }
0x45: {  	v3 =	vadd.s32 v1, v3;
	_ =	sdelay $0x2  }
0x46: {  	[tilespmem:s16], [sflag:$0x1] =	stream.indirect_vreg.gather [hbm4b:s1+s3], $0x80, v4, vm0, $0xb8;
	[tilespmem:$0x8080] =	vst v63  }
0x47: {  	_ = 	snop  }
0x48: {  	[tilespmem:s17], [sflag:$0x1] =	stream.indirect_vreg.gather [hbm4b:s1+s3], $0x80, v3, vm0, $0xb8;
	[tilespmem:$0x8080] =	vst v63  }
0x49: {  	v3 =	vld [tilespmem:$0x50];
	_ =	sdelay $0x4  }
0x4a: {  	v61 =	vshll.u32 v3, $0x1  }
0x4b: {  	v3 =	vand.u32 $0x7, v3;
	v4 =	vand.u32 $0xFFFFFFF0, v61  }
0x4c: {  	v3 =	vor.u32 v3, v4  }
0x4d: {  	v4 =	vperm.xlane v3, v0;
	_ =	sdelay $0x1  }
0x4e: {  	v3 =	vperm.xlane v3, v2;
	v4 =	vadd.s32 v1, v4;
	_ =	sdelay $0x1  }
0x4f: {  	v3 =	vadd.s32 v1, v3;
	_ =	sdelay $0x2  }
0x50: {  	[tilespmem:s18], [sflag:$0x1] =	stream.indirect_vreg.gather [hbm4b:s1+s3], $0x80, v4, vm0, $0xb8;
	[tilespmem:$0x8080] =	vst v63  }
0x51: {  	_ = 	snop  }
0x52: {  	[tilespmem:s19], [sflag:$0x1] =	stream.indirect_vreg.gather [hbm4b:s1+s3], $0x80, v3, vm0, $0xb8;
	[tilespmem:$0x8080] =	vst v63  }
0x53: {  	v3 =	vld [tilespmem:$0x60];
	_ =	sdelay $0x4  }
0x54: {  	v62 =	vshll.u32 v3, $0x1  }
0x55: {  	v3 =	vand.u32 $0x7, v3;
	v4 =	vand.u32 $0xFFFFFFF0, v62  }
0x56: {  	v3 =	vor.u32 v3, v4  }
0x57: {  	v4 =	vperm.xlane v3, v0;
	_ =	sdelay $0x1  }
0x58: {  	v3 =	vperm.xlane v3, v2;
	v4 =	vadd.s32 v1, v4;
	_ =	sdelay $0x1  }
0x59: {  	v3 =	vadd.s32 v1, v3;
	_ =	sdelay $0x2  }
0x5a: {  	[tilespmem:s20], [sflag:$0x1] =	stream.indirect_vreg.gather [hbm4b:s1+s3], $0x80, v4, vm0, $0xb8;
	[tilespmem:$0x8080] =	vst v63  }
0x5b: {  	_ = 	snop  }
0x5c: {  	[tilespmem:s21], [sflag:$0x1] =	stream.indirect_vreg.gather [hbm4b:s1+s3], $0x80, v3, vm0, $0xb8;
	[tilespmem:$0x8080] =	vst v63  }
0x5d: {  	v3 =	vld [tilespmem:$0x70];
	_ =	sdelay $0x4  }
0x5e: {  	v63 =	vshll.u32 v3, $0x1  }
0x5f: {  	v3 =	vand.u32 $0x7, v3;
	v4 =	vand.u32 $0xFFFFFFF0, v63  }
0x60: {  	v3 =	vor.u32 v3, v4  }
0x61: {  	v4 =	vperm.xlane v3, v0;
	_ =	sdelay $0x1  }
0x62: {  	v3 =	vperm.xlane v3, v2;
	v4 =	vadd.s32 v1, v4;
	_ =	sdelay $0x1  }
0x63: {  	v3 =	vadd.s32 v1, v3;
	_ =	sdelay $0x2  }
0x64: {  	[tilespmem:s22], [sflag:$0x1] =	stream.indirect_vreg.gather [hbm4b:s1+s3], $0x80, v4, vm0, $0xb8;
	[tilespmem:$0x8080] =	vst v63  }
0x65: {  	_ = 	snop  }
0x66: {  	[tilespmem:s23], [sflag:$0x1] =	stream.indirect_vreg.gather [hbm4b:s1+s3], $0x80, v3, vm0, $0xb8;
	[tilespmem:$0x8080] =	vst v63  }
0x67: {  	_ =	swait.ge [sflag:s24], $0x8000  }
0x68: {  	p0 =	sne.s32 s28, $0x70;
	[sflag:s24] =	ssyncset.done $0x0  }
.Ltmp0:
0x69: {  	[sflag:s24] =	ssyncadd.s32 $0xFFFF8000;
	(pc) =	sbr.rel @p0 .LBB2_2-.Ltmp0, $4  }
0x6a: {  	[hbm4b:s26+s3] =	stream.linear.scatter [tilespmem:s8], [sflag:$0x2], $0x8000, $0x38;
	[tilespmem:$0x8080] =	vst v63  }
0x6b: {  	_ =	swait.ge [sflag:s7], $0x8000  }
0x6c: {  	[sflag:s7] =	ssyncset.done $0x0  }
0x6d: {  	s28 =	sadd.s32 $0x10, s28;
	s26 =	sadd.s32 $0x1000, s26;
	[sflag:s7] =	ssyncadd.s32 $0xFFFF8000  }
0x6e: {  	s25 =	sadd.s32 $0x1, s25  }
0x6f: {  	p0 =	sne.s32 s25, s4  }
.Ltmp1:
0x70: {  	_ = 	snop;
	(pc) =	sbr.rel @p0 .LBB2_1-.Ltmp1, $1  }
0x71: {  	_ =	sdelay $0x3  }
0x72: {  	_ =	sfence.sel $0x180000  }
0x73: {  	[bflag:$0x0] =	sbarrier.arrive $0xFFFF  }
0x74: {  	p0 =	sne.s32 s2, $0x0;
	_ =	strace $0x9000004A  }
0x75: {  	s0 =	sadd.s32 @!p0 $0x100000, s0;
	[bflag:$0x2] =	sbarrier.arrive $0xFFFF  }
0x76: {  	[sflag:s0] =	ssyncadd.tile.s32 @!p0 $0x1;
	_ =	shalt  }
.Lfunc_end2:
_tile_overlayer_lowered:
.L_overlay_start_2:
0x77: {  	(tag) =	ssettag $0x2  }
0x78: {  	s0 =	rddreg [dreg:$0x0];
	s2 =	stileid.u32  }
0x79: {  	s1 =	rddreg [dreg:$0x1];
	p0 =	sne.s32 s2, $0x0  }
0x7a: {  	s3 =	rddreg [dreg:$0x2];
	[bflag:$0x3] =	sbarrier.arrive $0xFFFF;
	s2 =	simm.s32 @!p0 $0x1C02  }
0x7b: {  	[timem:s3], [sflag:s2] =	dma.local @!p0 [hbm:s0], s1  }
0x7c: {  	s0 =	simm.s32 @!p0 $0x2  }
0x7d: {  	_ =	swait.ge @!p0 [sflag:s0], s1  }
0x7e: {  	s1 =	ssub.s32 @!p0 $0x0, s1;
	[sflag:s0] =	ssyncset.done @!p0 $0x0  }
0x7f: {  	[sflag:s0] =	ssyncadd.s32 @!p0 s1  }
0x80: {  	[bflag:$0x3] =	sbarrier.arrive $0xFFFF  }
0x81: {  	_ =	shalt  }

// kernel: kernel.22.cloned.1.call-start
scs
__scs_entry_jumppad:
0x0: {  	(pc) =	sbr.rel $0x88, $3  }
0x1: {  	(tag) =	ssettag $0x0;
	lr =	simm.s32 $0x1  }
0x2: {  	[smem:$0x3F96] =	sst lr;
	_ =	strace $0xD0000000  }
0x3: {  	_ = 	snop  }
0x4: {  	_ = 	snop  }
0x5: {  	_ = 	snop  }
0x6: {  	_ = 	snop  }
0x7: {  	_ = 	snop  }
__scs_overlays_trampoline_lowered:
0x8: {  	[smem:$0x3FA5] =	sst s0  }
0x9: {  	[smem:$0x3FA6] =	sst s1  }
0xa: {  	[smem:$0x3FA7] =	sst s2  }
0xb: {  	[smem:$0x3FA8] =	sst s3  }
0xc: {  	[smem:$0x3FA9] =	sst s4  }
0xd: {  	[smem:$0x3FAA] =	sst s5  }
0xe: {  	[smem:$0x3FAB] =	sst s6  }
0xf: {  	[smem:$0x3FAC] =	sst s7  }
0x10: {  	[smem:$0x3FAD] =	sst s8  }
0x11: {  	[smem:$0x3FAE] =	sst s9;
	s0 =	simm.s32 @!p0 $0x0  }
0x12: {  	s1 =	sld [smem:$0x3F94];
	s0 =	simm.s32 @p0 $0x1  }
0x13: {  	[smem:$0x3FAF] =	sst s0;
	s0 =	simm.s32 @!p1 $0x0  }
0x14: {  	s2 =	sld [smem:$0x3F93];
	s0 =	simm.s32 @p1 $0x1  }
0x15: {  	[smem:$0x3FB0] =	sst s0;
	s0 =	simm.s32 @!p2 $0x0  }
0x16: {  	s3 =	sld [smem:$0x3FDB];
	s0 =	simm.s32 @p2 $0x1  }
0x17: {  	s4 =	simm.s32 $0x1BF5;
	[smem:$0x3FB2] =	sst s0  }
0x18: {  	s0 =	sld [smem:$0x3F95];
	_ =	swait.ge [sflag:s4], $0x0  }
0x19: {  	s7 =	sld [smem:$0x3F96]  }
0x1a: {  	s8 =	sadd.s32 $0xFFFFE003, lr  }
0x1b: {  	s9 =	sadd.s32 $0xFFFFFEF7, lr;
	s5 =	simm.s32 $0xFFFFFFFF;
	p2 =	slt.u32 s8, $0xFFFFF086  }
0x1c: {  	p1 =	slt.u32 s9, $0xF7A;
	s5 =	simm.s32 @!p2 $0x0  }
0x1d: {  	s5 =	simm.s32 @p1 $0x1;
	p0 =	seq.s32 s7, s2  }
0x1e: {  	s7 =	smul.u32 @!p0 $0xF7A, s2;
	p2 =	seq.s32 @!p0 s5, $0x0  }
0x1f: {  	s9 =	smul.u32 $0xF7A, s1;
	s8 =	simm.s32 @!p0 $0x1BF5;
	p2 =	por !p2, p0  }
0x20: {  	[sflag:s8] =	ssyncset.s32 @!p0 $0xFFFFF086;
	s6 =	sadd.s32 @!p0 s3, s7;
	s7 =	simm.s32 @!p0 $0x108  }
0x21: {  	s3 =	sadd.s32 s3, s9;
	s6 =	sadd.s32 @!p0 $0x88, s6;
	s7 =	simm.s32 @p2 $0x1082  }
0x22: {  	[simem:s7], [sflag:s8] =	dma.local @!p0 [hbm:s6], $0xF7A  }
0x23: {  	s9 =	sor.u32 $0xD0000000, s2;
	s6 =	simm.s32 $0x108;
	_ =	swait.ge @!p0 [sflag:s8], $0x0  }
0x24: {  	s3 =	sadd.s32 $0x88, s3;
	s6 =	simm.s32 @!p1 $0x1082;
	[sflag:s4] =	ssyncset.s32 $0xFFFFF086  }
0x25: {  	[simem:s6], [sflag:s4] =	dma.local [hbm:s3], $0xF7A  }
0x26: {  	[smem:$0x3F96] =	sst s1;
	(tag) =	ssettag s2;
	_ =	strace s9  }
0x27: {  	s1 =	sld [smem:$0x3FA6]  }
0x28: {  	s2 =	sld [smem:$0x3FA7]  }
0x29: {  	s4 =	sld [smem:$0x3FA9]  }
0x2a: {  	p0 =	seq.s32 s5, $0x0;
	s5 =	sld [smem:$0x3FAA]  }
0x2b: {  	s6 =	sld [smem:$0x3FAB]  }
0x2c: {  	s7 =	sld [smem:$0x3FAC]  }
0x2d: {  	s3 =	simm.s32 $0x108;
	s8 =	sld [smem:$0x3FAD]  }
0x2e: {  	s3 =	simm.s32 @!p0 $0x1082;
	s9 =	sld [smem:$0x3FAE]  }
0x2f: {  	lr =	sadd.s32 s0, s3;
	s0 =	sld [smem:$0x3FA5]  }
0x30: {  	s3 =	sld [smem:$0x3FA8]  }
0x31: {  	[smem:$0x3FB1] =	sst s10  }
0x32: {  	s10 =	sld [smem:$0x3FAF];
	_ =	sdelay $0x3  }
0x33: {  	p0 =	seq.s32 s10, $0x1;
	s10 =	sld [smem:$0x3FB1];
	_ =	sdelay $0x3  }
0x34: {  	[smem:$0x3FB1] =	sst s10  }
0x35: {  	s10 =	sld [smem:$0x3FB0];
	_ =	sdelay $0x3  }
0x36: {  	p1 =	seq.s32 s10, $0x1;
	s10 =	sld [smem:$0x3FB1];
	_ =	sdelay $0x3  }
0x37: {  	[smem:$0x3FB1] =	sst s10  }
0x38: {  	s10 =	sld [smem:$0x3FB2]  }
0x39: {  	_ = 	snop;
	(pc) =	sbr.ind lr, $3  }
0x3a: {  	_ = 	snop  }
0x3b: {  	_ = 	snop  }
0x3c: {  	p2 =	seq.s32 s10, $0x1;
	s10 =	sld [smem:$0x3FB1]  }
0x3d: {  	_ =	shalt  }
0x3e: {  	_ =	shalt  }
0x3f: {  	_ =	shalt  }
0x40: {  	_ =	shalt  }
0x41: {  	_ =	shalt  }
0x42: {  	_ =	shalt  }
0x43: {  	_ =	shalt  }
0x44: {  	_ =	shalt  }
0x45: {  	_ =	shalt  }
0x46: {  	_ =	shalt  }
0x47: {  	_ =	shalt  }
0x48: {  	_ =	shalt  }
0x49: {  	_ =	shalt  }
0x4a: {  	_ =	shalt  }
0x4b: {  	_ =	shalt  }
0x4c: {  	_ =	shalt  }
0x4d: {  	_ =	shalt  }
0x4e: {  	_ =	shalt  }
0x4f: {  	_ =	shalt  }
0x50: {  	_ =	shalt  }
0x51: {  	_ =	shalt  }
0x52: {  	_ =	shalt  }
0x53: {  	_ =	shalt  }
0x54: {  	_ =	shalt  }
0x55: {  	_ =	shalt  }
0x56: {  	_ =	shalt  }
0x57: {  	_ =	shalt  }
0x58: {  	_ =	shalt  }
0x59: {  	_ =	shalt  }
0x5a: {  	_ =	shalt  }
0x5b: {  	_ =	shalt  }
0x5c: {  	_ =	shalt  }
0x5d: {  	_ =	shalt  }
0x5e: {  	_ =	shalt  }
0x5f: {  	_ =	shalt  }
0x60: {  	_ =	shalt  }
0x61: {  	_ =	shalt  }
0x62: {  	_ =	shalt  }
0x63: {  	_ =	shalt  }
0x64: {  	_ =	shalt  }
0x65: {  	_ =	shalt  }
0x66: {  	_ =	shalt  }
0x67: {  	_ =	shalt  }
0x68: {  	_ =	shalt  }
0x69: {  	_ =	shalt  }
0x6a: {  	_ =	shalt  }
0x6b: {  	_ =	shalt  }
0x6c: {  	_ =	shalt  }
0x6d: {  	_ =	shalt  }
0x6e: {  	_ =	shalt  }
0x6f: {  	_ =	shalt  }
0x70: {  	_ =	shalt  }
0x71: {  	_ =	shalt  }
0x72: {  	_ =	shalt  }
0x73: {  	_ =	shalt  }
0x74: {  	_ =	shalt  }
0x75: {  	_ =	shalt  }
0x76: {  	_ =	shalt  }
0x77: {  	_ =	shalt  }
0x78: {  	_ =	shalt  }
0x79: {  	_ =	shalt  }
0x7a: {  	_ =	shalt  }
0x7b: {  	_ =	shalt  }
0x7c: {  	_ =	shalt  }
0x7d: {  	_ =	shalt  }
0x7e: {  	_ =	shalt  }
0x7f: {  	_ =	shalt  }
0x80: {  	_ =	shalt  }
0x81: {  	_ =	shalt  }
0x82: {  	_ =	shalt  }
0x83: {  	_ =	shalt  }
0x84: {  	_ =	shalt  }
0x85: {  	_ =	shalt  }
0x86: {  	_ =	shalt  }
0x87: {  	_ =	shalt  }
.Lfunc_end0:
.L_simem_size_0:
called_computation.2_lowered:
.L_overlay_start_0:
0x88: {  	s2 =	sld [smem:$0x3FD9]  }
0x89: {  	s3 =	sld [smem:$0x3FFE];
	_ =	sdelay $0x1  }
0x8a: {  	s1 =	srdreg.scid  }
0x8b: {  	s0 =	sand.u32 $0x1, s1  }
0x8c: {  	s17 =	sshll.u32 s0, $0xA;
	s2 =	sadd.s32 s3, s2  }
0x8d: {  	s2 =	sadd.s32 s2, s17  }
0x8e: {  	[smem:$0x3FBD] =	sst s2  }
0x8f: {  	_ = 	snop  }
0x90: {  	s18 =	sld [smem:$0x3FC3];
	(tm) =	ssettm $0x1  }
0x91: {  	s19 =	sld [smem:$0x3FFB];
	_ =	sdelay $0x3  }
0x92: {  	_ =	strace s19  }
0x93: {  	s2 =	sld [smem:$0x3FFC];
	_ =	sdelay $0x3  }
0x94: {  	_ =	strace s2  }
0x95: {  	s2 =	sld [smem:$0x3FFD];
	_ =	sdelay $0x3  }
0x96: {  	_ =	strace s2  }
0x97: {  	_ =	strace $0x8FFFFFFF  }
0x98: {  	s20 =	sld [smem:$0x3FDB];
	_ =	sdelay $0x1  }
0x99: {  	s4 =	simm.s32 $_scs_section_size  }
0x9a: {  	s5 =	simm.s32 $_size__tile_overlayer_lowered;
	s6 =	simm.s32 $_tile_overlayer_lowered  }
0x9b: {  	s7 =	simm.s32 $0x1BFF;
	s21 =	sshll.u32 s6, $0x1;
	s4 =	sadd.s32 s4, s20  }
0x9c: {  	s22 =	simm.s32 $0x0;
	s5 =	sshll.u32 s5, $0x1;
	s6 =	sadd.s32 s21, s4  }
0x9d: {  	[timem:s22], [sflag:s7] =	dma.local [hbm:s6], s5  }
0x9e: {  	_ =	swait.ge [sflag:s7], s5  }
0x9f: {  	s5 =	ssub.s32 $0x0, s5;
	[sflag:s7] =	ssyncset.done $0x0  }
0xa0: {  	[sflag:s7] =	ssyncadd.s32 s5;
	_ =	sdelay $0x1  }
0xa1: {  	s23 =	simm.s32 $0x1B8B  }
0xa2: {  	_ =	swait.ge [sflag:s23], $0x1  }
0xa3: {  	[sflag:s23] =	ssyncset.done $0x0  }
0xa4: {  	[sflag:s23] =	ssyncadd.s32 $0xFFFFFFFF  }
0xa5: {  	s5 =	sld [smem:$0x0]  }
0xa6: {  	s6 =	sand.u32 $0xFFFFFFFE, s1  }
0xa7: {  	p0 =	sne.s32 s1, s6  }
0xa8: {  	s6 =	sshll.u32 @p0 s6, $0xE  }
0xa9: {  	s6 =	sadd.s32 @p0 $0x11B8D, s6;
	s7 =	sshll.u32 @p0 s5, $0x11  }
0xaa: {  	s6 =	sor.u32 @p0 s7, s6  }
0xab: {  	[sflag:s6] =	ssyncadd.remote.s32 @p0 $0x1;
	_ =	sdelay $0x1  }
0xac: {  	s6 =	simm.s32 @p0 $0x1B8D  }
0xad: {  	_ =	swait.eq @p0 [sflag:s6], $0x1  }
0xae: {  	[sflag:s6] =	ssyncadd.s32 @p0 $0xFFFFFFFF  }
0xaf: {  	s7 =	sshll.u32 @!p0 s1, $0xE  }
0xb0: {  	s7 =	sor.u32 @!p0 $0x4000, s7;
	s6 =	simm.s32 @!p0 $0x1B8D  }
0xb1: {  	s5 =	sshll.u32 @!p0 s5, $0x11;
	s7 =	sadd.s32 @!p0 $0x11B8D, s7;
	_ =	swait.eq @!p0 [sflag:s6], $0x1  }
0xb2: {  	s5 =	sor.u32 @!p0 s5, s7;
	[sflag:s6] =	ssyncadd.s32 @!p0 $0xFFFFFFFF  }
0xb3: {  	s25 =	simm.s32 $0x1B8E;
	s24 =	sld [smem:$0x3FFE];
	[sflag:s5] =	ssyncadd.remote.s32 @!p0 $0x1  }
0xb4: {  	s26 =	simm.s32 $execute0_lowered;
	[smem:$0x3FD2] =	sst s25  }
0xb5: {  	s6 =	sshll.u32 s26, $0x1;
	_ =	strace $0x80000052;
	[dreg:$0x1] =	wrdreg $0xFFFFFFFF  }
0xb6: {  	s28 =	simm.s32 $_size_execute0_lowered;
	s4 =	sadd.s32 s4, s6;
	[dreg:$0x0] =	wrdreg $0x0  }
0xb7: {  	s6 =	sshll.u32 s28, $0x1;
	[dreg:$0x2] =	wrdreg s4  }
0xb8: {  	[dreg:$0x3] =	wrdreg s6  }
0xb9: {  	[dreg:$0x4] =	wrdreg $0xC0  }
0xba: {  	_ =	task [dreg:s22], $0x5FFFF  }
0xbb: {  	[dreg:$0x1] =	wrdreg $0xFFFFFFFF  }
0xbc: {  	[dreg:$0x0] =	wrdreg $0x60  }
0xbd: {  	[dreg:$0x2] =	wrdreg s18  }
0xbe: {  	[dreg:$0x3] =	wrdreg s24  }
0xbf: {  	[dreg:$0x4] =	wrdreg $0xA  }
0xc0: {  	_ =	task.clear_ibuf [dreg:s22], $0x5FFFF;
	_ =	strace $0x90000052  }
0xc1: {  	s29 =	simm.s32 $0xA;
	_ =	strace $0x80000054  }
0xc2: {  	_ =	swait.ge [sflag:s29], $0x1  }
0xc3: {  	[sflag:s29] =	ssyncadd.s32 $0xFFFFFFFF  }
0xc4: {  	_ =	strace $0x90000054  }
0xc5: {  	_ =	sfence  }
0xc6: {  	s30 =	sld [smem:$0x0];
	_ =	sdelay $0x2  }
0xc7: {  	s31 =	sshll.u32 s1, $0xD;
	s1 =	sshrl.u32 s1, $0x2  }
0xc8: {  	s4 =	sand.u32 $0x4000, s31;
	s1 =	sadd.s32 s1, s30  }
0xc9: {  	s0 =	sor.u32 s4, s0;
	s1 =	sshll.u32 s1, $0x11  }
0xca: {  	s0 =	sor.u32 s1, s0  }
0xcb: {  	s0 =	sadd.s32 $0x8F2B, s0  }
0xcc: {  	[sflag:s0] =	ssyncadd.remote.s32 $0x1  }
0xcd: {  	_ =	sfence.sel $0xFFFF  }
0xce: {  	[dreg:$0x0] =	wrdreg $0xFFFFFFFF;
	(pc) =	sbr.abs _section_cstart, $3  }
0xcf: {  	[dreg:$0x1] =	wrdreg $0xFFFFFFFF  }
0xd0: {  	_ =	task.clear_ibuf [dreg:s22], $0x2FFFF;
	_ =	strace $0x9FFFFFFF  }
0xd1: {  	(tm) =	ssettm $0x7FFFFFFF  }
tec
execute0_lowered:
.L_overlay_start_1:
0x0: {  	(tag) =	ssettag $0x1  }
0x1: {  	s1 =	rddreg [dreg:$0x0]  }
0x2: {  	s4 =	rddreg [dreg:$0x1]  }
0x3: {  	s0 =	rddreg [dreg:$0x2];
	s5 =	srdreg.scid  }
0x4: {  	s3 =	simm.s32 $0x0;
	s2 =	stileid.u32;
	s10 =	simm.s32 $0x1080  }
0x5: {  	s11 =	simm.s32 $0x1880;
	s12 =	simm.s32 $0x2080;
	s13 =	simm.s32 $0x2880  }
0x6: {  	s14 =	simm.s32 $0x3080;
	s15 =	simm.s32 $0x3880;
	s16 =	simm.s32 $0x4080  }
0x7: {  	s17 =	simm.s32 $0x4880;
	s18 =	simm.s32 $0x5080;
	s19 =	simm.s32 $0x5880  }
0x8: {  	s20 =	simm.s32 $0x6080;
	s21 =	simm.s32 $0x6880;
	s22 =	simm.s32 $0x7080  }
0x9: {  	s23 =	simm.s32 $0x7880;
	s24 =	simm.s32 $0x1;
	s25 =	simm.s32 $0x0  }
0xa: {  	s5 =	sand.u32 $0x1, s5;
	[smem:$0x7FF] =	sst s3;
	s6 =	sshll.u32 s2, $0xB  }
0xb: {  	s8 =	sshll.u32 s2, $0x10;
	s7 =	sshll.u32 s5, $0xA;
	_ =	strace $0x80000053  }
0xc: {  	s31 =	ssub.s32 $0x2, s5;
	s8 =	sadd.s32 s8, s4;
	s5 =	sshll.u32 s5, $0xF  }
0xd: {  	s6 =	sor.u32 s7, s6;
	s9 =	sshrl.u32 s31, $0x1;
	s5 =	sadd.s32 s5, s8  }
0xe: {  	v2 =	vlaneseq.u32;
	s8 =	simm.s32 $0x80;
	s6 =	sshrl.u32 s6, $0x3;
	s7 =	ssub.s32 s31, s9  }
0xf: {  	vm0 =	vmmov $0xffff;
	v1 =	vshrl.u32 v2, $0x3;
	s5 =	sadd.s32 $0x37E600, s5;
	s9 =	simm.s32 $0x880;
	s6 =	sadd.s32 s6, s4  }
0x10: {  	v0 =	vand.u32 $0x7, v2;
	v2 =	vor.u32 $0x8, v2;
	v1 =	vmul.u32 $0x8, v1;
	s4 =	smax.u32 s7, $0x1;
	s7 =	simm.s32 $0x2;
	s6 =	sadd.s32 $0xC600, s6  }
.LBB2_1:
0x11: {  	s26 =	smov.u32 s5;
	s28 =	simm.s32 $0x0  }
.LBB2_2:
0x12: {  	s29 =	sadd.s32 s28, s6  }
0x13: {  	[tilespmem:s3], [sflag:$0x2] =	stream.linear.gather [hbm4b:s29+s3], $0x80, $0x38;
	[tilespmem:$0x8080] =	vst v63  }
0x14: {  	_ =	swait.ge [sflag:s7], $0x80  }
0x15: {  	[sflag:s7] =	ssyncset.done $0x0  }
0x16: {  	[sflag:s7] =	ssyncadd.s32 $0xFFFFFF80  }
0x17: {  	v3 =	vld [tilespmem:$0x0];
	_ =	sdelay $0x4  }
0x18: {  	v4 =	vshll.u32 v3, $0x1  }
0x19: {  	v3 =	vand.u32 $0x7, v3;
	v4 =	vand.u32 $0xFFFFFFF0, v4  }
0x1a: {  	v3 =	vor.u32 v3, v4  }
0x1b: {  	v4 =	vperm.xlane v3, v0;
	_ =	sdelay $0x1  }
0x1c: {  	v3 =	vperm.xlane v3, v2;
	v4 =	vadd.s32 v1, v4;
	_ =	sdelay $0x1  }
0x1d: {  	v3 =	vadd.s32 v1, v3;
	_ =	sdelay $0x2  }
0x1e: {  	[tilespmem:s8], [sflag:$0x1] =	stream.indirect_vreg.gather [hbm4b:s1+s3], $0x80, v4, vm0, $0xb8;
	[tilespmem:$0x8080] =	vst v63  }
0x1f: {  	_ = 	snop  }
0x20: {  	[tilespmem:s9], [sflag:$0x1] =	stream.indirect_vreg.gather [hbm4b:s1+s3], $0x80, v3, vm0, $0xb8;
	[tilespmem:$0x8080] =	vst v63  }
0x21: {  	v3 =	vld [tilespmem:$0x10];
	_ =	sdelay $0x4  }
0x22: {  	v57 =	vshll.u32 v3, $0x1  }
0x23: {  	v3 =	vand.u32 $0x7, v3;
	v4 =	vand.u32 $0xFFFFFFF0, v57  }
0x24: {  	v3 =	vor.u32 v3, v4  }
0x25: {  	v4 =	vperm.xlane v3, v0;
	_ =	sdelay $0x1  }
0x26: {  	v3 =	vperm.xlane v3, v2;
	v4 =	vadd.s32 v1, v4;
	_ =	sdelay $0x1  }
0x27: {  	v3 =	vadd.s32 v1, v3;
	_ =	sdelay $0x2  }
0x28: {  	[tilespmem:s10], [sflag:$0x1] =	stream.indirect_vreg.gather [hbm4b:s1+s3], $0x80, v4, vm0, $0xb8;
	[tilespmem:$0x8080] =	vst v63  }
0x29: {  	_ = 	snop  }
0x2a: {  	[tilespmem:s11], [sflag:$0x1] =	stream.indirect_vreg.gather [hbm4b:s1+s3], $0x80, v3, vm0, $0xb8;
	[tilespmem:$0x8080] =	vst v63  }
0x2b: {  	v3 =	vld [tilespmem:$0x20];
	_ =	sdelay $0x4  }
0x2c: {  	v58 =	vshll.u32 v3, $0x1  }
0x2d: {  	v3 =	vand.u32 $0x7, v3;
	v4 =	vand.u32 $0xFFFFFFF0, v58  }
0x2e: {  	v3 =	vor.u32 v3, v4  }
0x2f: {  	v4 =	vperm.xlane v3, v0;
	_ =	sdelay $0x1  }
0x30: {  	v3 =	vperm.xlane v3, v2;
	v4 =	vadd.s32 v1, v4;
	_ =	sdelay $0x1  }
0x31: {  	v3 =	vadd.s32 v1, v3;
	_ =	sdelay $0x2  }
0x32: {  	[tilespmem:s12], [sflag:$0x1] =	stream.indirect_vreg.gather [hbm4b:s1+s3], $0x80, v4, vm0, $0xb8;
	[tilespmem:$0x8080] =	vst v63  }
0x33: {  	_ = 	snop  }
0x34: {  	[tilespmem:s13], [sflag:$0x1] =	stream.indirect_vreg.gather [hbm4b:s1+s3], $0x80, v3, vm0, $0xb8;
	[tilespmem:$0x8080] =	vst v63  }
0x35: {  	v3 =	vld [tilespmem:$0x30];
	_ =	sdelay $0x4  }
0x36: {  	v59 =	vshll.u32 v3, $0x1  }
0x37: {  	v3 =	vand.u32 $0x7, v3;
	v4 =	vand.u32 $0xFFFFFFF0, v59  }
0x38: {  	v3 =	vor.u32 v3, v4  }
0x39: {  	v4 =	vperm.xlane v3, v0;
	_ =	sdelay $0x1  }
0x3a: {  	v3 =	vperm.xlane v3, v2;
	v4 =	vadd.s32 v1, v4;
	_ =	sdelay $0x1  }
0x3b: {  	v3 =	vadd.s32 v1, v3;
	_ =	sdelay $0x2  }
0x3c: {  	[tilespmem:s14], [sflag:$0x1] =	stream.indirect_vreg.gather [hbm4b:s1+s3], $0x80, v4, vm0, $0xb8;
	[tilespmem:$0x8080] =	vst v63  }
0x3d: {  	_ = 	snop  }
0x3e: {  	[tilespmem:s15], [sflag:$0x1] =	stream.indirect_vreg.gather [hbm4b:s1+s3], $0x80, v3, vm0, $0xb8;
	[tilespmem:$0x8080] =	vst v63  }
0x3f: {  	v3 =	vld [tilespmem:$0x40];
	_ =	sdelay $0x4  }
0x40: {  	v60 =	vshll.u32 v3, $0x1  }
0x41: {  	v3 =	vand.u32 $0x7, v3;
	v4 =	vand.u32 $0xFFFFFFF0, v60  }
0x42: {  	v3 =	vor.u32 v3, v4  }
0x43: {  	v4 =	vperm.xlane v3, v0;
	_ =	sdelay $0x1  }
0x44: {  	v3 =	vperm.xlane v3, v2;
	v4 =	vadd.s32 v1, v4;
	_ =	sdelay $0x1  }
0x45: {  	v3 =	vadd.s32 v1, v3;
	_ =	sdelay $0x2  }
0x46: {  	[tilespmem:s16], [sflag:$0x1] =	stream.indirect_vreg.gather [hbm4b:s1+s3], $0x80, v4, vm0, $0xb8;
	[tilespmem:$0x8080] =	vst v63  }
0x47: {  	_ = 	snop  }
0x48: {  	[tilespmem:s17], [sflag:$0x1] =	stream.indirect_vreg.gather [hbm4b:s1+s3], $0x80, v3, vm0, $0xb8;
	[tilespmem:$0x8080] =	vst v63  }
0x49: {  	v3 =	vld [tilespmem:$0x50];
	_ =	sdelay $0x4  }
0x4a: {  	v61 =	vshll.u32 v3, $0x1  }
0x4b: {  	v3 =	vand.u32 $0x7, v3;
	v4 =	vand.u32 $0xFFFFFFF0, v61  }
0x4c: {  	v3 =	vor.u32 v3, v4  }
0x4d: {  	v4 =	vperm.xlane v3, v0;
	_ =	sdelay $0x1  }
0x4e: {  	v3 =	vperm.xlane v3, v2;
	v4 =	vadd.s32 v1, v4;
	_ =	sdelay $0x1  }
0x4f: {  	v3 =	vadd.s32 v1, v3;
	_ =	sdelay $0x2  }
0x50: {  	[tilespmem:s18], [sflag:$0x1] =	stream.indirect_vreg.gather [hbm4b:s1+s3], $0x80, v4, vm0, $0xb8;
	[tilespmem:$0x8080] =	vst v63  }
0x51: {  	_ = 	snop  }
0x52: {  	[tilespmem:s19], [sflag:$0x1] =	stream.indirect_vreg.gather [hbm4b:s1+s3], $0x80, v3, vm0, $0xb8;
	[tilespmem:$0x8080] =	vst v63  }
0x53: {  	v3 =	vld [tilespmem:$0x60];
	_ =	sdelay $0x4  }
0x54: {  	v62 =	vshll.u32 v3, $0x1  }
0x55: {  	v3 =	vand.u32 $0x7, v3;
	v4 =	vand.u32 $0xFFFFFFF0, v62  }
0x56: {  	v3 =	vor.u32 v3, v4  }
0x57: {  	v4 =	vperm.xlane v3, v0;
	_ =	sdelay $0x1  }
0x58: {  	v3 =	vperm.xlane v3, v2;
	v4 =	vadd.s32 v1, v4;
	_ =	sdelay $0x1  }
0x59: {  	v3 =	vadd.s32 v1, v3;
	_ =	sdelay $0x2  }
0x5a: {  	[tilespmem:s20], [sflag:$0x1] =	stream.indirect_vreg.gather [hbm4b:s1+s3], $0x80, v4, vm0, $0xb8;
	[tilespmem:$0x8080] =	vst v63  }
0x5b: {  	_ = 	snop  }
0x5c: {  	[tilespmem:s21], [sflag:$0x1] =	stream.indirect_vreg.gather [hbm4b:s1+s3], $0x80, v3, vm0, $0xb8;
	[tilespmem:$0x8080] =	vst v63  }
0x5d: {  	v3 =	vld [tilespmem:$0x70];
	_ =	sdelay $0x4  }
0x5e: {  	v63 =	vshll.u32 v3, $0x1  }
0x5f: {  	v3 =	vand.u32 $0x7, v3;
	v4 =	vand.u32 $0xFFFFFFF0, v63  }
0x60: {  	v3 =	vor.u32 v3, v4  }
0x61: {  	v4 =	vperm.xlane v3, v0;
	_ =	sdelay $0x1  }
0x62: {  	v3 =	vperm.xlane v3, v2;
	v4 =	vadd.s32 v1, v4;
	_ =	sdelay $0x1  }
0x63: {  	v3 =	vadd.s32 v1, v3;
	_ =	sdelay $0x2  }
0x64: {  	[tilespmem:s22], [sflag:$0x1] =	stream.indirect_vreg.gather [hbm4b:s1+s3], $0x80, v4, vm0, $0xb8;
	[tilespmem:$0x8080] =	vst v63  }
0x65: {  	_ = 	snop  }
0x66: {  	[tilespmem:s23], [sflag:$0x1] =	stream.indirect_vreg.gather [hbm4b:s1+s3], $0x80, v3, vm0, $0xb8;
	[tilespmem:$0x8080] =	vst v63  }
0x67: {  	_ =	swait.ge [sflag:s24], $0x8000  }
0x68: {  	p0 =	sne.s32 s28, $0x70;
	[sflag:s24] =	ssyncset.done $0x0  }
.Ltmp0:
0x69: {  	[sflag:s24] =	ssyncadd.s32 $0xFFFF8000;
	(pc) =	sbr.rel @p0 .LBB2_2-.Ltmp0, $4  }
0x6a: {  	[hbm4b:s26+s3] =	stream.linear.scatter [tilespmem:s8], [sflag:$0x2], $0x8000, $0x38;
	[tilespmem:$0x8080] =	vst v63  }
0x6b: {  	_ =	swait.ge [sflag:s7], $0x8000  }
0x6c: {  	[sflag:s7] =	ssyncset.done $0x0  }
0x6d: {  	s28 =	sadd.s32 $0x10, s28;
	s26 =	sadd.s32 $0x1000, s26;
	[sflag:s7] =	ssyncadd.s32 $0xFFFF8000  }
0x6e: {  	s25 =	sadd.s32 $0x1, s25  }
0x6f: {  	p0 =	sne.s32 s25, s4  }
.Ltmp1:
0x70: {  	_ = 	snop;
	(pc) =	sbr.rel @p0 .LBB2_1-.Ltmp1, $1  }
0x71: {  	_ =	sdelay $0x3  }
0x72: {  	_ =	sfence.sel $0x180000  }
0x73: {  	[bflag:$0x0] =	sbarrier.arrive $0xFFFF  }
0x74: {  	p0 =	sne.s32 s2, $0x0;
	_ =	strace $0x90000053  }
0x75: {  	s0 =	sadd.s32 @!p0 $0x100000, s0;
	[bflag:$0x2] =	sbarrier.arrive $0xFFFF  }
0x76: {  	[sflag:s0] =	ssyncadd.tile.s32 @!p0 $0x1;
	_ =	shalt  }
.Lfunc_end2:
_tile_overlayer_lowered:
.L_overlay_start_2:
0x77: {  	(tag) =	ssettag $0x2  }
0x78: {  	s0 =	rddreg [dreg:$0x0];
	s2 =	stileid.u32  }
0x79: {  	s1 =	rddreg [dreg:$0x1];
	p0 =	sne.s32 s2, $0x0  }
0x7a: {  	s3 =	rddreg [dreg:$0x2];
	[bflag:$0x3] =	sbarrier.arrive $0xFFFF;
	s2 =	simm.s32 @!p0 $0x1C02  }
0x7b: {  	[timem:s3], [sflag:s2] =	dma.local @!p0 [hbm:s0], s1  }
0x7c: {  	s0 =	simm.s32 @!p0 $0x2  }
0x7d: {  	_ =	swait.ge @!p0 [sflag:s0], s1  }
0x7e: {  	s1 =	ssub.s32 @!p0 $0x0, s1;
	[sflag:s0] =	ssyncset.done @!p0 $0x0  }
0x7f: {  	[sflag:s0] =	ssyncadd.s32 @!p0 s1  }
0x80: {  	[bflag:$0x3] =	sbarrier.arrive $0xFFFF  }
0x81: {  	_ =	shalt  }

// kernel: kernel.25.cloned.1.call-start
scs
__scs_entry_jumppad:
0x0: {  	(pc) =	sbr.rel $0x88, $3  }
0x1: {  	(tag) =	ssettag $0x0;
	lr =	simm.s32 $0x1  }
0x2: {  	[smem:$0x3F96] =	sst lr;
	_ =	strace $0xD0000000  }
0x3: {  	_ = 	snop  }
0x4: {  	_ = 	snop  }
0x5: {  	_ = 	snop  }
0x6: {  	_ = 	snop  }
0x7: {  	_ = 	snop  }
__scs_overlays_trampoline_lowered:
0x8: {  	[smem:$0x3FA5] =	sst s0  }
0x9: {  	[smem:$0x3FA6] =	sst s1  }
0xa: {  	[smem:$0x3FA7] =	sst s2  }
0xb: {  	[smem:$0x3FA8] =	sst s3  }
0xc: {  	[smem:$0x3FA9] =	sst s4  }
0xd: {  	[smem:$0x3FAA] =	sst s5  }
0xe: {  	[smem:$0x3FAB] =	sst s6  }
0xf: {  	[smem:$0x3FAC] =	sst s7  }
0x10: {  	[smem:$0x3FAD] =	sst s8  }
0x11: {  	[smem:$0x3FAE] =	sst s9;
	s0 =	simm.s32 @!p0 $0x0  }
0x12: {  	s1 =	sld [smem:$0x3F94];
	s0 =	simm.s32 @p0 $0x1  }
0x13: {  	[smem:$0x3FAF] =	sst s0;
	s0 =	simm.s32 @!p1 $0x0  }
0x14: {  	s2 =	sld [smem:$0x3F93];
	s0 =	simm.s32 @p1 $0x1  }
0x15: {  	[smem:$0x3FB0] =	sst s0;
	s0 =	simm.s32 @!p2 $0x0  }
0x16: {  	s3 =	sld [smem:$0x3FDB];
	s0 =	simm.s32 @p2 $0x1  }
0x17: {  	s4 =	simm.s32 $0x1BF5;
	[smem:$0x3FB2] =	sst s0  }
0x18: {  	s0 =	sld [smem:$0x3F95];
	_ =	swait.ge [sflag:s4], $0x0  }
0x19: {  	s7 =	sld [smem:$0x3F96]  }
0x1a: {  	s8 =	sadd.s32 $0xFFFFE003, lr  }
0x1b: {  	s9 =	sadd.s32 $0xFFFFFEF7, lr;
	s5 =	simm.s32 $0xFFFFFFFF;
	p2 =	slt.u32 s8, $0xFFFFF086  }
0x1c: {  	p1 =	slt.u32 s9, $0xF7A;
	s5 =	simm.s32 @!p2 $0x0  }
0x1d: {  	s5 =	simm.s32 @p1 $0x1;
	p0 =	seq.s32 s7, s2  }
0x1e: {  	s7 =	smul.u32 @!p0 $0xF7A, s2;
	p2 =	seq.s32 @!p0 s5, $0x0  }
0x1f: {  	s9 =	smul.u32 $0xF7A, s1;
	s8 =	simm.s32 @!p0 $0x1BF5;
	p2 =	por !p2, p0  }
0x20: {  	[sflag:s8] =	ssyncset.s32 @!p0 $0xFFFFF086;
	s6 =	sadd.s32 @!p0 s3, s7;
	s7 =	simm.s32 @!p0 $0x108  }
0x21: {  	s3 =	sadd.s32 s3, s9;
	s6 =	sadd.s32 @!p0 $0x88, s6;
	s7 =	simm.s32 @p2 $0x1082  }
0x22: {  	[simem:s7], [sflag:s8] =	dma.local @!p0 [hbm:s6], $0xF7A  }
0x23: {  	s9 =	sor.u32 $0xD0000000, s2;
	s6 =	simm.s32 $0x108;
	_ =	swait.ge @!p0 [sflag:s8], $0x0  }
0x24: {  	s3 =	sadd.s32 $0x88, s3;
	s6 =	simm.s32 @!p1 $0x1082;
	[sflag:s4] =	ssyncset.s32 $0xFFFFF086  }
0x25: {  	[simem:s6], [sflag:s4] =	dma.local [hbm:s3], $0xF7A  }
0x26: {  	[smem:$0x3F96] =	sst s1;
	(tag) =	ssettag s2;
	_ =	strace s9  }
0x27: {  	s1 =	sld [smem:$0x3FA6]  }
0x28: {  	s2 =	sld [smem:$0x3FA7]  }
0x29: {  	s4 =	sld [smem:$0x3FA9]  }
0x2a: {  	p0 =	seq.s32 s5, $0x0;
	s5 =	sld [smem:$0x3FAA]  }
0x2b: {  	s6 =	sld [smem:$0x3FAB]  }
0x2c: {  	s7 =	sld [smem:$0x3FAC]  }
0x2d: {  	s3 =	simm.s32 $0x108;
	s8 =	sld [smem:$0x3FAD]  }
0x2e: {  	s3 =	simm.s32 @!p0 $0x1082;
	s9 =	sld [smem:$0x3FAE]  }
0x2f: {  	lr =	sadd.s32 s0, s3;
	s0 =	sld [smem:$0x3FA5]  }
0x30: {  	s3 =	sld [smem:$0x3FA8]  }
0x31: {  	[smem:$0x3FB1] =	sst s10  }
0x32: {  	s10 =	sld [smem:$0x3FAF];
	_ =	sdelay $0x3  }
0x33: {  	p0 =	seq.s32 s10, $0x1;
	s10 =	sld [smem:$0x3FB1];
	_ =	sdelay $0x3  }
0x34: {  	[smem:$0x3FB1] =	sst s10  }
0x35: {  	s10 =	sld [smem:$0x3FB0];
	_ =	sdelay $0x3  }
0x36: {  	p1 =	seq.s32 s10, $0x1;
	s10 =	sld [smem:$0x3FB1];
	_ =	sdelay $0x3  }
0x37: {  	[smem:$0x3FB1] =	sst s10  }
0x38: {  	s10 =	sld [smem:$0x3FB2]  }
0x39: {  	_ = 	snop;
	(pc) =	sbr.ind lr, $3  }
0x3a: {  	_ = 	snop  }
0x3b: {  	_ = 	snop  }
0x3c: {  	p2 =	seq.s32 s10, $0x1;
	s10 =	sld [smem:$0x3FB1]  }
0x3d: {  	_ =	shalt  }
0x3e: {  	_ =	shalt  }
0x3f: {  	_ =	shalt  }
0x40: {  	_ =	shalt  }
0x41: {  	_ =	shalt  }
0x42: {  	_ =	shalt  }
0x43: {  	_ =	shalt  }
0x44: {  	_ =	shalt  }
0x45: {  	_ =	shalt  }
0x46: {  	_ =	shalt  }
0x47: {  	_ =	shalt  }
0x48: {  	_ =	shalt  }
0x49: {  	_ =	shalt  }
0x4a: {  	_ =	shalt  }
0x4b: {  	_ =	shalt  }
0x4c: {  	_ =	shalt  }
0x4d: {  	_ =	shalt  }
0x4e: {  	_ =	shalt  }
0x4f: {  	_ =	shalt  }
0x50: {  	_ =	shalt  }
0x51: {  	_ =	shalt  }
0x52: {  	_ =	shalt  }
0x53: {  	_ =	shalt  }
0x54: {  	_ =	shalt  }
0x55: {  	_ =	shalt  }
0x56: {  	_ =	shalt  }
0x57: {  	_ =	shalt  }
0x58: {  	_ =	shalt  }
0x59: {  	_ =	shalt  }
0x5a: {  	_ =	shalt  }
0x5b: {  	_ =	shalt  }
0x5c: {  	_ =	shalt  }
0x5d: {  	_ =	shalt  }
0x5e: {  	_ =	shalt  }
0x5f: {  	_ =	shalt  }
0x60: {  	_ =	shalt  }
0x61: {  	_ =	shalt  }
0x62: {  	_ =	shalt  }
0x63: {  	_ =	shalt  }
0x64: {  	_ =	shalt  }
0x65: {  	_ =	shalt  }
0x66: {  	_ =	shalt  }
0x67: {  	_ =	shalt  }
0x68: {  	_ =	shalt  }
0x69: {  	_ =	shalt  }
0x6a: {  	_ =	shalt  }
0x6b: {  	_ =	shalt  }
0x6c: {  	_ =	shalt  }
0x6d: {  	_ =	shalt  }
0x6e: {  	_ =	shalt  }
0x6f: {  	_ =	shalt  }
0x70: {  	_ =	shalt  }
0x71: {  	_ =	shalt  }
0x72: {  	_ =	shalt  }
0x73: {  	_ =	shalt  }
0x74: {  	_ =	shalt  }
0x75: {  	_ =	shalt  }
0x76: {  	_ =	shalt  }
0x77: {  	_ =	shalt  }
0x78: {  	_ =	shalt  }
0x79: {  	_ =	shalt  }
0x7a: {  	_ =	shalt  }
0x7b: {  	_ =	shalt  }
0x7c: {  	_ =	shalt  }
0x7d: {  	_ =	shalt  }
0x7e: {  	_ =	shalt  }
0x7f: {  	_ =	shalt  }
0x80: {  	_ =	shalt  }
0x81: {  	_ =	shalt  }
0x82: {  	_ =	shalt  }
0x83: {  	_ =	shalt  }
0x84: {  	_ =	shalt  }
0x85: {  	_ =	shalt  }
0x86: {  	_ =	shalt  }
0x87: {  	_ =	shalt  }
.Lfunc_end0:
.L_simem_size_0:
called_computation.3_lowered:
.L_overlay_start_0:
0x88: {  	s2 =	sld [smem:$0x3FD9]  }
0x89: {  	s3 =	sld [smem:$0x3FFE];
	_ =	sdelay $0x1  }
0x8a: {  	s1 =	srdreg.scid  }
0x8b: {  	s0 =	sand.u32 $0x1, s1  }
0x8c: {  	s17 =	sshll.u32 s0, $0xA;
	s2 =	sadd.s32 s3, s2  }
0x8d: {  	s2 =	sadd.s32 s2, s17  }
0x8e: {  	[smem:$0x3FBD] =	sst s2  }
0x8f: {  	_ = 	snop  }
0x90: {  	s18 =	sld [smem:$0x3FC3];
	(tm) =	ssettm $0x1  }
0x91: {  	s19 =	sld [smem:$0x3FFB];
	_ =	sdelay $0x3  }
0x92: {  	_ =	strace s19  }
0x93: {  	s2 =	sld [smem:$0x3FFC];
	_ =	sdelay $0x3  }
0x94: {  	_ =	strace s2  }
0x95: {  	s2 =	sld [smem:$0x3FFD];
	_ =	sdelay $0x3  }
0x96: {  	_ =	strace s2  }
0x97: {  	_ =	strace $0x8FFFFFFF  }
0x98: {  	s20 =	sld [smem:$0x3FDB];
	_ =	sdelay $0x1  }
0x99: {  	s4 =	simm.s32 $_scs_section_size  }
0x9a: {  	s5 =	simm.s32 $_size__tile_overlayer_lowered;
	s6 =	simm.s32 $_tile_overlayer_lowered  }
0x9b: {  	s7 =	simm.s32 $0x1BFF;
	s21 =	sshll.u32 s6, $0x1;
	s4 =	sadd.s32 s4, s20  }
0x9c: {  	s22 =	simm.s32 $0x0;
	s5 =	sshll.u32 s5, $0x1;
	s6 =	sadd.s32 s21, s4  }
0x9d: {  	[timem:s22], [sflag:s7] =	dma.local [hbm:s6], s5  }
0x9e: {  	_ =	swait.ge [sflag:s7], s5  }
0x9f: {  	s5 =	ssub.s32 $0x0, s5;
	[sflag:s7] =	ssyncset.done $0x0  }
0xa0: {  	[sflag:s7] =	ssyncadd.s32 s5;
	_ =	sdelay $0x1  }
0xa1: {  	s23 =	simm.s32 $0x1B8B  }
0xa2: {  	_ =	swait.ge [sflag:s23], $0x1  }
0xa3: {  	[sflag:s23] =	ssyncset.done $0x0  }
0xa4: {  	[sflag:s23] =	ssyncadd.s32 $0xFFFFFFFF  }
0xa5: {  	s5 =	sld [smem:$0x0]  }
0xa6: {  	s6 =	sand.u32 $0xFFFFFFFE, s1  }
0xa7: {  	p0 =	sne.s32 s1, s6  }
0xa8: {  	s6 =	sshll.u32 @p0 s6, $0xE  }
0xa9: {  	s6 =	sadd.s32 @p0 $0x11B8D, s6;
	s7 =	sshll.u32 @p0 s5, $0x11  }
0xaa: {  	s6 =	sor.u32 @p0 s7, s6  }
0xab: {  	[sflag:s6] =	ssyncadd.remote.s32 @p0 $0x1;
	_ =	sdelay $0x1  }
0xac: {  	s6 =	simm.s32 @p0 $0x1B8D  }
0xad: {  	_ =	swait.eq @p0 [sflag:s6], $0x1  }
0xae: {  	[sflag:s6] =	ssyncadd.s32 @p0 $0xFFFFFFFF  }
0xaf: {  	s7 =	sshll.u32 @!p0 s1, $0xE  }
0xb0: {  	s7 =	sor.u32 @!p0 $0x4000, s7;
	s6 =	simm.s32 @!p0 $0x1B8D  }
0xb1: {  	s5 =	sshll.u32 @!p0 s5, $0x11;
	s7 =	sadd.s32 @!p0 $0x11B8D, s7;
	_ =	swait.eq @!p0 [sflag:s6], $0x1  }
0xb2: {  	s5 =	sor.u32 @!p0 s5, s7;
	[sflag:s6] =	ssyncadd.s32 @!p0 $0xFFFFFFFF  }
0xb3: {  	s25 =	simm.s32 $0x1B8E;
	s24 =	sld [smem:$0x3FFE];
	[sflag:s5] =	ssyncadd.remote.s32 @!p0 $0x1  }
0xb4: {  	s26 =	simm.s32 $execute0_lowered;
	[smem:$0x3FD2] =	sst s25  }
0xb5: {  	s6 =	sshll.u32 s26, $0x1;
	_ =	strace $0x8000004F;
	[dreg:$0x1] =	wrdreg $0xFFFFFFFF  }
0xb6: {  	s28 =	simm.s32 $_size_execute0_lowered;
	s4 =	sadd.s32 s4, s6;
	[dreg:$0x0] =	wrdreg $0x0  }
0xb7: {  	s6 =	sshll.u32 s28, $0x1;
	[dreg:$0x2] =	wrdreg s4  }
0xb8: {  	[dreg:$0x3] =	wrdreg s6  }
0xb9: {  	[dreg:$0x4] =	wrdreg $0xC0  }
0xba: {  	_ =	task [dreg:s22], $0x5FFFF  }
0xbb: {  	[dreg:$0x1] =	wrdreg $0xFFFFFFFF  }
0xbc: {  	[dreg:$0x0] =	wrdreg $0x60  }
0xbd: {  	[dreg:$0x2] =	wrdreg s18  }
0xbe: {  	[dreg:$0x3] =	wrdreg s24  }
0xbf: {  	[dreg:$0x4] =	wrdreg $0xB  }
0xc0: {  	_ =	task.clear_ibuf [dreg:s22], $0x5FFFF;
	_ =	strace $0x9000004F  }
0xc1: {  	s29 =	simm.s32 $0xB;
	_ =	strace $0x80000051  }
0xc2: {  	_ =	swait.ge [sflag:s29], $0x1  }
0xc3: {  	[sflag:s29] =	ssyncadd.s32 $0xFFFFFFFF  }
0xc4: {  	_ =	strace $0x90000051  }
0xc5: {  	_ =	sfence  }
0xc6: {  	s30 =	sld [smem:$0x0];
	_ =	sdelay $0x2  }
0xc7: {  	s31 =	sshll.u32 s1, $0xD;
	s1 =	sshrl.u32 s1, $0x2  }
0xc8: {  	s4 =	sand.u32 $0x4000, s31;
	s1 =	sadd.s32 s1, s30  }
0xc9: {  	s0 =	sor.u32 s4, s0;
	s1 =	sshll.u32 s1, $0x11  }
0xca: {  	s0 =	sor.u32 s1, s0  }
0xcb: {  	s0 =	sadd.s32 $0x8F2B, s0  }
0xcc: {  	[sflag:s0] =	ssyncadd.remote.s32 $0x1  }
0xcd: {  	_ =	sfence.sel $0xFFFF  }
0xce: {  	[dreg:$0x0] =	wrdreg $0xFFFFFFFF;
	(pc) =	sbr.abs _section_cstart, $3  }
0xcf: {  	[dreg:$0x1] =	wrdreg $0xFFFFFFFF  }
0xd0: {  	_ =	task.clear_ibuf [dreg:s22], $0x2FFFF;
	_ =	strace $0x9FFFFFFF  }
0xd1: {  	(tm) =	ssettm $0x7FFFFFFF  }
tec
execute0_lowered:
.L_overlay_start_1:
0x0: {  	(tag) =	ssettag $0x1  }
0x1: {  	s1 =	rddreg [dreg:$0x0]  }
0x2: {  	s4 =	rddreg [dreg:$0x1]  }
0x3: {  	s0 =	rddreg [dreg:$0x2];
	s5 =	srdreg.scid  }
0x4: {  	s3 =	simm.s32 $0x0;
	s2 =	stileid.u32;
	s10 =	simm.s32 $0x1080  }
0x5: {  	s11 =	simm.s32 $0x1880;
	s12 =	simm.s32 $0x2080;
	s13 =	simm.s32 $0x2880  }
0x6: {  	s14 =	simm.s32 $0x3080;
	s15 =	simm.s32 $0x3880;
	s16 =	simm.s32 $0x4080  }
0x7: {  	s17 =	simm.s32 $0x4880;
	s18 =	simm.s32 $0x5080;
	s19 =	simm.s32 $0x5880  }
0x8: {  	s20 =	simm.s32 $0x6080;
	s21 =	simm.s32 $0x6880;
	s22 =	simm.s32 $0x7080  }
0x9: {  	s23 =	simm.s32 $0x7880;
	s24 =	simm.s32 $0x1;
	s25 =	simm.s32 $0x0  }
0xa: {  	s5 =	sand.u32 $0x1, s5;
	[smem:$0x7FF] =	sst s3;
	s6 =	sshll.u32 s2, $0xB  }
0xb: {  	s8 =	sshll.u32 s2, $0x10;
	s7 =	sshll.u32 s5, $0xA;
	_ =	strace $0x80000050  }
0xc: {  	s31 =	ssub.s32 $0x2, s5;
	s8 =	sadd.s32 s8, s4;
	s5 =	sshll.u32 s5, $0xF  }
0xd: {  	s6 =	sor.u32 s7, s6;
	s9 =	sshrl.u32 s31, $0x1;
	s5 =	sadd.s32 s5, s8  }
0xe: {  	v2 =	vlaneseq.u32;
	s8 =	simm.s32 $0x80;
	s6 =	sshrl.u32 s6, $0x3;
	s7 =	ssub.s32 s31, s9  }
0xf: {  	vm0 =	vmmov $0xffff;
	v1 =	vshrl.u32 v2, $0x3;
	s5 =	sadd.s32 $0x27E600, s5;
	s9 =	simm.s32 $0x880;
	s6 =	sadd.s32 s6, s4  }
0x10: {  	v0 =	vand.u32 $0x7, v2;
	v2 =	vor.u32 $0x8, v2;
	v1 =	vmul.u32 $0x8, v1;
	s4 =	smax.u32 s7, $0x1;
	s7 =	simm.s32 $0x2;
	s6 =	sadd.s32 $0x27D600, s6  }
.LBB2_1:
0x11: {  	s26 =	smov.u32 s5;
	s28 =	simm.s32 $0x0  }
.LBB2_2:
0x12: {  	s29 =	sadd.s32 s28, s6  }
0x13: {  	[tilespmem:s3], [sflag:$0x2] =	stream.linear.gather [hbm4b:s29+s3], $0x80, $0x38;
	[tilespmem:$0x8080] =	vst v63  }
0x14: {  	_ =	swait.ge [sflag:s7], $0x80  }
0x15: {  	[sflag:s7] =	ssyncset.done $0x0  }
0x16: {  	[sflag:s7] =	ssyncadd.s32 $0xFFFFFF80  }
0x17: {  	v3 =	vld [tilespmem:$0x0];
	_ =	sdelay $0x4  }
0x18: {  	v4 =	vshll.u32 v3, $0x1  }
0x19: {  	v3 =	vand.u32 $0x7, v3;
	v4 =	vand.u32 $0xFFFFFFF0, v4  }
0x1a: {  	v3 =	vor.u32 v3, v4  }
0x1b: {  	v4 =	vperm.xlane v3, v0;
	_ =	sdelay $0x1  }
0x1c: {  	v3 =	vperm.xlane v3, v2;
	v4 =	vadd.s32 v1, v4;
	_ =	sdelay $0x1  }
0x1d: {  	v3 =	vadd.s32 v1, v3;
	_ =	sdelay $0x2  }
0x1e: {  	[tilespmem:s8], [sflag:$0x1] =	stream.indirect_vreg.gather [hbm4b:s1+s3], $0x80, v4, vm0, $0xb8;
	[tilespmem:$0x8080] =	vst v63  }
0x1f: {  	_ = 	snop  }
0x20: {  	[tilespmem:s9], [sflag:$0x1] =	stream.indirect_vreg.gather [hbm4b:s1+s3], $0x80, v3, vm0, $0xb8;
	[tilespmem:$0x8080] =	vst v63  }
0x21: {  	v3 =	vld [tilespmem:$0x10];
	_ =	sdelay $0x4  }
0x22: {  	v57 =	vshll.u32 v3, $0x1  }
0x23: {  	v3 =	vand.u32 $0x7, v3;
	v4 =	vand.u32 $0xFFFFFFF0, v57  }
0x24: {  	v3 =	vor.u32 v3, v4  }
0x25: {  	v4 =	vperm.xlane v3, v0;
	_ =	sdelay $0x1  }
0x26: {  	v3 =	vperm.xlane v3, v2;
	v4 =	vadd.s32 v1, v4;
	_ =	sdelay $0x1  }
0x27: {  	v3 =	vadd.s32 v1, v3;
	_ =	sdelay $0x2  }
0x28: {  	[tilespmem:s10], [sflag:$0x1] =	stream.indirect_vreg.gather [hbm4b:s1+s3], $0x80, v4, vm0, $0xb8;
	[tilespmem:$0x8080] =	vst v63  }
0x29: {  	_ = 	snop  }
0x2a: {  	[tilespmem:s11], [sflag:$0x1] =	stream.indirect_vreg.gather [hbm4b:s1+s3], $0x80, v3, vm0, $0xb8;
	[tilespmem:$0x8080] =	vst v63  }
0x2b: {  	v3 =	vld [tilespmem:$0x20];
	_ =	sdelay $0x4  }
0x2c: {  	v58 =	vshll.u32 v3, $0x1  }
0x2d: {  	v3 =	vand.u32 $0x7, v3;
	v4 =	vand.u32 $0xFFFFFFF0, v58  }
0x2e: {  	v3 =	vor.u32 v3, v4  }
0x2f: {  	v4 =	vperm.xlane v3, v0;
	_ =	sdelay $0x1  }
0x30: {  	v3 =	vperm.xlane v3, v2;
	v4 =	vadd.s32 v1, v4;
	_ =	sdelay $0x1  }
0x31: {  	v3 =	vadd.s32 v1, v3;
	_ =	sdelay $0x2  }
0x32: {  	[tilespmem:s12], [sflag:$0x1] =	stream.indirect_vreg.gather [hbm4b:s1+s3], $0x80, v4, vm0, $0xb8;
	[tilespmem:$0x8080] =	vst v63  }
0x33: {  	_ = 	snop  }
0x34: {  	[tilespmem:s13], [sflag:$0x1] =	stream.indirect_vreg.gather [hbm4b:s1+s3], $0x80, v3, vm0, $0xb8;
	[tilespmem:$0x8080] =	vst v63  }
0x35: {  	v3 =	vld [tilespmem:$0x30];
	_ =	sdelay $0x4  }
0x36: {  	v59 =	vshll.u32 v3, $0x1  }
0x37: {  	v3 =	vand.u32 $0x7, v3;
	v4 =	vand.u32 $0xFFFFFFF0, v59  }
0x38: {  	v3 =	vor.u32 v3, v4  }
0x39: {  	v4 =	vperm.xlane v3, v0;
	_ =	sdelay $0x1  }
0x3a: {  	v3 =	vperm.xlane v3, v2;
	v4 =	vadd.s32 v1, v4;
	_ =	sdelay $0x1  }
0x3b: {  	v3 =	vadd.s32 v1, v3;
	_ =	sdelay $0x2  }
0x3c: {  	[tilespmem:s14], [sflag:$0x1] =	stream.indirect_vreg.gather [hbm4b:s1+s3], $0x80, v4, vm0, $0xb8;
	[tilespmem:$0x8080] =	vst v63  }
0x3d: {  	_ = 	snop  }
0x3e: {  	[tilespmem:s15], [sflag:$0x1] =	stream.indirect_vreg.gather [hbm4b:s1+s3], $0x80, v3, vm0, $0xb8;
	[tilespmem:$0x8080] =	vst v63  }
0x3f: {  	v3 =	vld [tilespmem:$0x40];
	_ =	sdelay $0x4  }
0x40: {  	v60 =	vshll.u32 v3, $0x1  }
0x41: {  	v3 =	vand.u32 $0x7, v3;
	v4 =	vand.u32 $0xFFFFFFF0, v60  }
0x42: {  	v3 =	vor.u32 v3, v4  }
0x43: {  	v4 =	vperm.xlane v3, v0;
	_ =	sdelay $0x1  }
0x44: {  	v3 =	vperm.xlane v3, v2;
	v4 =	vadd.s32 v1, v4;
	_ =	sdelay $0x1  }
0x45: {  	v3 =	vadd.s32 v1, v3;
	_ =	sdelay $0x2  }
0x46: {  	[tilespmem:s16], [sflag:$0x1] =	stream.indirect_vreg.gather [hbm4b:s1+s3], $0x80, v4, vm0, $0xb8;
	[tilespmem:$0x8080] =	vst v63  }
0x47: {  	_ = 	snop  }
0x48: {  	[tilespmem:s17], [sflag:$0x1] =	stream.indirect_vreg.gather [hbm4b:s1+s3], $0x80, v3, vm0, $0xb8;
	[tilespmem:$0x8080] =	vst v63  }
0x49: {  	v3 =	vld [tilespmem:$0x50];
	_ =	sdelay $0x4  }
0x4a: {  	v61 =	vshll.u32 v3, $0x1  }
0x4b: {  	v3 =	vand.u32 $0x7, v3;
	v4 =	vand.u32 $0xFFFFFFF0, v61  }
0x4c: {  	v3 =	vor.u32 v3, v4  }
0x4d: {  	v4 =	vperm.xlane v3, v0;
	_ =	sdelay $0x1  }
0x4e: {  	v3 =	vperm.xlane v3, v2;
	v4 =	vadd.s32 v1, v4;
	_ =	sdelay $0x1  }
0x4f: {  	v3 =	vadd.s32 v1, v3;
	_ =	sdelay $0x2  }
0x50: {  	[tilespmem:s18], [sflag:$0x1] =	stream.indirect_vreg.gather [hbm4b:s1+s3], $0x80, v4, vm0, $0xb8;
	[tilespmem:$0x8080] =	vst v63  }
0x51: {  	_ = 	snop  }
0x52: {  	[tilespmem:s19], [sflag:$0x1] =	stream.indirect_vreg.gather [hbm4b:s1+s3], $0x80, v3, vm0, $0xb8;
	[tilespmem:$0x8080] =	vst v63  }
0x53: {  	v3 =	vld [tilespmem:$0x60];
	_ =	sdelay $0x4  }
0x54: {  	v62 =	vshll.u32 v3, $0x1  }
0x55: {  	v3 =	vand.u32 $0x7, v3;
	v4 =	vand.u32 $0xFFFFFFF0, v62  }
0x56: {  	v3 =	vor.u32 v3, v4  }
0x57: {  	v4 =	vperm.xlane v3, v0;
	_ =	sdelay $0x1  }
0x58: {  	v3 =	vperm.xlane v3, v2;
	v4 =	vadd.s32 v1, v4;
	_ =	sdelay $0x1  }
0x59: {  	v3 =	vadd.s32 v1, v3;
	_ =	sdelay $0x2  }
0x5a: {  	[tilespmem:s20], [sflag:$0x1] =	stream.indirect_vreg.gather [hbm4b:s1+s3], $0x80, v4, vm0, $0xb8;
	[tilespmem:$0x8080] =	vst v63  }
0x5b: {  	_ = 	snop  }
0x5c: {  	[tilespmem:s21], [sflag:$0x1] =	stream.indirect_vreg.gather [hbm4b:s1+s3], $0x80, v3, vm0, $0xb8;
	[tilespmem:$0x8080] =	vst v63  }
0x5d: {  	v3 =	vld [tilespmem:$0x70];
	_ =	sdelay $0x4  }
0x5e: {  	v63 =	vshll.u32 v3, $0x1  }
0x5f: {  	v3 =	vand.u32 $0x7, v3;
	v4 =	vand.u32 $0xFFFFFFF0, v63  }
0x60: {  	v3 =	vor.u32 v3, v4  }
0x61: {  	v4 =	vperm.xlane v3, v0;
	_ =	sdelay $0x1  }
0x62: {  	v3 =	vperm.xlane v3, v2;
	v4 =	vadd.s32 v1, v4;
	_ =	sdelay $0x1  }
0x63: {  	v3 =	vadd.s32 v1, v3;
	_ =	sdelay $0x2  }
0x64: {  	[tilespmem:s22], [sflag:$0x1] =	stream.indirect_vreg.gather [hbm4b:s1+s3], $0x80, v4, vm0, $0xb8;
	[tilespmem:$0x8080] =	vst v63  }
0x65: {  	_ = 	snop  }
0x66: {  	[tilespmem:s23], [sflag:$0x1] =	stream.indirect_vreg.gather [hbm4b:s1+s3], $0x80, v3, vm0, $0xb8;
	[tilespmem:$0x8080] =	vst v63  }
0x67: {  	_ =	swait.ge [sflag:s24], $0x8000  }
0x68: {  	p0 =	sne.s32 s28, $0x70;
	[sflag:s24] =	ssyncset.done $0x0  }
.Ltmp0:
0x69: {  	[sflag:s24] =	ssyncadd.s32 $0xFFFF8000;
	(pc) =	sbr.rel @p0 .LBB2_2-.Ltmp0, $4  }
0x6a: {  	[hbm4b:s26+s3] =	stream.linear.scatter [tilespmem:s8], [sflag:$0x2], $0x8000, $0x38;
	[tilespmem:$0x8080] =	vst v63  }
0x6b: {  	_ =	swait.ge [sflag:s7], $0x8000  }
0x6c: {  	[sflag:s7] =	ssyncset.done $0x0  }
0x6d: {  	s28 =	sadd.s32 $0x10, s28;
	s26 =	sadd.s32 $0x1000, s26;
	[sflag:s7] =	ssyncadd.s32 $0xFFFF8000  }
0x6e: {  	s25 =	sadd.s32 $0x1, s25  }
0x6f: {  	p0 =	sne.s32 s25, s4  }
.Ltmp1:
0x70: {  	_ = 	snop;
	(pc) =	sbr.rel @p0 .LBB2_1-.Ltmp1, $1  }
0x71: {  	_ =	sdelay $0x3  }
0x72: {  	_ =	sfence.sel $0x180000  }
0x73: {  	[bflag:$0x0] =	sbarrier.arrive $0xFFFF  }
0x74: {  	p0 =	sne.s32 s2, $0x0;
	_ =	strace $0x90000050  }
0x75: {  	s0 =	sadd.s32 @!p0 $0x100000, s0;
	[bflag:$0x2] =	sbarrier.arrive $0xFFFF  }
0x76: {  	[sflag:s0] =	ssyncadd.tile.s32 @!p0 $0x1;
	_ =	shalt  }
.Lfunc_end2:
_tile_overlayer_lowered:
.L_overlay_start_2:
0x77: {  	(tag) =	ssettag $0x2  }
0x78: {  	s0 =	rddreg [dreg:$0x0];
	s2 =	stileid.u32  }
0x79: {  	s1 =	rddreg [dreg:$0x1];
	p0 =	sne.s32 s2, $0x0  }
0x7a: {  	s3 =	rddreg [dreg:$0x2];
	[bflag:$0x3] =	sbarrier.arrive $0xFFFF;
	s2 =	simm.s32 @!p0 $0x1C02  }
0x7b: {  	[timem:s3], [sflag:s2] =	dma.local @!p0 [hbm:s0], s1  }
0x7c: {  	s0 =	simm.s32 @!p0 $0x2  }
0x7d: {  	_ =	swait.ge @!p0 [sflag:s0], s1  }
0x7e: {  	s1 =	ssub.s32 @!p0 $0x0, s1;
	[sflag:s0] =	ssyncset.done @!p0 $0x0  }
0x7f: {  	[sflag:s0] =	ssyncadd.s32 @!p0 s1  }
0x80: {  	[bflag:$0x3] =	sbarrier.arrive $0xFFFF  }
0x81: {  	_ =	shalt  }

// kernel: kernel.28.cloned.1.call-start
scs
__scs_entry_jumppad:
0x0: {  	(pc) =	sbr.rel $0x88, $3  }
0x1: {  	(tag) =	ssettag $0x0;
	lr =	simm.s32 $0x1  }
0x2: {  	[smem:$0x3F96] =	sst lr;
	_ =	strace $0xD0000000  }
0x3: {  	_ = 	snop  }
0x4: {  	_ = 	snop  }
0x5: {  	_ = 	snop  }
0x6: {  	_ = 	snop  }
0x7: {  	_ = 	snop  }
__scs_overlays_trampoline_lowered:
0x8: {  	[smem:$0x3FA5] =	sst s0  }
0x9: {  	[smem:$0x3FA6] =	sst s1  }
0xa: {  	[smem:$0x3FA7] =	sst s2  }
0xb: {  	[smem:$0x3FA8] =	sst s3  }
0xc: {  	[smem:$0x3FA9] =	sst s4  }
0xd: {  	[smem:$0x3FAA] =	sst s5  }
0xe: {  	[smem:$0x3FAB] =	sst s6  }
0xf: {  	[smem:$0x3FAC] =	sst s7  }
0x10: {  	[smem:$0x3FAD] =	sst s8  }
0x11: {  	[smem:$0x3FAE] =	sst s9;
	s0 =	simm.s32 @!p0 $0x0  }
0x12: {  	s1 =	sld [smem:$0x3F94];
	s0 =	simm.s32 @p0 $0x1  }
0x13: {  	[smem:$0x3FAF] =	sst s0;
	s0 =	simm.s32 @!p1 $0x0  }
0x14: {  	s2 =	sld [smem:$0x3F93];
	s0 =	simm.s32 @p1 $0x1  }
0x15: {  	[smem:$0x3FB0] =	sst s0;
	s0 =	simm.s32 @!p2 $0x0  }
0x16: {  	s3 =	sld [smem:$0x3FDB];
	s0 =	simm.s32 @p2 $0x1  }
0x17: {  	s4 =	simm.s32 $0x1BF5;
	[smem:$0x3FB2] =	sst s0  }
0x18: {  	s0 =	sld [smem:$0x3F95];
	_ =	swait.ge [sflag:s4], $0x0  }
0x19: {  	s7 =	sld [smem:$0x3F96]  }
0x1a: {  	s8 =	sadd.s32 $0xFFFFE003, lr  }
0x1b: {  	s9 =	sadd.s32 $0xFFFFFEF7, lr;
	s5 =	simm.s32 $0xFFFFFFFF;
	p2 =	slt.u32 s8, $0xFFFFF086  }
0x1c: {  	p1 =	slt.u32 s9, $0xF7A;
	s5 =	simm.s32 @!p2 $0x0  }
0x1d: {  	s5 =	simm.s32 @p1 $0x1;
	p0 =	seq.s32 s7, s2  }
0x1e: {  	s7 =	smul.u32 @!p0 $0xF7A, s2;
	p2 =	seq.s32 @!p0 s5, $0x0  }
0x1f: {  	s9 =	smul.u32 $0xF7A, s1;
	s8 =	simm.s32 @!p0 $0x1BF5;
	p2 =	por !p2, p0  }
0x20: {  	[sflag:s8] =	ssyncset.s32 @!p0 $0xFFFFF086;
	s6 =	sadd.s32 @!p0 s3, s7;
	s7 =	simm.s32 @!p0 $0x108  }
0x21: {  	s3 =	sadd.s32 s3, s9;
	s6 =	sadd.s32 @!p0 $0x88, s6;
	s7 =	simm.s32 @p2 $0x1082  }
0x22: {  	[simem:s7], [sflag:s8] =	dma.local @!p0 [hbm:s6], $0xF7A  }
0x23: {  	s9 =	sor.u32 $0xD0000000, s2;
	s6 =	simm.s32 $0x108;
	_ =	swait.ge @!p0 [sflag:s8], $0x0  }
0x24: {  	s3 =	sadd.s32 $0x88, s3;
	s6 =	simm.s32 @!p1 $0x1082;
	[sflag:s4] =	ssyncset.s32 $0xFFFFF086  }
0x25: {  	[simem:s6], [sflag:s4] =	dma.local [hbm:s3], $0xF7A  }
0x26: {  	[smem:$0x3F96] =	sst s1;
	(tag) =	ssettag s2;
	_ =	strace s9  }
0x27: {  	s1 =	sld [smem:$0x3FA6]  }
0x28: {  	s2 =	sld [smem:$0x3FA7]  }
0x29: {  	s4 =	sld [smem:$0x3FA9]  }
0x2a: {  	p0 =	seq.s32 s5, $0x0;
	s5 =	sld [smem:$0x3FAA]  }
0x2b: {  	s6 =	sld [smem:$0x3FAB]  }
0x2c: {  	s7 =	sld [smem:$0x3FAC]  }
0x2d: {  	s3 =	simm.s32 $0x108;
	s8 =	sld [smem:$0x3FAD]  }
0x2e: {  	s3 =	simm.s32 @!p0 $0x1082;
	s9 =	sld [smem:$0x3FAE]  }
0x2f: {  	lr =	sadd.s32 s0, s3;
	s0 =	sld [smem:$0x3FA5]  }
0x30: {  	s3 =	sld [smem:$0x3FA8]  }
0x31: {  	[smem:$0x3FB1] =	sst s10  }
0x32: {  	s10 =	sld [smem:$0x3FAF];
	_ =	sdelay $0x3  }
0x33: {  	p0 =	seq.s32 s10, $0x1;
	s10 =	sld [smem:$0x3FB1];
	_ =	sdelay $0x3  }
0x34: {  	[smem:$0x3FB1] =	sst s10  }
0x35: {  	s10 =	sld [smem:$0x3FB0];
	_ =	sdelay $0x3  }
0x36: {  	p1 =	seq.s32 s10, $0x1;
	s10 =	sld [smem:$0x3FB1];
	_ =	sdelay $0x3  }
0x37: {  	[smem:$0x3FB1] =	sst s10  }
0x38: {  	s10 =	sld [smem:$0x3FB2]  }
0x39: {  	_ = 	snop;
	(pc) =	sbr.ind lr, $3  }
0x3a: {  	_ = 	snop  }
0x3b: {  	_ = 	snop  }
0x3c: {  	p2 =	seq.s32 s10, $0x1;
	s10 =	sld [smem:$0x3FB1]  }
0x3d: {  	_ =	shalt  }
0x3e: {  	_ =	shalt  }
0x3f: {  	_ =	shalt  }
0x40: {  	_ =	shalt  }
0x41: {  	_ =	shalt  }
0x42: {  	_ =	shalt  }
0x43: {  	_ =	shalt  }
0x44: {  	_ =	shalt  }
0x45: {  	_ =	shalt  }
0x46: {  	_ =	shalt  }
0x47: {  	_ =	shalt  }
0x48: {  	_ =	shalt  }
0x49: {  	_ =	shalt  }
0x4a: {  	_ =	shalt  }
0x4b: {  	_ =	shalt  }
0x4c: {  	_ =	shalt  }
0x4d: {  	_ =	shalt  }
0x4e: {  	_ =	shalt  }
0x4f: {  	_ =	shalt  }
0x50: {  	_ =	shalt  }
0x51: {  	_ =	shalt  }
0x52: {  	_ =	shalt  }
0x53: {  	_ =	shalt  }
0x54: {  	_ =	shalt  }
0x55: {  	_ =	shalt  }
0x56: {  	_ =	shalt  }
0x57: {  	_ =	shalt  }
0x58: {  	_ =	shalt  }
0x59: {  	_ =	shalt  }
0x5a: {  	_ =	shalt  }
0x5b: {  	_ =	shalt  }
0x5c: {  	_ =	shalt  }
0x5d: {  	_ =	shalt  }
0x5e: {  	_ =	shalt  }
0x5f: {  	_ =	shalt  }
0x60: {  	_ =	shalt  }
0x61: {  	_ =	shalt  }
0x62: {  	_ =	shalt  }
0x63: {  	_ =	shalt  }
0x64: {  	_ =	shalt  }
0x65: {  	_ =	shalt  }
0x66: {  	_ =	shalt  }
0x67: {  	_ =	shalt  }
0x68: {  	_ =	shalt  }
0x69: {  	_ =	shalt  }
0x6a: {  	_ =	shalt  }
0x6b: {  	_ =	shalt  }
0x6c: {  	_ =	shalt  }
0x6d: {  	_ =	shalt  }
0x6e: {  	_ =	shalt  }
0x6f: {  	_ =	shalt  }
0x70: {  	_ =	shalt  }
0x71: {  	_ =	shalt  }
0x72: {  	_ =	shalt  }
0x73: {  	_ =	shalt  }
0x74: {  	_ =	shalt  }
0x75: {  	_ =	shalt  }
0x76: {  	_ =	shalt  }
0x77: {  	_ =	shalt  }
0x78: {  	_ =	shalt  }
0x79: {  	_ =	shalt  }
0x7a: {  	_ =	shalt  }
0x7b: {  	_ =	shalt  }
0x7c: {  	_ =	shalt  }
0x7d: {  	_ =	shalt  }
0x7e: {  	_ =	shalt  }
0x7f: {  	_ =	shalt  }
0x80: {  	_ =	shalt  }
0x81: {  	_ =	shalt  }
0x82: {  	_ =	shalt  }
0x83: {  	_ =	shalt  }
0x84: {  	_ =	shalt  }
0x85: {  	_ =	shalt  }
0x86: {  	_ =	shalt  }
0x87: {  	_ =	shalt  }
.Lfunc_end0:
.L_simem_size_0:
called_computation.4_lowered:
.L_overlay_start_0:
0x88: {  	s2 =	sld [smem:$0x3FD9]  }
0x89: {  	s3 =	sld [smem:$0x3FFE];
	_ =	sdelay $0x1  }
0x8a: {  	s1 =	srdreg.scid  }
0x8b: {  	s0 =	sand.u32 $0x1, s1  }
0x8c: {  	s17 =	sshll.u32 s0, $0xA;
	s2 =	sadd.s32 s3, s2  }
0x8d: {  	s2 =	sadd.s32 s2, s17  }
0x8e: {  	[smem:$0x3FBD] =	sst s2  }
0x8f: {  	_ = 	snop  }
0x90: {  	s18 =	sld [smem:$0x3FC3];
	(tm) =	ssettm $0x1  }
0x91: {  	s19 =	sld [smem:$0x3FFB];
	_ =	sdelay $0x3  }
0x92: {  	_ =	strace s19  }
0x93: {  	s2 =	sld [smem:$0x3FFC];
	_ =	sdelay $0x3  }
0x94: {  	_ =	strace s2  }
0x95: {  	s2 =	sld [smem:$0x3FFD];
	_ =	sdelay $0x3  }
0x96: {  	_ =	strace s2  }
0x97: {  	_ =	strace $0x8FFFFFFF  }
0x98: {  	s20 =	sld [smem:$0x3FDB];
	_ =	sdelay $0x1  }
0x99: {  	s4 =	simm.s32 $_scs_section_size  }
0x9a: {  	s5 =	simm.s32 $_size__tile_overlayer_lowered;
	s6 =	simm.s32 $_tile_overlayer_lowered  }
0x9b: {  	s7 =	simm.s32 $0x1BFF;
	s21 =	sshll.u32 s6, $0x1;
	s4 =	sadd.s32 s4, s20  }
0x9c: {  	s22 =	simm.s32 $0x0;
	s5 =	sshll.u32 s5, $0x1;
	s6 =	sadd.s32 s21, s4  }
0x9d: {  	[timem:s22], [sflag:s7] =	dma.local [hbm:s6], s5  }
0x9e: {  	_ =	swait.ge [sflag:s7], s5  }
0x9f: {  	s5 =	ssub.s32 $0x0, s5;
	[sflag:s7] =	ssyncset.done $0x0  }
0xa0: {  	[sflag:s7] =	ssyncadd.s32 s5;
	_ =	sdelay $0x1  }
0xa1: {  	s23 =	simm.s32 $0x1B8B  }
0xa2: {  	_ =	swait.ge [sflag:s23], $0x1  }
0xa3: {  	[sflag:s23] =	ssyncset.done $0x0  }
0xa4: {  	[sflag:s23] =	ssyncadd.s32 $0xFFFFFFFF  }
0xa5: {  	s5 =	sld [smem:$0x0]  }
0xa6: {  	s6 =	sand.u32 $0xFFFFFFFE, s1  }
0xa7: {  	p0 =	sne.s32 s1, s6  }
0xa8: {  	s6 =	sshll.u32 @p0 s6, $0xE  }
0xa9: {  	s6 =	sadd.s32 @p0 $0x11B8D, s6;
	s7 =	sshll.u32 @p0 s5, $0x11  }
0xaa: {  	s6 =	sor.u32 @p0 s7, s6  }
0xab: {  	[sflag:s6] =	ssyncadd.remote.s32 @p0 $0x1;
	_ =	sdelay $0x1  }
0xac: {  	s6 =	simm.s32 @p0 $0x1B8D  }
0xad: {  	_ =	swait.eq @p0 [sflag:s6], $0x1  }
0xae: {  	[sflag:s6] =	ssyncadd.s32 @p0 $0xFFFFFFFF  }
0xaf: {  	s7 =	sshll.u32 @!p0 s1, $0xE  }
0xb0: {  	s7 =	sor.u32 @!p0 $0x4000, s7;
	s6 =	simm.s32 @!p0 $0x1B8D  }
0xb1: {  	s5 =	sshll.u32 @!p0 s5, $0x11;
	s7 =	sadd.s32 @!p0 $0x11B8D, s7;
	_ =	swait.eq @!p0 [sflag:s6], $0x1  }
0xb2: {  	s5 =	sor.u32 @!p0 s5, s7;
	[sflag:s6] =	ssyncadd.s32 @!p0 $0xFFFFFFFF  }
0xb3: {  	s25 =	simm.s32 $0x1B8E;
	s24 =	sld [smem:$0x3FFE];
	[sflag:s5] =	ssyncadd.remote.s32 @!p0 $0x1  }
0xb4: {  	s26 =	simm.s32 $execute0_lowered;
	[smem:$0x3FD2] =	sst s25  }
0xb5: {  	s6 =	sshll.u32 s26, $0x1;
	_ =	strace $0x8000004C;
	[dreg:$0x1] =	wrdreg $0xFFFFFFFF  }
0xb6: {  	s28 =	simm.s32 $_size_execute0_lowered;
	s4 =	sadd.s32 s4, s6;
	[dreg:$0x0] =	wrdreg $0x0  }
0xb7: {  	s6 =	sshll.u32 s28, $0x1;
	[dreg:$0x2] =	wrdreg s4  }
0xb8: {  	[dreg:$0x3] =	wrdreg s6  }
0xb9: {  	[dreg:$0x4] =	wrdreg $0xC0  }
0xba: {  	_ =	task [dreg:s22], $0x5FFFF  }
0xbb: {  	[dreg:$0x1] =	wrdreg $0xFFFFFFFF  }
0xbc: {  	[dreg:$0x0] =	wrdreg $0x60  }
0xbd: {  	[dreg:$0x2] =	wrdreg s18  }
0xbe: {  	[dreg:$0x3] =	wrdreg s24  }
0xbf: {  	[dreg:$0x4] =	wrdreg $0xC  }
0xc0: {  	_ =	task.clear_ibuf [dreg:s22], $0x5FFFF;
	_ =	strace $0x9000004C  }
0xc1: {  	s29 =	simm.s32 $0xC;
	_ =	strace $0x8000004E  }
0xc2: {  	_ =	swait.ge [sflag:s29], $0x1  }
0xc3: {  	[sflag:s29] =	ssyncadd.s32 $0xFFFFFFFF  }
0xc4: {  	_ =	strace $0x9000004E  }
0xc5: {  	_ =	sfence  }
0xc6: {  	s30 =	sld [smem:$0x0];
	_ =	sdelay $0x2  }
0xc7: {  	s31 =	sshll.u32 s1, $0xD;
	s1 =	sshrl.u32 s1, $0x2  }
0xc8: {  	s4 =	sand.u32 $0x4000, s31;
	s1 =	sadd.s32 s1, s30  }
0xc9: {  	s0 =	sor.u32 s4, s0;
	s1 =	sshll.u32 s1, $0x11  }
0xca: {  	s0 =	sor.u32 s1, s0  }
0xcb: {  	s0 =	sadd.s32 $0x8F2B, s0  }
0xcc: {  	[sflag:s0] =	ssyncadd.remote.s32 $0x1  }
0xcd: {  	_ =	sfence.sel $0xFFFF  }
0xce: {  	[dreg:$0x0] =	wrdreg $0xFFFFFFFF;
	(pc) =	sbr.abs _section_cstart, $3  }
0xcf: {  	[dreg:$0x1] =	wrdreg $0xFFFFFFFF  }
0xd0: {  	_ =	task.clear_ibuf [dreg:s22], $0x2FFFF;
	_ =	strace $0x9FFFFFFF  }
0xd1: {  	(tm) =	ssettm $0x7FFFFFFF  }
tec
execute0_lowered:
.L_overlay_start_1:
0x0: {  	(tag) =	ssettag $0x1  }
0x1: {  	s1 =	rddreg [dreg:$0x0]  }
0x2: {  	s4 =	rddreg [dreg:$0x1]  }
0x3: {  	s0 =	rddreg [dreg:$0x2];
	s5 =	srdreg.scid  }
0x4: {  	s3 =	simm.s32 $0x0;
	s2 =	stileid.u32;
	s10 =	simm.s32 $0x1080  }
0x5: {  	s11 =	simm.s32 $0x1880;
	s12 =	simm.s32 $0x2080;
	s13 =	simm.s32 $0x2880  }
0x6: {  	s14 =	simm.s32 $0x3080;
	s15 =	simm.s32 $0x3880;
	s16 =	simm.s32 $0x4080  }
0x7: {  	s17 =	simm.s32 $0x4880;
	s18 =	simm.s32 $0x5080;
	s19 =	simm.s32 $0x5880  }
0x8: {  	s20 =	simm.s32 $0x6080;
	s21 =	simm.s32 $0x6880;
	s22 =	simm.s32 $0x7080  }
0x9: {  	s23 =	simm.s32 $0x7880;
	s24 =	simm.s32 $0x1;
	s25 =	simm.s32 $0x0  }
0xa: {  	s5 =	sand.u32 $0x1, s5;
	[smem:$0x7FF] =	sst s3;
	s6 =	sshll.u32 s2, $0xB  }
0xb: {  	s8 =	sshll.u32 s2, $0x10;
	s7 =	sshll.u32 s5, $0xA;
	_ =	strace $0x8000004D  }
0xc: {  	s31 =	ssub.s32 $0x2, s5;
	s8 =	sadd.s32 s8, s4;
	s5 =	sshll.u32 s5, $0xF  }
0xd: {  	s6 =	sor.u32 s7, s6;
	s9 =	sshrl.u32 s31, $0x1;
	s5 =	sadd.s32 s5, s8  }
0xe: {  	v2 =	vlaneseq.u32;
	s8 =	simm.s32 $0x80;
	s6 =	sshrl.u32 s6, $0x3;
	s7 =	ssub.s32 s31, s9  }
0xf: {  	vm0 =	vmmov $0xffff;
	v1 =	vshrl.u32 v2, $0x3;
	s5 =	sadd.s32 $0x179600, s5;
	s9 =	simm.s32 $0x880;
	s6 =	sadd.s32 s6, s4  }
0x10: {  	v0 =	vand.u32 $0x7, v2;
	v2 =	vor.u32 $0x8, v2;
	v1 =	vmul.u32 $0x8, v1;
	s4 =	smax.u32 s7, $0x1;
	s7 =	simm.s32 $0x2;
	s6 =	sadd.s32 $0x178600, s6  }
.LBB2_1:
0x11: {  	s26 =	smov.u32 s5;
	s28 =	simm.s32 $0x0  }
.LBB2_2:
0x12: {  	s29 =	sadd.s32 s28, s6  }
0x13: {  	[tilespmem:s3], [sflag:$0x2] =	stream.linear.gather [hbm4b:s29+s3], $0x80, $0x38;
	[tilespmem:$0x8080] =	vst v63  }
0x14: {  	_ =	swait.ge [sflag:s7], $0x80  }
0x15: {  	[sflag:s7] =	ssyncset.done $0x0  }
0x16: {  	[sflag:s7] =	ssyncadd.s32 $0xFFFFFF80  }
0x17: {  	v3 =	vld [tilespmem:$0x0];
	_ =	sdelay $0x4  }
0x18: {  	v4 =	vshll.u32 v3, $0x1  }
0x19: {  	v3 =	vand.u32 $0x7, v3;
	v4 =	vand.u32 $0xFFFFFFF0, v4  }
0x1a: {  	v3 =	vor.u32 v3, v4  }
0x1b: {  	v4 =	vperm.xlane v3, v0;
	_ =	sdelay $0x1  }
0x1c: {  	v3 =	vperm.xlane v3, v2;
	v4 =	vadd.s32 v1, v4;
	_ =	sdelay $0x1  }
0x1d: {  	v3 =	vadd.s32 v1, v3;
	_ =	sdelay $0x2  }
0x1e: {  	[tilespmem:s8], [sflag:$0x1] =	stream.indirect_vreg.gather [hbm4b:s1+s3], $0x80, v4, vm0, $0xb8;
	[tilespmem:$0x8080] =	vst v63  }
0x1f: {  	_ = 	snop  }
0x20: {  	[tilespmem:s9], [sflag:$0x1] =	stream.indirect_vreg.gather [hbm4b:s1+s3], $0x80, v3, vm0, $0xb8;
	[tilespmem:$0x8080] =	vst v63  }
0x21: {  	v3 =	vld [tilespmem:$0x10];
	_ =	sdelay $0x4  }
0x22: {  	v57 =	vshll.u32 v3, $0x1  }
0x23: {  	v3 =	vand.u32 $0x7, v3;
	v4 =	vand.u32 $0xFFFFFFF0, v57  }
0x24: {  	v3 =	vor.u32 v3, v4  }
0x25: {  	v4 =	vperm.xlane v3, v0;
	_ =	sdelay $0x1  }
0x26: {  	v3 =	vperm.xlane v3, v2;
	v4 =	vadd.s32 v1, v4;
	_ =	sdelay $0x1  }
0x27: {  	v3 =	vadd.s32 v1, v3;
	_ =	sdelay $0x2  }
0x28: {  	[tilespmem:s10], [sflag:$0x1] =	stream.indirect_vreg.gather [hbm4b:s1+s3], $0x80, v4, vm0, $0xb8;
	[tilespmem:$0x8080] =	vst v63  }
0x29: {  	_ = 	snop  }
0x2a: {  	[tilespmem:s11], [sflag:$0x1] =	stream.indirect_vreg.gather [hbm4b:s1+s3], $0x80, v3, vm0, $0xb8;
	[tilespmem:$0x8080] =	vst v63  }
0x2b: {  	v3 =	vld [tilespmem:$0x20];
	_ =	sdelay $0x4  }
0x2c: {  	v58 =	vshll.u32 v3, $0x1  }
0x2d: {  	v3 =	vand.u32 $0x7, v3;
	v4 =	vand.u32 $0xFFFFFFF0, v58  }
0x2e: {  	v3 =	vor.u32 v3, v4  }
0x2f: {  	v4 =	vperm.xlane v3, v0;
	_ =	sdelay $0x1  }
0x30: {  	v3 =	vperm.xlane v3, v2;
	v4 =	vadd.s32 v1, v4;
	_ =	sdelay $0x1  }
0x31: {  	v3 =	vadd.s32 v1, v3;
	_ =	sdelay $0x2  }
0x32: {  	[tilespmem:s12], [sflag:$0x1] =	stream.indirect_vreg.gather [hbm4b:s1+s3], $0x80, v4, vm0, $0xb8;
	[tilespmem:$0x8080] =	vst v63  }
0x33: {  	_ = 	snop  }
0x34: {  	[tilespmem:s13], [sflag:$0x1] =	stream.indirect_vreg.gather [hbm4b:s1+s3], $0x80, v3, vm0, $0xb8;
	[tilespmem:$0x8080] =	vst v63  }
0x35: {  	v3 =	vld [tilespmem:$0x30];
	_ =	sdelay $0x4  }
0x36: {  	v59 =	vshll.u32 v3, $0x1  }
0x37: {  	v3 =	vand.u32 $0x7, v3;
	v4 =	vand.u32 $0xFFFFFFF0, v59  }
0x38: {  	v3 =	vor.u32 v3, v4  }
0x39: {  	v4 =	vperm.xlane v3, v0;
	_ =	sdelay $0x1  }
0x3a: {  	v3 =	vperm.xlane v3, v2;
	v4 =	vadd.s32 v1, v4;
	_ =	sdelay $0x1  }
0x3b: {  	v3 =	vadd.s32 v1, v3;
	_ =	sdelay $0x2  }
0x3c: {  	[tilespmem:s14], [sflag:$0x1] =	stream.indirect_vreg.gather [hbm4b:s1+s3], $0x80, v4, vm0, $0xb8;
	[tilespmem:$0x8080] =	vst v63  }
0x3d: {  	_ = 	snop  }
0x3e: {  	[tilespmem:s15], [sflag:$0x1] =	stream.indirect_vreg.gather [hbm4b:s1+s3], $0x80, v3, vm0, $0xb8;
	[tilespmem:$0x8080] =	vst v63  }
0x3f: {  	v3 =	vld [tilespmem:$0x40];
	_ =	sdelay $0x4  }
0x40: {  	v60 =	vshll.u32 v3, $0x1  }
0x41: {  	v3 =	vand.u32 $0x7, v3;
	v4 =	vand.u32 $0xFFFFFFF0, v60  }
0x42: {  	v3 =	vor.u32 v3, v4  }
0x43: {  	v4 =	vperm.xlane v3, v0;
	_ =	sdelay $0x1  }
0x44: {  	v3 =	vperm.xlane v3, v2;
	v4 =	vadd.s32 v1, v4;
	_ =	sdelay $0x1  }
0x45: {  	v3 =	vadd.s32 v1, v3;
	_ =	sdelay $0x2  }
0x46: {  	[tilespmem:s16], [sflag:$0x1] =	stream.indirect_vreg.gather [hbm4b:s1+s3], $0x80, v4, vm0, $0xb8;
	[tilespmem:$0x8080] =	vst v63  }
0x47: {  	_ = 	snop  }
0x48: {  	[tilespmem:s17], [sflag:$0x1] =	stream.indirect_vreg.gather [hbm4b:s1+s3], $0x80, v3, vm0, $0xb8;
	[tilespmem:$0x8080] =	vst v63  }
0x49: {  	v3 =	vld [tilespmem:$0x50];
	_ =	sdelay $0x4  }
0x4a: {  	v61 =	vshll.u32 v3, $0x1  }
0x4b: {  	v3 =	vand.u32 $0x7, v3;
	v4 =	vand.u32 $0xFFFFFFF0, v61  }
0x4c: {  	v3 =	vor.u32 v3, v4  }
0x4d: {  	v4 =	vperm.xlane v3, v0;
	_ =	sdelay $0x1  }
0x4e: {  	v3 =	vperm.xlane v3, v2;
	v4 =	vadd.s32 v1, v4;
	_ =	sdelay $0x1  }
0x4f: {  	v3 =	vadd.s32 v1, v3;
	_ =	sdelay $0x2  }
0x50: {  	[tilespmem:s18], [sflag:$0x1] =	stream.indirect_vreg.gather [hbm4b:s1+s3], $0x80, v4, vm0, $0xb8;
	[tilespmem:$0x8080] =	vst v63  }
0x51: {  	_ = 	snop  }
0x52: {  	[tilespmem:s19], [sflag:$0x1] =	stream.indirect_vreg.gather [hbm4b:s1+s3], $0x80, v3, vm0, $0xb8;
	[tilespmem:$0x8080] =	vst v63  }
0x53: {  	v3 =	vld [tilespmem:$0x60];
	_ =	sdelay $0x4  }
0x54: {  	v62 =	vshll.u32 v3, $0x1  }
0x55: {  	v3 =	vand.u32 $0x7, v3;
	v4 =	vand.u32 $0xFFFFFFF0, v62  }
0x56: {  	v3 =	vor.u32 v3, v4  }
0x57: {  	v4 =	vperm.xlane v3, v0;
	_ =	sdelay $0x1  }
0x58: {  	v3 =	vperm.xlane v3, v2;
	v4 =	vadd.s32 v1, v4;
	_ =	sdelay $0x1  }
0x59: {  	v3 =	vadd.s32 v1, v3;
	_ =	sdelay $0x2  }
0x5a: {  	[tilespmem:s20], [sflag:$0x1] =	stream.indirect_vreg.gather [hbm4b:s1+s3], $0x80, v4, vm0, $0xb8;
	[tilespmem:$0x8080] =	vst v63  }
0x5b: {  	_ = 	snop  }
0x5c: {  	[tilespmem:s21], [sflag:$0x1] =	stream.indirect_vreg.gather [hbm4b:s1+s3], $0x80, v3, vm0, $0xb8;
	[tilespmem:$0x8080] =	vst v63  }
0x5d: {  	v3 =	vld [tilespmem:$0x70];
	_ =	sdelay $0x4  }
0x5e: {  	v63 =	vshll.u32 v3, $0x1  }
0x5f: {  	v3 =	vand.u32 $0x7, v3;
	v4 =	vand.u32 $0xFFFFFFF0, v63  }
0x60: {  	v3 =	vor.u32 v3, v4  }
0x61: {  	v4 =	vperm.xlane v3, v0;
	_ =	sdelay $0x1  }
0x62: {  	v3 =	vperm.xlane v3, v2;
	v4 =	vadd.s32 v1, v4;
	_ =	sdelay $0x1  }
0x63: {  	v3 =	vadd.s32 v1, v3;
	_ =	sdelay $0x2  }
0x64: {  	[tilespmem:s22], [sflag:$0x1] =	stream.indirect_vreg.gather [hbm4b:s1+s3], $0x80, v4, vm0, $0xb8;
	[tilespmem:$0x8080] =	vst v63  }
0x65: {  	_ = 	snop  }
0x66: {  	[tilespmem:s23], [sflag:$0x1] =	stream.indirect_vreg.gather [hbm4b:s1+s3], $0x80, v3, vm0, $0xb8;
	[tilespmem:$0x8080] =	vst v63  }
0x67: {  	_ =	swait.ge [sflag:s24], $0x8000  }
0x68: {  	p0 =	sne.s32 s28, $0x70;
	[sflag:s24] =	ssyncset.done $0x0  }
.Ltmp0:
0x69: {  	[sflag:s24] =	ssyncadd.s32 $0xFFFF8000;
	(pc) =	sbr.rel @p0 .LBB2_2-.Ltmp0, $4  }
0x6a: {  	[hbm4b:s26+s3] =	stream.linear.scatter [tilespmem:s8], [sflag:$0x2], $0x8000, $0x38;
	[tilespmem:$0x8080] =	vst v63  }
0x6b: {  	_ =	swait.ge [sflag:s7], $0x8000  }
0x6c: {  	[sflag:s7] =	ssyncset.done $0x0  }
0x6d: {  	s28 =	sadd.s32 $0x10, s28;
	s26 =	sadd.s32 $0x1000, s26;
	[sflag:s7] =	ssyncadd.s32 $0xFFFF8000  }
0x6e: {  	s25 =	sadd.s32 $0x1, s25  }
0x6f: {  	p0 =	sne.s32 s25, s4  }
.Ltmp1:
0x70: {  	_ = 	snop;
	(pc) =	sbr.rel @p0 .LBB2_1-.Ltmp1, $1  }
0x71: {  	_ =	sdelay $0x3  }
0x72: {  	_ =	sfence.sel $0x180000  }
0x73: {  	[bflag:$0x0] =	sbarrier.arrive $0xFFFF  }
0x74: {  	p0 =	sne.s32 s2, $0x0;
	_ =	strace $0x9000004D  }
0x75: {  	s0 =	sadd.s32 @!p0 $0x100000, s0;
	[bflag:$0x2] =	sbarrier.arrive $0xFFFF  }
0x76: {  	[sflag:s0] =	ssyncadd.tile.s32 @!p0 $0x1;
	_ =	shalt  }
.Lfunc_end2:
_tile_overlayer_lowered:
.L_overlay_start_2:
0x77: {  	(tag) =	ssettag $0x2  }
0x78: {  	s0 =	rddreg [dreg:$0x0];
	s2 =	stileid.u32  }
0x79: {  	s1 =	rddreg [dreg:$0x1];
	p0 =	sne.s32 s2, $0x0  }
0x7a: {  	s3 =	rddreg [dreg:$0x2];
	[bflag:$0x3] =	sbarrier.arrive $0xFFFF;
	s2 =	simm.s32 @!p0 $0x1C02  }
0x7b: {  	[timem:s3], [sflag:s2] =	dma.local @!p0 [hbm:s0], s1  }
0x7c: {  	s0 =	simm.s32 @!p0 $0x2  }
0x7d: {  	_ =	swait.ge @!p0 [sflag:s0], s1  }
0x7e: {  	s1 =	ssub.s32 @!p0 $0x0, s1;
	[sflag:s0] =	ssyncset.done @!p0 $0x0  }
0x7f: {  	[sflag:s0] =	ssyncadd.s32 @!p0 s1  }
0x80: {  	[bflag:$0x3] =	sbarrier.arrive $0xFFFF  }
0x81: {  	_ =	shalt  }

</sc_bundles>
